<compile_context>
chip_gen: v7x
topology: tpu7x:2x2x1
jax: 0.10.2.dev20260603
libtpu: 0.0.44.dev20260713+nightly
codegen_flags: <defaults>
</compile_context>

<pallas_src>
import jax
import jax.numpy as jnp
from jax import lax
from jax.experimental import pallas as pl
from jax.experimental.pallas import tpu as pltpu
from jax.experimental.pallas import tpu_sc as plsc

NC, NS, L = 2, 16, 16
NW = NC * NS
N, D = 10000, 128
W = D // 2
E = 320000
C = 80
EPT = E // NW
CPT = EPT // C
G = C // L
PR = 16


def _zm_body(z_ref, d_ref, o_ref):
    x = z_ref[...] * d_ref[...]
    lo = jax.lax.bitcast_convert_type(
        x[:, :W].astype(jnp.bfloat16), jnp.uint16).astype(jnp.uint32)
    hi = jax.lax.bitcast_convert_type(
        x[:, W:].astype(jnp.bfloat16), jnp.uint16).astype(jnp.uint32)
    o_ref[...] = jax.lax.bitcast_convert_type(lo | (hi << 16), jnp.int32)


def _compute_zm(z, d):
    return pl.pallas_call(
        _zm_body,
        grid=(10,),
        in_specs=[pl.BlockSpec((N // 10, D), lambda i: (i, 0))] * 2,
        out_specs=pl.BlockSpec((N // 10, W), lambda i: (i, 0)),
        out_shape=jax.ShapeDtypeStruct((N, W), jnp.int32),
    )(z, d)


def _sc_body(zm_hbm, ei_hbm, out_hbm,
             zm_sh, sidx_v, didx_v, srows0, drows0, srows1, drows1,
             out_v, sem0, sem1):
    sid = lax.axis_index("s")
    wid = sid * NC + lax.axis_index("c")
    row0 = wid * CPT

    def stage_piece(p, carry):
        piece = sid + NS * p

        @pl.when(piece < N // C)
        def _():
            r = piece * C
            pltpu.sync_copy(zm_hbm.at[pl.ds(r, C)], srows0)
            pltpu.sync_copy(srows0, zm_sh.at[pl.ds(r, C)])

        return carry

    lax.fori_loop(0, (N // C + NS - 1) // NS, stage_piece, 0)

    pltpu.sync_copy(ei_hbm.at[0, pl.ds(wid * EPT, EPT)], sidx_v)
    pltpu.sync_copy(ei_hbm.at[1, pl.ds(wid * EPT, EPT)], didx_v)

    plsc.subcore_barrier()

    def issue(c, srows, drows, sem):
        pltpu.async_copy(zm_sh.at[sidx_v.at[pl.ds(c * C, C)]], srows, sem)
        pltpu.async_copy(zm_sh.at[didx_v.at[pl.ds(c * C, C)]], drows, sem)

    def wait(srows, drows, sem):
        pltpu.make_async_copy(zm_sh.at[sidx_v.at[pl.ds(0, C)]], srows, sem).wait()
        pltpu.make_async_copy(zm_sh.at[didx_v.at[pl.ds(0, C)]], drows, sem).wait()

    lane = lax.iota(jnp.int32, L)

    def compute(c, srows, drows):
        def group(g, carry):
            tot = jnp.zeros((L,), jnp.float32)
            for i in range(L):
                e = g * L + i
                acc = None
                for j in range(D // (2 * L)):
                    s2 = plsc.bitcast(srows[e, pl.ds(j * L, L)], jnp.bfloat16)
                    d2 = plsc.bitcast(drows[e, pl.ds(j * L, L)], jnp.bfloat16)
                    plo, phi = plsc.unpack(
                        s2 * d2, format=plsc.PackFormat.INTERLEAVED)
                    t = plo + phi
                    acc = t if acc is None else acc + t
                tot = jnp.where(lane == i, jnp.sum(acc), tot)
            sig = 1.0 / (1.0 + jnp.exp(-tot))
            out_v[pl.ds(c * C + g * L, L)] = sig
            return carry
        lax.fori_loop(0, G, group, 0)

    issue(0, srows0, drows0, sem0)
    issue(1, srows1, drows1, sem1)

    def pair(k2, carry):
        k = 2 * k2
        wait(srows0, drows0, sem0)
        compute(k, srows0, drows0)

        @pl.when(k + 2 < CPT)
        def _():
            issue(k + 2, srows0, drows0, sem0)

        wait(srows1, drows1, sem1)
        compute(k + 1, srows1, drows1)

        @pl.when(k + 3 < CPT)
        def _():
            issue(k + 3, srows1, drows1, sem1)

        return carry

    lax.fori_loop(0, CPT // 2, pair, 0)
    wait(srows0, drows0, sem0)
    compute(CPT - 1, srows0, drows0)

    pltpu.sync_copy(out_v, out_hbm.at[pl.ds(wid * EPT, EPT)])


_sc_call = pl.kernel(
    _sc_body,
    out_type=jax.ShapeDtypeStruct((E,), jnp.float32),
    mesh=plsc.VectorSubcoreMesh(
        core_axis_name="c", subcore_axis_name="s",
        num_cores=NC, num_subcores=NS),
    compiler_params=pltpu.CompilerParams(
        needs_layout_passes=False, use_tc_tiling_on_sc=False),
    scratch_types=[
        pltpu.VMEM_SHARED((N, W), jnp.int32),
        pltpu.VMEM((EPT,), jnp.int32),
        pltpu.VMEM((EPT,), jnp.int32),
        pltpu.VMEM((C, W), jnp.int32),
        pltpu.VMEM((C, W), jnp.int32),
        pltpu.VMEM((C, W), jnp.int32),
        pltpu.VMEM((C, W), jnp.int32),
        pltpu.VMEM((EPT,), jnp.float32),
        pltpu.SemaphoreType.DMA,
        pltpu.SemaphoreType.DMA,
    ],
)


def kernel(z, edge_index, domain_embs):
    zm = _compute_zm(z, domain_embs)
    return _sc_call(zm, edge_index.astype(jnp.int32))

# --- scband reference (transcript-rebuilt; emitter-appended) ---
"""Pipeline reference for scband-inner-product-decoder-domain-61564061221026 (READ-ONLY COPY).

The authoritative reference and input builder live on the scoring server;
editing this copy changes nothing except your own understanding.
"""

import jax, jax.numpy as jnp
import numpy as np


def setup_inputs(seed: int = 0) -> dict:
    key = jax.random.key(seed)
    k1, k2, k3 = jax.random.split(key, 3)
    z = jax.random.normal(k1, (10000, 128), dtype=jnp.float32)
    edge_index = jax.random.randint(k2, (2, 320000), 0, 10000, dtype=jnp.int64)
    domain_embs = jax.random.normal(k3, (10000, 128), dtype=jnp.float32)
    return {"z": z, "edge_index": edge_index, "domain_embs": domain_embs}


def reference(z, edge_index, domain_embs):
    # domain_embs is provided (not None): elementwise modulation of node embeddings
    z = z * domain_embs
    src = jnp.take(z, edge_index[0], axis=0)
    dst = jnp.take(z, edge_index[1], axis=0)
    value = (src * dst).sum(axis=1)
    return jax.nn.sigmoid(value)

if __name__ == "__main__":
    import jax
    _d = setup_inputs()
    print(jax.jit(kernel)(*tuple(_d.values())))

</pallas_src>

<mosaic_0001>
#map = affine_map<(d0, d1) -> (0, 0)>
#map1 = affine_map<(d0, d1) -> (0)>
module attributes {stable_mosaic.version = 14 : i64} {
  func.func @_sc_body(%arg0: i32, %arg1: i32, %arg2: memref<10000x64xi32, #tpu.memory_space<hbm>>, %arg3: memref<2x320000xi32, #tpu.memory_space<hbm>>, %arg4: memref<320000xf32, #tpu.memory_space<hbm>>, %arg5: memref<10000x64xi32, #tpu.memory_space<vmem_shared>>, %arg6: memref<10000xi32, #tpu.memory_space<vmem>>, %arg7: memref<10000xi32, #tpu.memory_space<vmem>>, %arg8: memref<80x64xi32, #tpu.memory_space<vmem>>, %arg9: memref<80x64xi32, #tpu.memory_space<vmem>>, %arg10: memref<80x64xi32, #tpu.memory_space<vmem>>, %arg11: memref<80x64xi32, #tpu.memory_space<vmem>>, %arg12: memref<10000xf32, #tpu.memory_space<vmem>>, %arg13: memref<!tpu.dma_semaphore, #tpu.memory_space<semaphore_mem>>, %arg14: memref<!tpu.dma_semaphore, #tpu.memory_space<semaphore_mem>>) attributes {dimension_semantics = [#tpu.dimension_semantics<core_parallel>, #tpu.dimension_semantics<subcore_parallel>], iteration_bounds = array<i64: 2, 16>, scalar_prefetch = 0 : i64, scratch_operands = 10 : i64, tpu.core_type = #tpu.core_type<sc_vector_subcore>, window_params = [{transform_indices = #map}, {transform_indices = #map}, {transform_indices = #map1}]} {
    %mul3A = arith.constant 2 : i32
    %mul3A_0 = arith.muli %arg1, %mul3A : i32
    %add3A = arith.addi %mul3A_0, %arg0 : i32
    %mul3A_1 = arith.constant 125 : i32
    %mul3A_2 = arith.muli %add3A, %mul3A_1 : i32
    %scan3A = arith.constant 0 : i32
    %scan3A_3 = arith.constant 0 : i32
    %scan3A_4 = arith.constant 8 : i32
    %scan3A_5 = arith.addi %scan3A_3, %scan3A_4 : i32
    %scan3A_6 = arith.constant 1 : i32
    scf.for %scan3A_55 = %scan3A_3 to %scan3A_5 step %scan3A_6  : i32 {
      %mul3A_56 = arith.constant 16 : i32
      %mul3A_57 = arith.muli %mul3A_56, %scan3A_55 : i32
      %add3A_58 = arith.addi %arg1, %mul3A_57 : i32
      %lt3A = arith.constant 125 : i32
      %lt3A_59 = arith.cmpi slt, %add3A_58, %lt3A : i32
      %convert_element_type3A = arith.extui %lt3A_59 : i1 to i32
      %cond3A = arith.constant 0 : i32
      %cond3A_60 = arith.cmpi ne, %convert_element_type3A, %cond3A : i32
      scf.if %cond3A_60 {
        %mul3A_61 = arith.constant 80 : i32
        %mul3A_62 = arith.muli %add3A_58, %mul3A_61 : i32
        "tpu.region"() ({
          %run_scoped3A_63 = tpu.sem_alloc : memref<!tpu.dma_semaphore, #tpu.memory_space<semaphore_mem>>
          %dma_start3A_64 = arith.constant 0 : i32
          %dma_start3A_65 = tpu.memref_slice %arg2[%mul3A_62, %dma_start3A_64] : memref<10000x64xi32, #tpu.memory_space<hbm>> -> memref<80x64xi32, #tpu.memory_space<hbm>>
          %dma_start3A_66 = arith.constant 0 : i32
          %dma_start3A_67 = tpu.memref_slice %arg2[%mul3A_62, %dma_start3A_66] : memref<10000x64xi32, #tpu.memory_space<hbm>> -> memref<80x64xi32, #tpu.memory_space<hbm>>
          tpu.enqueue_dma source(%dma_start3A_67 : memref<80x64xi32, #tpu.memory_space<hbm>>) target(%arg8 : memref<80x64xi32, #tpu.memory_space<vmem>>) target_semaphore(%run_scoped3A_63 : memref<!tpu.dma_semaphore, #tpu.memory_space<semaphore_mem>>)
          %dma_wait3A_68 = arith.constant 0 : i32
          %dma_wait3A_69 = tpu.memref_slice %arg2[%mul3A_62, %dma_wait3A_68] : memref<10000x64xi32, #tpu.memory_space<hbm>> -> memref<80x64xi32, #tpu.memory_space<hbm>>
          %dma_wait3A_70 = arith.constant 0 : i32
          %dma_wait3A_71 = tpu.memref_slice %arg2[%mul3A_62, %dma_wait3A_70] : memref<10000x64xi32, #tpu.memory_space<hbm>> -> memref<80x64xi32, #tpu.memory_space<hbm>>
          tpu.wait_dma2 semaphore(%run_scoped3A_63 : memref<!tpu.dma_semaphore, #tpu.memory_space<semaphore_mem>>) src(%dma_wait3A_71 : memref<80x64xi32, #tpu.memory_space<hbm>>) dst(%arg8 : memref<80x64xi32, #tpu.memory_space<vmem>>)
          tpu.yield
        }) : () -> ()
        "tpu.region"() ({
          %run_scoped3A_63 = tpu.sem_alloc : memref<!tpu.dma_semaphore, #tpu.memory_space<semaphore_mem>>
          %dma_start3A_64 = arith.constant 0 : i32
          %dma_start3A_65 = tpu.memref_slice %arg5[%mul3A_62, %dma_start3A_64] : memref<10000x64xi32, #tpu.memory_space<vmem_shared>> -> memref<80x64xi32, #tpu.memory_space<vmem_shared>>
          %dma_start3A_66 = arith.constant 0 : i32
          %dma_start3A_67 = tpu.memref_slice %arg5[%mul3A_62, %dma_start3A_66] : memref<10000x64xi32, #tpu.memory_space<vmem_shared>> -> memref<80x64xi32, #tpu.memory_space<vmem_shared>>
          tpu.enqueue_dma source(%arg8 : memref<80x64xi32, #tpu.memory_space<vmem>>) target(%dma_start3A_67 : memref<80x64xi32, #tpu.memory_space<vmem_shared>>) target_semaphore(%run_scoped3A_63 : memref<!tpu.dma_semaphore, #tpu.memory_space<semaphore_mem>>)
          %dma_wait3A_68 = arith.constant 0 : i32
          %dma_wait3A_69 = tpu.memref_slice %arg5[%mul3A_62, %dma_wait3A_68] : memref<10000x64xi32, #tpu.memory_space<vmem_shared>> -> memref<80x64xi32, #tpu.memory_space<vmem_shared>>
          %dma_wait3A_70 = arith.constant 0 : i32
          %dma_wait3A_71 = tpu.memref_slice %arg5[%mul3A_62, %dma_wait3A_70] : memref<10000x64xi32, #tpu.memory_space<vmem_shared>> -> memref<80x64xi32, #tpu.memory_space<vmem_shared>>
          tpu.wait_dma2 semaphore(%run_scoped3A_63 : memref<!tpu.dma_semaphore, #tpu.memory_space<semaphore_mem>>) src(%arg8 : memref<80x64xi32, #tpu.memory_space<vmem>>) dst(%dma_wait3A_71 : memref<80x64xi32, #tpu.memory_space<vmem_shared>>)
          tpu.yield
        }) : () -> ()
      } else {
      }
    }
    %scan3A_7 = arith.constant 8 : i32
    %mul3A_8 = arith.constant 10000 : i32
    %mul3A_9 = arith.muli %add3A, %mul3A_8 : i32
    %run_scoped3A = arith.constant 0 : i32
    "tpu.region"() ({
      %run_scoped3A_55 = tpu.sem_alloc : memref<!tpu.dma_semaphore, #tpu.memory_space<semaphore_mem>>
      %dma_start3A_56 = tpu.memref_slice %arg3[%run_scoped3A, %mul3A_9] : memref<2x320000xi32, #tpu.memory_space<hbm>> -> memref<1x10000xi32, #tpu.memory_space<hbm>>
      %dma_start3A_57 = tpu.memref_squeeze %dma_start3A_56 : memref<1x10000xi32, #tpu.memory_space<hbm>> -> memref<10000xi32, #tpu.memory_space<hbm>>
      %dma_start3A_58 = tpu.memref_slice %arg3[%run_scoped3A, %mul3A_9] : memref<2x320000xi32, #tpu.memory_space<hbm>> -> memref<1x10000xi32, #tpu.memory_space<hbm>>
      %dma_start3A_59 = tpu.memref_squeeze %dma_start3A_58 : memref<1x10000xi32, #tpu.memory_space<hbm>> -> memref<10000xi32, #tpu.memory_space<hbm>>
      tpu.enqueue_dma source(%dma_start3A_59 : memref<10000xi32, #tpu.memory_space<hbm>>) target(%arg6 : memref<10000xi32, #tpu.memory_space<vmem>>) target_semaphore(%run_scoped3A_55 : memref<!tpu.dma_semaphore, #tpu.memory_space<semaphore_mem>>)
      %dma_wait3A_60 = tpu.memref_slice %arg3[%run_scoped3A, %mul3A_9] : memref<2x320000xi32, #tpu.memory_space<hbm>> -> memref<1x10000xi32, #tpu.memory_space<hbm>>
      %dma_wait3A_61 = tpu.memref_squeeze %dma_wait3A_60 : memref<1x10000xi32, #tpu.memory_space<hbm>> -> memref<10000xi32, #tpu.memory_space<hbm>>
      %dma_wait3A_62 = tpu.memref_slice %arg3[%run_scoped3A, %mul3A_9] : memref<2x320000xi32, #tpu.memory_space<hbm>> -> memref<1x10000xi32, #tpu.memory_space<hbm>>
      %dma_wait3A_63 = tpu.memref_squeeze %dma_wait3A_62 : memref<1x10000xi32, #tpu.memory_space<hbm>> -> memref<10000xi32, #tpu.memory_space<hbm>>
      tpu.wait_dma2 semaphore(%run_scoped3A_55 : memref<!tpu.dma_semaphore, #tpu.memory_space<semaphore_mem>>) src(%dma_wait3A_63 : memref<10000xi32, #tpu.memory_space<hbm>>) dst(%arg6 : memref<10000xi32, #tpu.memory_space<vmem>>)
      tpu.yield
    }) : () -> ()
    %mul3A_10 = arith.constant 10000 : i32
    %mul3A_11 = arith.muli %add3A, %mul3A_10 : i32
    %run_scoped3A_12 = arith.constant 1 : i32
    "tpu.region"() ({
      %run_scoped3A_55 = tpu.sem_alloc : memref<!tpu.dma_semaphore, #tpu.memory_space<semaphore_mem>>
      %dma_start3A_56 = tpu.memref_slice %arg3[%run_scoped3A_12, %mul3A_11] : memref<2x320000xi32, #tpu.memory_space<hbm>> -> memref<1x10000xi32, #tpu.memory_space<hbm>>
      %dma_start3A_57 = tpu.memref_squeeze %dma_start3A_56 : memref<1x10000xi32, #tpu.memory_space<hbm>> -> memref<10000xi32, #tpu.memory_space<hbm>>
      %dma_start3A_58 = tpu.memref_slice %arg3[%run_scoped3A_12, %mul3A_11] : memref<2x320000xi32, #tpu.memory_space<hbm>> -> memref<1x10000xi32, #tpu.memory_space<hbm>>
      %dma_start3A_59 = tpu.memref_squeeze %dma_start3A_58 : memref<1x10000xi32, #tpu.memory_space<hbm>> -> memref<10000xi32, #tpu.memory_space<hbm>>
      tpu.enqueue_dma source(%dma_start3A_59 : memref<10000xi32, #tpu.memory_space<hbm>>) target(%arg7 : memref<10000xi32, #tpu.memory_space<vmem>>) target_semaphore(%run_scoped3A_55 : memref<!tpu.dma_semaphore, #tpu.memory_space<semaphore_mem>>)
      %dma_wait3A_60 = tpu.memref_slice %arg3[%run_scoped3A_12, %mul3A_11] : memref<2x320000xi32, #tpu.memory_space<hbm>> -> memref<1x10000xi32, #tpu.memory_space<hbm>>
      %dma_wait3A_61 = tpu.memref_squeeze %dma_wait3A_60 : memref<1x10000xi32, #tpu.memory_space<hbm>> -> memref<10000xi32, #tpu.memory_space<hbm>>
      %dma_wait3A_62 = tpu.memref_slice %arg3[%run_scoped3A_12, %mul3A_11] : memref<2x320000xi32, #tpu.memory_space<hbm>> -> memref<1x10000xi32, #tpu.memory_space<hbm>>
      %dma_wait3A_63 = tpu.memref_squeeze %dma_wait3A_62 : memref<1x10000xi32, #tpu.memory_space<hbm>> -> memref<10000xi32, #tpu.memory_space<hbm>>
      tpu.wait_dma2 semaphore(%run_scoped3A_55 : memref<!tpu.dma_semaphore, #tpu.memory_space<semaphore_mem>>) src(%dma_wait3A_63 : memref<10000xi32, #tpu.memory_space<hbm>>) dst(%arg7 : memref<10000xi32, #tpu.memory_space<vmem>>)
      tpu.yield
    }) : () -> ()
    %barrier3A = arith.constant 0 : index
    tpu.barrier barrier_id(%barrier3A)
    %iota3A = tpu.iota {dimensions = array<i32: 0>} : vector<16xi32>
    %dma_start3A = arith.constant 0 : i32
    %dma_start3A_13 = tpu.memref_slice %arg6[%dma_start3A] : memref<10000xi32, #tpu.memory_space<vmem>> -> memref<80xi32, #tpu.memory_space<vmem>>
    %dma_start3A_14 = arith.constant 0 : i32
    %dma_start3A_15 = arith.constant 0 : i32
    %dma_start3A_16 = tpu.memref_slice %arg5[%dma_start3A_14, %dma_start3A_15] : memref<10000x64xi32, #tpu.memory_space<vmem_shared>> -> memref<10000x64xi32, #tpu.memory_space<vmem_shared>>
    tpu.enqueue_indirect_dma source(%dma_start3A_16 : memref<10000x64xi32, #tpu.memory_space<vmem_shared>>) target(%arg8 : memref<80x64xi32, #tpu.memory_space<vmem>>) offsets(%dma_start3A_13 : memref<80xi32, #tpu.memory_space<vmem>>) semaphore(%arg13 : memref<!tpu.dma_semaphore, #tpu.memory_space<semaphore_mem>>)
    %dma_start3A_17 = arith.constant 0 : i32
    %dma_start3A_18 = tpu.memref_slice %arg7[%dma_start3A_17] : memref<10000xi32, #tpu.memory_space<vmem>> -> memref<80xi32, #tpu.memory_space<vmem>>
    %dma_start3A_19 = arith.constant 0 : i32
    %dma_start3A_20 = arith.constant 0 : i32
    %dma_start3A_21 = tpu.memref_slice %arg5[%dma_start3A_19, %dma_start3A_20] : memref<10000x64xi32, #tpu.memory_space<vmem_shared>> -> memref<10000x64xi32, #tpu.memory_space<vmem_shared>>
    tpu.enqueue_indirect_dma source(%dma_start3A_21 : memref<10000x64xi32, #tpu.memory_space<vmem_shared>>) target(%arg9 : memref<80x64xi32, #tpu.memory_space<vmem>>) offsets(%dma_start3A_18 : memref<80xi32, #tpu.memory_space<vmem>>) semaphore(%arg13 : memref<!tpu.dma_semaphore, #tpu.memory_space<semaphore_mem>>)
    %dma_start3A_22 = arith.constant 80 : i32
    %dma_start3A_23 = tpu.memref_slice %arg6[%dma_start3A_22] : memref<10000xi32, #tpu.memory_space<vmem>> -> memref<80xi32, #tpu.memory_space<vmem>>
    %dma_start3A_24 = arith.constant 0 : i32
    %dma_start3A_25 = arith.constant 0 : i32
    %dma_start3A_26 = tpu.memref_slice %arg5[%dma_start3A_24, %dma_start3A_25] : memref<10000x64xi32, #tpu.memory_space<vmem_shared>> -> memref<10000x64xi32, #tpu.memory_space<vmem_shared>>
    tpu.enqueue_indirect_dma source(%dma_start3A_26 : memref<10000x64xi32, #tpu.memory_space<vmem_shared>>) target(%arg10 : memref<80x64xi32, #tpu.memory_space<vmem>>) offsets(%dma_start3A_23 : memref<80xi32, #tpu.memory_space<vmem>>) semaphore(%arg14 : memref<!tpu.dma_semaphore, #tpu.memory_space<semaphore_mem>>)
    %dma_start3A_27 = arith.constant 80 : i32
    %dma_start3A_28 = tpu.memref_slice %arg7[%dma_start3A_27] : memref<10000xi32, #tpu.memory_space<vmem>> -> memref<80xi32, #tpu.memory_space<vmem>>
    %dma_start3A_29 = arith.constant 0 : i32
    %dma_start3A_30 = arith.constant 0 : i32
    %dma_start3A_31 = tpu.memref_slice %arg5[%dma_start3A_29, %dma_start3A_30] : memref<10000x64xi32, #tpu.memory_space<vmem_shared>> -> memref<10000x64xi32, #tpu.memory_space<vmem_shared>>
    tpu.enqueue_indirect_dma source(%dma_start3A_31 : memref<10000x64xi32, #tpu.memory_space<vmem_shared>>) target(%arg11 : memref<80x64xi32, #tpu.memory_space<vmem>>) offsets(%dma_start3A_28 : memref<80xi32, #tpu.memory_space<vmem>>) semaphore(%arg14 : memref<!tpu.dma_semaphore, #tpu.memory_space<semaphore_mem>>)
    %scan3A_32 = arith.constant 0 : i32
    %scan3A_33 = arith.constant 0 : i32
    %scan3A_34 = arith.constant 62 : i32
    %scan3A_35 = arith.addi %scan3A_33, %scan3A_34 : i32
    %scan3A_36 = arith.constant 1 : i32
    scf.for %scan3A_55 = %scan3A_33 to %scan3A_35 step %scan3A_36  : i32 {
      %mul3A_56 = arith.constant 2 : i32
      %mul3A_57 = arith.muli %mul3A_56, %scan3A_55 : i32
      %dma_wait3A_58 = arith.constant 0 : i32
      %dma_wait3A_59 = tpu.memref_slice %arg6[%dma_wait3A_58] : memref<10000xi32, #tpu.memory_space<vmem>> -> memref<80xi32, #tpu.memory_space<vmem>>
      %dma_wait3A_60 = arith.constant 0 : i32
      %dma_wait3A_61 = arith.constant 0 : i32
      %dma_wait3A_62 = tpu.memref_slice %arg5[%dma_wait3A_60, %dma_wait3A_61] : memref<10000x64xi32, #tpu.memory_space<vmem_shared>> -> memref<10000x64xi32, #tpu.memory_space<vmem_shared>>
      tpu.wait_indirect_dma semaphore(%arg13 : memref<!tpu.dma_semaphore, #tpu.memory_space<semaphore_mem>>) src(%dma_wait3A_62 : memref<10000x64xi32, #tpu.memory_space<vmem_shared>>) dst(%arg8 : memref<80x64xi32, #tpu.memory_space<vmem>>)
      %dma_wait3A_63 = arith.constant 0 : i32
      %dma_wait3A_64 = tpu.memref_slice %arg7[%dma_wait3A_63] : memref<10000xi32, #tpu.memory_space<vmem>> -> memref<80xi32, #tpu.memory_space<vmem>>
      %dma_wait3A_65 = arith.constant 0 : i32
      %dma_wait3A_66 = arith.constant 0 : i32
      %dma_wait3A_67 = tpu.memref_slice %arg5[%dma_wait3A_65, %dma_wait3A_66] : memref<10000x64xi32, #tpu.memory_space<vmem_shared>> -> memref<10000x64xi32, #tpu.memory_space<vmem_shared>>
      tpu.wait_indirect_dma semaphore(%arg13 : memref<!tpu.dma_semaphore, #tpu.memory_space<semaphore_mem>>) src(%dma_wait3A_67 : memref<10000x64xi32, #tpu.memory_space<vmem_shared>>) dst(%arg9 : memref<80x64xi32, #tpu.memory_space<vmem>>)
      %scan3A_68 = arith.constant 0 : i32
      %scan3A_69 = arith.constant 0 : i32
      %scan3A_70 = arith.constant 5 : i32
      %scan3A_71 = arith.addi %scan3A_69, %scan3A_70 : i32
      %scan3A_72 = arith.constant 1 : i32
      scf.for %scan3A_103 = %scan3A_69 to %scan3A_71 step %scan3A_72  : i32 {
        %broadcast_in_dim3A = arith.constant 0.000000e+00 : f32
        %broadcast_in_dim3A_104 = vector.broadcast %broadcast_in_dim3A : f32 to vector<16xf32>
        %mul3A_105 = arith.constant 16 : i32
        %mul3A_106 = arith.muli %scan3A_103, %mul3A_105 : i32
        %add3A_107 = arith.constant 0 : i32
        %add3A_108 = arith.addi %mul3A_106, %add3A_107 : i32
        %get3A = arith.index_cast %add3A_108 : i32 to index
        %get3A_109 = arith.constant 0 : index
        %get3A_110 = tpu.vector_load %arg8[%get3A, %get3A_109] {strides = array<i32>} : memref<80x64xi32, #tpu.memory_space<vmem>>, vector<16xi32>,
        %bitcast3A = vector.bitcast %get3A_110 : vector<16xi32> to vector<32xbf16>
        %get3A_111 = arith.index_cast %add3A_108 : i32 to index
        %get3A_112 = arith.constant 0 : index
        %get3A_113 = tpu.vector_load %arg9[%get3A_111, %get3A_112] {strides = array<i32>} : memref<80x64xi32, #tpu.memory_space<vmem>>, vector<16xi32>,
        %bitcast3A_114 = vector.bitcast %get3A_113 : vector<16xi32> to vector<32xbf16>
        %mul3A_115 = arith.mulf %bitcast3A, %bitcast3A_114 : vector<32xbf16>
        %unpack3A = tpu.unpack_subelements %mul3A_115, 0 {pack_format = #tpu.pack_format<interleaved>} : vector<32xbf16> -> vector<16xf32>
        %unpack3A_116 = tpu.unpack_subelements %mul3A_115, 1 {pack_format = #tpu.pack_format<interleaved>} : vector<32xbf16> -> vector<16xf32>
        %add3A_117 = arith.addf %unpack3A, %unpack3A_116 : vector<16xf32>
        %get3A_118 = arith.index_cast %add3A_108 : i32 to index
        %get3A_119 = arith.constant 16 : index
        %get3A_120 = tpu.vector_load %arg8[%get3A_118, %get3A_119] {strides = array<i32>} : memref<80x64xi32, #tpu.memory_space<vmem>>, vector<16xi32>,
        %bitcast3A_121 = vector.bitcast %get3A_120 : vector<16xi32> to vector<32xbf16>
        %get3A_122 = arith.index_cast %add3A_108 : i32 to index
        %get3A_123 = arith.constant 16 : index
        %get3A_124 = tpu.vector_load %arg9[%get3A_122, %get3A_123] {strides = array<i32>} : memref<80x64xi32, #tpu.memory_space<vmem>>, vector<16xi32>,
        %bitcast3A_125 = vector.bitcast %get3A_124 : vector<16xi32> to vector<32xbf16>
        %mul3A_126 = arith.mulf %bitcast3A_121, %bitcast3A_125 : vector<32xbf16>
        %unpack3A_127 = tpu.unpack_subelements %mul3A_126, 0 {pack_format = #tpu.pack_format<interleaved>} : vector<32xbf16> -> vector<16xf32>
        %unpack3A_128 = tpu.unpack_subelements %mul3A_126, 1 {pack_format = #tpu.pack_format<interleaved>} : vector<32xbf16> -> vector<16xf32>
        %add3A_129 = arith.addf %unpack3A_127, %unpack3A_128 : vector<16xf32>
        %add3A_130 = arith.addf %add3A_117, %add3A_129 : vector<16xf32>
        %get3A_131 = arith.index_cast %add3A_108 : i32 to index
        %get3A_132 = arith.constant 32 : index
        %get3A_133 = tpu.vector_load %arg8[%get3A_131, %get3A_132] {strides = array<i32>} : memref<80x64xi32, #tpu.memory_space<vmem>>, vector<16xi32>,
        %bitcast3A_134 = vector.bitcast %get3A_133 : vector<16xi32> to vector<32xbf16>
        %get3A_135 = arith.index_cast %add3A_108 : i32 to index
        %get3A_136 = arith.constant 32 : index
        %get3A_137 = tpu.vector_load %arg9[%get3A_135, %get3A_136] {strides = array<i32>} : memref<80x64xi32, #tpu.memory_space<vmem>>, vector<16xi32>,
        %bitcast3A_138 = vector.bitcast %get3A_137 : vector<16xi32> to vector<32xbf16>
        %mul3A_139 = arith.mulf %bitcast3A_134, %bitcast3A_138 : vector<32xbf16>
        %unpack3A_140 = tpu.unpack_subelements %mul3A_139, 0 {pack_format = #tpu.pack_format<interleaved>} : vector<32xbf16> -> vector<16xf32>
        %unpack3A_141 = tpu.unpack_subelements %mul3A_139, 1 {pack_format = #tpu.pack_format<interleaved>} : vector<32xbf16> -> vector<16xf32>
        %add3A_142 = arith.addf %unpack3A_140, %unpack3A_141 : vector<16xf32>
        %add3A_143 = arith.addf %add3A_130, %add3A_142 : vector<16xf32>
        %get3A_144 = arith.index_cast %add3A_108 : i32 to index
        %get3A_145 = arith.constant 48 : index
        %get3A_146 = tpu.vector_load %arg8[%get3A_144, %get3A_145] {strides = array<i32>} : memref<80x64xi32, #tpu.memory_space<vmem>>, vector<16xi32>,
        %bitcast3A_147 = vector.bitcast %get3A_146 : vector<16xi32> to vector<32xbf16>
        %get3A_148 = arith.index_cast %add3A_108 : i32 to index
        %get3A_149 = arith.constant 48 : index
        %get3A_150 = tpu.vector_load %arg9[%get3A_148, %get3A_149] {strides = array<i32>} : memref<80x64xi32, #tpu.memory_space<vmem>>, vector<16xi32>,
        %bitcast3A_151 = vector.bitcast %get3A_150 : vector<16xi32> to vector<32xbf16>
        %mul3A_152 = arith.mulf %bitcast3A_147, %bitcast3A_151 : vector<32xbf16>
        %unpack3A_153 = tpu.unpack_subelements %mul3A_152, 0 {pack_format = #tpu.pack_format<interleaved>} : vector<32xbf16> -> vector<16xf32>
        %unpack3A_154 = tpu.unpack_subelements %mul3A_152, 1 {pack_format = #tpu.pack_format<interleaved>} : vector<32xbf16> -> vector<16xf32>
        %add3A_155 = arith.addf %unpack3A_153, %unpack3A_154 : vector<16xf32>
        %add3A_156 = arith.addf %add3A_143, %add3A_155 : vector<16xf32>
        %eq3A = arith.constant 0 : i32
        %eq3A_157 = vector.broadcast %eq3A : i32 to vector<16xi32>
        %eq3A_158 = arith.cmpi eq, %iota3A, %eq3A_157 : vector<16xi32>
        %reduce_sum3A = arith.constant true
        %reduce_sum3A_159 = vector.broadcast %reduce_sum3A : i1 to vector<16xi1>
        %reduce_sum3A_160 = tpu.scan <sum>, %add3A_156 masked %reduce_sum3A_159 : vector<16xf32>, vector<16xi1> -> vector<16xf32>
        %reduce_sum3A_161 = vector.extract %reduce_sum3A_160[15] : f32 from vector<16xf32>
        %broadcast_in_dim3A_162 = vector.broadcast %reduce_sum3A_161 : f32 to vector<16xf32>
        %select_n3A = arith.select %eq3A_158, %broadcast_in_dim3A_162, %broadcast_in_dim3A_104 : vector<16xi1>, vector<16xf32>
        %mul3A_163 = arith.constant 16 : i32
        %mul3A_164 = arith.muli %scan3A_103, %mul3A_163 : i32
        %add3A_165 = arith.constant 1 : i32
        %add3A_166 = arith.addi %mul3A_164, %add3A_165 : i32
        %get3A_167 = arith.index_cast %add3A_166 : i32 to index
        %get3A_168 = arith.constant 0 : index
        %get3A_169 = tpu.vector_load %arg8[%get3A_167, %get3A_168] {strides = array<i32>} : memref<80x64xi32, #tpu.memory_space<vmem>>, vector<16xi32>,
        %bitcast3A_170 = vector.bitcast %get3A_169 : vector<16xi32> to vector<32xbf16>
        %get3A_171 = arith.index_cast %add3A_166 : i32 to index
        %get3A_172 = arith.constant 0 : index
        %get3A_173 = tpu.vector_load %arg9[%get3A_171, %get3A_172] {strides = array<i32>} : memref<80x64xi32, #tpu.memory_space<vmem>>, vector<16xi32>,
        %bitcast3A_174 = vector.bitcast %get3A_173 : vector<16xi32> to vector<32xbf16>
        %mul3A_175 = arith.mulf %bitcast3A_170, %bitcast3A_174 : vector<32xbf16>
        %unpack3A_176 = tpu.unpack_subelements %mul3A_175, 0 {pack_format = #tpu.pack_format<interleaved>} : vector<32xbf16> -> vector<16xf32>
        %unpack3A_177 = tpu.unpack_subelements %mul3A_175, 1 {pack_format = #tpu.pack_format<interleaved>} : vector<32xbf16> -> vector<16xf32>
        %add3A_178 = arith.addf %unpack3A_176, %unpack3A_177 : vector<16xf32>
        %get3A_179 = arith.index_cast %add3A_166 : i32 to index
        %get3A_180 = arith.constant 16 : index
        %get3A_181 = tpu.vector_load %arg8[%get3A_179, %get3A_180] {strides = array<i32>} : memref<80x64xi32, #tpu.memory_space<vmem>>, vector<16xi32>,
        %bitcast3A_182 = vector.bitcast %get3A_181 : vector<16xi32> to vector<32xbf16>
        %get3A_183 = arith.index_cast %add3A_166 : i32 to index
        %get3A_184 = arith.constant 16 : index
        %get3A_185 = tpu.vector_load %arg9[%get3A_183, %get3A_184] {strides = array<i32>} : memref<80x64xi32, #tpu.memory_space<vmem>>, vector<16xi32>,
        %bitcast3A_186 = vector.bitcast %get3A_185 : vector<16xi32> to vector<32xbf16>
        %mul3A_187 = arith.mulf %bitcast3A_182, %bitcast3A_186 : vector<32xbf16>
        %unpack3A_188 = tpu.unpack_subelements %mul3A_187, 0 {pack_format = #tpu.pack_format<interleaved>} : vector<32xbf16> -> vector<16xf32>
        %unpack3A_189 = tpu.unpack_subelements %mul3A_187, 1 {pack_format = #tpu.pack_format<interleaved>} : vector<32xbf16> -> vector<16xf32>
        %add3A_190 = arith.addf %unpack3A_188, %unpack3A_189 : vector<16xf32>
        %add3A_191 = arith.addf %add3A_178, %add3A_190 : vector<16xf32>
        %get3A_192 = arith.index_cast %add3A_166 : i32 to index
        %get3A_193 = arith.constant 32 : index
        %get3A_194 = tpu.vector_load %arg8[%get3A_192, %get3A_193] {strides = array<i32>} : memref<80x64xi32, #tpu.memory_space<vmem>>, vector<16xi32>,
        %bitcast3A_195 = vector.bitcast %get3A_194 : vector<16xi32> to vector<32xbf16>
        %get3A_196 = arith.index_cast %add3A_166 : i32 to index
        %get3A_197 = arith.constant 32 : index
        %get3A_198 = tpu.vector_load %arg9[%get3A_196, %get3A_197] {strides = array<i32>} : memref<80x64xi32, #tpu.memory_space<vmem>>, vector<16xi32>,
        %bitcast3A_199 = vector.bitcast %get3A_198 : vector<16xi32> to vector<32xbf16>
        %mul3A_200 = arith.mulf %bitcast3A_195, %bitcast3A_199 : vector<32xbf16>
        %unpack3A_201 = tpu.unpack_subelements %mul3A_200, 0 {pack_format = #tpu.pack_format<interleaved>} : vector<32xbf16> -> vector<16xf32>
        %unpack3A_202 = tpu.unpack_subelements %mul3A_200, 1 {pack_format = #tpu.pack_format<interleaved>} : vector<32xbf16> -> vector<16xf32>
        %add3A_203 = arith.addf %unpack3A_201, %unpack3A_202 : vector<16xf32>
        %add3A_204 = arith.addf %add3A_191, %add3A_203 : vector<16xf32>
        %get3A_205 = arith.index_cast %add3A_166 : i32 to index
        %get3A_206 = arith.constant 48 : index
        %get3A_207 = tpu.vector_load %arg8[%get3A_205, %get3A_206] {strides = array<i32>} : memref<80x64xi32, #tpu.memory_space<vmem>>, vector<16xi32>,
        %bitcast3A_208 = vector.bitcast %get3A_207 : vector<16xi32> to vector<32xbf16>
        %get3A_209 = arith.index_cast %add3A_166 : i32 to index
        %get3A_210 = arith.constant 48 : index
        %get3A_211 = tpu.vector_load %arg9[%get3A_209, %get3A_210] {strides = array<i32>} : memref<80x64xi32, #tpu.memory_space<vmem>>, vector<16xi32>,
        %bitcast3A_212 = vector.bitcast %get3A_211 : vector<16xi32> to vector<32xbf16>
        %mul3A_213 = arith.mulf %bitcast3A_208, %bitcast3A_212 : vector<32xbf16>
        %unpack3A_214 = tpu.unpack_subelements %mul3A_213, 0 {pack_format = #tpu.pack_format<interleaved>} : vector<32xbf16> -> vector<16xf32>
        %unpack3A_215 = tpu.unpack_subelements %mul3A_213, 1 {pack_format = #tpu.pack_format<interleaved>} : vector<32xbf16> -> vector<16xf32>
        %add3A_216 = arith.addf %unpack3A_214, %unpack3A_215 : vector<16xf32>
        %add3A_217 = arith.addf %add3A_204, %add3A_216 : vector<16xf32>
        %eq3A_218 = arith.constant 1 : i32
        %eq3A_219 = vector.broadcast %eq3A_218 : i32 to vector<16xi32>
        %eq3A_220 = arith.cmpi eq, %iota3A, %eq3A_219 : vector<16xi32>
        %reduce_sum3A_221 = arith.constant true
        %reduce_sum3A_222 = vector.broadcast %reduce_sum3A_221 : i1 to vector<16xi1>
        %reduce_sum3A_223 = tpu.scan <sum>, %add3A_217 masked %reduce_sum3A_222 : vector<16xf32>, vector<16xi1> -> vector<16xf32>
        %reduce_sum3A_224 = vector.extract %reduce_sum3A_223[15] : f32 from vector<16xf32>
        %broadcast_in_dim3A_225 = vector.broadcast %reduce_sum3A_224 : f32 to vector<16xf32>
        %select_n3A_226 = arith.select %eq3A_220, %broadcast_in_dim3A_225, %select_n3A : vector<16xi1>, vector<16xf32>
        %mul3A_227 = arith.constant 16 : i32
        %mul3A_228 = arith.muli %scan3A_103, %mul3A_227 : i32
        %add3A_229 = arith.constant 2 : i32
        %add3A_230 = arith.addi %mul3A_228, %add3A_229 : i32
        %get3A_231 = arith.index_cast %add3A_230 : i32 to index
        %get3A_232 = arith.constant 0 : index
        %get3A_233 = tpu.vector_load %arg8[%get3A_231, %get3A_232] {strides = array<i32>} : memref<80x64xi32, #tpu.memory_space<vmem>>, vector<16xi32>,
        %bitcast3A_234 = vector.bitcast %get3A_233 : vector<16xi32> to vector<32xbf16>
        %get3A_235 = arith.index_cast %add3A_230 : i32 to index
        %get3A_236 = arith.constant 0 : index
        %get3A_237 = tpu.vector_load %arg9[%get3A_235, %get3A_236] {strides = array<i32>} : memref<80x64xi32, #tpu.memory_space<vmem>>, vector<16xi32>,
        %bitcast3A_238 = vector.bitcast %get3A_237 : vector<16xi32> to vector<32xbf16>
        %mul3A_239 = arith.mulf %bitcast3A_234, %bitcast3A_238 : vector<32xbf16>
        %unpack3A_240 = tpu.unpack_subelements %mul3A_239, 0 {pack_format = #tpu.pack_format<interleaved>} : vector<32xbf16> -> vector<16xf32>
        %unpack3A_241 = tpu.unpack_subelements %mul3A_239, 1 {pack_format = #tpu.pack_format<interleaved>} : vector<32xbf16> -> vector<16xf32>
        %add3A_242 = arith.addf %unpack3A_240, %unpack3A_241 : vector<16xf32>
        %get3A_243 = arith.index_cast %add3A_230 : i32 to index
        %get3A_244 = arith.constant 16 : index
        %get3A_245 = tpu.vector_load %arg8[%get3A_243, %get3A_244] {strides = array<i32>} : memref<80x64xi32, #tpu.memory_space<vmem>>, vector<16xi32>,
        %bitcast3A_246 = vector.bitcast %get3A_245 : vector<16xi32> to vector<32xbf16>
        %get3A_247 = arith.index_cast %add3A_230 : i32 to index
        %get3A_248 = arith.constant 16 : index
        %get3A_249 = tpu.vector_load %arg9[%get3A_247, %get3A_248] {strides = array<i32>} : memref<80x64xi32, #tpu.memory_space<vmem>>, vector<16xi32>,
        %bitcast3A_250 = vector.bitcast %get3A_249 : vector<16xi32> to vector<32xbf16>
        %mul3A_251 = arith.mulf %bitcast3A_246, %bitcast3A_250 : vector<32xbf16>
        %unpack3A_252 = tpu.unpack_subelements %mul3A_251, 0 {pack_format = #tpu.pack_format<interleaved>} : vector<32xbf16> -> vector<16xf32>
        %unpack3A_253 = tpu.unpack_subelements %mul3A_251, 1 {pack_format = #tpu.pack_format<interleaved>} : vector<32xbf16> -> vector<16xf32>
        %add3A_254 = arith.addf %unpack3A_252, %unpack3A_253 : vector<16xf32>
        %add3A_255 = arith.addf %add3A_242, %add3A_254 : vector<16xf32>
        %get3A_256 = arith.index_cast %add3A_230 : i32 to index
        %get3A_257 = arith.constant 32 : index
        %get3A_258 = tpu.vector_load %arg8[%get3A_256, %get3A_257] {strides = array<i32>} : memref<80x64xi32, #tpu.memory_space<vmem>>, vector<16xi32>,
        %bitcast3A_259 = vector.bitcast %get3A_258 : vector<16xi32> to vector<32xbf16>
        %get3A_260 = arith.index_cast %add3A_230 : i32 to index
        %get3A_261 = arith.constant 32 : index
        %get3A_262 = tpu.vector_load %arg9[%get3A_260, %get3A_261] {strides = array<i32>} : memref<80x64xi32, #tpu.memory_space<vmem>>, vector<16xi32>,
        %bitcast3A_263 = vector.bitcast %get3A_262 : vector<16xi32> to vector<32xbf16>
        %mul3A_264 = arith.mulf %bitcast3A_259, %bitcast3A_263 : vector<32xbf16>
        %unpack3A_265 = tpu.unpack_subelements %mul3A_264, 0 {pack_format = #tpu.pack_format<interleaved>} : vector<32xbf16> -> vector<16xf32>
        %unpack3A_266 = tpu.unpack_subelements %mul3A_264, 1 {pack_format = #tpu.pack_format<interleaved>} : vector<32xbf16> -> vector<16xf32>
        %add3A_267 = arith.addf %unpack3A_265, %unpack3A_266 : vector<16xf32>
        %add3A_268 = arith.addf %add3A_255, %add3A_267 : vector<16xf32>
        %get3A_269 = arith.index_cast %add3A_230 : i32 to index
        %get3A_270 = arith.constant 48 : index
        %get3A_271 = tpu.vector_load %arg8[%get3A_269, %get3A_270] {strides = array<i32>} : memref<80x64xi32, #tpu.memory_space<vmem>>, vector<16xi32>,
        %bitcast3A_272 = vector.bitcast %get3A_271 : vector<16xi32> to vector<32xbf16>
        %get3A_273 = arith.index_cast %add3A_230 : i32 to index
        %get3A_274 = arith.constant 48 : index
        %get3A_275 = tpu.vector_load %arg9[%get3A_273, %get3A_274] {strides = array<i32>} : memref<80x64xi32, #tpu.memory_space<vmem>>, vector<16xi32>,
        %bitcast3A_276 = vector.bitcast %get3A_275 : vector<16xi32> to vector<32xbf16>
        %mul3A_277 = arith.mulf %bitcast3A_272, %bitcast3A_276 : vector<32xbf16>
        %unpack3A_278 = tpu.unpack_subelements %mul3A_277, 0 {pack_format = #tpu.pack_format<interleaved>} : vector<32xbf16> -> vector<16xf32>
        %unpack3A_279 = tpu.unpack_subelements %mul3A_277, 1 {pack_format = #tpu.pack_format<interleaved>} : vector<32xbf16> -> vector<16xf32>
        %add3A_280 = arith.addf %unpack3A_278, %unpack3A_279 : vector<16xf32>
        %add3A_281 = arith.addf %add3A_268, %add3A_280 : vector<16xf32>
        %eq3A_282 = arith.constant 2 : i32
        %eq3A_283 = vector.broadcast %eq3A_282 : i32 to vector<16xi32>
        %eq3A_284 = arith.cmpi eq, %iota3A, %eq3A_283 : vector<16xi32>
        %reduce_sum3A_285 = arith.constant true
        %reduce_sum3A_286 = vector.broadcast %reduce_sum3A_285 : i1 to vector<16xi1>
        %reduce_sum3A_287 = tpu.scan <sum>, %add3A_281 masked %reduce_sum3A_286 : vector<16xf32>, vector<16xi1> -> vector<16xf32>
        %reduce_sum3A_288 = vector.extract %reduce_sum3A_287[15] : f32 from vector<16xf32>
        %broadcast_in_dim3A_289 = vector.broadcast %reduce_sum3A_288 : f32 to vector<16xf32>
        %select_n3A_290 = arith.select %eq3A_284, %broadcast_in_dim3A_289, %select_n3A_226 : vector<16xi1>, vector<16xf32>
        %mul3A_291 = arith.constant 16 : i32
        %mul3A_292 = arith.muli %scan3A_103, %mul3A_291 : i32
        %add3A_293 = arith.constant 3 : i32
        %add3A_294 = arith.addi %mul3A_292, %add3A_293 : i32
        %get3A_295 = arith.index_cast %add3A_294 : i32 to index
        %get3A_296 = arith.constant 0 : index
        %get3A_297 = tpu.vector_load %arg8[%get3A_295, %get3A_296] {strides = array<i32>} : memref<80x64xi32, #tpu.memory_space<vmem>>, vector<16xi32>,
        %bitcast3A_298 = vector.bitcast %get3A_297 : vector<16xi32> to vector<32xbf16>
        %get3A_299 = arith.index_cast %add3A_294 : i32 to index
        %get3A_300 = arith.constant 0 : index
        %get3A_301 = tpu.vector_load %arg9[%get3A_299, %get3A_300] {strides = array<i32>} : memref<80x64xi32, #tpu.memory_space<vmem>>, vector<16xi32>,
        %bitcast3A_302 = vector.bitcast %get3A_301 : vector<16xi32> to vector<32xbf16>
        %mul3A_303 = arith.mulf %bitcast3A_298, %bitcast3A_302 : vector<32xbf16>
        %unpack3A_304 = tpu.unpack_subelements %mul3A_303, 0 {pack_format = #tpu.pack_format<interleaved>} : vector<32xbf16> -> vector<16xf32>
        %unpack3A_305 = tpu.unpack_subelements %mul3A_303, 1 {pack_format = #tpu.pack_format<interleaved>} : vector<32xbf16> -> vector<16xf32>
        %add3A_306 = arith.addf %unpack3A_304, %unpack3A_305 : vector<16xf32>
        %get3A_307 = arith.index_cast %add3A_294 : i32 to index
        %get3A_308 = arith.constant 16 : index
        %get3A_309 = tpu.vector_load %arg8[%get3A_307, %get3A_308] {strides = array<i32>} : memref<80x64xi32, #tpu.memory_space<vmem>>, vector<16xi32>,
        %bitcast3A_310 = vector.bitcast %get3A_309 : vector<16xi32> to vector<32xbf16>
        %get3A_311 = arith.index_cast %add3A_294 : i32 to index
        %get3A_312 = arith.constant 16 : index
        %get3A_313 = tpu.vector_load %arg9[%get3A_311, %get3A_312] {strides = array<i32>} : memref<80x64xi32, #tpu.memory_space<vmem>>, vector<16xi32>,
        %bitcast3A_314 = vector.bitcast %get3A_313 : vector<16xi32> to vector<32xbf16>
        %mul3A_315 = arith.mulf %bitcast3A_310, %bitcast3A_314 : vector<32xbf16>
        %unpack3A_316 = tpu.unpack_subelements %mul3A_315, 0 {pack_format = #tpu.pack_format<interleaved>} : vector<32xbf16> -> vector<16xf32>
        %unpack3A_317 = tpu.unpack_subelements %mul3A_315, 1 {pack_format = #tpu.pack_format<interleaved>} : vector<32xbf16> -> vector<16xf32>
        %add3A_318 = arith.addf %unpack3A_316, %unpack3A_317 : vector<16xf32>
        %add3A_319 = arith.addf %add3A_306, %add3A_318 : vector<16xf32>
        %get3A_320 = arith.index_cast %add3A_294 : i32 to index
        %get3A_321 = arith.constant 32 : index
        %get3A_322 = tpu.vector_load %arg8[%get3A_320, %get3A_321] {strides = array<i32>} : memref<80x64xi32, #tpu.memory_space<vmem>>, vector<16xi32>,
        %bitcast3A_323 = vector.bitcast %get3A_322 : vector<16xi32> to vector<32xbf16>
        %get3A_324 = arith.index_cast %add3A_294 : i32 to index
        %get3A_325 = arith.constant 32 : index
        %get3A_326 = tpu.vector_load %arg9[%get3A_324, %get3A_325] {strides = array<i32>} : memref<80x64xi32, #tpu.memory_space<vmem>>, vector<16xi32>,
        %bitcast3A_327 = vector.bitcast %get3A_326 : vector<16xi32> to vector<32xbf16>
        %mul3A_328 = arith.mulf %bitcast3A_323, %bitcast3A_327 : vector<32xbf16>
        %unpack3A_329 = tpu.unpack_subelements %mul3A_328, 0 {pack_format = #tpu.pack_format<interleaved>} : vector<32xbf16> -> vector<16xf32>
        %unpack3A_330 = tpu.unpack_subelements %mul3A_328, 1 {pack_format = #tpu.pack_format<interleaved>} : vector<32xbf16> -> vector<16xf32>
        %add3A_331 = arith.addf %unpack3A_329, %unpack3A_330 : vector<16xf32>
        %add3A_332 = arith.addf %add3A_319, %add3A_331 : vector<16xf32>
        %get3A_333 = arith.index_cast %add3A_294 : i32 to index
        %get3A_334 = arith.constant 48 : index
        %get3A_335 = tpu.vector_load %arg8[%get3A_333, %get3A_334] {strides = array<i32>} : memref<80x64xi32, #tpu.memory_space<vmem>>, vector<16xi32>,
        %bitcast3A_336 = vector.bitcast %get3A_335 : vector<16xi32> to vector<32xbf16>
        %get3A_337 = arith.index_cast %add3A_294 : i32 to index
        %get3A_338 = arith.constant 48 : index
        %get3A_339 = tpu.vector_load %arg9[%get3A_337, %get3A_338] {strides = array<i32>} : memref<80x64xi32, #tpu.memory_space<vmem>>, vector<16xi32>,
        %bitcast3A_340 = vector.bitcast %get3A_339 : vector<16xi32> to vector<32xbf16>
        %mul3A_341 = arith.mulf %bitcast3A_336, %bitcast3A_340 : vector<32xbf16>
        %unpack3A_342 = tpu.unpack_subelements %mul3A_341, 0 {pack_format = #tpu.pack_format<interleaved>} : vector<32xbf16> -> vector<16xf32>
        %unpack3A_343 = tpu.unpack_subelements %mul3A_341, 1 {pack_format = #tpu.pack_format<interleaved>} : vector<32xbf16> -> vector<16xf32>
        %add3A_344 = arith.addf %unpack3A_342, %unpack3A_343 : vector<16xf32>
        %add3A_345 = arith.addf %add3A_332, %add3A_344 : vector<16xf32>
        %eq3A_346 = arith.constant 3 : i32
        %eq3A_347 = vector.broadcast %eq3A_346 : i32 to vector<16xi32>
        %eq3A_348 = arith.cmpi eq, %iota3A, %eq3A_347 : vector<16xi32>
        %reduce_sum3A_349 = arith.constant true
        %reduce_sum3A_350 = vector.broadcast %reduce_sum3A_349 : i1 to vector<16xi1>
        %reduce_sum3A_351 = tpu.scan <sum>, %add3A_345 masked %reduce_sum3A_350 : vector<16xf32>, vector<16xi1> -> vector<16xf32>
        %reduce_sum3A_352 = vector.extract %reduce_sum3A_351[15] : f32 from vector<16xf32>
        %broadcast_in_dim3A_353 = vector.broadcast %reduce_sum3A_352 : f32 to vector<16xf32>
        %select_n3A_354 = arith.select %eq3A_348, %broadcast_in_dim3A_353, %select_n3A_290 : vector<16xi1>, vector<16xf32>
        %mul3A_355 = arith.constant 16 : i32
        %mul3A_356 = arith.muli %scan3A_103, %mul3A_355 : i32
        %add3A_357 = arith.constant 4 : i32
        %add3A_358 = arith.addi %mul3A_356, %add3A_357 : i32
        %get3A_359 = arith.index_cast %add3A_358 : i32 to index
        %get3A_360 = arith.constant 0 : index
        %get3A_361 = tpu.vector_load %arg8[%get3A_359, %get3A_360] {strides = array<i32>} : memref<80x64xi32, #tpu.memory_space<vmem>>, vector<16xi32>,
        %bitcast3A_362 = vector.bitcast %get3A_361 : vector<16xi32> to vector<32xbf16>
        %get3A_363 = arith.index_cast %add3A_358 : i32 to index
        %get3A_364 = arith.constant 0 : index
        %get3A_365 = tpu.vector_load %arg9[%get3A_363, %get3A_364] {strides = array<i32>} : memref<80x64xi32, #tpu.memory_space<vmem>>, vector<16xi32>,
        %bitcast3A_366 = vector.bitcast %get3A_365 : vector<16xi32> to vector<32xbf16>
        %mul3A_367 = arith.mulf %bitcast3A_362, %bitcast3A_366 : vector<32xbf16>
        %unpack3A_368 = tpu.unpack_subelements %mul3A_367, 0 {pack_format = #tpu.pack_format<interleaved>} : vector<32xbf16> -> vector<16xf32>
        %unpack3A_369 = tpu.unpack_subelements %mul3A_367, 1 {pack_format = #tpu.pack_format<interleaved>} : vector<32xbf16> -> vector<16xf32>
        %add3A_370 = arith.addf %unpack3A_368, %unpack3A_369 : vector<16xf32>
        %get3A_371 = arith.index_cast %add3A_358 : i32 to index
        %get3A_372 = arith.constant 16 : index
        %get3A_373 = tpu.vector_load %arg8[%get3A_371, %get3A_372] {strides = array<i32>} : memref<80x64xi32, #tpu.memory_space<vmem>>, vector<16xi32>,
        %bitcast3A_374 = vector.bitcast %get3A_373 : vector<16xi32> to vector<32xbf16>
        %get3A_375 = arith.index_cast %add3A_358 : i32 to index
        %get3A_376 = arith.constant 16 : index
        %get3A_377 = tpu.vector_load %arg9[%get3A_375, %get3A_376] {strides = array<i32>} : memref<80x64xi32, #tpu.memory_space<vmem>>, vector<16xi32>,
        %bitcast3A_378 = vector.bitcast %get3A_377 : vector<16xi32> to vector<32xbf16>
        %mul3A_379 = arith.mulf %bitcast3A_374, %bitcast3A_378 : vector<32xbf16>
        %unpack3A_380 = tpu.unpack_subelements %mul3A_379, 0 {pack_format = #tpu.pack_format<interleaved>} : vector<32xbf16> -> vector<16xf32>
        %unpack3A_381 = tpu.unpack_subelements %mul3A_379, 1 {pack_format = #tpu.pack_format<interleaved>} : vector<32xbf16> -> vector<16xf32>
        %add3A_382 = arith.addf %unpack3A_380, %unpack3A_381 : vector<16xf32>
        %add3A_383 = arith.addf %add3A_370, %add3A_382 : vector<16xf32>
        %get3A_384 = arith.index_cast %add3A_358 : i32 to index
        %get3A_385 = arith.constant 32 : index
        %get3A_386 = tpu.vector_load %arg8[%get3A_384, %get3A_385] {strides = array<i32>} : memref<80x64xi32, #tpu.memory_space<vmem>>, vector<16xi32>,
        %bitcast3A_387 = vector.bitcast %get3A_386 : vector<16xi32> to vector<32xbf16>
        %get3A_388 = arith.index_cast %add3A_358 : i32 to index
        %get3A_389 = arith.constant 32 : index
        %get3A_390 = tpu.vector_load %arg9[%get3A_388, %get3A_389] {strides = array<i32>} : memref<80x64xi32, #tpu.memory_space<vmem>>, vector<16xi32>,
        %bitcast3A_391 = vector.bitcast %get3A_390 : vector<16xi32> to vector<32xbf16>
        %mul3A_392 = arith.mulf %bitcast3A_387, %bitcast3A_391 : vector<32xbf16>
        %unpack3A_393 = tpu.unpack_subelements %mul3A_392, 0 {pack_format = #tpu.pack_format<interleaved>} : vector<32xbf16> -> vector<16xf32>
        %unpack3A_394 = tpu.unpack_subelements %mul3A_392, 1 {pack_format = #tpu.pack_format<interleaved>} : vector<32xbf16> -> vector<16xf32>
        %add3A_395 = arith.addf %unpack3A_393, %unpack3A_394 : vector<16xf32>
        %add3A_396 = arith.addf %add3A_383, %add3A_395 : vector<16xf32>
        %get3A_397 = arith.index_cast %add3A_358 : i32 to index
        %get3A_398 = arith.constant 48 : index
        %get3A_399 = tpu.vector_load %arg8[%get3A_397, %get3A_398] {strides = array<i32>} : memref<80x64xi32, #tpu.memory_space<vmem>>, vector<16xi32>,
        %bitcast3A_400 = vector.bitcast %get3A_399 : vector<16xi32> to vector<32xbf16>
        %get3A_401 = arith.index_cast %add3A_358 : i32 to index
        %get3A_402 = arith.constant 48 : index
        %get3A_403 = tpu.vector_load %arg9[%get3A_401, %get3A_402] {strides = array<i32>} : memref<80x64xi32, #tpu.memory_space<vmem>>, vector<16xi32>,
        %bitcast3A_404 = vector.bitcast %get3A_403 : vector<16xi32> to vector<32xbf16>
        %mul3A_405 = arith.mulf %bitcast3A_400, %bitcast3A_404 : vector<32xbf16>
        %unpack3A_406 = tpu.unpack_subelements %mul3A_405, 0 {pack_format = #tpu.pack_format<interleaved>} : vector<32xbf16> -> vector<16xf32>
        %unpack3A_407 = tpu.unpack_subelements %mul3A_405, 1 {pack_format = #tpu.pack_format<interleaved>} : vector<32xbf16> -> vector<16xf32>
        %add3A_408 = arith.addf %unpack3A_406, %unpack3A_407 : vector<16xf32>
        %add3A_409 = arith.addf %add3A_396, %add3A_408 : vector<16xf32>
        %eq3A_410 = arith.constant 4 : i32
        %eq3A_411 = vector.broadcast %eq3A_410 : i32 to vector<16xi32>
        %eq3A_412 = arith.cmpi eq, %iota3A, %eq3A_411 : vector<16xi32>
        %reduce_sum3A_413 = arith.constant true
        %reduce_sum3A_414 = vector.broadcast %reduce_sum3A_413 : i1 to vector<16xi1>
        %reduce_sum3A_415 = tpu.scan <sum>, %add3A_409 masked %reduce_sum3A_414 : vector<16xf32>, vector<16xi1> -> vector<16xf32>
        %reduce_sum3A_416 = vector.extract %reduce_sum3A_415[15] : f32 from vector<16xf32>
        %broadcast_in_dim3A_417 = vector.broadcast %reduce_sum3A_416 : f32 to vector<16xf32>
        %select_n3A_418 = arith.select %eq3A_412, %broadcast_in_dim3A_417, %select_n3A_354 : vector<16xi1>, vector<16xf32>
        %mul3A_419 = arith.constant 16 : i32
        %mul3A_420 = arith.muli %scan3A_103, %mul3A_419 : i32
        %add3A_421 = arith.constant 5 : i32
        %add3A_422 = arith.addi %mul3A_420, %add3A_421 : i32
        %get3A_423 = arith.index_cast %add3A_422 : i32 to index
        %get3A_424 = arith.constant 0 : index
        %get3A_425 = tpu.vector_load %arg8[%get3A_423, %get3A_424] {strides = array<i32>} : memref<80x64xi32, #tpu.memory_space<vmem>>, vector<16xi32>,
        %bitcast3A_426 = vector.bitcast %get3A_425 : vector<16xi32> to vector<32xbf16>
        %get3A_427 = arith.index_cast %add3A_422 : i32 to index
        %get3A_428 = arith.constant 0 : index
        %get3A_429 = tpu.vector_load %arg9[%get3A_427, %get3A_428] {strides = array<i32>} : memref<80x64xi32, #tpu.memory_space<vmem>>, vector<16xi32>,
        %bitcast3A_430 = vector.bitcast %get3A_429 : vector<16xi32> to vector<32xbf16>
        %mul3A_431 = arith.mulf %bitcast3A_426, %bitcast3A_430 : vector<32xbf16>
        %unpack3A_432 = tpu.unpack_subelements %mul3A_431, 0 {pack_format = #tpu.pack_format<interleaved>} : vector<32xbf16> -> vector<16xf32>
        %unpack3A_433 = tpu.unpack_subelements %mul3A_431, 1 {pack_format = #tpu.pack_format<interleaved>} : vector<32xbf16> -> vector<16xf32>
        %add3A_434 = arith.addf %unpack3A_432, %unpack3A_433 : vector<16xf32>
        %get3A_435 = arith.index_cast %add3A_422 : i32 to index
        %get3A_436 = arith.constant 16 : index
        %get3A_437 = tpu.vector_load %arg8[%get3A_435, %get3A_436] {strides = array<i32>} : memref<80x64xi32, #tpu.memory_space<vmem>>, vector<16xi32>,
        %bitcast3A_438 = vector.bitcast %get3A_437 : vector<16xi32> to vector<32xbf16>
        %get3A_439 = arith.index_cast %add3A_422 : i32 to index
        %get3A_440 = arith.constant 16 : index
        %get3A_441 = tpu.vector_load %arg9[%get3A_439, %get3A_440] {strides = array<i32>} : memref<80x64xi32, #tpu.memory_space<vmem>>, vector<16xi32>,
        %bitcast3A_442 = vector.bitcast %get3A_441 : vector<16xi32> to vector<32xbf16>
        %mul3A_443 = arith.mulf %bitcast3A_438, %bitcast3A_442 : vector<32xbf16>
        %unpack3A_444 = tpu.unpack_subelements %mul3A_443, 0 {pack_format = #tpu.pack_format<interleaved>} : vector<32xbf16> -> vector<16xf32>
        %unpack3A_445 = tpu.unpack_subelements %mul3A_443, 1 {pack_format = #tpu.pack_format<interleaved>} : vector<32xbf16> -> vector<16xf32>
        %add3A_446 = arith.addf %unpack3A_444, %unpack3A_445 : vector<16xf32>
        %add3A_447 = arith.addf %add3A_434, %add3A_446 : vector<16xf32>
        %get3A_448 = arith.index_cast %add3A_422 : i32 to index
        %get3A_449 = arith.constant 32 : index
        %get3A_450 = tpu.vector_load %arg8[%get3A_448, %get3A_449] {strides = array<i32>} : memref<80x64xi32, #tpu.memory_space<vmem>>, vector<16xi32>,
        %bitcast3A_451 = vector.bitcast %get3A_450 : vector<16xi32> to vector<32xbf16>
        %get3A_452 = arith.index_cast %add3A_422 : i32 to index
        %get3A_453 = arith.constant 32 : index
        %get3A_454 = tpu.vector_load %arg9[%get3A_452, %get3A_453] {strides = array<i32>} : memref<80x64xi32, #tpu.memory_space<vmem>>, vector<16xi32>,
        %bitcast3A_455 = vector.bitcast %get3A_454 : vector<16xi32> to vector<32xbf16>
        %mul3A_456 = arith.mulf %bitcast3A_451, %bitcast3A_455 : vector<32xbf16>
        %unpack3A_457 = tpu.unpack_subelements %mul3A_456, 0 {pack_format = #tpu.pack_format<interleaved>} : vector<32xbf16> -> vector<16xf32>
        %unpack3A_458 = tpu.unpack_subelements %mul3A_456, 1 {pack_format = #tpu.pack_format<interleaved>} : vector<32xbf16> -> vector<16xf32>
        %add3A_459 = arith.addf %unpack3A_457, %unpack3A_458 : vector<16xf32>
        %add3A_460 = arith.addf %add3A_447, %add3A_459 : vector<16xf32>
        %get3A_461 = arith.index_cast %add3A_422 : i32 to index
        %get3A_462 = arith.constant 48 : index
        %get3A_463 = tpu.vector_load %arg8[%get3A_461, %get3A_462] {strides = array<i32>} : memref<80x64xi32, #tpu.memory_space<vmem>>, vector<16xi32>,
        %bitcast3A_464 = vector.bitcast %get3A_463 : vector<16xi32> to vector<32xbf16>
        %get3A_465 = arith.index_cast %add3A_422 : i32 to index
        %get3A_466 = arith.constant 48 : index
        %get3A_467 = tpu.vector_load %arg9[%get3A_465, %get3A_466] {strides = array<i32>} : memref<80x64xi32, #tpu.memory_space<vmem>>, vector<16xi32>,
        %bitcast3A_468 = vector.bitcast %get3A_467 : vector<16xi32> to vector<32xbf16>
        %mul3A_469 = arith.mulf %bitcast3A_464, %bitcast3A_468 : vector<32xbf16>
        %unpack3A_470 = tpu.unpack_subelements %mul3A_469, 0 {pack_format = #tpu.pack_format<interleaved>} : vector<32xbf16> -> vector<16xf32>
        %unpack3A_471 = tpu.unpack_subelements %mul3A_469, 1 {pack_format = #tpu.pack_format<interleaved>} : vector<32xbf16> -> vector<16xf32>
        %add3A_472 = arith.addf %unpack3A_470, %unpack3A_471 : vector<16xf32>
        %add3A_473 = arith.addf %add3A_460, %add3A_472 : vector<16xf32>
        %eq3A_474 = arith.constant 5 : i32
        %eq3A_475 = vector.broadcast %eq3A_474 : i32 to vector<16xi32>
        %eq3A_476 = arith.cmpi eq, %iota3A, %eq3A_475 : vector<16xi32>
        %reduce_sum3A_477 = arith.constant true
        %reduce_sum3A_478 = vector.broadcast %reduce_sum3A_477 : i1 to vector<16xi1>
        %reduce_sum3A_479 = tpu.scan <sum>, %add3A_473 masked %reduce_sum3A_478 : vector<16xf32>, vector<16xi1> -> vector<16xf32>
        %reduce_sum3A_480 = vector.extract %reduce_sum3A_479[15] : f32 from vector<16xf32>
        %broadcast_in_dim3A_481 = vector.broadcast %reduce_sum3A_480 : f32 to vector<16xf32>
        %select_n3A_482 = arith.select %eq3A_476, %broadcast_in_dim3A_481, %select_n3A_418 : vector<16xi1>, vector<16xf32>
        %mul3A_483 = arith.constant 16 : i32
        %mul3A_484 = arith.muli %scan3A_103, %mul3A_483 : i32
        %add3A_485 = arith.constant 6 : i32
        %add3A_486 = arith.addi %mul3A_484, %add3A_485 : i32
        %get3A_487 = arith.index_cast %add3A_486 : i32 to index
        %get3A_488 = arith.constant 0 : index
        %get3A_489 = tpu.vector_load %arg8[%get3A_487, %get3A_488] {strides = array<i32>} : memref<80x64xi32, #tpu.memory_space<vmem>>, vector<16xi32>,
        %bitcast3A_490 = vector.bitcast %get3A_489 : vector<16xi32> to vector<32xbf16>
        %get3A_491 = arith.index_cast %add3A_486 : i32 to index
        %get3A_492 = arith.constant 0 : index
        %get3A_493 = tpu.vector_load %arg9[%get3A_491, %get3A_492] {strides = array<i32>} : memref<80x64xi32, #tpu.memory_space<vmem>>, vector<16xi32>,
        %bitcast3A_494 = vector.bitcast %get3A_493 : vector<16xi32> to vector<32xbf16>
        %mul3A_495 = arith.mulf %bitcast3A_490, %bitcast3A_494 : vector<32xbf16>
        %unpack3A_496 = tpu.unpack_subelements %mul3A_495, 0 {pack_format = #tpu.pack_format<interleaved>} : vector<32xbf16> -> vector<16xf32>
        %unpack3A_497 = tpu.unpack_subelements %mul3A_495, 1 {pack_format = #tpu.pack_format<interleaved>} : vector<32xbf16> -> vector<16xf32>
        %add3A_498 = arith.addf %unpack3A_496, %unpack3A_497 : vector<16xf32>
        %get3A_499 = arith.index_cast %add3A_486 : i32 to index
        %get3A_500 = arith.constant 16 : index
        %get3A_501 = tpu.vector_load %arg8[%get3A_499, %get3A_500] {strides = array<i32>} : memref<80x64xi32, #tpu.memory_space<vmem>>, vector<16xi32>,
        %bitcast3A_502 = vector.bitcast %get3A_501 : vector<16xi32> to vector<32xbf16>
        %get3A_503 = arith.index_cast %add3A_486 : i32 to index
        %get3A_504 = arith.constant 16 : index
        %get3A_505 = tpu.vector_load %arg9[%get3A_503, %get3A_504] {strides = array<i32>} : memref<80x64xi32, #tpu.memory_space<vmem>>, vector<16xi32>,
        %bitcast3A_506 = vector.bitcast %get3A_505 : vector<16xi32> to vector<32xbf16>
        %mul3A_507 = arith.mulf %bitcast3A_502, %bitcast3A_506 : vector<32xbf16>
        %unpack3A_508 = tpu.unpack_subelements %mul3A_507, 0 {pack_format = #tpu.pack_format<interleaved>} : vector<32xbf16> -> vector<16xf32>
        %unpack3A_509 = tpu.unpack_subelements %mul3A_507, 1 {pack_format = #tpu.pack_format<interleaved>} : vector<32xbf16> -> vector<16xf32>
        %add3A_510 = arith.addf %unpack3A_508, %unpack3A_509 : vector<16xf32>
        %add3A_511 = arith.addf %add3A_498, %add3A_510 : vector<16xf32>
        %get3A_512 = arith.index_cast %add3A_486 : i32 to index
        %get3A_513 = arith.constant 32 : index
        %get3A_514 = tpu.vector_load %arg8[%get3A_512, %get3A_513] {strides = array<i32>} : memref<80x64xi32, #tpu.memory_space<vmem>>, vector<16xi32>,
        %bitcast3A_515 = vector.bitcast %get3A_514 : vector<16xi32> to vector<32xbf16>
        %get3A_516 = arith.index_cast %add3A_486 : i32 to index
        %get3A_517 = arith.constant 32 : index
        %get3A_518 = tpu.vector_load %arg9[%get3A_516, %get3A_517] {strides = array<i32>} : memref<80x64xi32, #tpu.memory_space<vmem>>, vector<16xi32>,
        %bitcast3A_519 = vector.bitcast %get3A_518 : vector<16xi32> to vector<32xbf16>
        %mul3A_520 = arith.mulf %bitcast3A_515, %bitcast3A_519 : vector<32xbf16>
        %unpack3A_521 = tpu.unpack_subelements %mul3A_520, 0 {pack_format = #tpu.pack_format<interleaved>} : vector<32xbf16> -> vector<16xf32>
        %unpack3A_522 = tpu.unpack_subelements %mul3A_520, 1 {pack_format = #tpu.pack_format<interleaved>} : vector<32xbf16> -> vector<16xf32>
        %add3A_523 = arith.addf %unpack3A_521, %unpack3A_522 : vector<16xf32>
        %add3A_524 = arith.addf %add3A_511, %add3A_523 : vector<16xf32>
        %get3A_525 = arith.index_cast %add3A_486 : i32 to index
        %get3A_526 = arith.constant 48 : index
        %get3A_527 = tpu.vector_load %arg8[%get3A_525, %get3A_526] {strides = array<i32>} : memref<80x64xi32, #tpu.memory_space<vmem>>, vector<16xi32>,
        %bitcast3A_528 = vector.bitcast %get3A_527 : vector<16xi32> to vector<32xbf16>
        %get3A_529 = arith.index_cast %add3A_486 : i32 to index
        %get3A_530 = arith.constant 48 : index
        %get3A_531 = tpu.vector_load %arg9[%get3A_529, %get3A_530] {strides = array<i32>} : memref<80x64xi32, #tpu.memory_space<vmem>>, vector<16xi32>,
        %bitcast3A_532 = vector.bitcast %get3A_531 : vector<16xi32> to vector<32xbf16>
        %mul3A_533 = arith.mulf %bitcast3A_528, %bitcast3A_532 : vector<32xbf16>
        %unpack3A_534 = tpu.unpack_subelements %mul3A_533, 0 {pack_format = #tpu.pack_format<interleaved>} : vector<32xbf16> -> vector<16xf32>
        %unpack3A_535 = tpu.unpack_subelements %mul3A_533, 1 {pack_format = #tpu.pack_format<interleaved>} : vector<32xbf16> -> vector<16xf32>
        %add3A_536 = arith.addf %unpack3A_534, %unpack3A_535 : vector<16xf32>
        %add3A_537 = arith.addf %add3A_524, %add3A_536 : vector<16xf32>
        %eq3A_538 = arith.constant 6 : i32
        %eq3A_539 = vector.broadcast %eq3A_538 : i32 to vector<16xi32>
        %eq3A_540 = arith.cmpi eq, %iota3A, %eq3A_539 : vector<16xi32>
        %reduce_sum3A_541 = arith.constant true
        %reduce_sum3A_542 = vector.broadcast %reduce_sum3A_541 : i1 to vector<16xi1>
        %reduce_sum3A_543 = tpu.scan <sum>, %add3A_537 masked %reduce_sum3A_542 : vector<16xf32>, vector<16xi1> -> vector<16xf32>
        %reduce_sum3A_544 = vector.extract %reduce_sum3A_543[15] : f32 from vector<16xf32>
        %broadcast_in_dim3A_545 = vector.broadcast %reduce_sum3A_544 : f32 to vector<16xf32>
        %select_n3A_546 = arith.select %eq3A_540, %broadcast_in_dim3A_545, %select_n3A_482 : vector<16xi1>, vector<16xf32>
        %mul3A_547 = arith.constant 16 : i32
        %mul3A_548 = arith.muli %scan3A_103, %mul3A_547 : i32
        %add3A_549 = arith.constant 7 : i32
        %add3A_550 = arith.addi %mul3A_548, %add3A_549 : i32
        %get3A_551 = arith.index_cast %add3A_550 : i32 to index
        %get3A_552 = arith.constant 0 : index
        %get3A_553 = tpu.vector_load %arg8[%get3A_551, %get3A_552] {strides = array<i32>} : memref<80x64xi32, #tpu.memory_space<vmem>>, vector<16xi32>,
        %bitcast3A_554 = vector.bitcast %get3A_553 : vector<16xi32> to vector<32xbf16>
        %get3A_555 = arith.index_cast %add3A_550 : i32 to index
        %get3A_556 = arith.constant 0 : index
        %get3A_557 = tpu.vector_load %arg9[%get3A_555, %get3A_556] {strides = array<i32>} : memref<80x64xi32, #tpu.memory_space<vmem>>, vector<16xi32>,
        %bitcast3A_558 = vector.bitcast %get3A_557 : vector<16xi32> to vector<32xbf16>
        %mul3A_559 = arith.mulf %bitcast3A_554, %bitcast3A_558 : vector<32xbf16>
        %unpack3A_560 = tpu.unpack_subelements %mul3A_559, 0 {pack_format = #tpu.pack_format<interleaved>} : vector<32xbf16> -> vector<16xf32>
        %unpack3A_561 = tpu.unpack_subelements %mul3A_559, 1 {pack_format = #tpu.pack_format<interleaved>} : vector<32xbf16> -> vector<16xf32>
        %add3A_562 = arith.addf %unpack3A_560, %unpack3A_561 : vector<16xf32>
        %get3A_563 = arith.index_cast %add3A_550 : i32 to index
        %get3A_564 = arith.constant 16 : index
        %get3A_565 = tpu.vector_load %arg8[%get3A_563, %get3A_564] {strides = array<i32>} : memref<80x64xi32, #tpu.memory_space<vmem>>, vector<16xi32>,
        %bitcast3A_566 = vector.bitcast %get3A_565 : vector<16xi32> to vector<32xbf16>
        %get3A_567 = arith.index_cast %add3A_550 : i32 to index
        %get3A_568 = arith.constant 16 : index
        %get3A_569 = tpu.vector_load %arg9[%get3A_567, %get3A_568] {strides = array<i32>} : memref<80x64xi32, #tpu.memory_space<vmem>>, vector<16xi32>,
        %bitcast3A_570 = vector.bitcast %get3A_569 : vector<16xi32> to vector<32xbf16>
        %mul3A_571 = arith.mulf %bitcast3A_566, %bitcast3A_570 : vector<32xbf16>
        %unpack3A_572 = tpu.unpack_subelements %mul3A_571, 0 {pack_format = #tpu.pack_format<interleaved>} : vector<32xbf16> -> vector<16xf32>
        %unpack3A_573 = tpu.unpack_subelements %mul3A_571, 1 {pack_format = #tpu.pack_format<interleaved>} : vector<32xbf16> -> vector<16xf32>
        %add3A_574 = arith.addf %unpack3A_572, %unpack3A_573 : vector<16xf32>
        %add3A_575 = arith.addf %add3A_562, %add3A_574 : vector<16xf32>
        %get3A_576 = arith.index_cast %add3A_550 : i32 to index
        %get3A_577 = arith.constant 32 : index
        %get3A_578 = tpu.vector_load %arg8[%get3A_576, %get3A_577] {strides = array<i32>} : memref<80x64xi32, #tpu.memory_space<vmem>>, vector<16xi32>,
        %bitcast3A_579 = vector.bitcast %get3A_578 : vector<16xi32> to vector<32xbf16>
        %get3A_580 = arith.index_cast %add3A_550 : i32 to index
        %get3A_581 = arith.constant 32 : index
        %get3A_582 = tpu.vector_load %arg9[%get3A_580, %get3A_581] {strides = array<i32>} : memref<80x64xi32, #tpu.memory_space<vmem>>, vector<16xi32>,
        %bitcast3A_583 = vector.bitcast %get3A_582 : vector<16xi32> to vector<32xbf16>
        %mul3A_584 = arith.mulf %bitcast3A_579, %bitcast3A_583 : vector<32xbf16>
        %unpack3A_585 = tpu.unpack_subelements %mul3A_584, 0 {pack_format = #tpu.pack_format<interleaved>} : vector<32xbf16> -> vector<16xf32>
        %unpack3A_586 = tpu.unpack_subelements %mul3A_584, 1 {pack_format = #tpu.pack_format<interleaved>} : vector<32xbf16> -> vector<16xf32>
        %add3A_587 = arith.addf %unpack3A_585, %unpack3A_586 : vector<16xf32>
        %add3A_588 = arith.addf %add3A_575, %add3A_587 : vector<16xf32>
        %get3A_589 = arith.index_cast %add3A_550 : i32 to index
        %get3A_590 = arith.constant 48 : index
        %get3A_591 = tpu.vector_load %arg8[%get3A_589, %get3A_590] {strides = array<i32>} : memref<80x64xi32, #tpu.memory_space<vmem>>, vector<16xi32>,
        %bitcast3A_592 = vector.bitcast %get3A_591 : vector<16xi32> to vector<32xbf16>
        %get3A_593 = arith.index_cast %add3A_550 : i32 to index
        %get3A_594 = arith.constant 48 : index
        %get3A_595 = tpu.vector_load %arg9[%get3A_593, %get3A_594] {strides = array<i32>} : memref<80x64xi32, #tpu.memory_space<vmem>>, vector<16xi32>,
        %bitcast3A_596 = vector.bitcast %get3A_595 : vector<16xi32> to vector<32xbf16>
        %mul3A_597 = arith.mulf %bitcast3A_592, %bitcast3A_596 : vector<32xbf16>
        %unpack3A_598 = tpu.unpack_subelements %mul3A_597, 0 {pack_format = #tpu.pack_format<interleaved>} : vector<32xbf16> -> vector<16xf32>
        %unpack3A_599 = tpu.unpack_subelements %mul3A_597, 1 {pack_format = #tpu.pack_format<interleaved>} : vector<32xbf16> -> vector<16xf32>
        %add3A_600 = arith.addf %unpack3A_598, %unpack3A_599 : vector<16xf32>
        %add3A_601 = arith.addf %add3A_588, %add3A_600 : vector<16xf32>
        %eq3A_602 = arith.constant 7 : i32
        %eq3A_603 = vector.broadcast %eq3A_602 : i32 to vector<16xi32>
        %eq3A_604 = arith.cmpi eq, %iota3A, %eq3A_603 : vector<16xi32>
        %reduce_sum3A_605 = arith.constant true
        %reduce_sum3A_606 = vector.broadcast %reduce_sum3A_605 : i1 to vector<16xi1>
        %reduce_sum3A_607 = tpu.scan <sum>, %add3A_601 masked %reduce_sum3A_606 : vector<16xf32>, vector<16xi1> -> vector<16xf32>
        %reduce_sum3A_608 = vector.extract %reduce_sum3A_607[15] : f32 from vector<16xf32>
        %broadcast_in_dim3A_609 = vector.broadcast %reduce_sum3A_608 : f32 to vector<16xf32>
        %select_n3A_610 = arith.select %eq3A_604, %broadcast_in_dim3A_609, %select_n3A_546 : vector<16xi1>, vector<16xf32>
        %mul3A_611 = arith.constant 16 : i32
        %mul3A_612 = arith.muli %scan3A_103, %mul3A_611 : i32
        %add3A_613 = arith.constant 8 : i32
        %add3A_614 = arith.addi %mul3A_612, %add3A_613 : i32
        %get3A_615 = arith.index_cast %add3A_614 : i32 to index
        %get3A_616 = arith.constant 0 : index
        %get3A_617 = tpu.vector_load %arg8[%get3A_615, %get3A_616] {strides = array<i32>} : memref<80x64xi32, #tpu.memory_space<vmem>>, vector<16xi32>,
        %bitcast3A_618 = vector.bitcast %get3A_617 : vector<16xi32> to vector<32xbf16>
        %get3A_619 = arith.index_cast %add3A_614 : i32 to index
        %get3A_620 = arith.constant 0 : index
        %get3A_621 = tpu.vector_load %arg9[%get3A_619, %get3A_620] {strides = array<i32>} : memref<80x64xi32, #tpu.memory_space<vmem>>, vector<16xi32>,
        %bitcast3A_622 = vector.bitcast %get3A_621 : vector<16xi32> to vector<32xbf16>
        %mul3A_623 = arith.mulf %bitcast3A_618, %bitcast3A_622 : vector<32xbf16>
        %unpack3A_624 = tpu.unpack_subelements %mul3A_623, 0 {pack_format = #tpu.pack_format<interleaved>} : vector<32xbf16> -> vector<16xf32>
        %unpack3A_625 = tpu.unpack_subelements %mul3A_623, 1 {pack_format = #tpu.pack_format<interleaved>} : vector<32xbf16> -> vector<16xf32>
        %add3A_626 = arith.addf %unpack3A_624, %unpack3A_625 : vector<16xf32>
        %get3A_627 = arith.index_cast %add3A_614 : i32 to index
        %get3A_628 = arith.constant 16 : index
        %get3A_629 = tpu.vector_load %arg8[%get3A_627, %get3A_628] {strides = array<i32>} : memref<80x64xi32, #tpu.memory_space<vmem>>, vector<16xi32>,
        %bitcast3A_630 = vector.bitcast %get3A_629 : vector<16xi32> to vector<32xbf16>
        %get3A_631 = arith.index_cast %add3A_614 : i32 to index
        %get3A_632 = arith.constant 16 : index
        %get3A_633 = tpu.vector_load %arg9[%get3A_631, %get3A_632] {strides = array<i32>} : memref<80x64xi32, #tpu.memory_space<vmem>>, vector<16xi32>,
        %bitcast3A_634 = vector.bitcast %get3A_633 : vector<16xi32> to vector<32xbf16>
        %mul3A_635 = arith.mulf %bitcast3A_630, %bitcast3A_634 : vector<32xbf16>
        %unpack3A_636 = tpu.unpack_subelements %mul3A_635, 0 {pack_format = #tpu.pack_format<interleaved>} : vector<32xbf16> -> vector<16xf32>
        %unpack3A_637 = tpu.unpack_subelements %mul3A_635, 1 {pack_format = #tpu.pack_format<interleaved>} : vector<32xbf16> -> vector<16xf32>
        %add3A_638 = arith.addf %unpack3A_636, %unpack3A_637 : vector<16xf32>
        %add3A_639 = arith.addf %add3A_626, %add3A_638 : vector<16xf32>
        %get3A_640 = arith.index_cast %add3A_614 : i32 to index
        %get3A_641 = arith.constant 32 : index
        %get3A_642 = tpu.vector_load %arg8[%get3A_640, %get3A_641] {strides = array<i32>} : memref<80x64xi32, #tpu.memory_space<vmem>>, vector<16xi32>,
        %bitcast3A_643 = vector.bitcast %get3A_642 : vector<16xi32> to vector<32xbf16>
        %get3A_644 = arith.index_cast %add3A_614 : i32 to index
        %get3A_645 = arith.constant 32 : index
        %get3A_646 = tpu.vector_load %arg9[%get3A_644, %get3A_645] {strides = array<i32>} : memref<80x64xi32, #tpu.memory_space<vmem>>, vector<16xi32>,
        %bitcast3A_647 = vector.bitcast %get3A_646 : vector<16xi32> to vector<32xbf16>
        %mul3A_648 = arith.mulf %bitcast3A_643, %bitcast3A_647 : vector<32xbf16>
        %unpack3A_649 = tpu.unpack_subelements %mul3A_648, 0 {pack_format = #tpu.pack_format<interleaved>} : vector<32xbf16> -> vector<16xf32>
        %unpack3A_650 = tpu.unpack_subelements %mul3A_648, 1 {pack_format = #tpu.pack_format<interleaved>} : vector<32xbf16> -> vector<16xf32>
        %add3A_651 = arith.addf %unpack3A_649, %unpack3A_650 : vector<16xf32>
        %add3A_652 = arith.addf %add3A_639, %add3A_651 : vector<16xf32>
        %get3A_653 = arith.index_cast %add3A_614 : i32 to index
        %get3A_654 = arith.constant 48 : index
        %get3A_655 = tpu.vector_load %arg8[%get3A_653, %get3A_654] {strides = array<i32>} : memref<80x64xi32, #tpu.memory_space<vmem>>, vector<16xi32>,
        %bitcast3A_656 = vector.bitcast %get3A_655 : vector<16xi32> to vector<32xbf16>
        %get3A_657 = arith.index_cast %add3A_614 : i32 to index
        %get3A_658 = arith.constant 48 : index
        %get3A_659 = tpu.vector_load %arg9[%get3A_657, %get3A_658] {strides = array<i32>} : memref<80x64xi32, #tpu.memory_space<vmem>>, vector<16xi32>,
        %bitcast3A_660 = vector.bitcast %get3A_659 : vector<16xi32> to vector<32xbf16>
        %mul3A_661 = arith.mulf %bitcast3A_656, %bitcast3A_660 : vector<32xbf16>
        %unpack3A_662 = tpu.unpack_subelements %mul3A_661, 0 {pack_format = #tpu.pack_format<interleaved>} : vector<32xbf16> -> vector<16xf32>
        %unpack3A_663 = tpu.unpack_subelements %mul3A_661, 1 {pack_format = #tpu.pack_format<interleaved>} : vector<32xbf16> -> vector<16xf32>
        %add3A_664 = arith.addf %unpack3A_662, %unpack3A_663 : vector<16xf32>
        %add3A_665 = arith.addf %add3A_652, %add3A_664 : vector<16xf32>
        %eq3A_666 = arith.constant 8 : i32
        %eq3A_667 = vector.broadcast %eq3A_666 : i32 to vector<16xi32>
        %eq3A_668 = arith.cmpi eq, %iota3A, %eq3A_667 : vector<16xi32>
        %reduce_sum3A_669 = arith.constant true
        %reduce_sum3A_670 = vector.broadcast %reduce_sum3A_669 : i1 to vector<16xi1>
        %reduce_sum3A_671 = tpu.scan <sum>, %add3A_665 masked %reduce_sum3A_670 : vector<16xf32>, vector<16xi1> -> vector<16xf32>
        %reduce_sum3A_672 = vector.extract %reduce_sum3A_671[15] : f32 from vector<16xf32>
        %broadcast_in_dim3A_673 = vector.broadcast %reduce_sum3A_672 : f32 to vector<16xf32>
        %select_n3A_674 = arith.select %eq3A_668, %broadcast_in_dim3A_673, %select_n3A_610 : vector<16xi1>, vector<16xf32>
        %mul3A_675 = arith.constant 16 : i32
        %mul3A_676 = arith.muli %scan3A_103, %mul3A_675 : i32
        %add3A_677 = arith.constant 9 : i32
        %add3A_678 = arith.addi %mul3A_676, %add3A_677 : i32
        %get3A_679 = arith.index_cast %add3A_678 : i32 to index
        %get3A_680 = arith.constant 0 : index
        %get3A_681 = tpu.vector_load %arg8[%get3A_679, %get3A_680] {strides = array<i32>} : memref<80x64xi32, #tpu.memory_space<vmem>>, vector<16xi32>,
        %bitcast3A_682 = vector.bitcast %get3A_681 : vector<16xi32> to vector<32xbf16>
        %get3A_683 = arith.index_cast %add3A_678 : i32 to index
        %get3A_684 = arith.constant 0 : index
        %get3A_685 = tpu.vector_load %arg9[%get3A_683, %get3A_684] {strides = array<i32>} : memref<80x64xi32, #tpu.memory_space<vmem>>, vector<16xi32>,
        %bitcast3A_686 = vector.bitcast %get3A_685 : vector<16xi32> to vector<32xbf16>
        %mul3A_687 = arith.mulf %bitcast3A_682, %bitcast3A_686 : vector<32xbf16>
        %unpack3A_688 = tpu.unpack_subelements %mul3A_687, 0 {pack_format = #tpu.pack_format<interleaved>} : vector<32xbf16> -> vector<16xf32>
        %unpack3A_689 = tpu.unpack_subelements %mul3A_687, 1 {pack_format = #tpu.pack_format<interleaved>} : vector<32xbf16> -> vector<16xf32>
        %add3A_690 = arith.addf %unpack3A_688, %unpack3A_689 : vector<16xf32>
        %get3A_691 = arith.index_cast %add3A_678 : i32 to index
        %get3A_692 = arith.constant 16 : index
        %get3A_693 = tpu.vector_load %arg8[%get3A_691, %get3A_692] {strides = array<i32>} : memref<80x64xi32, #tpu.memory_space<vmem>>, vector<16xi32>,
        %bitcast3A_694 = vector.bitcast %get3A_693 : vector<16xi32> to vector<32xbf16>
        %get3A_695 = arith.index_cast %add3A_678 : i32 to index
        %get3A_696 = arith.constant 16 : index
        %get3A_697 = tpu.vector_load %arg9[%get3A_695, %get3A_696] {strides = array<i32>} : memref<80x64xi32, #tpu.memory_space<vmem>>, vector<16xi32>,
        %bitcast3A_698 = vector.bitcast %get3A_697 : vector<16xi32> to vector<32xbf16>
        %mul3A_699 = arith.mulf %bitcast3A_694, %bitcast3A_698 : vector<32xbf16>
        %unpack3A_700 = tpu.unpack_subelements %mul3A_699, 0 {pack_format = #tpu.pack_format<interleaved>} : vector<32xbf16> -> vector<16xf32>
        %unpack3A_701 = tpu.unpack_subelements %mul3A_699, 1 {pack_format = #tpu.pack_format<interleaved>} : vector<32xbf16> -> vector<16xf32>
        %add3A_702 = arith.addf %unpack3A_700, %unpack3A_701 : vector<16xf32>
        %add3A_703 = arith.addf %add3A_690, %add3A_702 : vector<16xf32>
        %get3A_704 = arith.index_cast %add3A_678 : i32 to index
        %get3A_705 = arith.constant 32 : index
        %get3A_706 = tpu.vector_load %arg8[%get3A_704, %get3A_705] {strides = array<i32>} : memref<80x64xi32, #tpu.memory_space<vmem>>, vector<16xi32>,
        %bitcast3A_707 = vector.bitcast %get3A_706 : vector<16xi32> to vector<32xbf16>
        %get3A_708 = arith.index_cast %add3A_678 : i32 to index
        %get3A_709 = arith.constant 32 : index
        %get3A_710 = tpu.vector_load %arg9[%get3A_708, %get3A_709] {strides = array<i32>} : memref<80x64xi32, #tpu.memory_space<vmem>>, vector<16xi32>,
        %bitcast3A_711 = vector.bitcast %get3A_710 : vector<16xi32> to vector<32xbf16>
        %mul3A_712 = arith.mulf %bitcast3A_707, %bitcast3A_711 : vector<32xbf16>
        %unpack3A_713 = tpu.unpack_subelements %mul3A_712, 0 {pack_format = #tpu.pack_format<interleaved>} : vector<32xbf16> -> vector<16xf32>
        %unpack3A_714 = tpu.unpack_subelements %mul3A_712, 1 {pack_format = #tpu.pack_format<interleaved>} : vector<32xbf16> -> vector<16xf32>
        %add3A_715 = arith.addf %unpack3A_713, %unpack3A_714 : vector<16xf32>
        %add3A_716 = arith.addf %add3A_703, %add3A_715 : vector<16xf32>
        %get3A_717 = arith.index_cast %add3A_678 : i32 to index
        %get3A_718 = arith.constant 48 : index
        %get3A_719 = tpu.vector_load %arg8[%get3A_717, %get3A_718] {strides = array<i32>} : memref<80x64xi32, #tpu.memory_space<vmem>>, vector<16xi32>,
        %bitcast3A_720 = vector.bitcast %get3A_719 : vector<16xi32> to vector<32xbf16>
        %get3A_721 = arith.index_cast %add3A_678 : i32 to index
        %get3A_722 = arith.constant 48 : index
        %get3A_723 = tpu.vector_load %arg9[%get3A_721, %get3A_722] {strides = array<i32>} : memref<80x64xi32, #tpu.memory_space<vmem>>, vector<16xi32>,
        %bitcast3A_724 = vector.bitcast %get3A_723 : vector<16xi32> to vector<32xbf16>
        %mul3A_725 = arith.mulf %bitcast3A_720, %bitcast3A_724 : vector<32xbf16>
        %unpack3A_726 = tpu.unpack_subelements %mul3A_725, 0 {pack_format = #tpu.pack_format<interleaved>} : vector<32xbf16> -> vector<16xf32>
        %unpack3A_727 = tpu.unpack_subelements %mul3A_725, 1 {pack_format = #tpu.pack_format<interleaved>} : vector<32xbf16> -> vector<16xf32>
        %add3A_728 = arith.addf %unpack3A_726, %unpack3A_727 : vector<16xf32>
        %add3A_729 = arith.addf %add3A_716, %add3A_728 : vector<16xf32>
        %eq3A_730 = arith.constant 9 : i32
        %eq3A_731 = vector.broadcast %eq3A_730 : i32 to vector<16xi32>
        %eq3A_732 = arith.cmpi eq, %iota3A, %eq3A_731 : vector<16xi32>
        %reduce_sum3A_733 = arith.constant true
        %reduce_sum3A_734 = vector.broadcast %reduce_sum3A_733 : i1 to vector<16xi1>
        %reduce_sum3A_735 = tpu.scan <sum>, %add3A_729 masked %reduce_sum3A_734 : vector<16xf32>, vector<16xi1> -> vector<16xf32>
        %reduce_sum3A_736 = vector.extract %reduce_sum3A_735[15] : f32 from vector<16xf32>
        %broadcast_in_dim3A_737 = vector.broadcast %reduce_sum3A_736 : f32 to vector<16xf32>
        %select_n3A_738 = arith.select %eq3A_732, %broadcast_in_dim3A_737, %select_n3A_674 : vector<16xi1>, vector<16xf32>
        %mul3A_739 = arith.constant 16 : i32
        %mul3A_740 = arith.muli %scan3A_103, %mul3A_739 : i32
        %add3A_741 = arith.constant 10 : i32
        %add3A_742 = arith.addi %mul3A_740, %add3A_741 : i32
        %get3A_743 = arith.index_cast %add3A_742 : i32 to index
        %get3A_744 = arith.constant 0 : index
        %get3A_745 = tpu.vector_load %arg8[%get3A_743, %get3A_744] {strides = array<i32>} : memref<80x64xi32, #tpu.memory_space<vmem>>, vector<16xi32>,
        %bitcast3A_746 = vector.bitcast %get3A_745 : vector<16xi32> to vector<32xbf16>
        %get3A_747 = arith.index_cast %add3A_742 : i32 to index
        %get3A_748 = arith.constant 0 : index
        %get3A_749 = tpu.vector_load %arg9[%get3A_747, %get3A_748] {strides = array<i32>} : memref<80x64xi32, #tpu.memory_space<vmem>>, vector<16xi32>,
        %bitcast3A_750 = vector.bitcast %get3A_749 : vector<16xi32> to vector<32xbf16>
        %mul3A_751 = arith.mulf %bitcast3A_746, %bitcast3A_750 : vector<32xbf16>
        %unpack3A_752 = tpu.unpack_subelements %mul3A_751, 0 {pack_format = #tpu.pack_format<interleaved>} : vector<32xbf16> -> vector<16xf32>
        %unpack3A_753 = tpu.unpack_subelements %mul3A_751, 1 {pack_format = #tpu.pack_format<interleaved>} : vector<32xbf16> -> vector<16xf32>
        %add3A_754 = arith.addf %unpack3A_752, %unpack3A_753 : vector<16xf32>
        %get3A_755 = arith.index_cast %add3A_742 : i32 to index
        %get3A_756 = arith.constant 16 : index
        %get3A_757 = tpu.vector_load %arg8[%get3A_755, %get3A_756] {strides = array<i32>} : memref<80x64xi32, #tpu.memory_space<vmem>>, vector<16xi32>,
        %bitcast3A_758 = vector.bitcast %get3A_757 : vector<16xi32> to vector<32xbf16>
        %get3A_759 = arith.index_cast %add3A_742 : i32 to index
        %get3A_760 = arith.constant 16 : index
        %get3A_761 = tpu.vector_load %arg9[%get3A_759, %get3A_760] {strides = array<i32>} : memref<80x64xi32, #tpu.memory_space<vmem>>, vector<16xi32>,
        %bitcast3A_762 = vector.bitcast %get3A_761 : vector<16xi32> to vector<32xbf16>
        %mul3A_763 = arith.mulf %bitcast3A_758, %bitcast3A_762 : vector<32xbf16>
        %unpack3A_764 = tpu.unpack_subelements %mul3A_763, 0 {pack_format = #tpu.pack_format<interleaved>} : vector<32xbf16> -> vector<16xf32>
        %unpack3A_765 = tpu.unpack_subelements %mul3A_763, 1 {pack_format = #tpu.pack_format<interleaved>} : vector<32xbf16> -> vector<16xf32>
        %add3A_766 = arith.addf %unpack3A_764, %unpack3A_765 : vector<16xf32>
        %add3A_767 = arith.addf %add3A_754, %add3A_766 : vector<16xf32>
        %get3A_768 = arith.index_cast %add3A_742 : i32 to index
        %get3A_769 = arith.constant 32 : index
        %get3A_770 = tpu.vector_load %arg8[%get3A_768, %get3A_769] {strides = array<i32>} : memref<80x64xi32, #tpu.memory_space<vmem>>, vector<16xi32>,
        %bitcast3A_771 = vector.bitcast %get3A_770 : vector<16xi32> to vector<32xbf16>
        %get3A_772 = arith.index_cast %add3A_742 : i32 to index
        %get3A_773 = arith.constant 32 : index
        %get3A_774 = tpu.vector_load %arg9[%get3A_772, %get3A_773] {strides = array<i32>} : memref<80x64xi32, #tpu.memory_space<vmem>>, vector<16xi32>,
        %bitcast3A_775 = vector.bitcast %get3A_774 : vector<16xi32> to vector<32xbf16>
        %mul3A_776 = arith.mulf %bitcast3A_771, %bitcast3A_775 : vector<32xbf16>
        %unpack3A_777 = tpu.unpack_subelements %mul3A_776, 0 {pack_format = #tpu.pack_format<interleaved>} : vector<32xbf16> -> vector<16xf32>
        %unpack3A_778 = tpu.unpack_subelements %mul3A_776, 1 {pack_format = #tpu.pack_format<interleaved>} : vector<32xbf16> -> vector<16xf32>
        %add3A_779 = arith.addf %unpack3A_777, %unpack3A_778 : vector<16xf32>
        %add3A_780 = arith.addf %add3A_767, %add3A_779 : vector<16xf32>
        %get3A_781 = arith.index_cast %add3A_742 : i32 to index
        %get3A_782 = arith.constant 48 : index
        %get3A_783 = tpu.vector_load %arg8[%get3A_781, %get3A_782] {strides = array<i32>} : memref<80x64xi32, #tpu.memory_space<vmem>>, vector<16xi32>,
        %bitcast3A_784 = vector.bitcast %get3A_783 : vector<16xi32> to vector<32xbf16>
        %get3A_785 = arith.index_cast %add3A_742 : i32 to index
        %get3A_786 = arith.constant 48 : index
        %get3A_787 = tpu.vector_load %arg9[%get3A_785, %get3A_786] {strides = array<i32>} : memref<80x64xi32, #tpu.memory_space<vmem>>, vector<16xi32>,
        %bitcast3A_788 = vector.bitcast %get3A_787 : vector<16xi32> to vector<32xbf16>
        %mul3A_789 = arith.mulf %bitcast3A_784, %bitcast3A_788 : vector<32xbf16>
        %unpack3A_790 = tpu.unpack_subelements %mul3A_789, 0 {pack_format = #tpu.pack_format<interleaved>} : vector<32xbf16> -> vector<16xf32>
        %unpack3A_791 = tpu.unpack_subelements %mul3A_789, 1 {pack_format = #tpu.pack_format<interleaved>} : vector<32xbf16> -> vector<16xf32>
        %add3A_792 = arith.addf %unpack3A_790, %unpack3A_791 : vector<16xf32>
        %add3A_793 = arith.addf %add3A_780, %add3A_792 : vector<16xf32>
        %eq3A_794 = arith.constant 10 : i32
        %eq3A_795 = vector.broadcast %eq3A_794 : i32 to vector<16xi32>
        %eq3A_796 = arith.cmpi eq, %iota3A, %eq3A_795 : vector<16xi32>
        %reduce_sum3A_797 = arith.constant true
        %reduce_sum3A_798 = vector.broadcast %reduce_sum3A_797 : i1 to vector<16xi1>
        %reduce_sum3A_799 = tpu.scan <sum>, %add3A_793 masked %reduce_sum3A_798 : vector<16xf32>, vector<16xi1> -> vector<16xf32>
        %reduce_sum3A_800 = vector.extract %reduce_sum3A_799[15] : f32 from vector<16xf32>
        %broadcast_in_dim3A_801 = vector.broadcast %reduce_sum3A_800 : f32 to vector<16xf32>
        %select_n3A_802 = arith.select %eq3A_796, %broadcast_in_dim3A_801, %select_n3A_738 : vector<16xi1>, vector<16xf32>
        %mul3A_803 = arith.constant 16 : i32
        %mul3A_804 = arith.muli %scan3A_103, %mul3A_803 : i32
        %add3A_805 = arith.constant 11 : i32
        %add3A_806 = arith.addi %mul3A_804, %add3A_805 : i32
        %get3A_807 = arith.index_cast %add3A_806 : i32 to index
        %get3A_808 = arith.constant 0 : index
        %get3A_809 = tpu.vector_load %arg8[%get3A_807, %get3A_808] {strides = array<i32>} : memref<80x64xi32, #tpu.memory_space<vmem>>, vector<16xi32>,
        %bitcast3A_810 = vector.bitcast %get3A_809 : vector<16xi32> to vector<32xbf16>
        %get3A_811 = arith.index_cast %add3A_806 : i32 to index
        %get3A_812 = arith.constant 0 : index
        %get3A_813 = tpu.vector_load %arg9[%get3A_811, %get3A_812] {strides = array<i32>} : memref<80x64xi32, #tpu.memory_space<vmem>>, vector<16xi32>,
        %bitcast3A_814 = vector.bitcast %get3A_813 : vector<16xi32> to vector<32xbf16>
        %mul3A_815 = arith.mulf %bitcast3A_810, %bitcast3A_814 : vector<32xbf16>
        %unpack3A_816 = tpu.unpack_subelements %mul3A_815, 0 {pack_format = #tpu.pack_format<interleaved>} : vector<32xbf16> -> vector<16xf32>
        %unpack3A_817 = tpu.unpack_subelements %mul3A_815, 1 {pack_format = #tpu.pack_format<interleaved>} : vector<32xbf16> -> vector<16xf32>
        %add3A_818 = arith.addf %unpack3A_816, %unpack3A_817 : vector<16xf32>
        %get3A_819 = arith.index_cast %add3A_806 : i32 to index
        %get3A_820 = arith.constant 16 : index
        %get3A_821 = tpu.vector_load %arg8[%get3A_819, %get3A_820] {strides = array<i32>} : memref<80x64xi32, #tpu.memory_space<vmem>>, vector<16xi32>,
        %bitcast3A_822 = vector.bitcast %get3A_821 : vector<16xi32> to vector<32xbf16>
        %get3A_823 = arith.index_cast %add3A_806 : i32 to index
        %get3A_824 = arith.constant 16 : index
        %get3A_825 = tpu.vector_load %arg9[%get3A_823, %get3A_824] {strides = array<i32>} : memref<80x64xi32, #tpu.memory_space<vmem>>, vector<16xi32>,
        %bitcast3A_826 = vector.bitcast %get3A_825 : vector<16xi32> to vector<32xbf16>
        %mul3A_827 = arith.mulf %bitcast3A_822, %bitcast3A_826 : vector<32xbf16>
        %unpack3A_828 = tpu.unpack_subelements %mul3A_827, 0 {pack_format = #tpu.pack_format<interleaved>} : vector<32xbf16> -> vector<16xf32>
        %unpack3A_829 = tpu.unpack_subelements %mul3A_827, 1 {pack_format = #tpu.pack_format<interleaved>} : vector<32xbf16> -> vector<16xf32>
        %add3A_830 = arith.addf %unpack3A_828, %unpack3A_829 : vector<16xf32>
        %add3A_831 = arith.addf %add3A_818, %add3A_830 : vector<16xf32>
        %get3A_832 = arith.index_cast %add3A_806 : i32 to index
        %get3A_833 = arith.constant 32 : index
        %get3A_834 = tpu.vector_load %arg8[%get3A_832, %get3A_833] {strides = array<i32>} : memref<80x64xi32, #tpu.memory_space<vmem>>, vector<16xi32>,
        %bitcast3A_835 = vector.bitcast %get3A_834 : vector<16xi32> to vector<32xbf16>
        %get3A_836 = arith.index_cast %add3A_806 : i32 to index
        %get3A_837 = arith.constant 32 : index
        %get3A_838 = tpu.vector_load %arg9[%get3A_836, %get3A_837] {strides = array<i32>} : memref<80x64xi32, #tpu.memory_space<vmem>>, vector<16xi32>,
        %bitcast3A_839 = vector.bitcast %get3A_838 : vector<16xi32> to vector<32xbf16>
        %mul3A_840 = arith.mulf %bitcast3A_835, %bitcast3A_839 : vector<32xbf16>
        %unpack3A_841 = tpu.unpack_subelements %mul3A_840, 0 {pack_format = #tpu.pack_format<interleaved>} : vector<32xbf16> -> vector<16xf32>
        %unpack3A_842 = tpu.unpack_subelements %mul3A_840, 1 {pack_format = #tpu.pack_format<interleaved>} : vector<32xbf16> -> vector<16xf32>
        %add3A_843 = arith.addf %unpack3A_841, %unpack3A_842 : vector<16xf32>
        %add3A_844 = arith.addf %add3A_831, %add3A_843 : vector<16xf32>
        %get3A_845 = arith.index_cast %add3A_806 : i32 to index
        %get3A_846 = arith.constant 48 : index
        %get3A_847 = tpu.vector_load %arg8[%get3A_845, %get3A_846] {strides = array<i32>} : memref<80x64xi32, #tpu.memory_space<vmem>>, vector<16xi32>,
        %bitcast3A_848 = vector.bitcast %get3A_847 : vector<16xi32> to vector<32xbf16>
        %get3A_849 = arith.index_cast %add3A_806 : i32 to index
        %get3A_850 = arith.constant 48 : index
        %get3A_851 = tpu.vector_load %arg9[%get3A_849, %get3A_850] {strides = array<i32>} : memref<80x64xi32, #tpu.memory_space<vmem>>, vector<16xi32>,
        %bitcast3A_852 = vector.bitcast %get3A_851 : vector<16xi32> to vector<32xbf16>
        %mul3A_853 = arith.mulf %bitcast3A_848, %bitcast3A_852 : vector<32xbf16>
        %unpack3A_854 = tpu.unpack_subelements %mul3A_853, 0 {pack_format = #tpu.pack_format<interleaved>} : vector<32xbf16> -> vector<16xf32>
        %unpack3A_855 = tpu.unpack_subelements %mul3A_853, 1 {pack_format = #tpu.pack_format<interleaved>} : vector<32xbf16> -> vector<16xf32>
        %add3A_856 = arith.addf %unpack3A_854, %unpack3A_855 : vector<16xf32>
        %add3A_857 = arith.addf %add3A_844, %add3A_856 : vector<16xf32>
        %eq3A_858 = arith.constant 11 : i32
        %eq3A_859 = vector.broadcast %eq3A_858 : i32 to vector<16xi32>
        %eq3A_860 = arith.cmpi eq, %iota3A, %eq3A_859 : vector<16xi32>
        %reduce_sum3A_861 = arith.constant true
        %reduce_sum3A_862 = vector.broadcast %reduce_sum3A_861 : i1 to vector<16xi1>
        %reduce_sum3A_863 = tpu.scan <sum>, %add3A_857 masked %reduce_sum3A_862 : vector<16xf32>, vector<16xi1> -> vector<16xf32>
        %reduce_sum3A_864 = vector.extract %reduce_sum3A_863[15] : f32 from vector<16xf32>
        %broadcast_in_dim3A_865 = vector.broadcast %reduce_sum3A_864 : f32 to vector<16xf32>
        %select_n3A_866 = arith.select %eq3A_860, %broadcast_in_dim3A_865, %select_n3A_802 : vector<16xi1>, vector<16xf32>
        %mul3A_867 = arith.constant 16 : i32
        %mul3A_868 = arith.muli %scan3A_103, %mul3A_867 : i32
        %add3A_869 = arith.constant 12 : i32
        %add3A_870 = arith.addi %mul3A_868, %add3A_869 : i32
        %get3A_871 = arith.index_cast %add3A_870 : i32 to index
        %get3A_872 = arith.constant 0 : index
        %get3A_873 = tpu.vector_load %arg8[%get3A_871, %get3A_872] {strides = array<i32>} : memref<80x64xi32, #tpu.memory_space<vmem>>, vector<16xi32>,
        %bitcast3A_874 = vector.bitcast %get3A_873 : vector<16xi32> to vector<32xbf16>
        %get3A_875 = arith.index_cast %add3A_870 : i32 to index
        %get3A_876 = arith.constant 0 : index
        %get3A_877 = tpu.vector_load %arg9[%get3A_875, %get3A_876] {strides = array<i32>} : memref<80x64xi32, #tpu.memory_space<vmem>>, vector<16xi32>,
        %bitcast3A_878 = vector.bitcast %get3A_877 : vector<16xi32> to vector<32xbf16>
        %mul3A_879 = arith.mulf %bitcast3A_874, %bitcast3A_878 : vector<32xbf16>
        %unpack3A_880 = tpu.unpack_subelements %mul3A_879, 0 {pack_format = #tpu.pack_format<interleaved>} : vector<32xbf16> -> vector<16xf32>
        %unpack3A_881 = tpu.unpack_subelements %mul3A_879, 1 {pack_format = #tpu.pack_format<interleaved>} : vector<32xbf16> -> vector<16xf32>
        %add3A_882 = arith.addf %unpack3A_880, %unpack3A_881 : vector<16xf32>
        %get3A_883 = arith.index_cast %add3A_870 : i32 to index
        %get3A_884 = arith.constant 16 : index
        %get3A_885 = tpu.vector_load %arg8[%get3A_883, %get3A_884] {strides = array<i32>} : memref<80x64xi32, #tpu.memory_space<vmem>>, vector<16xi32>,
        %bitcast3A_886 = vector.bitcast %get3A_885 : vector<16xi32> to vector<32xbf16>
        %get3A_887 = arith.index_cast %add3A_870 : i32 to index
        %get3A_888 = arith.constant 16 : index
        %get3A_889 = tpu.vector_load %arg9[%get3A_887, %get3A_888] {strides = array<i32>} : memref<80x64xi32, #tpu.memory_space<vmem>>, vector<16xi32>,
        %bitcast3A_890 = vector.bitcast %get3A_889 : vector<16xi32> to vector<32xbf16>
        %mul3A_891 = arith.mulf %bitcast3A_886, %bitcast3A_890 : vector<32xbf16>
        %unpack3A_892 = tpu.unpack_subelements %mul3A_891, 0 {pack_format = #tpu.pack_format<interleaved>} : vector<32xbf16> -> vector<16xf32>
        %unpack3A_893 = tpu.unpack_subelements %mul3A_891, 1 {pack_format = #tpu.pack_format<interleaved>} : vector<32xbf16> -> vector<16xf32>
        %add3A_894 = arith.addf %unpack3A_892, %unpack3A_893 : vector<16xf32>
        %add3A_895 = arith.addf %add3A_882, %add3A_894 : vector<16xf32>
        %get3A_896 = arith.index_cast %add3A_870 : i32 to index
        %get3A_897 = arith.constant 32 : index
        %get3A_898 = tpu.vector_load %arg8[%get3A_896, %get3A_897] {strides = array<i32>} : memref<80x64xi32, #tpu.memory_space<vmem>>, vector<16xi32>,
        %bitcast3A_899 = vector.bitcast %get3A_898 : vector<16xi32> to vector<32xbf16>
        %get3A_900 = arith.index_cast %add3A_870 : i32 to index
        %get3A_901 = arith.constant 32 : index
        %get3A_902 = tpu.vector_load %arg9[%get3A_900, %get3A_901] {strides = array<i32>} : memref<80x64xi32, #tpu.memory_space<vmem>>, vector<16xi32>,
        %bitcast3A_903 = vector.bitcast %get3A_902 : vector<16xi32> to vector<32xbf16>
        %mul3A_904 = arith.mulf %bitcast3A_899, %bitcast3A_903 : vector<32xbf16>
        %unpack3A_905 = tpu.unpack_subelements %mul3A_904, 0 {pack_format = #tpu.pack_format<interleaved>} : vector<32xbf16> -> vector<16xf32>
        %unpack3A_906 = tpu.unpack_subelements %mul3A_904, 1 {pack_format = #tpu.pack_format<interleaved>} : vector<32xbf16> -> vector<16xf32>
        %add3A_907 = arith.addf %unpack3A_905, %unpack3A_906 : vector<16xf32>
        %add3A_908 = arith.addf %add3A_895, %add3A_907 : vector<16xf32>
        %get3A_909 = arith.index_cast %add3A_870 : i32 to index
        %get3A_910 = arith.constant 48 : index
        %get3A_911 = tpu.vector_load %arg8[%get3A_909, %get3A_910] {strides = array<i32>} : memref<80x64xi32, #tpu.memory_space<vmem>>, vector<16xi32>,
        %bitcast3A_912 = vector.bitcast %get3A_911 : vector<16xi32> to vector<32xbf16>
        %get3A_913 = arith.index_cast %add3A_870 : i32 to index
        %get3A_914 = arith.constant 48 : index
        %get3A_915 = tpu.vector_load %arg9[%get3A_913, %get3A_914] {strides = array<i32>} : memref<80x64xi32, #tpu.memory_space<vmem>>, vector<16xi32>,
        %bitcast3A_916 = vector.bitcast %get3A_915 : vector<16xi32> to vector<32xbf16>
        %mul3A_917 = arith.mulf %bitcast3A_912, %bitcast3A_916 : vector<32xbf16>
        %unpack3A_918 = tpu.unpack_subelements %mul3A_917, 0 {pack_format = #tpu.pack_format<interleaved>} : vector<32xbf16> -> vector<16xf32>
        %unpack3A_919 = tpu.unpack_subelements %mul3A_917, 1 {pack_format = #tpu.pack_format<interleaved>} : vector<32xbf16> -> vector<16xf32>
        %add3A_920 = arith.addf %unpack3A_918, %unpack3A_919 : vector<16xf32>
        %add3A_921 = arith.addf %add3A_908, %add3A_920 : vector<16xf32>
        %eq3A_922 = arith.constant 12 : i32
        %eq3A_923 = vector.broadcast %eq3A_922 : i32 to vector<16xi32>
        %eq3A_924 = arith.cmpi eq, %iota3A, %eq3A_923 : vector<16xi32>
        %reduce_sum3A_925 = arith.constant true
        %reduce_sum3A_926 = vector.broadcast %reduce_sum3A_925 : i1 to vector<16xi1>
        %reduce_sum3A_927 = tpu.scan <sum>, %add3A_921 masked %reduce_sum3A_926 : vector<16xf32>, vector<16xi1> -> vector<16xf32>
        %reduce_sum3A_928 = vector.extract %reduce_sum3A_927[15] : f32 from vector<16xf32>
        %broadcast_in_dim3A_929 = vector.broadcast %reduce_sum3A_928 : f32 to vector<16xf32>
        %select_n3A_930 = arith.select %eq3A_924, %broadcast_in_dim3A_929, %select_n3A_866 : vector<16xi1>, vector<16xf32>
        %mul3A_931 = arith.constant 16 : i32
        %mul3A_932 = arith.muli %scan3A_103, %mul3A_931 : i32
        %add3A_933 = arith.constant 13 : i32
        %add3A_934 = arith.addi %mul3A_932, %add3A_933 : i32
        %get3A_935 = arith.index_cast %add3A_934 : i32 to index
        %get3A_936 = arith.constant 0 : index
        %get3A_937 = tpu.vector_load %arg8[%get3A_935, %get3A_936] {strides = array<i32>} : memref<80x64xi32, #tpu.memory_space<vmem>>, vector<16xi32>,
        %bitcast3A_938 = vector.bitcast %get3A_937 : vector<16xi32> to vector<32xbf16>
        %get3A_939 = arith.index_cast %add3A_934 : i32 to index
        %get3A_940 = arith.constant 0 : index
        %get3A_941 = tpu.vector_load %arg9[%get3A_939, %get3A_940] {strides = array<i32>} : memref<80x64xi32, #tpu.memory_space<vmem>>, vector<16xi32>,
        %bitcast3A_942 = vector.bitcast %get3A_941 : vector<16xi32> to vector<32xbf16>
        %mul3A_943 = arith.mulf %bitcast3A_938, %bitcast3A_942 : vector<32xbf16>
        %unpack3A_944 = tpu.unpack_subelements %mul3A_943, 0 {pack_format = #tpu.pack_format<interleaved>} : vector<32xbf16> -> vector<16xf32>
        %unpack3A_945 = tpu.unpack_subelements %mul3A_943, 1 {pack_format = #tpu.pack_format<interleaved>} : vector<32xbf16> -> vector<16xf32>
        %add3A_946 = arith.addf %unpack3A_944, %unpack3A_945 : vector<16xf32>
        %get3A_947 = arith.index_cast %add3A_934 : i32 to index
        %get3A_948 = arith.constant 16 : index
        %get3A_949 = tpu.vector_load %arg8[%get3A_947, %get3A_948] {strides = array<i32>} : memref<80x64xi32, #tpu.memory_space<vmem>>, vector<16xi32>,
        %bitcast3A_950 = vector.bitcast %get3A_949 : vector<16xi32> to vector<32xbf16>
        %get3A_951 = arith.index_cast %add3A_934 : i32 to index
        %get3A_952 = arith.constant 16 : index
        %get3A_953 = tpu.vector_load %arg9[%get3A_951, %get3A_952] {strides = array<i32>} : memref<80x64xi32, #tpu.memory_space<vmem>>, vector<16xi32>,
        %bitcast3A_954 = vector.bitcast %get3A_953 : vector<16xi32> to vector<32xbf16>
        %mul3A_955 = arith.mulf %bitcast3A_950, %bitcast3A_954 : vector<32xbf16>
        %unpack3A_956 = tpu.unpack_subelements %mul3A_955, 0 {pack_format = #tpu.pack_format<interleaved>} : vector<32xbf16> -> vector<16xf32>
        %unpack3A_957 = tpu.unpack_subelements %mul3A_955, 1 {pack_format = #tpu.pack_format<interleaved>} : vector<32xbf16> -> vector<16xf32>
        %add3A_958 = arith.addf %unpack3A_956, %unpack3A_957 : vector<16xf32>
        %add3A_959 = arith.addf %add3A_946, %add3A_958 : vector<16xf32>
        %get3A_960 = arith.index_cast %add3A_934 : i32 to index
        %get3A_961 = arith.constant 32 : index
        %get3A_962 = tpu.vector_load %arg8[%get3A_960, %get3A_961] {strides = array<i32>} : memref<80x64xi32, #tpu.memory_space<vmem>>, vector<16xi32>,
        %bitcast3A_963 = vector.bitcast %get3A_962 : vector<16xi32> to vector<32xbf16>
        %get3A_964 = arith.index_cast %add3A_934 : i32 to index
        %get3A_965 = arith.constant 32 : index
        %get3A_966 = tpu.vector_load %arg9[%get3A_964, %get3A_965] {strides = array<i32>} : memref<80x64xi32, #tpu.memory_space<vmem>>, vector<16xi32>,
        %bitcast3A_967 = vector.bitcast %get3A_966 : vector<16xi32> to vector<32xbf16>
        %mul3A_968 = arith.mulf %bitcast3A_963, %bitcast3A_967 : vector<32xbf16>
        %unpack3A_969 = tpu.unpack_subelements %mul3A_968, 0 {pack_format = #tpu.pack_format<interleaved>} : vector<32xbf16> -> vector<16xf32>
        %unpack3A_970 = tpu.unpack_subelements %mul3A_968, 1 {pack_format = #tpu.pack_format<interleaved>} : vector<32xbf16> -> vector<16xf32>
        %add3A_971 = arith.addf %unpack3A_969, %unpack3A_970 : vector<16xf32>
        %add3A_972 = arith.addf %add3A_959, %add3A_971 : vector<16xf32>
        %get3A_973 = arith.index_cast %add3A_934 : i32 to index
        %get3A_974 = arith.constant 48 : index
        %get3A_975 = tpu.vector_load %arg8[%get3A_973, %get3A_974] {strides = array<i32>} : memref<80x64xi32, #tpu.memory_space<vmem>>, vector<16xi32>,
        %bitcast3A_976 = vector.bitcast %get3A_975 : vector<16xi32> to vector<32xbf16>
        %get3A_977 = arith.index_cast %add3A_934 : i32 to index
        %get3A_978 = arith.constant 48 : index
        %get3A_979 = tpu.vector_load %arg9[%get3A_977, %get3A_978] {strides = array<i32>} : memref<80x64xi32, #tpu.memory_space<vmem>>, vector<16xi32>,
        %bitcast3A_980 = vector.bitcast %get3A_979 : vector<16xi32> to vector<32xbf16>
        %mul3A_981 = arith.mulf %bitcast3A_976, %bitcast3A_980 : vector<32xbf16>
        %unpack3A_982 = tpu.unpack_subelements %mul3A_981, 0 {pack_format = #tpu.pack_format<interleaved>} : vector<32xbf16> -> vector<16xf32>
        %unpack3A_983 = tpu.unpack_subelements %mul3A_981, 1 {pack_format = #tpu.pack_format<interleaved>} : vector<32xbf16> -> vector<16xf32>
        %add3A_984 = arith.addf %unpack3A_982, %unpack3A_983 : vector<16xf32>
        %add3A_985 = arith.addf %add3A_972, %add3A_984 : vector<16xf32>
        %eq3A_986 = arith.constant 13 : i32
        %eq3A_987 = vector.broadcast %eq3A_986 : i32 to vector<16xi32>
        %eq3A_988 = arith.cmpi eq, %iota3A, %eq3A_987 : vector<16xi32>
        %reduce_sum3A_989 = arith.constant true
        %reduce_sum3A_990 = vector.broadcast %reduce_sum3A_989 : i1 to vector<16xi1>
        %reduce_sum3A_991 = tpu.scan <sum>, %add3A_985 masked %reduce_sum3A_990 : vector<16xf32>, vector<16xi1> -> vector<16xf32>
        %reduce_sum3A_992 = vector.extract %reduce_sum3A_991[15] : f32 from vector<16xf32>
        %broadcast_in_dim3A_993 = vector.broadcast %reduce_sum3A_992 : f32 to vector<16xf32>
        %select_n3A_994 = arith.select %eq3A_988, %broadcast_in_dim3A_993, %select_n3A_930 : vector<16xi1>, vector<16xf32>
        %mul3A_995 = arith.constant 16 : i32
        %mul3A_996 = arith.muli %scan3A_103, %mul3A_995 : i32
        %add3A_997 = arith.constant 14 : i32
        %add3A_998 = arith.addi %mul3A_996, %add3A_997 : i32
        %get3A_999 = arith.index_cast %add3A_998 : i32 to index
        %get3A_1000 = arith.constant 0 : index
        %get3A_1001 = tpu.vector_load %arg8[%get3A_999, %get3A_1000] {strides = array<i32>} : memref<80x64xi32, #tpu.memory_space<vmem>>, vector<16xi32>,
        %bitcast3A_1002 = vector.bitcast %get3A_1001 : vector<16xi32> to vector<32xbf16>
        %get3A_1003 = arith.index_cast %add3A_998 : i32 to index
        %get3A_1004 = arith.constant 0 : index
        %get3A_1005 = tpu.vector_load %arg9[%get3A_1003, %get3A_1004] {strides = array<i32>} : memref<80x64xi32, #tpu.memory_space<vmem>>, vector<16xi32>,
        %bitcast3A_1006 = vector.bitcast %get3A_1005 : vector<16xi32> to vector<32xbf16>
        %mul3A_1007 = arith.mulf %bitcast3A_1002, %bitcast3A_1006 : vector<32xbf16>
        %unpack3A_1008 = tpu.unpack_subelements %mul3A_1007, 0 {pack_format = #tpu.pack_format<interleaved>} : vector<32xbf16> -> vector<16xf32>
        %unpack3A_1009 = tpu.unpack_subelements %mul3A_1007, 1 {pack_format = #tpu.pack_format<interleaved>} : vector<32xbf16> -> vector<16xf32>
        %add3A_1010 = arith.addf %unpack3A_1008, %unpack3A_1009 : vector<16xf32>
        %get3A_1011 = arith.index_cast %add3A_998 : i32 to index
        %get3A_1012 = arith.constant 16 : index
        %get3A_1013 = tpu.vector_load %arg8[%get3A_1011, %get3A_1012] {strides = array<i32>} : memref<80x64xi32, #tpu.memory_space<vmem>>, vector<16xi32>,
        %bitcast3A_1014 = vector.bitcast %get3A_1013 : vector<16xi32> to vector<32xbf16>
        %get3A_1015 = arith.index_cast %add3A_998 : i32 to index
        %get3A_1016 = arith.constant 16 : index
        %get3A_1017 = tpu.vector_load %arg9[%get3A_1015, %get3A_1016] {strides = array<i32>} : memref<80x64xi32, #tpu.memory_space<vmem>>, vector<16xi32>,
        %bitcast3A_1018 = vector.bitcast %get3A_1017 : vector<16xi32> to vector<32xbf16>
        %mul3A_1019 = arith.mulf %bitcast3A_1014, %bitcast3A_1018 : vector<32xbf16>
        %unpack3A_1020 = tpu.unpack_subelements %mul3A_1019, 0 {pack_format = #tpu.pack_format<interleaved>} : vector<32xbf16> -> vector<16xf32>
        %unpack3A_1021 = tpu.unpack_subelements %mul3A_1019, 1 {pack_format = #tpu.pack_format<interleaved>} : vector<32xbf16> -> vector<16xf32>
        %add3A_1022 = arith.addf %unpack3A_1020, %unpack3A_1021 : vector<16xf32>
        %add3A_1023 = arith.addf %add3A_1010, %add3A_1022 : vector<16xf32>
        %get3A_1024 = arith.index_cast %add3A_998 : i32 to index
        %get3A_1025 = arith.constant 32 : index
        %get3A_1026 = tpu.vector_load %arg8[%get3A_1024, %get3A_1025] {strides = array<i32>} : memref<80x64xi32, #tpu.memory_space<vmem>>, vector<16xi32>,
        %bitcast3A_1027 = vector.bitcast %get3A_1026 : vector<16xi32> to vector<32xbf16>
        %get3A_1028 = arith.index_cast %add3A_998 : i32 to index
        %get3A_1029 = arith.constant 32 : index
        %get3A_1030 = tpu.vector_load %arg9[%get3A_1028, %get3A_1029] {strides = array<i32>} : memref<80x64xi32, #tpu.memory_space<vmem>>, vector<16xi32>,
        %bitcast3A_1031 = vector.bitcast %get3A_1030 : vector<16xi32> to vector<32xbf16>
        %mul3A_1032 = arith.mulf %bitcast3A_1027, %bitcast3A_1031 : vector<32xbf16>
        %unpack3A_1033 = tpu.unpack_subelements %mul3A_1032, 0 {pack_format = #tpu.pack_format<interleaved>} : vector<32xbf16> -> vector<16xf32>
        %unpack3A_1034 = tpu.unpack_subelements %mul3A_1032, 1 {pack_format = #tpu.pack_format<interleaved>} : vector<32xbf16> -> vector<16xf32>
        %add3A_1035 = arith.addf %unpack3A_1033, %unpack3A_1034 : vector<16xf32>
        %add3A_1036 = arith.addf %add3A_1023, %add3A_1035 : vector<16xf32>
        %get3A_1037 = arith.index_cast %add3A_998 : i32 to index
        %get3A_1038 = arith.constant 48 : index
        %get3A_1039 = tpu.vector_load %arg8[%get3A_1037, %get3A_1038] {strides = array<i32>} : memref<80x64xi32, #tpu.memory_space<vmem>>, vector<16xi32>,
        %bitcast3A_1040 = vector.bitcast %get3A_1039 : vector<16xi32> to vector<32xbf16>
        %get3A_1041 = arith.index_cast %add3A_998 : i32 to index
        %get3A_1042 = arith.constant 48 : index
        %get3A_1043 = tpu.vector_load %arg9[%get3A_1041, %get3A_1042] {strides = array<i32>} : memref<80x64xi32, #tpu.memory_space<vmem>>, vector<16xi32>,
        %bitcast3A_1044 = vector.bitcast %get3A_1043 : vector<16xi32> to vector<32xbf16>
        %mul3A_1045 = arith.mulf %bitcast3A_1040, %bitcast3A_1044 : vector<32xbf16>
        %unpack3A_1046 = tpu.unpack_subelements %mul3A_1045, 0 {pack_format = #tpu.pack_format<interleaved>} : vector<32xbf16> -> vector<16xf32>
        %unpack3A_1047 = tpu.unpack_subelements %mul3A_1045, 1 {pack_format = #tpu.pack_format<interleaved>} : vector<32xbf16> -> vector<16xf32>
        %add3A_1048 = arith.addf %unpack3A_1046, %unpack3A_1047 : vector<16xf32>
        %add3A_1049 = arith.addf %add3A_1036, %add3A_1048 : vector<16xf32>
        %eq3A_1050 = arith.constant 14 : i32
        %eq3A_1051 = vector.broadcast %eq3A_1050 : i32 to vector<16xi32>
        %eq3A_1052 = arith.cmpi eq, %iota3A, %eq3A_1051 : vector<16xi32>
        %reduce_sum3A_1053 = arith.constant true
        %reduce_sum3A_1054 = vector.broadcast %reduce_sum3A_1053 : i1 to vector<16xi1>
        %reduce_sum3A_1055 = tpu.scan <sum>, %add3A_1049 masked %reduce_sum3A_1054 : vector<16xf32>, vector<16xi1> -> vector<16xf32>
        %reduce_sum3A_1056 = vector.extract %reduce_sum3A_1055[15] : f32 from vector<16xf32>
        %broadcast_in_dim3A_1057 = vector.broadcast %reduce_sum3A_1056 : f32 to vector<16xf32>
        %select_n3A_1058 = arith.select %eq3A_1052, %broadcast_in_dim3A_1057, %select_n3A_994 : vector<16xi1>, vector<16xf32>
        %mul3A_1059 = arith.constant 16 : i32
        %mul3A_1060 = arith.muli %scan3A_103, %mul3A_1059 : i32
        %add3A_1061 = arith.constant 15 : i32
        %add3A_1062 = arith.addi %mul3A_1060, %add3A_1061 : i32
        %get3A_1063 = arith.index_cast %add3A_1062 : i32 to index
        %get3A_1064 = arith.constant 0 : index
        %get3A_1065 = tpu.vector_load %arg8[%get3A_1063, %get3A_1064] {strides = array<i32>} : memref<80x64xi32, #tpu.memory_space<vmem>>, vector<16xi32>,
        %bitcast3A_1066 = vector.bitcast %get3A_1065 : vector<16xi32> to vector<32xbf16>
        %get3A_1067 = arith.index_cast %add3A_1062 : i32 to index
        %get3A_1068 = arith.constant 0 : index
        %get3A_1069 = tpu.vector_load %arg9[%get3A_1067, %get3A_1068] {strides = array<i32>} : memref<80x64xi32, #tpu.memory_space<vmem>>, vector<16xi32>,
        %bitcast3A_1070 = vector.bitcast %get3A_1069 : vector<16xi32> to vector<32xbf16>
        %mul3A_1071 = arith.mulf %bitcast3A_1066, %bitcast3A_1070 : vector<32xbf16>
        %unpack3A_1072 = tpu.unpack_subelements %mul3A_1071, 0 {pack_format = #tpu.pack_format<interleaved>} : vector<32xbf16> -> vector<16xf32>
        %unpack3A_1073 = tpu.unpack_subelements %mul3A_1071, 1 {pack_format = #tpu.pack_format<interleaved>} : vector<32xbf16> -> vector<16xf32>
        %add3A_1074 = arith.addf %unpack3A_1072, %unpack3A_1073 : vector<16xf32>
        %get3A_1075 = arith.index_cast %add3A_1062 : i32 to index
        %get3A_1076 = arith.constant 16 : index
        %get3A_1077 = tpu.vector_load %arg8[%get3A_1075, %get3A_1076] {strides = array<i32>} : memref<80x64xi32, #tpu.memory_space<vmem>>, vector<16xi32>,
        %bitcast3A_1078 = vector.bitcast %get3A_1077 : vector<16xi32> to vector<32xbf16>
        %get3A_1079 = arith.index_cast %add3A_1062 : i32 to index
        %get3A_1080 = arith.constant 16 : index
        %get3A_1081 = tpu.vector_load %arg9[%get3A_1079, %get3A_1080] {strides = array<i32>} : memref<80x64xi32, #tpu.memory_space<vmem>>, vector<16xi32>,
        %bitcast3A_1082 = vector.bitcast %get3A_1081 : vector<16xi32> to vector<32xbf16>
        %mul3A_1083 = arith.mulf %bitcast3A_1078, %bitcast3A_1082 : vector<32xbf16>
        %unpack3A_1084 = tpu.unpack_subelements %mul3A_1083, 0 {pack_format = #tpu.pack_format<interleaved>} : vector<32xbf16> -> vector<16xf32>
        %unpack3A_1085 = tpu.unpack_subelements %mul3A_1083, 1 {pack_format = #tpu.pack_format<interleaved>} : vector<32xbf16> -> vector<16xf32>
        %add3A_1086 = arith.addf %unpack3A_1084, %unpack3A_1085 : vector<16xf32>
        %add3A_1087 = arith.addf %add3A_1074, %add3A_1086 : vector<16xf32>
        %get3A_1088 = arith.index_cast %add3A_1062 : i32 to index
        %get3A_1089 = arith.constant 32 : index
        %get3A_1090 = tpu.vector_load %arg8[%get3A_1088, %get3A_1089] {strides = array<i32>} : memref<80x64xi32, #tpu.memory_space<vmem>>, vector<16xi32>,
        %bitcast3A_1091 = vector.bitcast %get3A_1090 : vector<16xi32> to vector<32xbf16>
        %get3A_1092 = arith.index_cast %add3A_1062 : i32 to index
        %get3A_1093 = arith.constant 32 : index
        %get3A_1094 = tpu.vector_load %arg9[%get3A_1092, %get3A_1093] {strides = array<i32>} : memref<80x64xi32, #tpu.memory_space<vmem>>, vector<16xi32>,
        %bitcast3A_1095 = vector.bitcast %get3A_1094 : vector<16xi32> to vector<32xbf16>
        %mul3A_1096 = arith.mulf %bitcast3A_1091, %bitcast3A_1095 : vector<32xbf16>
        %unpack3A_1097 = tpu.unpack_subelements %mul3A_1096, 0 {pack_format = #tpu.pack_format<interleaved>} : vector<32xbf16> -> vector<16xf32>
        %unpack3A_1098 = tpu.unpack_subelements %mul3A_1096, 1 {pack_format = #tpu.pack_format<interleaved>} : vector<32xbf16> -> vector<16xf32>
        %add3A_1099 = arith.addf %unpack3A_1097, %unpack3A_1098 : vector<16xf32>
        %add3A_1100 = arith.addf %add3A_1087, %add3A_1099 : vector<16xf32>
        %get3A_1101 = arith.index_cast %add3A_1062 : i32 to index
        %get3A_1102 = arith.constant 48 : index
        %get3A_1103 = tpu.vector_load %arg8[%get3A_1101, %get3A_1102] {strides = array<i32>} : memref<80x64xi32, #tpu.memory_space<vmem>>, vector<16xi32>,
        %bitcast3A_1104 = vector.bitcast %get3A_1103 : vector<16xi32> to vector<32xbf16>
        %get3A_1105 = arith.index_cast %add3A_1062 : i32 to index
        %get3A_1106 = arith.constant 48 : index
        %get3A_1107 = tpu.vector_load %arg9[%get3A_1105, %get3A_1106] {strides = array<i32>} : memref<80x64xi32, #tpu.memory_space<vmem>>, vector<16xi32>,
        %bitcast3A_1108 = vector.bitcast %get3A_1107 : vector<16xi32> to vector<32xbf16>
        %mul3A_1109 = arith.mulf %bitcast3A_1104, %bitcast3A_1108 : vector<32xbf16>
        %unpack3A_1110 = tpu.unpack_subelements %mul3A_1109, 0 {pack_format = #tpu.pack_format<interleaved>} : vector<32xbf16> -> vector<16xf32>
        %unpack3A_1111 = tpu.unpack_subelements %mul3A_1109, 1 {pack_format = #tpu.pack_format<interleaved>} : vector<32xbf16> -> vector<16xf32>
        %add3A_1112 = arith.addf %unpack3A_1110, %unpack3A_1111 : vector<16xf32>
        %add3A_1113 = arith.addf %add3A_1100, %add3A_1112 : vector<16xf32>
        %eq3A_1114 = arith.constant 15 : i32
        %eq3A_1115 = vector.broadcast %eq3A_1114 : i32 to vector<16xi32>
        %eq3A_1116 = arith.cmpi eq, %iota3A, %eq3A_1115 : vector<16xi32>
        %reduce_sum3A_1117 = arith.constant true
        %reduce_sum3A_1118 = vector.broadcast %reduce_sum3A_1117 : i1 to vector<16xi1>
        %reduce_sum3A_1119 = tpu.scan <sum>, %add3A_1113 masked %reduce_sum3A_1118 : vector<16xf32>, vector<16xi1> -> vector<16xf32>
        %reduce_sum3A_1120 = vector.extract %reduce_sum3A_1119[15] : f32 from vector<16xf32>
        %broadcast_in_dim3A_1121 = vector.broadcast %reduce_sum3A_1120 : f32 to vector<16xf32>
        %select_n3A_1122 = arith.select %eq3A_1116, %broadcast_in_dim3A_1121, %select_n3A_1058 : vector<16xi1>, vector<16xf32>
        %neg3A = arith.constant 0.000000e+00 : f32
        %neg3A_1123 = vector.broadcast %neg3A : f32 to vector<16xf32>
        %neg3A_1124 = arith.subf %neg3A_1123, %select_n3A_1122 : vector<16xf32>
        %exp3A = math.exp %neg3A_1124 : vector<16xf32>
        %add3A_1125 = arith.constant 1.000000e+00 : f32
        %add3A_1126 = vector.broadcast %add3A_1125 : f32 to vector<16xf32>
        %add3A_1127 = arith.addf %add3A_1126, %exp3A : vector<16xf32>
        %div3A = arith.constant 1.000000e+00 : f32
        %div3A_1128 = vector.broadcast %div3A : f32 to vector<16xf32>
        %div3A_1129 = arith.divf %div3A_1128, %add3A_1127 : vector<16xf32>
        %mul3A_1130 = arith.constant 80 : i32
        %mul3A_1131 = arith.muli %mul3A_57, %mul3A_1130 : i32
        %mul3A_1132 = arith.constant 16 : i32
        %mul3A_1133 = arith.muli %scan3A_103, %mul3A_1132 : i32
        %add3A_1134 = arith.addi %mul3A_1131, %mul3A_1133 : i32
        %swap3A = arith.index_cast %add3A_1134 : i32 to index
        %swap3A_1135 = tpu.vector_load %arg12[%swap3A] {strides = array<i32>} : memref<10000xf32, #tpu.memory_space<vmem>>, vector<16xf32>,
        tpu.vector_store %arg12[%swap3A], %div3A_1129 {strides = array<i32>} : memref<10000xf32, #tpu.memory_space<vmem>>, vector<16xf32>,
      }
      %scan3A_73 = arith.constant 5 : i32
      %add3A_74 = arith.constant 2 : i32
      %add3A_75 = arith.addi %mul3A_57, %add3A_74 : i32
      %lt3A = arith.constant 125 : i32
      %lt3A_76 = arith.cmpi slt, %add3A_75, %lt3A : i32
      %convert_element_type3A = arith.extui %lt3A_76 : i1 to i32
      %cond3A = arith.constant 0 : i32
      %cond3A_77 = arith.cmpi ne, %convert_element_type3A, %cond3A : i32
      scf.if %cond3A_77 {
        %add3A_103 = arith.constant 2 : i32
        %add3A_104 = arith.addi %mul3A_57, %add3A_103 : i32
        %mul3A_105 = arith.constant 80 : i32
        %mul3A_106 = arith.muli %add3A_104, %mul3A_105 : i32
        %dma_start3A_107 = tpu.memref_slice %arg6[%mul3A_106] : memref<10000xi32, #tpu.memory_space<vmem>> -> memref<80xi32, #tpu.memory_space<vmem>>
        %dma_start3A_108 = arith.constant 0 : i32
        %dma_start3A_109 = arith.constant 0 : i32
        %dma_start3A_110 = tpu.memref_slice %arg5[%dma_start3A_108, %dma_start3A_109] : memref<10000x64xi32, #tpu.memory_space<vmem_shared>> -> memref<10000x64xi32, #tpu.memory_space<vmem_shared>>
        tpu.enqueue_indirect_dma source(%dma_start3A_110 : memref<10000x64xi32, #tpu.memory_space<vmem_shared>>) target(%arg8 : memref<80x64xi32, #tpu.memory_space<vmem>>) offsets(%dma_start3A_107 : memref<80xi32, #tpu.memory_space<vmem>>) semaphore(%arg13 : memref<!tpu.dma_semaphore, #tpu.memory_space<semaphore_mem>>)
        %mul3A_111 = arith.constant 80 : i32
        %mul3A_112 = arith.muli %add3A_104, %mul3A_111 : i32
        %dma_start3A_113 = tpu.memref_slice %arg7[%mul3A_112] : memref<10000xi32, #tpu.memory_space<vmem>> -> memref<80xi32, #tpu.memory_space<vmem>>
        %dma_start3A_114 = arith.constant 0 : i32
        %dma_start3A_115 = arith.constant 0 : i32
        %dma_start3A_116 = tpu.memref_slice %arg5[%dma_start3A_114, %dma_start3A_115] : memref<10000x64xi32, #tpu.memory_space<vmem_shared>> -> memref<10000x64xi32, #tpu.memory_space<vmem_shared>>
        tpu.enqueue_indirect_dma source(%dma_start3A_116 : memref<10000x64xi32, #tpu.memory_space<vmem_shared>>) target(%arg9 : memref<80x64xi32, #tpu.memory_space<vmem>>) offsets(%dma_start3A_113 : memref<80xi32, #tpu.memory_space<vmem>>) semaphore(%arg13 : memref<!tpu.dma_semaphore, #tpu.memory_space<semaphore_mem>>)
      } else {
      }
      %dma_wait3A_78 = arith.constant 0 : i32
      %dma_wait3A_79 = tpu.memref_slice %arg6[%dma_wait3A_78] : memref<10000xi32, #tpu.memory_space<vmem>> -> memref<80xi32, #tpu.memory_space<vmem>>
      %dma_wait3A_80 = arith.constant 0 : i32
      %dma_wait3A_81 = arith.constant 0 : i32
      %dma_wait3A_82 = tpu.memref_slice %arg5[%dma_wait3A_80, %dma_wait3A_81] : memref<10000x64xi32, #tpu.memory_space<vmem_shared>> -> memref<10000x64xi32, #tpu.memory_space<vmem_shared>>
      tpu.wait_indirect_dma semaphore(%arg14 : memref<!tpu.dma_semaphore, #tpu.memory_space<semaphore_mem>>) src(%dma_wait3A_82 : memref<10000x64xi32, #tpu.memory_space<vmem_shared>>) dst(%arg10 : memref<80x64xi32, #tpu.memory_space<vmem>>)
      %dma_wait3A_83 = arith.constant 0 : i32
      %dma_wait3A_84 = tpu.memref_slice %arg7[%dma_wait3A_83] : memref<10000xi32, #tpu.memory_space<vmem>> -> memref<80xi32, #tpu.memory_space<vmem>>
      %dma_wait3A_85 = arith.constant 0 : i32
      %dma_wait3A_86 = arith.constant 0 : i32
      %dma_wait3A_87 = tpu.memref_slice %arg5[%dma_wait3A_85, %dma_wait3A_86] : memref<10000x64xi32, #tpu.memory_space<vmem_shared>> -> memref<10000x64xi32, #tpu.memory_space<vmem_shared>>
      tpu.wait_indirect_dma semaphore(%arg14 : memref<!tpu.dma_semaphore, #tpu.memory_space<semaphore_mem>>) src(%dma_wait3A_87 : memref<10000x64xi32, #tpu.memory_space<vmem_shared>>) dst(%arg11 : memref<80x64xi32, #tpu.memory_space<vmem>>)
      %add3A_88 = arith.constant 1 : i32
      %add3A_89 = arith.addi %mul3A_57, %add3A_88 : i32
      %scan3A_90 = arith.constant 0 : i32
      %scan3A_91 = arith.constant 0 : i32
      %scan3A_92 = arith.constant 5 : i32
      %scan3A_93 = arith.addi %scan3A_91, %scan3A_92 : i32
      %scan3A_94 = arith.constant 1 : i32
      scf.for %scan3A_103 = %scan3A_91 to %scan3A_93 step %scan3A_94  : i32 {
        %broadcast_in_dim3A = arith.constant 0.000000e+00 : f32
        %broadcast_in_dim3A_104 = vector.broadcast %broadcast_in_dim3A : f32 to vector<16xf32>
        %mul3A_105 = arith.constant 16 : i32
        %mul3A_106 = arith.muli %scan3A_103, %mul3A_105 : i32
        %add3A_107 = arith.constant 0 : i32
        %add3A_108 = arith.addi %mul3A_106, %add3A_107 : i32
        %get3A = arith.index_cast %add3A_108 : i32 to index
        %get3A_109 = arith.constant 0 : index
        %get3A_110 = tpu.vector_load %arg10[%get3A, %get3A_109] {strides = array<i32>} : memref<80x64xi32, #tpu.memory_space<vmem>>, vector<16xi32>,
        %bitcast3A = vector.bitcast %get3A_110 : vector<16xi32> to vector<32xbf16>
        %get3A_111 = arith.index_cast %add3A_108 : i32 to index
        %get3A_112 = arith.constant 0 : index
        %get3A_113 = tpu.vector_load %arg11[%get3A_111, %get3A_112] {strides = array<i32>} : memref<80x64xi32, #tpu.memory_space<vmem>>, vector<16xi32>,
        %bitcast3A_114 = vector.bitcast %get3A_113 : vector<16xi32> to vector<32xbf16>
        %mul3A_115 = arith.mulf %bitcast3A, %bitcast3A_114 : vector<32xbf16>
        %unpack3A = tpu.unpack_subelements %mul3A_115, 0 {pack_format = #tpu.pack_format<interleaved>} : vector<32xbf16> -> vector<16xf32>
        %unpack3A_116 = tpu.unpack_subelements %mul3A_115, 1 {pack_format = #tpu.pack_format<interleaved>} : vector<32xbf16> -> vector<16xf32>
        %add3A_117 = arith.addf %unpack3A, %unpack3A_116 : vector<16xf32>
        %get3A_118 = arith.index_cast %add3A_108 : i32 to index
        %get3A_119 = arith.constant 16 : index
        %get3A_120 = tpu.vector_load %arg10[%get3A_118, %get3A_119] {strides = array<i32>} : memref<80x64xi32, #tpu.memory_space<vmem>>, vector<16xi32>,
        %bitcast3A_121 = vector.bitcast %get3A_120 : vector<16xi32> to vector<32xbf16>
        %get3A_122 = arith.index_cast %add3A_108 : i32 to index
        %get3A_123 = arith.constant 16 : index
        %get3A_124 = tpu.vector_load %arg11[%get3A_122, %get3A_123] {strides = array<i32>} : memref<80x64xi32, #tpu.memory_space<vmem>>, vector<16xi32>,
        %bitcast3A_125 = vector.bitcast %get3A_124 : vector<16xi32> to vector<32xbf16>
        %mul3A_126 = arith.mulf %bitcast3A_121, %bitcast3A_125 : vector<32xbf16>
        %unpack3A_127 = tpu.unpack_subelements %mul3A_126, 0 {pack_format = #tpu.pack_format<interleaved>} : vector<32xbf16> -> vector<16xf32>
        %unpack3A_128 = tpu.unpack_subelements %mul3A_126, 1 {pack_format = #tpu.pack_format<interleaved>} : vector<32xbf16> -> vector<16xf32>
        %add3A_129 = arith.addf %unpack3A_127, %unpack3A_128 : vector<16xf32>
        %add3A_130 = arith.addf %add3A_117, %add3A_129 : vector<16xf32>
        %get3A_131 = arith.index_cast %add3A_108 : i32 to index
        %get3A_132 = arith.constant 32 : index
        %get3A_133 = tpu.vector_load %arg10[%get3A_131, %get3A_132] {strides = array<i32>} : memref<80x64xi32, #tpu.memory_space<vmem>>, vector<16xi32>,
        %bitcast3A_134 = vector.bitcast %get3A_133 : vector<16xi32> to vector<32xbf16>
        %get3A_135 = arith.index_cast %add3A_108 : i32 to index
        %get3A_136 = arith.constant 32 : index
        %get3A_137 = tpu.vector_load %arg11[%get3A_135, %get3A_136] {strides = array<i32>} : memref<80x64xi32, #tpu.memory_space<vmem>>, vector<16xi32>,
        %bitcast3A_138 = vector.bitcast %get3A_137 : vector<16xi32> to vector<32xbf16>
        %mul3A_139 = arith.mulf %bitcast3A_134, %bitcast3A_138 : vector<32xbf16>
        %unpack3A_140 = tpu.unpack_subelements %mul3A_139, 0 {pack_format = #tpu.pack_format<interleaved>} : vector<32xbf16> -> vector<16xf32>
        %unpack3A_141 = tpu.unpack_subelements %mul3A_139, 1 {pack_format = #tpu.pack_format<interleaved>} : vector<32xbf16> -> vector<16xf32>
        %add3A_142 = arith.addf %unpack3A_140, %unpack3A_141 : vector<16xf32>
        %add3A_143 = arith.addf %add3A_130, %add3A_142 : vector<16xf32>
        %get3A_144 = arith.index_cast %add3A_108 : i32 to index
        %get3A_145 = arith.constant 48 : index
        %get3A_146 = tpu.vector_load %arg10[%get3A_144, %get3A_145] {strides = array<i32>} : memref<80x64xi32, #tpu.memory_space<vmem>>, vector<16xi32>,
        %bitcast3A_147 = vector.bitcast %get3A_146 : vector<16xi32> to vector<32xbf16>
        %get3A_148 = arith.index_cast %add3A_108 : i32 to index
        %get3A_149 = arith.constant 48 : index
        %get3A_150 = tpu.vector_load %arg11[%get3A_148, %get3A_149] {strides = array<i32>} : memref<80x64xi32, #tpu.memory_space<vmem>>, vector<16xi32>,
        %bitcast3A_151 = vector.bitcast %get3A_150 : vector<16xi32> to vector<32xbf16>
        %mul3A_152 = arith.mulf %bitcast3A_147, %bitcast3A_151 : vector<32xbf16>
        %unpack3A_153 = tpu.unpack_subelements %mul3A_152, 0 {pack_format = #tpu.pack_format<interleaved>} : vector<32xbf16> -> vector<16xf32>
        %unpack3A_154 = tpu.unpack_subelements %mul3A_152, 1 {pack_format = #tpu.pack_format<interleaved>} : vector<32xbf16> -> vector<16xf32>
        %add3A_155 = arith.addf %unpack3A_153, %unpack3A_154 : vector<16xf32>
        %add3A_156 = arith.addf %add3A_143, %add3A_155 : vector<16xf32>
        %eq3A = arith.constant 0 : i32
        %eq3A_157 = vector.broadcast %eq3A : i32 to vector<16xi32>
        %eq3A_158 = arith.cmpi eq, %iota3A, %eq3A_157 : vector<16xi32>
        %reduce_sum3A = arith.constant true
        %reduce_sum3A_159 = vector.broadcast %reduce_sum3A : i1 to vector<16xi1>
        %reduce_sum3A_160 = tpu.scan <sum>, %add3A_156 masked %reduce_sum3A_159 : vector<16xf32>, vector<16xi1> -> vector<16xf32>
        %reduce_sum3A_161 = vector.extract %reduce_sum3A_160[15] : f32 from vector<16xf32>
        %broadcast_in_dim3A_162 = vector.broadcast %reduce_sum3A_161 : f32 to vector<16xf32>
        %select_n3A = arith.select %eq3A_158, %broadcast_in_dim3A_162, %broadcast_in_dim3A_104 : vector<16xi1>, vector<16xf32>
        %mul3A_163 = arith.constant 16 : i32
        %mul3A_164 = arith.muli %scan3A_103, %mul3A_163 : i32
        %add3A_165 = arith.constant 1 : i32
        %add3A_166 = arith.addi %mul3A_164, %add3A_165 : i32
        %get3A_167 = arith.index_cast %add3A_166 : i32 to index
        %get3A_168 = arith.constant 0 : index
        %get3A_169 = tpu.vector_load %arg10[%get3A_167, %get3A_168] {strides = array<i32>} : memref<80x64xi32, #tpu.memory_space<vmem>>, vector<16xi32>,
        %bitcast3A_170 = vector.bitcast %get3A_169 : vector<16xi32> to vector<32xbf16>
        %get3A_171 = arith.index_cast %add3A_166 : i32 to index
        %get3A_172 = arith.constant 0 : index
        %get3A_173 = tpu.vector_load %arg11[%get3A_171, %get3A_172] {strides = array<i32>} : memref<80x64xi32, #tpu.memory_space<vmem>>, vector<16xi32>,
        %bitcast3A_174 = vector.bitcast %get3A_173 : vector<16xi32> to vector<32xbf16>
        %mul3A_175 = arith.mulf %bitcast3A_170, %bitcast3A_174 : vector<32xbf16>
        %unpack3A_176 = tpu.unpack_subelements %mul3A_175, 0 {pack_format = #tpu.pack_format<interleaved>} : vector<32xbf16> -> vector<16xf32>
        %unpack3A_177 = tpu.unpack_subelements %mul3A_175, 1 {pack_format = #tpu.pack_format<interleaved>} : vector<32xbf16> -> vector<16xf32>
        %add3A_178 = arith.addf %unpack3A_176, %unpack3A_177 : vector<16xf32>
        %get3A_179 = arith.index_cast %add3A_166 : i32 to index
        %get3A_180 = arith.constant 16 : index
        %get3A_181 = tpu.vector_load %arg10[%get3A_179, %get3A_180] {strides = array<i32>} : memref<80x64xi32, #tpu.memory_space<vmem>>, vector<16xi32>,
        %bitcast3A_182 = vector.bitcast %get3A_181 : vector<16xi32> to vector<32xbf16>
        %get3A_183 = arith.index_cast %add3A_166 : i32 to index
        %get3A_184 = arith.constant 16 : index
        %get3A_185 = tpu.vector_load %arg11[%get3A_183, %get3A_184] {strides = array<i32>} : memref<80x64xi32, #tpu.memory_space<vmem>>, vector<16xi32>,
        %bitcast3A_186 = vector.bitcast %get3A_185 : vector<16xi32> to vector<32xbf16>
        %mul3A_187 = arith.mulf %bitcast3A_182, %bitcast3A_186 : vector<32xbf16>
        %unpack3A_188 = tpu.unpack_subelements %mul3A_187, 0 {pack_format = #tpu.pack_format<interleaved>} : vector<32xbf16> -> vector<16xf32>
        %unpack3A_189 = tpu.unpack_subelements %mul3A_187, 1 {pack_format = #tpu.pack_format<interleaved>} : vector<32xbf16> -> vector<16xf32>
        %add3A_190 = arith.addf %unpack3A_188, %unpack3A_189 : vector<16xf32>
        %add3A_191 = arith.addf %add3A_178, %add3A_190 : vector<16xf32>
        %get3A_192 = arith.index_cast %add3A_166 : i32 to index
        %get3A_193 = arith.constant 32 : index
        %get3A_194 = tpu.vector_load %arg10[%get3A_192, %get3A_193] {strides = array<i32>} : memref<80x64xi32, #tpu.memory_space<vmem>>, vector<16xi32>,
        %bitcast3A_195 = vector.bitcast %get3A_194 : vector<16xi32> to vector<32xbf16>
        %get3A_196 = arith.index_cast %add3A_166 : i32 to index
        %get3A_197 = arith.constant 32 : index
        %get3A_198 = tpu.vector_load %arg11[%get3A_196, %get3A_197] {strides = array<i32>} : memref<80x64xi32, #tpu.memory_space<vmem>>, vector<16xi32>,
        %bitcast3A_199 = vector.bitcast %get3A_198 : vector<16xi32> to vector<32xbf16>
        %mul3A_200 = arith.mulf %bitcast3A_195, %bitcast3A_199 : vector<32xbf16>
        %unpack3A_201 = tpu.unpack_subelements %mul3A_200, 0 {pack_format = #tpu.pack_format<interleaved>} : vector<32xbf16> -> vector<16xf32>
        %unpack3A_202 = tpu.unpack_subelements %mul3A_200, 1 {pack_format = #tpu.pack_format<interleaved>} : vector<32xbf16> -> vector<16xf32>
        %add3A_203 = arith.addf %unpack3A_201, %unpack3A_202 : vector<16xf32>
        %add3A_204 = arith.addf %add3A_191, %add3A_203 : vector<16xf32>
        %get3A_205 = arith.index_cast %add3A_166 : i32 to index
        %get3A_206 = arith.constant 48 : index
        %get3A_207 = tpu.vector_load %arg10[%get3A_205, %get3A_206] {strides = array<i32>} : memref<80x64xi32, #tpu.memory_space<vmem>>, vector<16xi32>,
        %bitcast3A_208 = vector.bitcast %get3A_207 : vector<16xi32> to vector<32xbf16>
        %get3A_209 = arith.index_cast %add3A_166 : i32 to index
        %get3A_210 = arith.constant 48 : index
        %get3A_211 = tpu.vector_load %arg11[%get3A_209, %get3A_210] {strides = array<i32>} : memref<80x64xi32, #tpu.memory_space<vmem>>, vector<16xi32>,
        %bitcast3A_212 = vector.bitcast %get3A_211 : vector<16xi32> to vector<32xbf16>
        %mul3A_213 = arith.mulf %bitcast3A_208, %bitcast3A_212 : vector<32xbf16>
        %unpack3A_214 = tpu.unpack_subelements %mul3A_213, 0 {pack_format = #tpu.pack_format<interleaved>} : vector<32xbf16> -> vector<16xf32>
        %unpack3A_215 = tpu.unpack_subelements %mul3A_213, 1 {pack_format = #tpu.pack_format<interleaved>} : vector<32xbf16> -> vector<16xf32>
        %add3A_216 = arith.addf %unpack3A_214, %unpack3A_215 : vector<16xf32>
        %add3A_217 = arith.addf %add3A_204, %add3A_216 : vector<16xf32>
        %eq3A_218 = arith.constant 1 : i32
        %eq3A_219 = vector.broadcast %eq3A_218 : i32 to vector<16xi32>
        %eq3A_220 = arith.cmpi eq, %iota3A, %eq3A_219 : vector<16xi32>
        %reduce_sum3A_221 = arith.constant true
        %reduce_sum3A_222 = vector.broadcast %reduce_sum3A_221 : i1 to vector<16xi1>
        %reduce_sum3A_223 = tpu.scan <sum>, %add3A_217 masked %reduce_sum3A_222 : vector<16xf32>, vector<16xi1> -> vector<16xf32>
        %reduce_sum3A_224 = vector.extract %reduce_sum3A_223[15] : f32 from vector<16xf32>
        %broadcast_in_dim3A_225 = vector.broadcast %reduce_sum3A_224 : f32 to vector<16xf32>
        %select_n3A_226 = arith.select %eq3A_220, %broadcast_in_dim3A_225, %select_n3A : vector<16xi1>, vector<16xf32>
        %mul3A_227 = arith.constant 16 : i32
        %mul3A_228 = arith.muli %scan3A_103, %mul3A_227 : i32
        %add3A_229 = arith.constant 2 : i32
        %add3A_230 = arith.addi %mul3A_228, %add3A_229 : i32
        %get3A_231 = arith.index_cast %add3A_230 : i32 to index
        %get3A_232 = arith.constant 0 : index
        %get3A_233 = tpu.vector_load %arg10[%get3A_231, %get3A_232] {strides = array<i32>} : memref<80x64xi32, #tpu.memory_space<vmem>>, vector<16xi32>,
        %bitcast3A_234 = vector.bitcast %get3A_233 : vector<16xi32> to vector<32xbf16>
        %get3A_235 = arith.index_cast %add3A_230 : i32 to index
        %get3A_236 = arith.constant 0 : index
        %get3A_237 = tpu.vector_load %arg11[%get3A_235, %get3A_236] {strides = array<i32>} : memref<80x64xi32, #tpu.memory_space<vmem>>, vector<16xi32>,
        %bitcast3A_238 = vector.bitcast %get3A_237 : vector<16xi32> to vector<32xbf16>
        %mul3A_239 = arith.mulf %bitcast3A_234, %bitcast3A_238 : vector<32xbf16>
        %unpack3A_240 = tpu.unpack_subelements %mul3A_239, 0 {pack_format = #tpu.pack_format<interleaved>} : vector<32xbf16> -> vector<16xf32>
        %unpack3A_241 = tpu.unpack_subelements %mul3A_239, 1 {pack_format = #tpu.pack_format<interleaved>} : vector<32xbf16> -> vector<16xf32>
        %add3A_242 = arith.addf %unpack3A_240, %unpack3A_241 : vector<16xf32>
        %get3A_243 = arith.index_cast %add3A_230 : i32 to index
        %get3A_244 = arith.constant 16 : index
        %get3A_245 = tpu.vector_load %arg10[%get3A_243, %get3A_244] {strides = array<i32>} : memref<80x64xi32, #tpu.memory_space<vmem>>, vector<16xi32>,
        %bitcast3A_246 = vector.bitcast %get3A_245 : vector<16xi32> to vector<32xbf16>
        %get3A_247 = arith.index_cast %add3A_230 : i32 to index
        %get3A_248 = arith.constant 16 : index
        %get3A_249 = tpu.vector_load %arg11[%get3A_247, %get3A_248] {strides = array<i32>} : memref<80x64xi32, #tpu.memory_space<vmem>>, vector<16xi32>,
        %bitcast3A_250 = vector.bitcast %get3A_249 : vector<16xi32> to vector<32xbf16>
        %mul3A_251 = arith.mulf %bitcast3A_246, %bitcast3A_250 : vector<32xbf16>
        %unpack3A_252 = tpu.unpack_subelements %mul3A_251, 0 {pack_format = #tpu.pack_format<interleaved>} : vector<32xbf16> -> vector<16xf32>
        %unpack3A_253 = tpu.unpack_subelements %mul3A_251, 1 {pack_format = #tpu.pack_format<interleaved>} : vector<32xbf16> -> vector<16xf32>
        %add3A_254 = arith.addf %unpack3A_252, %unpack3A_253 : vector<16xf32>
        %add3A_255 = arith.addf %add3A_242, %add3A_254 : vector<16xf32>
        %get3A_256 = arith.index_cast %add3A_230 : i32 to index
        %get3A_257 = arith.constant 32 : index
        %get3A_258 = tpu.vector_load %arg10[%get3A_256, %get3A_257] {strides = array<i32>} : memref<80x64xi32, #tpu.memory_space<vmem>>, vector<16xi32>,
        %bitcast3A_259 = vector.bitcast %get3A_258 : vector<16xi32> to vector<32xbf16>
        %get3A_260 = arith.index_cast %add3A_230 : i32 to index
        %get3A_261 = arith.constant 32 : index
        %get3A_262 = tpu.vector_load %arg11[%get3A_260, %get3A_261] {strides = array<i32>} : memref<80x64xi32, #tpu.memory_space<vmem>>, vector<16xi32>,
        %bitcast3A_263 = vector.bitcast %get3A_262 : vector<16xi32> to vector<32xbf16>
        %mul3A_264 = arith.mulf %bitcast3A_259, %bitcast3A_263 : vector<32xbf16>
        %unpack3A_265 = tpu.unpack_subelements %mul3A_264, 0 {pack_format = #tpu.pack_format<interleaved>} : vector<32xbf16> -> vector<16xf32>
        %unpack3A_266 = tpu.unpack_subelements %mul3A_264, 1 {pack_format = #tpu.pack_format<interleaved>} : vector<32xbf16> -> vector<16xf32>
        %add3A_267 = arith.addf %unpack3A_265, %unpack3A_266 : vector<16xf32>
        %add3A_268 = arith.addf %add3A_255, %add3A_267 : vector<16xf32>
        %get3A_269 = arith.index_cast %add3A_230 : i32 to index
        %get3A_270 = arith.constant 48 : index
        %get3A_271 = tpu.vector_load %arg10[%get3A_269, %get3A_270] {strides = array<i32>} : memref<80x64xi32, #tpu.memory_space<vmem>>, vector<16xi32>,
        %bitcast3A_272 = vector.bitcast %get3A_271 : vector<16xi32> to vector<32xbf16>
        %get3A_273 = arith.index_cast %add3A_230 : i32 to index
        %get3A_274 = arith.constant 48 : index
        %get3A_275 = tpu.vector_load %arg11[%get3A_273, %get3A_274] {strides = array<i32>} : memref<80x64xi32, #tpu.memory_space<vmem>>, vector<16xi32>,
        %bitcast3A_276 = vector.bitcast %get3A_275 : vector<16xi32> to vector<32xbf16>
        %mul3A_277 = arith.mulf %bitcast3A_272, %bitcast3A_276 : vector<32xbf16>
        %unpack3A_278 = tpu.unpack_subelements %mul3A_277, 0 {pack_format = #tpu.pack_format<interleaved>} : vector<32xbf16> -> vector<16xf32>
        %unpack3A_279 = tpu.unpack_subelements %mul3A_277, 1 {pack_format = #tpu.pack_format<interleaved>} : vector<32xbf16> -> vector<16xf32>
        %add3A_280 = arith.addf %unpack3A_278, %unpack3A_279 : vector<16xf32>
        %add3A_281 = arith.addf %add3A_268, %add3A_280 : vector<16xf32>
        %eq3A_282 = arith.constant 2 : i32
        %eq3A_283 = vector.broadcast %eq3A_282 : i32 to vector<16xi32>
        %eq3A_284 = arith.cmpi eq, %iota3A, %eq3A_283 : vector<16xi32>
        %reduce_sum3A_285 = arith.constant true
        %reduce_sum3A_286 = vector.broadcast %reduce_sum3A_285 : i1 to vector<16xi1>
        %reduce_sum3A_287 = tpu.scan <sum>, %add3A_281 masked %reduce_sum3A_286 : vector<16xf32>, vector<16xi1> -> vector<16xf32>
        %reduce_sum3A_288 = vector.extract %reduce_sum3A_287[15] : f32 from vector<16xf32>
        %broadcast_in_dim3A_289 = vector.broadcast %reduce_sum3A_288 : f32 to vector<16xf32>
        %select_n3A_290 = arith.select %eq3A_284, %broadcast_in_dim3A_289, %select_n3A_226 : vector<16xi1>, vector<16xf32>
        %mul3A_291 = arith.constant 16 : i32
        %mul3A_292 = arith.muli %scan3A_103, %mul3A_291 : i32
        %add3A_293 = arith.constant 3 : i32
        %add3A_294 = arith.addi %mul3A_292, %add3A_293 : i32
        %get3A_295 = arith.index_cast %add3A_294 : i32 to index
        %get3A_296 = arith.constant 0 : index
        %get3A_297 = tpu.vector_load %arg10[%get3A_295, %get3A_296] {strides = array<i32>} : memref<80x64xi32, #tpu.memory_space<vmem>>, vector<16xi32>,
        %bitcast3A_298 = vector.bitcast %get3A_297 : vector<16xi32> to vector<32xbf16>
        %get3A_299 = arith.index_cast %add3A_294 : i32 to index
        %get3A_300 = arith.constant 0 : index
        %get3A_301 = tpu.vector_load %arg11[%get3A_299, %get3A_300] {strides = array<i32>} : memref<80x64xi32, #tpu.memory_space<vmem>>, vector<16xi32>,
        %bitcast3A_302 = vector.bitcast %get3A_301 : vector<16xi32> to vector<32xbf16>
        %mul3A_303 = arith.mulf %bitcast3A_298, %bitcast3A_302 : vector<32xbf16>
        %unpack3A_304 = tpu.unpack_subelements %mul3A_303, 0 {pack_format = #tpu.pack_format<interleaved>} : vector<32xbf16> -> vector<16xf32>
        %unpack3A_305 = tpu.unpack_subelements %mul3A_303, 1 {pack_format = #tpu.pack_format<interleaved>} : vector<32xbf16> -> vector<16xf32>
        %add3A_306 = arith.addf %unpack3A_304, %unpack3A_305 : vector<16xf32>
        %get3A_307 = arith.index_cast %add3A_294 : i32 to index
        %get3A_308 = arith.constant 16 : index
        %get3A_309 = tpu.vector_load %arg10[%get3A_307, %get3A_308] {strides = array<i32>} : memref<80x64xi32, #tpu.memory_space<vmem>>, vector<16xi32>,
        %bitcast3A_310 = vector.bitcast %get3A_309 : vector<16xi32> to vector<32xbf16>
        %get3A_311 = arith.index_cast %add3A_294 : i32 to index
        %get3A_312 = arith.constant 16 : index
        %get3A_313 = tpu.vector_load %arg11[%get3A_311, %get3A_312] {strides = array<i32>} : memref<80x64xi32, #tpu.memory_space<vmem>>, vector<16xi32>,
        %bitcast3A_314 = vector.bitcast %get3A_313 : vector<16xi32> to vector<32xbf16>
        %mul3A_315 = arith.mulf %bitcast3A_310, %bitcast3A_314 : vector<32xbf16>
        %unpack3A_316 = tpu.unpack_subelements %mul3A_315, 0 {pack_format = #tpu.pack_format<interleaved>} : vector<32xbf16> -> vector<16xf32>
        %unpack3A_317 = tpu.unpack_subelements %mul3A_315, 1 {pack_format = #tpu.pack_format<interleaved>} : vector<32xbf16> -> vector<16xf32>
        %add3A_318 = arith.addf %unpack3A_316, %unpack3A_317 : vector<16xf32>
        %add3A_319 = arith.addf %add3A_306, %add3A_318 : vector<16xf32>
        %get3A_320 = arith.index_cast %add3A_294 : i32 to index
        %get3A_321 = arith.constant 32 : index
        %get3A_322 = tpu.vector_load %arg10[%get3A_320, %get3A_321] {strides = array<i32>} : memref<80x64xi32, #tpu.memory_space<vmem>>, vector<16xi32>,
        %bitcast3A_323 = vector.bitcast %get3A_322 : vector<16xi32> to vector<32xbf16>
        %get3A_324 = arith.index_cast %add3A_294 : i32 to index
        %get3A_325 = arith.constant 32 : index
        %get3A_326 = tpu.vector_load %arg11[%get3A_324, %get3A_325] {strides = array<i32>} : memref<80x64xi32, #tpu.memory_space<vmem>>, vector<16xi32>,
        %bitcast3A_327 = vector.bitcast %get3A_326 : vector<16xi32> to vector<32xbf16>
        %mul3A_328 = arith.mulf %bitcast3A_323, %bitcast3A_327 : vector<32xbf16>
        %unpack3A_329 = tpu.unpack_subelements %mul3A_328, 0 {pack_format = #tpu.pack_format<interleaved>} : vector<32xbf16> -> vector<16xf32>
        %unpack3A_330 = tpu.unpack_subelements %mul3A_328, 1 {pack_format = #tpu.pack_format<interleaved>} : vector<32xbf16> -> vector<16xf32>
        %add3A_331 = arith.addf %unpack3A_329, %unpack3A_330 : vector<16xf32>
        %add3A_332 = arith.addf %add3A_319, %add3A_331 : vector<16xf32>
        %get3A_333 = arith.index_cast %add3A_294 : i32 to index
        %get3A_334 = arith.constant 48 : index
        %get3A_335 = tpu.vector_load %arg10[%get3A_333, %get3A_334] {strides = array<i32>} : memref<80x64xi32, #tpu.memory_space<vmem>>, vector<16xi32>,
        %bitcast3A_336 = vector.bitcast %get3A_335 : vector<16xi32> to vector<32xbf16>
        %get3A_337 = arith.index_cast %add3A_294 : i32 to index
        %get3A_338 = arith.constant 48 : index
        %get3A_339 = tpu.vector_load %arg11[%get3A_337, %get3A_338] {strides = array<i32>} : memref<80x64xi32, #tpu.memory_space<vmem>>, vector<16xi32>,
        %bitcast3A_340 = vector.bitcast %get3A_339 : vector<16xi32> to vector<32xbf16>
        %mul3A_341 = arith.mulf %bitcast3A_336, %bitcast3A_340 : vector<32xbf16>
        %unpack3A_342 = tpu.unpack_subelements %mul3A_341, 0 {pack_format = #tpu.pack_format<interleaved>} : vector<32xbf16> -> vector<16xf32>
        %unpack3A_343 = tpu.unpack_subelements %mul3A_341, 1 {pack_format = #tpu.pack_format<interleaved>} : vector<32xbf16> -> vector<16xf32>
        %add3A_344 = arith.addf %unpack3A_342, %unpack3A_343 : vector<16xf32>
        %add3A_345 = arith.addf %add3A_332, %add3A_344 : vector<16xf32>
        %eq3A_346 = arith.constant 3 : i32
        %eq3A_347 = vector.broadcast %eq3A_346 : i32 to vector<16xi32>
        %eq3A_348 = arith.cmpi eq, %iota3A, %eq3A_347 : vector<16xi32>
        %reduce_sum3A_349 = arith.constant true
        %reduce_sum3A_350 = vector.broadcast %reduce_sum3A_349 : i1 to vector<16xi1>
        %reduce_sum3A_351 = tpu.scan <sum>, %add3A_345 masked %reduce_sum3A_350 : vector<16xf32>, vector<16xi1> -> vector<16xf32>
        %reduce_sum3A_352 = vector.extract %reduce_sum3A_351[15] : f32 from vector<16xf32>
        %broadcast_in_dim3A_353 = vector.broadcast %reduce_sum3A_352 : f32 to vector<16xf32>
        %select_n3A_354 = arith.select %eq3A_348, %broadcast_in_dim3A_353, %select_n3A_290 : vector<16xi1>, vector<16xf32>
        %mul3A_355 = arith.constant 16 : i32
        %mul3A_356 = arith.muli %scan3A_103, %mul3A_355 : i32
        %add3A_357 = arith.constant 4 : i32
        %add3A_358 = arith.addi %mul3A_356, %add3A_357 : i32
        %get3A_359 = arith.index_cast %add3A_358 : i32 to index
        %get3A_360 = arith.constant 0 : index
        %get3A_361 = tpu.vector_load %arg10[%get3A_359, %get3A_360] {strides = array<i32>} : memref<80x64xi32, #tpu.memory_space<vmem>>, vector<16xi32>,
        %bitcast3A_362 = vector.bitcast %get3A_361 : vector<16xi32> to vector<32xbf16>
        %get3A_363 = arith.index_cast %add3A_358 : i32 to index
        %get3A_364 = arith.constant 0 : index
        %get3A_365 = tpu.vector_load %arg11[%get3A_363, %get3A_364] {strides = array<i32>} : memref<80x64xi32, #tpu.memory_space<vmem>>, vector<16xi32>,
        %bitcast3A_366 = vector.bitcast %get3A_365 : vector<16xi32> to vector<32xbf16>
        %mul3A_367 = arith.mulf %bitcast3A_362, %bitcast3A_366 : vector<32xbf16>
        %unpack3A_368 = tpu.unpack_subelements %mul3A_367, 0 {pack_format = #tpu.pack_format<interleaved>} : vector<32xbf16> -> vector<16xf32>
        %unpack3A_369 = tpu.unpack_subelements %mul3A_367, 1 {pack_format = #tpu.pack_format<interleaved>} : vector<32xbf16> -> vector<16xf32>
        %add3A_370 = arith.addf %unpack3A_368, %unpack3A_369 : vector<16xf32>
        %get3A_371 = arith.index_cast %add3A_358 : i32 to index
        %get3A_372 = arith.constant 16 : index
        %get3A_373 = tpu.vector_load %arg10[%get3A_371, %get3A_372] {strides = array<i32>} : memref<80x64xi32, #tpu.memory_space<vmem>>, vector<16xi32>,
        %bitcast3A_374 = vector.bitcast %get3A_373 : vector<16xi32> to vector<32xbf16>
        %get3A_375 = arith.index_cast %add3A_358 : i32 to index
        %get3A_376 = arith.constant 16 : index
        %get3A_377 = tpu.vector_load %arg11[%get3A_375, %get3A_376] {strides = array<i32>} : memref<80x64xi32, #tpu.memory_space<vmem>>, vector<16xi32>,
        %bitcast3A_378 = vector.bitcast %get3A_377 : vector<16xi32> to vector<32xbf16>
        %mul3A_379 = arith.mulf %bitcast3A_374, %bitcast3A_378 : vector<32xbf16>
        %unpack3A_380 = tpu.unpack_subelements %mul3A_379, 0 {pack_format = #tpu.pack_format<interleaved>} : vector<32xbf16> -> vector<16xf32>
        %unpack3A_381 = tpu.unpack_subelements %mul3A_379, 1 {pack_format = #tpu.pack_format<interleaved>} : vector<32xbf16> -> vector<16xf32>
        %add3A_382 = arith.addf %unpack3A_380, %unpack3A_381 : vector<16xf32>
        %add3A_383 = arith.addf %add3A_370, %add3A_382 : vector<16xf32>
        %get3A_384 = arith.index_cast %add3A_358 : i32 to index
        %get3A_385 = arith.constant 32 : index
        %get3A_386 = tpu.vector_load %arg10[%get3A_384, %get3A_385] {strides = array<i32>} : memref<80x64xi32, #tpu.memory_space<vmem>>, vector<16xi32>,
        %bitcast3A_387 = vector.bitcast %get3A_386 : vector<16xi32> to vector<32xbf16>
        %get3A_388 = arith.index_cast %add3A_358 : i32 to index
        %get3A_389 = arith.constant 32 : index
        %get3A_390 = tpu.vector_load %arg11[%get3A_388, %get3A_389] {strides = array<i32>} : memref<80x64xi32, #tpu.memory_space<vmem>>, vector<16xi32>,
        %bitcast3A_391 = vector.bitcast %get3A_390 : vector<16xi32> to vector<32xbf16>
        %mul3A_392 = arith.mulf %bitcast3A_387, %bitcast3A_391 : vector<32xbf16>
        %unpack3A_393 = tpu.unpack_subelements %mul3A_392, 0 {pack_format = #tpu.pack_format<interleaved>} : vector<32xbf16> -> vector<16xf32>
        %unpack3A_394 = tpu.unpack_subelements %mul3A_392, 1 {pack_format = #tpu.pack_format<interleaved>} : vector<32xbf16> -> vector<16xf32>
        %add3A_395 = arith.addf %unpack3A_393, %unpack3A_394 : vector<16xf32>
        %add3A_396 = arith.addf %add3A_383, %add3A_395 : vector<16xf32>
        %get3A_397 = arith.index_cast %add3A_358 : i32 to index
        %get3A_398 = arith.constant 48 : index
        %get3A_399 = tpu.vector_load %arg10[%get3A_397, %get3A_398] {strides = array<i32>} : memref<80x64xi32, #tpu.memory_space<vmem>>, vector<16xi32>,
        %bitcast3A_400 = vector.bitcast %get3A_399 : vector<16xi32> to vector<32xbf16>
        %get3A_401 = arith.index_cast %add3A_358 : i32 to index
        %get3A_402 = arith.constant 48 : index
        %get3A_403 = tpu.vector_load %arg11[%get3A_401, %get3A_402] {strides = array<i32>} : memref<80x64xi32, #tpu.memory_space<vmem>>, vector<16xi32>,
        %bitcast3A_404 = vector.bitcast %get3A_403 : vector<16xi32> to vector<32xbf16>
        %mul3A_405 = arith.mulf %bitcast3A_400, %bitcast3A_404 : vector<32xbf16>
        %unpack3A_406 = tpu.unpack_subelements %mul3A_405, 0 {pack_format = #tpu.pack_format<interleaved>} : vector<32xbf16> -> vector<16xf32>
        %unpack3A_407 = tpu.unpack_subelements %mul3A_405, 1 {pack_format = #tpu.pack_format<interleaved>} : vector<32xbf16> -> vector<16xf32>
        %add3A_408 = arith.addf %unpack3A_406, %unpack3A_407 : vector<16xf32>
        %add3A_409 = arith.addf %add3A_396, %add3A_408 : vector<16xf32>
        %eq3A_410 = arith.constant 4 : i32
        %eq3A_411 = vector.broadcast %eq3A_410 : i32 to vector<16xi32>
        %eq3A_412 = arith.cmpi eq, %iota3A, %eq3A_411 : vector<16xi32>
        %reduce_sum3A_413 = arith.constant true
        %reduce_sum3A_414 = vector.broadcast %reduce_sum3A_413 : i1 to vector<16xi1>
        %reduce_sum3A_415 = tpu.scan <sum>, %add3A_409 masked %reduce_sum3A_414 : vector<16xf32>, vector<16xi1> -> vector<16xf32>
        %reduce_sum3A_416 = vector.extract %reduce_sum3A_415[15] : f32 from vector<16xf32>
        %broadcast_in_dim3A_417 = vector.broadcast %reduce_sum3A_416 : f32 to vector<16xf32>
        %select_n3A_418 = arith.select %eq3A_412, %broadcast_in_dim3A_417, %select_n3A_354 : vector<16xi1>, vector<16xf32>
        %mul3A_419 = arith.constant 16 : i32
        %mul3A_420 = arith.muli %scan3A_103, %mul3A_419 : i32
        %add3A_421 = arith.constant 5 : i32
        %add3A_422 = arith.addi %mul3A_420, %add3A_421 : i32
        %get3A_423 = arith.index_cast %add3A_422 : i32 to index
        %get3A_424 = arith.constant 0 : index
        %get3A_425 = tpu.vector_load %arg10[%get3A_423, %get3A_424] {strides = array<i32>} : memref<80x64xi32, #tpu.memory_space<vmem>>, vector<16xi32>,
        %bitcast3A_426 = vector.bitcast %get3A_425 : vector<16xi32> to vector<32xbf16>
        %get3A_427 = arith.index_cast %add3A_422 : i32 to index
        %get3A_428 = arith.constant 0 : index
        %get3A_429 = tpu.vector_load %arg11[%get3A_427, %get3A_428] {strides = array<i32>} : memref<80x64xi32, #tpu.memory_space<vmem>>, vector<16xi32>,
        %bitcast3A_430 = vector.bitcast %get3A_429 : vector<16xi32> to vector<32xbf16>
        %mul3A_431 = arith.mulf %bitcast3A_426, %bitcast3A_430 : vector<32xbf16>
        %unpack3A_432 = tpu.unpack_subelements %mul3A_431, 0 {pack_format = #tpu.pack_format<interleaved>} : vector<32xbf16> -> vector<16xf32>
        %unpack3A_433 = tpu.unpack_subelements %mul3A_431, 1 {pack_format = #tpu.pack_format<interleaved>} : vector<32xbf16> -> vector<16xf32>
        %add3A_434 = arith.addf %unpack3A_432, %unpack3A_433 : vector<16xf32>
        %get3A_435 = arith.index_cast %add3A_422 : i32 to index
        %get3A_436 = arith.constant 16 : index
        %get3A_437 = tpu.vector_load %arg10[%get3A_435, %get3A_436] {strides = array<i32>} : memref<80x64xi32, #tpu.memory_space<vmem>>, vector<16xi32>,
        %bitcast3A_438 = vector.bitcast %get3A_437 : vector<16xi32> to vector<32xbf16>
        %get3A_439 = arith.index_cast %add3A_422 : i32 to index
        %get3A_440 = arith.constant 16 : index
        %get3A_441 = tpu.vector_load %arg11[%get3A_439, %get3A_440] {strides = array<i32>} : memref<80x64xi32, #tpu.memory_space<vmem>>, vector<16xi32>,
        %bitcast3A_442 = vector.bitcast %get3A_441 : vector<16xi32> to vector<32xbf16>
        %mul3A_443 = arith.mulf %bitcast3A_438, %bitcast3A_442 : vector<32xbf16>
        %unpack3A_444 = tpu.unpack_subelements %mul3A_443, 0 {pack_format = #tpu.pack_format<interleaved>} : vector<32xbf16> -> vector<16xf32>
        %unpack3A_445 = tpu.unpack_subelements %mul3A_443, 1 {pack_format = #tpu.pack_format<interleaved>} : vector<32xbf16> -> vector<16xf32>
        %add3A_446 = arith.addf %unpack3A_444, %unpack3A_445 : vector<16xf32>
        %add3A_447 = arith.addf %add3A_434, %add3A_446 : vector<16xf32>
        %get3A_448 = arith.index_cast %add3A_422 : i32 to index
        %get3A_449 = arith.constant 32 : index
        %get3A_450 = tpu.vector_load %arg10[%get3A_448, %get3A_449] {strides = array<i32>} : memref<80x64xi32, #tpu.memory_space<vmem>>, vector<16xi32>,
        %bitcast3A_451 = vector.bitcast %get3A_450 : vector<16xi32> to vector<32xbf16>
        %get3A_452 = arith.index_cast %add3A_422 : i32 to index
        %get3A_453 = arith.constant 32 : index
        %get3A_454 = tpu.vector_load %arg11[%get3A_452, %get3A_453] {strides = array<i32>} : memref<80x64xi32, #tpu.memory_space<vmem>>, vector<16xi32>,
        %bitcast3A_455 = vector.bitcast %get3A_454 : vector<16xi32> to vector<32xbf16>
        %mul3A_456 = arith.mulf %bitcast3A_451, %bitcast3A_455 : vector<32xbf16>
        %unpack3A_457 = tpu.unpack_subelements %mul3A_456, 0 {pack_format = #tpu.pack_format<interleaved>} : vector<32xbf16> -> vector<16xf32>
        %unpack3A_458 = tpu.unpack_subelements %mul3A_456, 1 {pack_format = #tpu.pack_format<interleaved>} : vector<32xbf16> -> vector<16xf32>
        %add3A_459 = arith.addf %unpack3A_457, %unpack3A_458 : vector<16xf32>
        %add3A_460 = arith.addf %add3A_447, %add3A_459 : vector<16xf32>
        %get3A_461 = arith.index_cast %add3A_422 : i32 to index
        %get3A_462 = arith.constant 48 : index
        %get3A_463 = tpu.vector_load %arg10[%get3A_461, %get3A_462] {strides = array<i32>} : memref<80x64xi32, #tpu.memory_space<vmem>>, vector<16xi32>,
        %bitcast3A_464 = vector.bitcast %get3A_463 : vector<16xi32> to vector<32xbf16>
        %get3A_465 = arith.index_cast %add3A_422 : i32 to index
        %get3A_466 = arith.constant 48 : index
        %get3A_467 = tpu.vector_load %arg11[%get3A_465, %get3A_466] {strides = array<i32>} : memref<80x64xi32, #tpu.memory_space<vmem>>, vector<16xi32>,
        %bitcast3A_468 = vector.bitcast %get3A_467 : vector<16xi32> to vector<32xbf16>
        %mul3A_469 = arith.mulf %bitcast3A_464, %bitcast3A_468 : vector<32xbf16>
        %unpack3A_470 = tpu.unpack_subelements %mul3A_469, 0 {pack_format = #tpu.pack_format<interleaved>} : vector<32xbf16> -> vector<16xf32>
        %unpack3A_471 = tpu.unpack_subelements %mul3A_469, 1 {pack_format = #tpu.pack_format<interleaved>} : vector<32xbf16> -> vector<16xf32>
        %add3A_472 = arith.addf %unpack3A_470, %unpack3A_471 : vector<16xf32>
        %add3A_473 = arith.addf %add3A_460, %add3A_472 : vector<16xf32>
        %eq3A_474 = arith.constant 5 : i32
        %eq3A_475 = vector.broadcast %eq3A_474 : i32 to vector<16xi32>
        %eq3A_476 = arith.cmpi eq, %iota3A, %eq3A_475 : vector<16xi32>
        %reduce_sum3A_477 = arith.constant true
        %reduce_sum3A_478 = vector.broadcast %reduce_sum3A_477 : i1 to vector<16xi1>
        %reduce_sum3A_479 = tpu.scan <sum>, %add3A_473 masked %reduce_sum3A_478 : vector<16xf32>, vector<16xi1> -> vector<16xf32>
        %reduce_sum3A_480 = vector.extract %reduce_sum3A_479[15] : f32 from vector<16xf32>
        %broadcast_in_dim3A_481 = vector.broadcast %reduce_sum3A_480 : f32 to vector<16xf32>
        %select_n3A_482 = arith.select %eq3A_476, %broadcast_in_dim3A_481, %select_n3A_418 : vector<16xi1>, vector<16xf32>
        %mul3A_483 = arith.constant 16 : i32
        %mul3A_484 = arith.muli %scan3A_103, %mul3A_483 : i32
        %add3A_485 = arith.constant 6 : i32
        %add3A_486 = arith.addi %mul3A_484, %add3A_485 : i32
        %get3A_487 = arith.index_cast %add3A_486 : i32 to index
        %get3A_488 = arith.constant 0 : index
        %get3A_489 = tpu.vector_load %arg10[%get3A_487, %get3A_488] {strides = array<i32>} : memref<80x64xi32, #tpu.memory_space<vmem>>, vector<16xi32>,
        %bitcast3A_490 = vector.bitcast %get3A_489 : vector<16xi32> to vector<32xbf16>
        %get3A_491 = arith.index_cast %add3A_486 : i32 to index
        %get3A_492 = arith.constant 0 : index
        %get3A_493 = tpu.vector_load %arg11[%get3A_491, %get3A_492] {strides = array<i32>} : memref<80x64xi32, #tpu.memory_space<vmem>>, vector<16xi32>,
        %bitcast3A_494 = vector.bitcast %get3A_493 : vector<16xi32> to vector<32xbf16>
        %mul3A_495 = arith.mulf %bitcast3A_490, %bitcast3A_494 : vector<32xbf16>
        %unpack3A_496 = tpu.unpack_subelements %mul3A_495, 0 {pack_format = #tpu.pack_format<interleaved>} : vector<32xbf16> -> vector<16xf32>
        %unpack3A_497 = tpu.unpack_subelements %mul3A_495, 1 {pack_format = #tpu.pack_format<interleaved>} : vector<32xbf16> -> vector<16xf32>
        %add3A_498 = arith.addf %unpack3A_496, %unpack3A_497 : vector<16xf32>
        %get3A_499 = arith.index_cast %add3A_486 : i32 to index
        %get3A_500 = arith.constant 16 : index
        %get3A_501 = tpu.vector_load %arg10[%get3A_499, %get3A_500] {strides = array<i32>} : memref<80x64xi32, #tpu.memory_space<vmem>>, vector<16xi32>,
        %bitcast3A_502 = vector.bitcast %get3A_501 : vector<16xi32> to vector<32xbf16>
        %get3A_503 = arith.index_cast %add3A_486 : i32 to index
        %get3A_504 = arith.constant 16 : index
        %get3A_505 = tpu.vector_load %arg11[%get3A_503, %get3A_504] {strides = array<i32>} : memref<80x64xi32, #tpu.memory_space<vmem>>, vector<16xi32>,
        %bitcast3A_506 = vector.bitcast %get3A_505 : vector<16xi32> to vector<32xbf16>
        %mul3A_507 = arith.mulf %bitcast3A_502, %bitcast3A_506 : vector<32xbf16>
        %unpack3A_508 = tpu.unpack_subelements %mul3A_507, 0 {pack_format = #tpu.pack_format<interleaved>} : vector<32xbf16> -> vector<16xf32>
        %unpack3A_509 = tpu.unpack_subelements %mul3A_507, 1 {pack_format = #tpu.pack_format<interleaved>} : vector<32xbf16> -> vector<16xf32>
        %add3A_510 = arith.addf %unpack3A_508, %unpack3A_509 : vector<16xf32>
        %add3A_511 = arith.addf %add3A_498, %add3A_510 : vector<16xf32>
        %get3A_512 = arith.index_cast %add3A_486 : i32 to index
        %get3A_513 = arith.constant 32 : index
        %get3A_514 = tpu.vector_load %arg10[%get3A_512, %get3A_513] {strides = array<i32>} : memref<80x64xi32, #tpu.memory_space<vmem>>, vector<16xi32>,
        %bitcast3A_515 = vector.bitcast %get3A_514 : vector<16xi32> to vector<32xbf16>
        %get3A_516 = arith.index_cast %add3A_486 : i32 to index
        %get3A_517 = arith.constant 32 : index
        %get3A_518 = tpu.vector_load %arg11[%get3A_516, %get3A_517] {strides = array<i32>} : memref<80x64xi32, #tpu.memory_space<vmem>>, vector<16xi32>,
        %bitcast3A_519 = vector.bitcast %get3A_518 : vector<16xi32> to vector<32xbf16>
        %mul3A_520 = arith.mulf %bitcast3A_515, %bitcast3A_519 : vector<32xbf16>
        %unpack3A_521 = tpu.unpack_subelements %mul3A_520, 0 {pack_format = #tpu.pack_format<interleaved>} : vector<32xbf16> -> vector<16xf32>
        %unpack3A_522 = tpu.unpack_subelements %mul3A_520, 1 {pack_format = #tpu.pack_format<interleaved>} : vector<32xbf16> -> vector<16xf32>
        %add3A_523 = arith.addf %unpack3A_521, %unpack3A_522 : vector<16xf32>
        %add3A_524 = arith.addf %add3A_511, %add3A_523 : vector<16xf32>
        %get3A_525 = arith.index_cast %add3A_486 : i32 to index
        %get3A_526 = arith.constant 48 : index
        %get3A_527 = tpu.vector_load %arg10[%get3A_525, %get3A_526] {strides = array<i32>} : memref<80x64xi32, #tpu.memory_space<vmem>>, vector<16xi32>,
        %bitcast3A_528 = vector.bitcast %get3A_527 : vector<16xi32> to vector<32xbf16>
        %get3A_529 = arith.index_cast %add3A_486 : i32 to index
        %get3A_530 = arith.constant 48 : index
        %get3A_531 = tpu.vector_load %arg11[%get3A_529, %get3A_530] {strides = array<i32>} : memref<80x64xi32, #tpu.memory_space<vmem>>, vector<16xi32>,
        %bitcast3A_532 = vector.bitcast %get3A_531 : vector<16xi32> to vector<32xbf16>
        %mul3A_533 = arith.mulf %bitcast3A_528, %bitcast3A_532 : vector<32xbf16>
        %unpack3A_534 = tpu.unpack_subelements %mul3A_533, 0 {pack_format = #tpu.pack_format<interleaved>} : vector<32xbf16> -> vector<16xf32>
        %unpack3A_535 = tpu.unpack_subelements %mul3A_533, 1 {pack_format = #tpu.pack_format<interleaved>} : vector<32xbf16> -> vector<16xf32>
        %add3A_536 = arith.addf %unpack3A_534, %unpack3A_535 : vector<16xf32>
        %add3A_537 = arith.addf %add3A_524, %add3A_536 : vector<16xf32>
        %eq3A_538 = arith.constant 6 : i32
        %eq3A_539 = vector.broadcast %eq3A_538 : i32 to vector<16xi32>
        %eq3A_540 = arith.cmpi eq, %iota3A, %eq3A_539 : vector<16xi32>
        %reduce_sum3A_541 = arith.constant true
        %reduce_sum3A_542 = vector.broadcast %reduce_sum3A_541 : i1 to vector<16xi1>
        %reduce_sum3A_543 = tpu.scan <sum>, %add3A_537 masked %reduce_sum3A_542 : vector<16xf32>, vector<16xi1> -> vector<16xf32>
        %reduce_sum3A_544 = vector.extract %reduce_sum3A_543[15] : f32 from vector<16xf32>
        %broadcast_in_dim3A_545 = vector.broadcast %reduce_sum3A_544 : f32 to vector<16xf32>
        %select_n3A_546 = arith.select %eq3A_540, %broadcast_in_dim3A_545, %select_n3A_482 : vector<16xi1>, vector<16xf32>
        %mul3A_547 = arith.constant 16 : i32
        %mul3A_548 = arith.muli %scan3A_103, %mul3A_547 : i32
        %add3A_549 = arith.constant 7 : i32
        %add3A_550 = arith.addi %mul3A_548, %add3A_549 : i32
        %get3A_551 = arith.index_cast %add3A_550 : i32 to index
        %get3A_552 = arith.constant 0 : index
        %get3A_553 = tpu.vector_load %arg10[%get3A_551, %get3A_552] {strides = array<i32>} : memref<80x64xi32, #tpu.memory_space<vmem>>, vector<16xi32>,
        %bitcast3A_554 = vector.bitcast %get3A_553 : vector<16xi32> to vector<32xbf16>
        %get3A_555 = arith.index_cast %add3A_550 : i32 to index
        %get3A_556 = arith.constant 0 : index
        %get3A_557 = tpu.vector_load %arg11[%get3A_555, %get3A_556] {strides = array<i32>} : memref<80x64xi32, #tpu.memory_space<vmem>>, vector<16xi32>,
        %bitcast3A_558 = vector.bitcast %get3A_557 : vector<16xi32> to vector<32xbf16>
        %mul3A_559 = arith.mulf %bitcast3A_554, %bitcast3A_558 : vector<32xbf16>
        %unpack3A_560 = tpu.unpack_subelements %mul3A_559, 0 {pack_format = #tpu.pack_format<interleaved>} : vector<32xbf16> -> vector<16xf32>
        %unpack3A_561 = tpu.unpack_subelements %mul3A_559, 1 {pack_format = #tpu.pack_format<interleaved>} : vector<32xbf16> -> vector<16xf32>
        %add3A_562 = arith.addf %unpack3A_560, %unpack3A_561 : vector<16xf32>
        %get3A_563 = arith.index_cast %add3A_550 : i32 to index
        %get3A_564 = arith.constant 16 : index
        %get3A_565 = tpu.vector_load %arg10[%get3A_563, %get3A_564] {strides = array<i32>} : memref<80x64xi32, #tpu.memory_space<vmem>>, vector<16xi32>,
        %bitcast3A_566 = vector.bitcast %get3A_565 : vector<16xi32> to vector<32xbf16>
        %get3A_567 = arith.index_cast %add3A_550 : i32 to index
        %get3A_568 = arith.constant 16 : index
        %get3A_569 = tpu.vector_load %arg11[%get3A_567, %get3A_568] {strides = array<i32>} : memref<80x64xi32, #tpu.memory_space<vmem>>, vector<16xi32>,
        %bitcast3A_570 = vector.bitcast %get3A_569 : vector<16xi32> to vector<32xbf16>
        %mul3A_571 = arith.mulf %bitcast3A_566, %bitcast3A_570 : vector<32xbf16>
        %unpack3A_572 = tpu.unpack_subelements %mul3A_571, 0 {pack_format = #tpu.pack_format<interleaved>} : vector<32xbf16> -> vector<16xf32>
        %unpack3A_573 = tpu.unpack_subelements %mul3A_571, 1 {pack_format = #tpu.pack_format<interleaved>} : vector<32xbf16> -> vector<16xf32>
        %add3A_574 = arith.addf %unpack3A_572, %unpack3A_573 : vector<16xf32>
        %add3A_575 = arith.addf %add3A_562, %add3A_574 : vector<16xf32>
        %get3A_576 = arith.index_cast %add3A_550 : i32 to index
        %get3A_577 = arith.constant 32 : index
        %get3A_578 = tpu.vector_load %arg10[%get3A_576, %get3A_577] {strides = array<i32>} : memref<80x64xi32, #tpu.memory_space<vmem>>, vector<16xi32>,
        %bitcast3A_579 = vector.bitcast %get3A_578 : vector<16xi32> to vector<32xbf16>
        %get3A_580 = arith.index_cast %add3A_550 : i32 to index
        %get3A_581 = arith.constant 32 : index
        %get3A_582 = tpu.vector_load %arg11[%get3A_580, %get3A_581] {strides = array<i32>} : memref<80x64xi32, #tpu.memory_space<vmem>>, vector<16xi32>,
        %bitcast3A_583 = vector.bitcast %get3A_582 : vector<16xi32> to vector<32xbf16>
        %mul3A_584 = arith.mulf %bitcast3A_579, %bitcast3A_583 : vector<32xbf16>
        %unpack3A_585 = tpu.unpack_subelements %mul3A_584, 0 {pack_format = #tpu.pack_format<interleaved>} : vector<32xbf16> -> vector<16xf32>
        %unpack3A_586 = tpu.unpack_subelements %mul3A_584, 1 {pack_format = #tpu.pack_format<interleaved>} : vector<32xbf16> -> vector<16xf32>
        %add3A_587 = arith.addf %unpack3A_585, %unpack3A_586 : vector<16xf32>
        %add3A_588 = arith.addf %add3A_575, %add3A_587 : vector<16xf32>
        %get3A_589 = arith.index_cast %add3A_550 : i32 to index
        %get3A_590 = arith.constant 48 : index
        %get3A_591 = tpu.vector_load %arg10[%get3A_589, %get3A_590] {strides = array<i32>} : memref<80x64xi32, #tpu.memory_space<vmem>>, vector<16xi32>,
        %bitcast3A_592 = vector.bitcast %get3A_591 : vector<16xi32> to vector<32xbf16>
        %get3A_593 = arith.index_cast %add3A_550 : i32 to index
        %get3A_594 = arith.constant 48 : index
        %get3A_595 = tpu.vector_load %arg11[%get3A_593, %get3A_594] {strides = array<i32>} : memref<80x64xi32, #tpu.memory_space<vmem>>, vector<16xi32>,
        %bitcast3A_596 = vector.bitcast %get3A_595 : vector<16xi32> to vector<32xbf16>
        %mul3A_597 = arith.mulf %bitcast3A_592, %bitcast3A_596 : vector<32xbf16>
        %unpack3A_598 = tpu.unpack_subelements %mul3A_597, 0 {pack_format = #tpu.pack_format<interleaved>} : vector<32xbf16> -> vector<16xf32>
        %unpack3A_599 = tpu.unpack_subelements %mul3A_597, 1 {pack_format = #tpu.pack_format<interleaved>} : vector<32xbf16> -> vector<16xf32>
        %add3A_600 = arith.addf %unpack3A_598, %unpack3A_599 : vector<16xf32>
        %add3A_601 = arith.addf %add3A_588, %add3A_600 : vector<16xf32>
        %eq3A_602 = arith.constant 7 : i32
        %eq3A_603 = vector.broadcast %eq3A_602 : i32 to vector<16xi32>
        %eq3A_604 = arith.cmpi eq, %iota3A, %eq3A_603 : vector<16xi32>
        %reduce_sum3A_605 = arith.constant true
        %reduce_sum3A_606 = vector.broadcast %reduce_sum3A_605 : i1 to vector<16xi1>
        %reduce_sum3A_607 = tpu.scan <sum>, %add3A_601 masked %reduce_sum3A_606 : vector<16xf32>, vector<16xi1> -> vector<16xf32>
        %reduce_sum3A_608 = vector.extract %reduce_sum3A_607[15] : f32 from vector<16xf32>
        %broadcast_in_dim3A_609 = vector.broadcast %reduce_sum3A_608 : f32 to vector<16xf32>
        %select_n3A_610 = arith.select %eq3A_604, %broadcast_in_dim3A_609, %select_n3A_546 : vector<16xi1>, vector<16xf32>
        %mul3A_611 = arith.constant 16 : i32
        %mul3A_612 = arith.muli %scan3A_103, %mul3A_611 : i32
        %add3A_613 = arith.constant 8 : i32
        %add3A_614 = arith.addi %mul3A_612, %add3A_613 : i32
        %get3A_615 = arith.index_cast %add3A_614 : i32 to index
        %get3A_616 = arith.constant 0 : index
        %get3A_617 = tpu.vector_load %arg10[%get3A_615, %get3A_616] {strides = array<i32>} : memref<80x64xi32, #tpu.memory_space<vmem>>, vector<16xi32>,
        %bitcast3A_618 = vector.bitcast %get3A_617 : vector<16xi32> to vector<32xbf16>
        %get3A_619 = arith.index_cast %add3A_614 : i32 to index
        %get3A_620 = arith.constant 0 : index
        %get3A_621 = tpu.vector_load %arg11[%get3A_619, %get3A_620] {strides = array<i32>} : memref<80x64xi32, #tpu.memory_space<vmem>>, vector<16xi32>,
        %bitcast3A_622 = vector.bitcast %get3A_621 : vector<16xi32> to vector<32xbf16>
        %mul3A_623 = arith.mulf %bitcast3A_618, %bitcast3A_622 : vector<32xbf16>
        %unpack3A_624 = tpu.unpack_subelements %mul3A_623, 0 {pack_format = #tpu.pack_format<interleaved>} : vector<32xbf16> -> vector<16xf32>
        %unpack3A_625 = tpu.unpack_subelements %mul3A_623, 1 {pack_format = #tpu.pack_format<interleaved>} : vector<32xbf16> -> vector<16xf32>
        %add3A_626 = arith.addf %unpack3A_624, %unpack3A_625 : vector<16xf32>
        %get3A_627 = arith.index_cast %add3A_614 : i32 to index
        %get3A_628 = arith.constant 16 : index
        %get3A_629 = tpu.vector_load %arg10[%get3A_627, %get3A_628] {strides = array<i32>} : memref<80x64xi32, #tpu.memory_space<vmem>>, vector<16xi32>,
        %bitcast3A_630 = vector.bitcast %get3A_629 : vector<16xi32> to vector<32xbf16>
        %get3A_631 = arith.index_cast %add3A_614 : i32 to index
        %get3A_632 = arith.constant 16 : index
        %get3A_633 = tpu.vector_load %arg11[%get3A_631, %get3A_632] {strides = array<i32>} : memref<80x64xi32, #tpu.memory_space<vmem>>, vector<16xi32>,
        %bitcast3A_634 = vector.bitcast %get3A_633 : vector<16xi32> to vector<32xbf16>
        %mul3A_635 = arith.mulf %bitcast3A_630, %bitcast3A_634 : vector<32xbf16>
        %unpack3A_636 = tpu.unpack_subelements %mul3A_635, 0 {pack_format = #tpu.pack_format<interleaved>} : vector<32xbf16> -> vector<16xf32>
        %unpack3A_637 = tpu.unpack_subelements %mul3A_635, 1 {pack_format = #tpu.pack_format<interleaved>} : vector<32xbf16> -> vector<16xf32>
        %add3A_638 = arith.addf %unpack3A_636, %unpack3A_637 : vector<16xf32>
        %add3A_639 = arith.addf %add3A_626, %add3A_638 : vector<16xf32>
        %get3A_640 = arith.index_cast %add3A_614 : i32 to index
        %get3A_641 = arith.constant 32 : index
        %get3A_642 = tpu.vector_load %arg10[%get3A_640, %get3A_641] {strides = array<i32>} : memref<80x64xi32, #tpu.memory_space<vmem>>, vector<16xi32>,
        %bitcast3A_643 = vector.bitcast %get3A_642 : vector<16xi32> to vector<32xbf16>
        %get3A_644 = arith.index_cast %add3A_614 : i32 to index
        %get3A_645 = arith.constant 32 : index
        %get3A_646 = tpu.vector_load %arg11[%get3A_644, %get3A_645] {strides = array<i32>} : memref<80x64xi32, #tpu.memory_space<vmem>>, vector<16xi32>,
        %bitcast3A_647 = vector.bitcast %get3A_646 : vector<16xi32> to vector<32xbf16>
        %mul3A_648 = arith.mulf %bitcast3A_643, %bitcast3A_647 : vector<32xbf16>
        %unpack3A_649 = tpu.unpack_subelements %mul3A_648, 0 {pack_format = #tpu.pack_format<interleaved>} : vector<32xbf16> -> vector<16xf32>
        %unpack3A_650 = tpu.unpack_subelements %mul3A_648, 1 {pack_format = #tpu.pack_format<interleaved>} : vector<32xbf16> -> vector<16xf32>
        %add3A_651 = arith.addf %unpack3A_649, %unpack3A_650 : vector<16xf32>
        %add3A_652 = arith.addf %add3A_639, %add3A_651 : vector<16xf32>
        %get3A_653 = arith.index_cast %add3A_614 : i32 to index
        %get3A_654 = arith.constant 48 : index
        %get3A_655 = tpu.vector_load %arg10[%get3A_653, %get3A_654] {strides = array<i32>} : memref<80x64xi32, #tpu.memory_space<vmem>>, vector<16xi32>,
        %bitcast3A_656 = vector.bitcast %get3A_655 : vector<16xi32> to vector<32xbf16>
        %get3A_657 = arith.index_cast %add3A_614 : i32 to index
        %get3A_658 = arith.constant 48 : index
        %get3A_659 = tpu.vector_load %arg11[%get3A_657, %get3A_658] {strides = array<i32>} : memref<80x64xi32, #tpu.memory_space<vmem>>, vector<16xi32>,
        %bitcast3A_660 = vector.bitcast %get3A_659 : vector<16xi32> to vector<32xbf16>
        %mul3A_661 = arith.mulf %bitcast3A_656, %bitcast3A_660 : vector<32xbf16>
        %unpack3A_662 = tpu.unpack_subelements %mul3A_661, 0 {pack_format = #tpu.pack_format<interleaved>} : vector<32xbf16> -> vector<16xf32>
        %unpack3A_663 = tpu.unpack_subelements %mul3A_661, 1 {pack_format = #tpu.pack_format<interleaved>} : vector<32xbf16> -> vector<16xf32>
        %add3A_664 = arith.addf %unpack3A_662, %unpack3A_663 : vector<16xf32>
        %add3A_665 = arith.addf %add3A_652, %add3A_664 : vector<16xf32>
        %eq3A_666 = arith.constant 8 : i32
        %eq3A_667 = vector.broadcast %eq3A_666 : i32 to vector<16xi32>
        %eq3A_668 = arith.cmpi eq, %iota3A, %eq3A_667 : vector<16xi32>
        %reduce_sum3A_669 = arith.constant true
        %reduce_sum3A_670 = vector.broadcast %reduce_sum3A_669 : i1 to vector<16xi1>
        %reduce_sum3A_671 = tpu.scan <sum>, %add3A_665 masked %reduce_sum3A_670 : vector<16xf32>, vector<16xi1> -> vector<16xf32>
        %reduce_sum3A_672 = vector.extract %reduce_sum3A_671[15] : f32 from vector<16xf32>
        %broadcast_in_dim3A_673 = vector.broadcast %reduce_sum3A_672 : f32 to vector<16xf32>
        %select_n3A_674 = arith.select %eq3A_668, %broadcast_in_dim3A_673, %select_n3A_610 : vector<16xi1>, vector<16xf32>
        %mul3A_675 = arith.constant 16 : i32
        %mul3A_676 = arith.muli %scan3A_103, %mul3A_675 : i32
        %add3A_677 = arith.constant 9 : i32
        %add3A_678 = arith.addi %mul3A_676, %add3A_677 : i32
        %get3A_679 = arith.index_cast %add3A_678 : i32 to index
        %get3A_680 = arith.constant 0 : index
        %get3A_681 = tpu.vector_load %arg10[%get3A_679, %get3A_680] {strides = array<i32>} : memref<80x64xi32, #tpu.memory_space<vmem>>, vector<16xi32>,
        %bitcast3A_682 = vector.bitcast %get3A_681 : vector<16xi32> to vector<32xbf16>
        %get3A_683 = arith.index_cast %add3A_678 : i32 to index
        %get3A_684 = arith.constant 0 : index
        %get3A_685 = tpu.vector_load %arg11[%get3A_683, %get3A_684] {strides = array<i32>} : memref<80x64xi32, #tpu.memory_space<vmem>>, vector<16xi32>,
        %bitcast3A_686 = vector.bitcast %get3A_685 : vector<16xi32> to vector<32xbf16>
        %mul3A_687 = arith.mulf %bitcast3A_682, %bitcast3A_686 : vector<32xbf16>
        %unpack3A_688 = tpu.unpack_subelements %mul3A_687, 0 {pack_format = #tpu.pack_format<interleaved>} : vector<32xbf16> -> vector<16xf32>
        %unpack3A_689 = tpu.unpack_subelements %mul3A_687, 1 {pack_format = #tpu.pack_format<interleaved>} : vector<32xbf16> -> vector<16xf32>
        %add3A_690 = arith.addf %unpack3A_688, %unpack3A_689 : vector<16xf32>
        %get3A_691 = arith.index_cast %add3A_678 : i32 to index
        %get3A_692 = arith.constant 16 : index
        %get3A_693 = tpu.vector_load %arg10[%get3A_691, %get3A_692] {strides = array<i32>} : memref<80x64xi32, #tpu.memory_space<vmem>>, vector<16xi32>,
        %bitcast3A_694 = vector.bitcast %get3A_693 : vector<16xi32> to vector<32xbf16>
        %get3A_695 = arith.index_cast %add3A_678 : i32 to index
        %get3A_696 = arith.constant 16 : index
        %get3A_697 = tpu.vector_load %arg11[%get3A_695, %get3A_696] {strides = array<i32>} : memref<80x64xi32, #tpu.memory_space<vmem>>, vector<16xi32>,
        %bitcast3A_698 = vector.bitcast %get3A_697 : vector<16xi32> to vector<32xbf16>
        %mul3A_699 = arith.mulf %bitcast3A_694, %bitcast3A_698 : vector<32xbf16>
        %unpack3A_700 = tpu.unpack_subelements %mul3A_699, 0 {pack_format = #tpu.pack_format<interleaved>} : vector<32xbf16> -> vector<16xf32>
        %unpack3A_701 = tpu.unpack_subelements %mul3A_699, 1 {pack_format = #tpu.pack_format<interleaved>} : vector<32xbf16> -> vector<16xf32>
        %add3A_702 = arith.addf %unpack3A_700, %unpack3A_701 : vector<16xf32>
        %add3A_703 = arith.addf %add3A_690, %add3A_702 : vector<16xf32>
        %get3A_704 = arith.index_cast %add3A_678 : i32 to index
        %get3A_705 = arith.constant 32 : index
        %get3A_706 = tpu.vector_load %arg10[%get3A_704, %get3A_705] {strides = array<i32>} : memref<80x64xi32, #tpu.memory_space<vmem>>, vector<16xi32>,
        %bitcast3A_707 = vector.bitcast %get3A_706 : vector<16xi32> to vector<32xbf16>
        %get3A_708 = arith.index_cast %add3A_678 : i32 to index
        %get3A_709 = arith.constant 32 : index
        %get3A_710 = tpu.vector_load %arg11[%get3A_708, %get3A_709] {strides = array<i32>} : memref<80x64xi32, #tpu.memory_space<vmem>>, vector<16xi32>,
        %bitcast3A_711 = vector.bitcast %get3A_710 : vector<16xi32> to vector<32xbf16>
        %mul3A_712 = arith.mulf %bitcast3A_707, %bitcast3A_711 : vector<32xbf16>
        %unpack3A_713 = tpu.unpack_subelements %mul3A_712, 0 {pack_format = #tpu.pack_format<interleaved>} : vector<32xbf16> -> vector<16xf32>
        %unpack3A_714 = tpu.unpack_subelements %mul3A_712, 1 {pack_format = #tpu.pack_format<interleaved>} : vector<32xbf16> -> vector<16xf32>
        %add3A_715 = arith.addf %unpack3A_713, %unpack3A_714 : vector<16xf32>
        %add3A_716 = arith.addf %add3A_703, %add3A_715 : vector<16xf32>
        %get3A_717 = arith.index_cast %add3A_678 : i32 to index
        %get3A_718 = arith.constant 48 : index
        %get3A_719 = tpu.vector_load %arg10[%get3A_717, %get3A_718] {strides = array<i32>} : memref<80x64xi32, #tpu.memory_space<vmem>>, vector<16xi32>,
        %bitcast3A_720 = vector.bitcast %get3A_719 : vector<16xi32> to vector<32xbf16>
        %get3A_721 = arith.index_cast %add3A_678 : i32 to index
        %get3A_722 = arith.constant 48 : index
        %get3A_723 = tpu.vector_load %arg11[%get3A_721, %get3A_722] {strides = array<i32>} : memref<80x64xi32, #tpu.memory_space<vmem>>, vector<16xi32>,
        %bitcast3A_724 = vector.bitcast %get3A_723 : vector<16xi32> to vector<32xbf16>
        %mul3A_725 = arith.mulf %bitcast3A_720, %bitcast3A_724 : vector<32xbf16>
        %unpack3A_726 = tpu.unpack_subelements %mul3A_725, 0 {pack_format = #tpu.pack_format<interleaved>} : vector<32xbf16> -> vector<16xf32>
        %unpack3A_727 = tpu.unpack_subelements %mul3A_725, 1 {pack_format = #tpu.pack_format<interleaved>} : vector<32xbf16> -> vector<16xf32>
        %add3A_728 = arith.addf %unpack3A_726, %unpack3A_727 : vector<16xf32>
        %add3A_729 = arith.addf %add3A_716, %add3A_728 : vector<16xf32>
        %eq3A_730 = arith.constant 9 : i32
        %eq3A_731 = vector.broadcast %eq3A_730 : i32 to vector<16xi32>
        %eq3A_732 = arith.cmpi eq, %iota3A, %eq3A_731 : vector<16xi32>
        %reduce_sum3A_733 = arith.constant true
        %reduce_sum3A_734 = vector.broadcast %reduce_sum3A_733 : i1 to vector<16xi1>
        %reduce_sum3A_735 = tpu.scan <sum>, %add3A_729 masked %reduce_sum3A_734 : vector<16xf32>, vector<16xi1> -> vector<16xf32>
        %reduce_sum3A_736 = vector.extract %reduce_sum3A_735[15] : f32 from vector<16xf32>
        %broadcast_in_dim3A_737 = vector.broadcast %reduce_sum3A_736 : f32 to vector<16xf32>
        %select_n3A_738 = arith.select %eq3A_732, %broadcast_in_dim3A_737, %select_n3A_674 : vector<16xi1>, vector<16xf32>
        %mul3A_739 = arith.constant 16 : i32
        %mul3A_740 = arith.muli %scan3A_103, %mul3A_739 : i32
        %add3A_741 = arith.constant 10 : i32
        %add3A_742 = arith.addi %mul3A_740, %add3A_741 : i32
        %get3A_743 = arith.index_cast %add3A_742 : i32 to index
        %get3A_744 = arith.constant 0 : index
        %get3A_745 = tpu.vector_load %arg10[%get3A_743, %get3A_744] {strides = array<i32>} : memref<80x64xi32, #tpu.memory_space<vmem>>, vector<16xi32>,
        %bitcast3A_746 = vector.bitcast %get3A_745 : vector<16xi32> to vector<32xbf16>
        %get3A_747 = arith.index_cast %add3A_742 : i32 to index
        %get3A_748 = arith.constant 0 : index
        %get3A_749 = tpu.vector_load %arg11[%get3A_747, %get3A_748] {strides = array<i32>} : memref<80x64xi32, #tpu.memory_space<vmem>>, vector<16xi32>,
        %bitcast3A_750 = vector.bitcast %get3A_749 : vector<16xi32> to vector<32xbf16>
        %mul3A_751 = arith.mulf %bitcast3A_746, %bitcast3A_750 : vector<32xbf16>
        %unpack3A_752 = tpu.unpack_subelements %mul3A_751, 0 {pack_format = #tpu.pack_format<interleaved>} : vector<32xbf16> -> vector<16xf32>
        %unpack3A_753 = tpu.unpack_subelements %mul3A_751, 1 {pack_format = #tpu.pack_format<interleaved>} : vector<32xbf16> -> vector<16xf32>
        %add3A_754 = arith.addf %unpack3A_752, %unpack3A_753 : vector<16xf32>
        %get3A_755 = arith.index_cast %add3A_742 : i32 to index
        %get3A_756 = arith.constant 16 : index
        %get3A_757 = tpu.vector_load %arg10[%get3A_755, %get3A_756] {strides = array<i32>} : memref<80x64xi32, #tpu.memory_space<vmem>>, vector<16xi32>,
        %bitcast3A_758 = vector.bitcast %get3A_757 : vector<16xi32> to vector<32xbf16>
        %get3A_759 = arith.index_cast %add3A_742 : i32 to index
        %get3A_760 = arith.constant 16 : index
        %get3A_761 = tpu.vector_load %arg11[%get3A_759, %get3A_760] {strides = array<i32>} : memref<80x64xi32, #tpu.memory_space<vmem>>, vector<16xi32>,
        %bitcast3A_762 = vector.bitcast %get3A_761 : vector<16xi32> to vector<32xbf16>
        %mul3A_763 = arith.mulf %bitcast3A_758, %bitcast3A_762 : vector<32xbf16>
        %unpack3A_764 = tpu.unpack_subelements %mul3A_763, 0 {pack_format = #tpu.pack_format<interleaved>} : vector<32xbf16> -> vector<16xf32>
        %unpack3A_765 = tpu.unpack_subelements %mul3A_763, 1 {pack_format = #tpu.pack_format<interleaved>} : vector<32xbf16> -> vector<16xf32>
        %add3A_766 = arith.addf %unpack3A_764, %unpack3A_765 : vector<16xf32>
        %add3A_767 = arith.addf %add3A_754, %add3A_766 : vector<16xf32>
        %get3A_768 = arith.index_cast %add3A_742 : i32 to index
        %get3A_769 = arith.constant 32 : index
        %get3A_770 = tpu.vector_load %arg10[%get3A_768, %get3A_769] {strides = array<i32>} : memref<80x64xi32, #tpu.memory_space<vmem>>, vector<16xi32>,
        %bitcast3A_771 = vector.bitcast %get3A_770 : vector<16xi32> to vector<32xbf16>
        %get3A_772 = arith.index_cast %add3A_742 : i32 to index
        %get3A_773 = arith.constant 32 : index
        %get3A_774 = tpu.vector_load %arg11[%get3A_772, %get3A_773] {strides = array<i32>} : memref<80x64xi32, #tpu.memory_space<vmem>>, vector<16xi32>,
        %bitcast3A_775 = vector.bitcast %get3A_774 : vector<16xi32> to vector<32xbf16>
        %mul3A_776 = arith.mulf %bitcast3A_771, %bitcast3A_775 : vector<32xbf16>
        %unpack3A_777 = tpu.unpack_subelements %mul3A_776, 0 {pack_format = #tpu.pack_format<interleaved>} : vector<32xbf16> -> vector<16xf32>
        %unpack3A_778 = tpu.unpack_subelements %mul3A_776, 1 {pack_format = #tpu.pack_format<interleaved>} : vector<32xbf16> -> vector<16xf32>
        %add3A_779 = arith.addf %unpack3A_777, %unpack3A_778 : vector<16xf32>
        %add3A_780 = arith.addf %add3A_767, %add3A_779 : vector<16xf32>
        %get3A_781 = arith.index_cast %add3A_742 : i32 to index
        %get3A_782 = arith.constant 48 : index
        %get3A_783 = tpu.vector_load %arg10[%get3A_781, %get3A_782] {strides = array<i32>} : memref<80x64xi32, #tpu.memory_space<vmem>>, vector<16xi32>,
        %bitcast3A_784 = vector.bitcast %get3A_783 : vector<16xi32> to vector<32xbf16>
        %get3A_785 = arith.index_cast %add3A_742 : i32 to index
        %get3A_786 = arith.constant 48 : index
        %get3A_787 = tpu.vector_load %arg11[%get3A_785, %get3A_786] {strides = array<i32>} : memref<80x64xi32, #tpu.memory_space<vmem>>, vector<16xi32>,
        %bitcast3A_788 = vector.bitcast %get3A_787 : vector<16xi32> to vector<32xbf16>
        %mul3A_789 = arith.mulf %bitcast3A_784, %bitcast3A_788 : vector<32xbf16>
        %unpack3A_790 = tpu.unpack_subelements %mul3A_789, 0 {pack_format = #tpu.pack_format<interleaved>} : vector<32xbf16> -> vector<16xf32>
        %unpack3A_791 = tpu.unpack_subelements %mul3A_789, 1 {pack_format = #tpu.pack_format<interleaved>} : vector<32xbf16> -> vector<16xf32>
        %add3A_792 = arith.addf %unpack3A_790, %unpack3A_791 : vector<16xf32>
        %add3A_793 = arith.addf %add3A_780, %add3A_792 : vector<16xf32>
        %eq3A_794 = arith.constant 10 : i32
        %eq3A_795 = vector.broadcast %eq3A_794 : i32 to vector<16xi32>
        %eq3A_796 = arith.cmpi eq, %iota3A, %eq3A_795 : vector<16xi32>
        %reduce_sum3A_797 = arith.constant true
        %reduce_sum3A_798 = vector.broadcast %reduce_sum3A_797 : i1 to vector<16xi1>
        %reduce_sum3A_799 = tpu.scan <sum>, %add3A_793 masked %reduce_sum3A_798 : vector<16xf32>, vector<16xi1> -> vector<16xf32>
        %reduce_sum3A_800 = vector.extract %reduce_sum3A_799[15] : f32 from vector<16xf32>
        %broadcast_in_dim3A_801 = vector.broadcast %reduce_sum3A_800 : f32 to vector<16xf32>
        %select_n3A_802 = arith.select %eq3A_796, %broadcast_in_dim3A_801, %select_n3A_738 : vector<16xi1>, vector<16xf32>
        %mul3A_803 = arith.constant 16 : i32
        %mul3A_804 = arith.muli %scan3A_103, %mul3A_803 : i32
        %add3A_805 = arith.constant 11 : i32
        %add3A_806 = arith.addi %mul3A_804, %add3A_805 : i32
        %get3A_807 = arith.index_cast %add3A_806 : i32 to index
        %get3A_808 = arith.constant 0 : index
        %get3A_809 = tpu.vector_load %arg10[%get3A_807, %get3A_808] {strides = array<i32>} : memref<80x64xi32, #tpu.memory_space<vmem>>, vector<16xi32>,
        %bitcast3A_810 = vector.bitcast %get3A_809 : vector<16xi32> to vector<32xbf16>
        %get3A_811 = arith.index_cast %add3A_806 : i32 to index
        %get3A_812 = arith.constant 0 : index
        %get3A_813 = tpu.vector_load %arg11[%get3A_811, %get3A_812] {strides = array<i32>} : memref<80x64xi32, #tpu.memory_space<vmem>>, vector<16xi32>,
        %bitcast3A_814 = vector.bitcast %get3A_813 : vector<16xi32> to vector<32xbf16>
        %mul3A_815 = arith.mulf %bitcast3A_810, %bitcast3A_814 : vector<32xbf16>
        %unpack3A_816 = tpu.unpack_subelements %mul3A_815, 0 {pack_format = #tpu.pack_format<interleaved>} : vector<32xbf16> -> vector<16xf32>
        %unpack3A_817 = tpu.unpack_subelements %mul3A_815, 1 {pack_format = #tpu.pack_format<interleaved>} : vector<32xbf16> -> vector<16xf32>
        %add3A_818 = arith.addf %unpack3A_816, %unpack3A_817 : vector<16xf32>
        %get3A_819 = arith.index_cast %add3A_806 : i32 to index
        %get3A_820 = arith.constant 16 : index
        %get3A_821 = tpu.vector_load %arg10[%get3A_819, %get3A_820] {strides = array<i32>} : memref<80x64xi32, #tpu.memory_space<vmem>>, vector<16xi32>,
        %bitcast3A_822 = vector.bitcast %get3A_821 : vector<16xi32> to vector<32xbf16>
        %get3A_823 = arith.index_cast %add3A_806 : i32 to index
        %get3A_824 = arith.constant 16 : index
        %get3A_825 = tpu.vector_load %arg11[%get3A_823, %get3A_824] {strides = array<i32>} : memref<80x64xi32, #tpu.memory_space<vmem>>, vector<16xi32>,
        %bitcast3A_826 = vector.bitcast %get3A_825 : vector<16xi32> to vector<32xbf16>
        %mul3A_827 = arith.mulf %bitcast3A_822, %bitcast3A_826 : vector<32xbf16>
        %unpack3A_828 = tpu.unpack_subelements %mul3A_827, 0 {pack_format = #tpu.pack_format<interleaved>} : vector<32xbf16> -> vector<16xf32>
        %unpack3A_829 = tpu.unpack_subelements %mul3A_827, 1 {pack_format = #tpu.pack_format<interleaved>} : vector<32xbf16> -> vector<16xf32>
        %add3A_830 = arith.addf %unpack3A_828, %unpack3A_829 : vector<16xf32>
        %add3A_831 = arith.addf %add3A_818, %add3A_830 : vector<16xf32>
        %get3A_832 = arith.index_cast %add3A_806 : i32 to index
        %get3A_833 = arith.constant 32 : index
        %get3A_834 = tpu.vector_load %arg10[%get3A_832, %get3A_833] {strides = array<i32>} : memref<80x64xi32, #tpu.memory_space<vmem>>, vector<16xi32>,
        %bitcast3A_835 = vector.bitcast %get3A_834 : vector<16xi32> to vector<32xbf16>
        %get3A_836 = arith.index_cast %add3A_806 : i32 to index
        %get3A_837 = arith.constant 32 : index
        %get3A_838 = tpu.vector_load %arg11[%get3A_836, %get3A_837] {strides = array<i32>} : memref<80x64xi32, #tpu.memory_space<vmem>>, vector<16xi32>,
        %bitcast3A_839 = vector.bitcast %get3A_838 : vector<16xi32> to vector<32xbf16>
        %mul3A_840 = arith.mulf %bitcast3A_835, %bitcast3A_839 : vector<32xbf16>
        %unpack3A_841 = tpu.unpack_subelements %mul3A_840, 0 {pack_format = #tpu.pack_format<interleaved>} : vector<32xbf16> -> vector<16xf32>
        %unpack3A_842 = tpu.unpack_subelements %mul3A_840, 1 {pack_format = #tpu.pack_format<interleaved>} : vector<32xbf16> -> vector<16xf32>
        %add3A_843 = arith.addf %unpack3A_841, %unpack3A_842 : vector<16xf32>
        %add3A_844 = arith.addf %add3A_831, %add3A_843 : vector<16xf32>
        %get3A_845 = arith.index_cast %add3A_806 : i32 to index
        %get3A_846 = arith.constant 48 : index
        %get3A_847 = tpu.vector_load %arg10[%get3A_845, %get3A_846] {strides = array<i32>} : memref<80x64xi32, #tpu.memory_space<vmem>>, vector<16xi32>,
        %bitcast3A_848 = vector.bitcast %get3A_847 : vector<16xi32> to vector<32xbf16>
        %get3A_849 = arith.index_cast %add3A_806 : i32 to index
        %get3A_850 = arith.constant 48 : index
        %get3A_851 = tpu.vector_load %arg11[%get3A_849, %get3A_850] {strides = array<i32>} : memref<80x64xi32, #tpu.memory_space<vmem>>, vector<16xi32>,
        %bitcast3A_852 = vector.bitcast %get3A_851 : vector<16xi32> to vector<32xbf16>
        %mul3A_853 = arith.mulf %bitcast3A_848, %bitcast3A_852 : vector<32xbf16>
        %unpack3A_854 = tpu.unpack_subelements %mul3A_853, 0 {pack_format = #tpu.pack_format<interleaved>} : vector<32xbf16> -> vector<16xf32>
        %unpack3A_855 = tpu.unpack_subelements %mul3A_853, 1 {pack_format = #tpu.pack_format<interleaved>} : vector<32xbf16> -> vector<16xf32>
        %add3A_856 = arith.addf %unpack3A_854, %unpack3A_855 : vector<16xf32>
        %add3A_857 = arith.addf %add3A_844, %add3A_856 : vector<16xf32>
        %eq3A_858 = arith.constant 11 : i32
        %eq3A_859 = vector.broadcast %eq3A_858 : i32 to vector<16xi32>
        %eq3A_860 = arith.cmpi eq, %iota3A, %eq3A_859 : vector<16xi32>
        %reduce_sum3A_861 = arith.constant true
        %reduce_sum3A_862 = vector.broadcast %reduce_sum3A_861 : i1 to vector<16xi1>
        %reduce_sum3A_863 = tpu.scan <sum>, %add3A_857 masked %reduce_sum3A_862 : vector<16xf32>, vector<16xi1> -> vector<16xf32>
        %reduce_sum3A_864 = vector.extract %reduce_sum3A_863[15] : f32 from vector<16xf32>
        %broadcast_in_dim3A_865 = vector.broadcast %reduce_sum3A_864 : f32 to vector<16xf32>
        %select_n3A_866 = arith.select %eq3A_860, %broadcast_in_dim3A_865, %select_n3A_802 : vector<16xi1>, vector<16xf32>
        %mul3A_867 = arith.constant 16 : i32
        %mul3A_868 = arith.muli %scan3A_103, %mul3A_867 : i32
        %add3A_869 = arith.constant 12 : i32
        %add3A_870 = arith.addi %mul3A_868, %add3A_869 : i32
        %get3A_871 = arith.index_cast %add3A_870 : i32 to index
        %get3A_872 = arith.constant 0 : index
        %get3A_873 = tpu.vector_load %arg10[%get3A_871, %get3A_872] {strides = array<i32>} : memref<80x64xi32, #tpu.memory_space<vmem>>, vector<16xi32>,
        %bitcast3A_874 = vector.bitcast %get3A_873 : vector<16xi32> to vector<32xbf16>
        %get3A_875 = arith.index_cast %add3A_870 : i32 to index
        %get3A_876 = arith.constant 0 : index
        %get3A_877 = tpu.vector_load %arg11[%get3A_875, %get3A_876] {strides = array<i32>} : memref<80x64xi32, #tpu.memory_space<vmem>>, vector<16xi32>,
        %bitcast3A_878 = vector.bitcast %get3A_877 : vector<16xi32> to vector<32xbf16>
        %mul3A_879 = arith.mulf %bitcast3A_874, %bitcast3A_878 : vector<32xbf16>
        %unpack3A_880 = tpu.unpack_subelements %mul3A_879, 0 {pack_format = #tpu.pack_format<interleaved>} : vector<32xbf16> -> vector<16xf32>
        %unpack3A_881 = tpu.unpack_subelements %mul3A_879, 1 {pack_format = #tpu.pack_format<interleaved>} : vector<32xbf16> -> vector<16xf32>
        %add3A_882 = arith.addf %unpack3A_880, %unpack3A_881 : vector<16xf32>
        %get3A_883 = arith.index_cast %add3A_870 : i32 to index
        %get3A_884 = arith.constant 16 : index
        %get3A_885 = tpu.vector_load %arg10[%get3A_883, %get3A_884] {strides = array<i32>} : memref<80x64xi32, #tpu.memory_space<vmem>>, vector<16xi32>,
        %bitcast3A_886 = vector.bitcast %get3A_885 : vector<16xi32> to vector<32xbf16>
        %get3A_887 = arith.index_cast %add3A_870 : i32 to index
        %get3A_888 = arith.constant 16 : index
        %get3A_889 = tpu.vector_load %arg11[%get3A_887, %get3A_888] {strides = array<i32>} : memref<80x64xi32, #tpu.memory_space<vmem>>, vector<16xi32>,
        %bitcast3A_890 = vector.bitcast %get3A_889 : vector<16xi32> to vector<32xbf16>
        %mul3A_891 = arith.mulf %bitcast3A_886, %bitcast3A_890 : vector<32xbf16>
        %unpack3A_892 = tpu.unpack_subelements %mul3A_891, 0 {pack_format = #tpu.pack_format<interleaved>} : vector<32xbf16> -> vector<16xf32>
        %unpack3A_893 = tpu.unpack_subelements %mul3A_891, 1 {pack_format = #tpu.pack_format<interleaved>} : vector<32xbf16> -> vector<16xf32>
        %add3A_894 = arith.addf %unpack3A_892, %unpack3A_893 : vector<16xf32>
        %add3A_895 = arith.addf %add3A_882, %add3A_894 : vector<16xf32>
        %get3A_896 = arith.index_cast %add3A_870 : i32 to index
        %get3A_897 = arith.constant 32 : index
        %get3A_898 = tpu.vector_load %arg10[%get3A_896, %get3A_897] {strides = array<i32>} : memref<80x64xi32, #tpu.memory_space<vmem>>, vector<16xi32>,
        %bitcast3A_899 = vector.bitcast %get3A_898 : vector<16xi32> to vector<32xbf16>
        %get3A_900 = arith.index_cast %add3A_870 : i32 to index
        %get3A_901 = arith.constant 32 : index
        %get3A_902 = tpu.vector_load %arg11[%get3A_900, %get3A_901] {strides = array<i32>} : memref<80x64xi32, #tpu.memory_space<vmem>>, vector<16xi32>,
        %bitcast3A_903 = vector.bitcast %get3A_902 : vector<16xi32> to vector<32xbf16>
        %mul3A_904 = arith.mulf %bitcast3A_899, %bitcast3A_903 : vector<32xbf16>
        %unpack3A_905 = tpu.unpack_subelements %mul3A_904, 0 {pack_format = #tpu.pack_format<interleaved>} : vector<32xbf16> -> vector<16xf32>
        %unpack3A_906 = tpu.unpack_subelements %mul3A_904, 1 {pack_format = #tpu.pack_format<interleaved>} : vector<32xbf16> -> vector<16xf32>
        %add3A_907 = arith.addf %unpack3A_905, %unpack3A_906 : vector<16xf32>
        %add3A_908 = arith.addf %add3A_895, %add3A_907 : vector<16xf32>
        %get3A_909 = arith.index_cast %add3A_870 : i32 to index
        %get3A_910 = arith.constant 48 : index
        %get3A_911 = tpu.vector_load %arg10[%get3A_909, %get3A_910] {strides = array<i32>} : memref<80x64xi32, #tpu.memory_space<vmem>>, vector<16xi32>,
        %bitcast3A_912 = vector.bitcast %get3A_911 : vector<16xi32> to vector<32xbf16>
        %get3A_913 = arith.index_cast %add3A_870 : i32 to index
        %get3A_914 = arith.constant 48 : index
        %get3A_915 = tpu.vector_load %arg11[%get3A_913, %get3A_914] {strides = array<i32>} : memref<80x64xi32, #tpu.memory_space<vmem>>, vector<16xi32>,
        %bitcast3A_916 = vector.bitcast %get3A_915 : vector<16xi32> to vector<32xbf16>
        %mul3A_917 = arith.mulf %bitcast3A_912, %bitcast3A_916 : vector<32xbf16>
        %unpack3A_918 = tpu.unpack_subelements %mul3A_917, 0 {pack_format = #tpu.pack_format<interleaved>} : vector<32xbf16> -> vector<16xf32>
        %unpack3A_919 = tpu.unpack_subelements %mul3A_917, 1 {pack_format = #tpu.pack_format<interleaved>} : vector<32xbf16> -> vector<16xf32>
        %add3A_920 = arith.addf %unpack3A_918, %unpack3A_919 : vector<16xf32>
        %add3A_921 = arith.addf %add3A_908, %add3A_920 : vector<16xf32>
        %eq3A_922 = arith.constant 12 : i32
        %eq3A_923 = vector.broadcast %eq3A_922 : i32 to vector<16xi32>
        %eq3A_924 = arith.cmpi eq, %iota3A, %eq3A_923 : vector<16xi32>
        %reduce_sum3A_925 = arith.constant true
        %reduce_sum3A_926 = vector.broadcast %reduce_sum3A_925 : i1 to vector<16xi1>
        %reduce_sum3A_927 = tpu.scan <sum>, %add3A_921 masked %reduce_sum3A_926 : vector<16xf32>, vector<16xi1> -> vector<16xf32>
        %reduce_sum3A_928 = vector.extract %reduce_sum3A_927[15] : f32 from vector<16xf32>
        %broadcast_in_dim3A_929 = vector.broadcast %reduce_sum3A_928 : f32 to vector<16xf32>
        %select_n3A_930 = arith.select %eq3A_924, %broadcast_in_dim3A_929, %select_n3A_866 : vector<16xi1>, vector<16xf32>
        %mul3A_931 = arith.constant 16 : i32
        %mul3A_932 = arith.muli %scan3A_103, %mul3A_931 : i32
        %add3A_933 = arith.constant 13 : i32
        %add3A_934 = arith.addi %mul3A_932, %add3A_933 : i32
        %get3A_935 = arith.index_cast %add3A_934 : i32 to index
        %get3A_936 = arith.constant 0 : index
        %get3A_937 = tpu.vector_load %arg10[%get3A_935, %get3A_936] {strides = array<i32>} : memref<80x64xi32, #tpu.memory_space<vmem>>, vector<16xi32>,
        %bitcast3A_938 = vector.bitcast %get3A_937 : vector<16xi32> to vector<32xbf16>
        %get3A_939 = arith.index_cast %add3A_934 : i32 to index
        %get3A_940 = arith.constant 0 : index
        %get3A_941 = tpu.vector_load %arg11[%get3A_939, %get3A_940] {strides = array<i32>} : memref<80x64xi32, #tpu.memory_space<vmem>>, vector<16xi32>,
        %bitcast3A_942 = vector.bitcast %get3A_941 : vector<16xi32> to vector<32xbf16>
        %mul3A_943 = arith.mulf %bitcast3A_938, %bitcast3A_942 : vector<32xbf16>
        %unpack3A_944 = tpu.unpack_subelements %mul3A_943, 0 {pack_format = #tpu.pack_format<interleaved>} : vector<32xbf16> -> vector<16xf32>
        %unpack3A_945 = tpu.unpack_subelements %mul3A_943, 1 {pack_format = #tpu.pack_format<interleaved>} : vector<32xbf16> -> vector<16xf32>
        %add3A_946 = arith.addf %unpack3A_944, %unpack3A_945 : vector<16xf32>
        %get3A_947 = arith.index_cast %add3A_934 : i32 to index
        %get3A_948 = arith.constant 16 : index
        %get3A_949 = tpu.vector_load %arg10[%get3A_947, %get3A_948] {strides = array<i32>} : memref<80x64xi32, #tpu.memory_space<vmem>>, vector<16xi32>,
        %bitcast3A_950 = vector.bitcast %get3A_949 : vector<16xi32> to vector<32xbf16>
        %get3A_951 = arith.index_cast %add3A_934 : i32 to index
        %get3A_952 = arith.constant 16 : index
        %get3A_953 = tpu.vector_load %arg11[%get3A_951, %get3A_952] {strides = array<i32>} : memref<80x64xi32, #tpu.memory_space<vmem>>, vector<16xi32>,
        %bitcast3A_954 = vector.bitcast %get3A_953 : vector<16xi32> to vector<32xbf16>
        %mul3A_955 = arith.mulf %bitcast3A_950, %bitcast3A_954 : vector<32xbf16>
        %unpack3A_956 = tpu.unpack_subelements %mul3A_955, 0 {pack_format = #tpu.pack_format<interleaved>} : vector<32xbf16> -> vector<16xf32>
        %unpack3A_957 = tpu.unpack_subelements %mul3A_955, 1 {pack_format = #tpu.pack_format<interleaved>} : vector<32xbf16> -> vector<16xf32>
        %add3A_958 = arith.addf %unpack3A_956, %unpack3A_957 : vector<16xf32>
        %add3A_959 = arith.addf %add3A_946, %add3A_958 : vector<16xf32>
        %get3A_960 = arith.index_cast %add3A_934 : i32 to index
        %get3A_961 = arith.constant 32 : index
        %get3A_962 = tpu.vector_load %arg10[%get3A_960, %get3A_961] {strides = array<i32>} : memref<80x64xi32, #tpu.memory_space<vmem>>, vector<16xi32>,
        %bitcast3A_963 = vector.bitcast %get3A_962 : vector<16xi32> to vector<32xbf16>
        %get3A_964 = arith.index_cast %add3A_934 : i32 to index
        %get3A_965 = arith.constant 32 : index
        %get3A_966 = tpu.vector_load %arg11[%get3A_964, %get3A_965] {strides = array<i32>} : memref<80x64xi32, #tpu.memory_space<vmem>>, vector<16xi32>,
        %bitcast3A_967 = vector.bitcast %get3A_966 : vector<16xi32> to vector<32xbf16>
        %mul3A_968 = arith.mulf %bitcast3A_963, %bitcast3A_967 : vector<32xbf16>
        %unpack3A_969 = tpu.unpack_subelements %mul3A_968, 0 {pack_format = #tpu.pack_format<interleaved>} : vector<32xbf16> -> vector<16xf32>
        %unpack3A_970 = tpu.unpack_subelements %mul3A_968, 1 {pack_format = #tpu.pack_format<interleaved>} : vector<32xbf16> -> vector<16xf32>
        %add3A_971 = arith.addf %unpack3A_969, %unpack3A_970 : vector<16xf32>
        %add3A_972 = arith.addf %add3A_959, %add3A_971 : vector<16xf32>
        %get3A_973 = arith.index_cast %add3A_934 : i32 to index
        %get3A_974 = arith.constant 48 : index
        %get3A_975 = tpu.vector_load %arg10[%get3A_973, %get3A_974] {strides = array<i32>} : memref<80x64xi32, #tpu.memory_space<vmem>>, vector<16xi32>,
        %bitcast3A_976 = vector.bitcast %get3A_975 : vector<16xi32> to vector<32xbf16>
        %get3A_977 = arith.index_cast %add3A_934 : i32 to index
        %get3A_978 = arith.constant 48 : index
        %get3A_979 = tpu.vector_load %arg11[%get3A_977, %get3A_978] {strides = array<i32>} : memref<80x64xi32, #tpu.memory_space<vmem>>, vector<16xi32>,
        %bitcast3A_980 = vector.bitcast %get3A_979 : vector<16xi32> to vector<32xbf16>
        %mul3A_981 = arith.mulf %bitcast3A_976, %bitcast3A_980 : vector<32xbf16>
        %unpack3A_982 = tpu.unpack_subelements %mul3A_981, 0 {pack_format = #tpu.pack_format<interleaved>} : vector<32xbf16> -> vector<16xf32>
        %unpack3A_983 = tpu.unpack_subelements %mul3A_981, 1 {pack_format = #tpu.pack_format<interleaved>} : vector<32xbf16> -> vector<16xf32>
        %add3A_984 = arith.addf %unpack3A_982, %unpack3A_983 : vector<16xf32>
        %add3A_985 = arith.addf %add3A_972, %add3A_984 : vector<16xf32>
        %eq3A_986 = arith.constant 13 : i32
        %eq3A_987 = vector.broadcast %eq3A_986 : i32 to vector<16xi32>
        %eq3A_988 = arith.cmpi eq, %iota3A, %eq3A_987 : vector<16xi32>
        %reduce_sum3A_989 = arith.constant true
        %reduce_sum3A_990 = vector.broadcast %reduce_sum3A_989 : i1 to vector<16xi1>
        %reduce_sum3A_991 = tpu.scan <sum>, %add3A_985 masked %reduce_sum3A_990 : vector<16xf32>, vector<16xi1> -> vector<16xf32>
        %reduce_sum3A_992 = vector.extract %reduce_sum3A_991[15] : f32 from vector<16xf32>
        %broadcast_in_dim3A_993 = vector.broadcast %reduce_sum3A_992 : f32 to vector<16xf32>
        %select_n3A_994 = arith.select %eq3A_988, %broadcast_in_dim3A_993, %select_n3A_930 : vector<16xi1>, vector<16xf32>
        %mul3A_995 = arith.constant 16 : i32
        %mul3A_996 = arith.muli %scan3A_103, %mul3A_995 : i32
        %add3A_997 = arith.constant 14 : i32
        %add3A_998 = arith.addi %mul3A_996, %add3A_997 : i32
        %get3A_999 = arith.index_cast %add3A_998 : i32 to index
        %get3A_1000 = arith.constant 0 : index
        %get3A_1001 = tpu.vector_load %arg10[%get3A_999, %get3A_1000] {strides = array<i32>} : memref<80x64xi32, #tpu.memory_space<vmem>>, vector<16xi32>,
        %bitcast3A_1002 = vector.bitcast %get3A_1001 : vector<16xi32> to vector<32xbf16>
        %get3A_1003 = arith.index_cast %add3A_998 : i32 to index
        %get3A_1004 = arith.constant 0 : index
        %get3A_1005 = tpu.vector_load %arg11[%get3A_1003, %get3A_1004] {strides = array<i32>} : memref<80x64xi32, #tpu.memory_space<vmem>>, vector<16xi32>,
        %bitcast3A_1006 = vector.bitcast %get3A_1005 : vector<16xi32> to vector<32xbf16>
        %mul3A_1007 = arith.mulf %bitcast3A_1002, %bitcast3A_1006 : vector<32xbf16>
        %unpack3A_1008 = tpu.unpack_subelements %mul3A_1007, 0 {pack_format = #tpu.pack_format<interleaved>} : vector<32xbf16> -> vector<16xf32>
        %unpack3A_1009 = tpu.unpack_subelements %mul3A_1007, 1 {pack_format = #tpu.pack_format<interleaved>} : vector<32xbf16> -> vector<16xf32>
        %add3A_1010 = arith.addf %unpack3A_1008, %unpack3A_1009 : vector<16xf32>
        %get3A_1011 = arith.index_cast %add3A_998 : i32 to index
        %get3A_1012 = arith.constant 16 : index
        %get3A_1013 = tpu.vector_load %arg10[%get3A_1011, %get3A_1012] {strides = array<i32>} : memref<80x64xi32, #tpu.memory_space<vmem>>, vector<16xi32>,
        %bitcast3A_1014 = vector.bitcast %get3A_1013 : vector<16xi32> to vector<32xbf16>
        %get3A_1015 = arith.index_cast %add3A_998 : i32 to index
        %get3A_1016 = arith.constant 16 : index
        %get3A_1017 = tpu.vector_load %arg11[%get3A_1015, %get3A_1016] {strides = array<i32>} : memref<80x64xi32, #tpu.memory_space<vmem>>, vector<16xi32>,
        %bitcast3A_1018 = vector.bitcast %get3A_1017 : vector<16xi32> to vector<32xbf16>
        %mul3A_1019 = arith.mulf %bitcast3A_1014, %bitcast3A_1018 : vector<32xbf16>
        %unpack3A_1020 = tpu.unpack_subelements %mul3A_1019, 0 {pack_format = #tpu.pack_format<interleaved>} : vector<32xbf16> -> vector<16xf32>
        %unpack3A_1021 = tpu.unpack_subelements %mul3A_1019, 1 {pack_format = #tpu.pack_format<interleaved>} : vector<32xbf16> -> vector<16xf32>
        %add3A_1022 = arith.addf %unpack3A_1020, %unpack3A_1021 : vector<16xf32>
        %add3A_1023 = arith.addf %add3A_1010, %add3A_1022 : vector<16xf32>
        %get3A_1024 = arith.index_cast %add3A_998 : i32 to index
        %get3A_1025 = arith.constant 32 : index
        %get3A_1026 = tpu.vector_load %arg10[%get3A_1024, %get3A_1025] {strides = array<i32>} : memref<80x64xi32, #tpu.memory_space<vmem>>, vector<16xi32>,
        %bitcast3A_1027 = vector.bitcast %get3A_1026 : vector<16xi32> to vector<32xbf16>
        %get3A_1028 = arith.index_cast %add3A_998 : i32 to index
        %get3A_1029 = arith.constant 32 : index
        %get3A_1030 = tpu.vector_load %arg11[%get3A_1028, %get3A_1029] {strides = array<i32>} : memref<80x64xi32, #tpu.memory_space<vmem>>, vector<16xi32>,
        %bitcast3A_1031 = vector.bitcast %get3A_1030 : vector<16xi32> to vector<32xbf16>
        %mul3A_1032 = arith.mulf %bitcast3A_1027, %bitcast3A_1031 : vector<32xbf16>
        %unpack3A_1033 = tpu.unpack_subelements %mul3A_1032, 0 {pack_format = #tpu.pack_format<interleaved>} : vector<32xbf16> -> vector<16xf32>
        %unpack3A_1034 = tpu.unpack_subelements %mul3A_1032, 1 {pack_format = #tpu.pack_format<interleaved>} : vector<32xbf16> -> vector<16xf32>
        %add3A_1035 = arith.addf %unpack3A_1033, %unpack3A_1034 : vector<16xf32>
        %add3A_1036 = arith.addf %add3A_1023, %add3A_1035 : vector<16xf32>
        %get3A_1037 = arith.index_cast %add3A_998 : i32 to index
        %get3A_1038 = arith.constant 48 : index
        %get3A_1039 = tpu.vector_load %arg10[%get3A_1037, %get3A_1038] {strides = array<i32>} : memref<80x64xi32, #tpu.memory_space<vmem>>, vector<16xi32>,
        %bitcast3A_1040 = vector.bitcast %get3A_1039 : vector<16xi32> to vector<32xbf16>
        %get3A_1041 = arith.index_cast %add3A_998 : i32 to index
        %get3A_1042 = arith.constant 48 : index
        %get3A_1043 = tpu.vector_load %arg11[%get3A_1041, %get3A_1042] {strides = array<i32>} : memref<80x64xi32, #tpu.memory_space<vmem>>, vector<16xi32>,
        %bitcast3A_1044 = vector.bitcast %get3A_1043 : vector<16xi32> to vector<32xbf16>
        %mul3A_1045 = arith.mulf %bitcast3A_1040, %bitcast3A_1044 : vector<32xbf16>
        %unpack3A_1046 = tpu.unpack_subelements %mul3A_1045, 0 {pack_format = #tpu.pack_format<interleaved>} : vector<32xbf16> -> vector<16xf32>
        %unpack3A_1047 = tpu.unpack_subelements %mul3A_1045, 1 {pack_format = #tpu.pack_format<interleaved>} : vector<32xbf16> -> vector<16xf32>
        %add3A_1048 = arith.addf %unpack3A_1046, %unpack3A_1047 : vector<16xf32>
        %add3A_1049 = arith.addf %add3A_1036, %add3A_1048 : vector<16xf32>
        %eq3A_1050 = arith.constant 14 : i32
        %eq3A_1051 = vector.broadcast %eq3A_1050 : i32 to vector<16xi32>
        %eq3A_1052 = arith.cmpi eq, %iota3A, %eq3A_1051 : vector<16xi32>
        %reduce_sum3A_1053 = arith.constant true
        %reduce_sum3A_1054 = vector.broadcast %reduce_sum3A_1053 : i1 to vector<16xi1>
        %reduce_sum3A_1055 = tpu.scan <sum>, %add3A_1049 masked %reduce_sum3A_1054 : vector<16xf32>, vector<16xi1> -> vector<16xf32>
        %reduce_sum3A_1056 = vector.extract %reduce_sum3A_1055[15] : f32 from vector<16xf32>
        %broadcast_in_dim3A_1057 = vector.broadcast %reduce_sum3A_1056 : f32 to vector<16xf32>
        %select_n3A_1058 = arith.select %eq3A_1052, %broadcast_in_dim3A_1057, %select_n3A_994 : vector<16xi1>, vector<16xf32>
        %mul3A_1059 = arith.constant 16 : i32
        %mul3A_1060 = arith.muli %scan3A_103, %mul3A_1059 : i32
        %add3A_1061 = arith.constant 15 : i32
        %add3A_1062 = arith.addi %mul3A_1060, %add3A_1061 : i32
        %get3A_1063 = arith.index_cast %add3A_1062 : i32 to index
        %get3A_1064 = arith.constant 0 : index
        %get3A_1065 = tpu.vector_load %arg10[%get3A_1063, %get3A_1064] {strides = array<i32>} : memref<80x64xi32, #tpu.memory_space<vmem>>, vector<16xi32>,
        %bitcast3A_1066 = vector.bitcast %get3A_1065 : vector<16xi32> to vector<32xbf16>
        %get3A_1067 = arith.index_cast %add3A_1062 : i32 to index
        %get3A_1068 = arith.constant 0 : index
        %get3A_1069 = tpu.vector_load %arg11[%get3A_1067, %get3A_1068] {strides = array<i32>} : memref<80x64xi32, #tpu.memory_space<vmem>>, vector<16xi32>,
        %bitcast3A_1070 = vector.bitcast %get3A_1069 : vector<16xi32> to vector<32xbf16>
        %mul3A_1071 = arith.mulf %bitcast3A_1066, %bitcast3A_1070 : vector<32xbf16>
        %unpack3A_1072 = tpu.unpack_subelements %mul3A_1071, 0 {pack_format = #tpu.pack_format<interleaved>} : vector<32xbf16> -> vector<16xf32>
        %unpack3A_1073 = tpu.unpack_subelements %mul3A_1071, 1 {pack_format = #tpu.pack_format<interleaved>} : vector<32xbf16> -> vector<16xf32>
        %add3A_1074 = arith.addf %unpack3A_1072, %unpack3A_1073 : vector<16xf32>
        %get3A_1075 = arith.index_cast %add3A_1062 : i32 to index
        %get3A_1076 = arith.constant 16 : index
        %get3A_1077 = tpu.vector_load %arg10[%get3A_1075, %get3A_1076] {strides = array<i32>} : memref<80x64xi32, #tpu.memory_space<vmem>>, vector<16xi32>,
        %bitcast3A_1078 = vector.bitcast %get3A_1077 : vector<16xi32> to vector<32xbf16>
        %get3A_1079 = arith.index_cast %add3A_1062 : i32 to index
        %get3A_1080 = arith.constant 16 : index
        %get3A_1081 = tpu.vector_load %arg11[%get3A_1079, %get3A_1080] {strides = array<i32>} : memref<80x64xi32, #tpu.memory_space<vmem>>, vector<16xi32>,
        %bitcast3A_1082 = vector.bitcast %get3A_1081 : vector<16xi32> to vector<32xbf16>
        %mul3A_1083 = arith.mulf %bitcast3A_1078, %bitcast3A_1082 : vector<32xbf16>
        %unpack3A_1084 = tpu.unpack_subelements %mul3A_1083, 0 {pack_format = #tpu.pack_format<interleaved>} : vector<32xbf16> -> vector<16xf32>
        %unpack3A_1085 = tpu.unpack_subelements %mul3A_1083, 1 {pack_format = #tpu.pack_format<interleaved>} : vector<32xbf16> -> vector<16xf32>
        %add3A_1086 = arith.addf %unpack3A_1084, %unpack3A_1085 : vector<16xf32>
        %add3A_1087 = arith.addf %add3A_1074, %add3A_1086 : vector<16xf32>
        %get3A_1088 = arith.index_cast %add3A_1062 : i32 to index
        %get3A_1089 = arith.constant 32 : index
        %get3A_1090 = tpu.vector_load %arg10[%get3A_1088, %get3A_1089] {strides = array<i32>} : memref<80x64xi32, #tpu.memory_space<vmem>>, vector<16xi32>,
        %bitcast3A_1091 = vector.bitcast %get3A_1090 : vector<16xi32> to vector<32xbf16>
        %get3A_1092 = arith.index_cast %add3A_1062 : i32 to index
        %get3A_1093 = arith.constant 32 : index
        %get3A_1094 = tpu.vector_load %arg11[%get3A_1092, %get3A_1093] {strides = array<i32>} : memref<80x64xi32, #tpu.memory_space<vmem>>, vector<16xi32>,
        %bitcast3A_1095 = vector.bitcast %get3A_1094 : vector<16xi32> to vector<32xbf16>
        %mul3A_1096 = arith.mulf %bitcast3A_1091, %bitcast3A_1095 : vector<32xbf16>
        %unpack3A_1097 = tpu.unpack_subelements %mul3A_1096, 0 {pack_format = #tpu.pack_format<interleaved>} : vector<32xbf16> -> vector<16xf32>
        %unpack3A_1098 = tpu.unpack_subelements %mul3A_1096, 1 {pack_format = #tpu.pack_format<interleaved>} : vector<32xbf16> -> vector<16xf32>
        %add3A_1099 = arith.addf %unpack3A_1097, %unpack3A_1098 : vector<16xf32>
        %add3A_1100 = arith.addf %add3A_1087, %add3A_1099 : vector<16xf32>
        %get3A_1101 = arith.index_cast %add3A_1062 : i32 to index
        %get3A_1102 = arith.constant 48 : index
        %get3A_1103 = tpu.vector_load %arg10[%get3A_1101, %get3A_1102] {strides = array<i32>} : memref<80x64xi32, #tpu.memory_space<vmem>>, vector<16xi32>,
        %bitcast3A_1104 = vector.bitcast %get3A_1103 : vector<16xi32> to vector<32xbf16>
        %get3A_1105 = arith.index_cast %add3A_1062 : i32 to index
        %get3A_1106 = arith.constant 48 : index
        %get3A_1107 = tpu.vector_load %arg11[%get3A_1105, %get3A_1106] {strides = array<i32>} : memref<80x64xi32, #tpu.memory_space<vmem>>, vector<16xi32>,
        %bitcast3A_1108 = vector.bitcast %get3A_1107 : vector<16xi32> to vector<32xbf16>
        %mul3A_1109 = arith.mulf %bitcast3A_1104, %bitcast3A_1108 : vector<32xbf16>
        %unpack3A_1110 = tpu.unpack_subelements %mul3A_1109, 0 {pack_format = #tpu.pack_format<interleaved>} : vector<32xbf16> -> vector<16xf32>
        %unpack3A_1111 = tpu.unpack_subelements %mul3A_1109, 1 {pack_format = #tpu.pack_format<interleaved>} : vector<32xbf16> -> vector<16xf32>
        %add3A_1112 = arith.addf %unpack3A_1110, %unpack3A_1111 : vector<16xf32>
        %add3A_1113 = arith.addf %add3A_1100, %add3A_1112 : vector<16xf32>
        %eq3A_1114 = arith.constant 15 : i32
        %eq3A_1115 = vector.broadcast %eq3A_1114 : i32 to vector<16xi32>
        %eq3A_1116 = arith.cmpi eq, %iota3A, %eq3A_1115 : vector<16xi32>
        %reduce_sum3A_1117 = arith.constant true
        %reduce_sum3A_1118 = vector.broadcast %reduce_sum3A_1117 : i1 to vector<16xi1>
        %reduce_sum3A_1119 = tpu.scan <sum>, %add3A_1113 masked %reduce_sum3A_1118 : vector<16xf32>, vector<16xi1> -> vector<16xf32>
        %reduce_sum3A_1120 = vector.extract %reduce_sum3A_1119[15] : f32 from vector<16xf32>
        %broadcast_in_dim3A_1121 = vector.broadcast %reduce_sum3A_1120 : f32 to vector<16xf32>
        %select_n3A_1122 = arith.select %eq3A_1116, %broadcast_in_dim3A_1121, %select_n3A_1058 : vector<16xi1>, vector<16xf32>
        %neg3A = arith.constant 0.000000e+00 : f32
        %neg3A_1123 = vector.broadcast %neg3A : f32 to vector<16xf32>
        %neg3A_1124 = arith.subf %neg3A_1123, %select_n3A_1122 : vector<16xf32>
        %exp3A = math.exp %neg3A_1124 : vector<16xf32>
        %add3A_1125 = arith.constant 1.000000e+00 : f32
        %add3A_1126 = vector.broadcast %add3A_1125 : f32 to vector<16xf32>
        %add3A_1127 = arith.addf %add3A_1126, %exp3A : vector<16xf32>
        %div3A = arith.constant 1.000000e+00 : f32
        %div3A_1128 = vector.broadcast %div3A : f32 to vector<16xf32>
        %div3A_1129 = arith.divf %div3A_1128, %add3A_1127 : vector<16xf32>
        %mul3A_1130 = arith.constant 80 : i32
        %mul3A_1131 = arith.muli %add3A_89, %mul3A_1130 : i32
        %mul3A_1132 = arith.constant 16 : i32
        %mul3A_1133 = arith.muli %scan3A_103, %mul3A_1132 : i32
        %add3A_1134 = arith.addi %mul3A_1131, %mul3A_1133 : i32
        %swap3A = arith.index_cast %add3A_1134 : i32 to index
        %swap3A_1135 = tpu.vector_load %arg12[%swap3A] {strides = array<i32>} : memref<10000xf32, #tpu.memory_space<vmem>>, vector<16xf32>,
        tpu.vector_store %arg12[%swap3A], %div3A_1129 {strides = array<i32>} : memref<10000xf32, #tpu.memory_space<vmem>>, vector<16xf32>,
      }
      %scan3A_95 = arith.constant 5 : i32
      %add3A_96 = arith.constant 3 : i32
      %add3A_97 = arith.addi %mul3A_57, %add3A_96 : i32
      %lt3A_98 = arith.constant 125 : i32
      %lt3A_99 = arith.cmpi slt, %add3A_97, %lt3A_98 : i32
      %convert_element_type3A_100 = arith.extui %lt3A_99 : i1 to i32
      %cond3A_101 = arith.constant 0 : i32
      %cond3A_102 = arith.cmpi ne, %convert_element_type3A_100, %cond3A_101 : i32
      scf.if %cond3A_102 {
        %add3A_103 = arith.constant 3 : i32
        %add3A_104 = arith.addi %mul3A_57, %add3A_103 : i32
        %mul3A_105 = arith.constant 80 : i32
        %mul3A_106 = arith.muli %add3A_104, %mul3A_105 : i32
        %dma_start3A_107 = tpu.memref_slice %arg6[%mul3A_106] : memref<10000xi32, #tpu.memory_space<vmem>> -> memref<80xi32, #tpu.memory_space<vmem>>
        %dma_start3A_108 = arith.constant 0 : i32
        %dma_start3A_109 = arith.constant 0 : i32
        %dma_start3A_110 = tpu.memref_slice %arg5[%dma_start3A_108, %dma_start3A_109] : memref<10000x64xi32, #tpu.memory_space<vmem_shared>> -> memref<10000x64xi32, #tpu.memory_space<vmem_shared>>
        tpu.enqueue_indirect_dma source(%dma_start3A_110 : memref<10000x64xi32, #tpu.memory_space<vmem_shared>>) target(%arg10 : memref<80x64xi32, #tpu.memory_space<vmem>>) offsets(%dma_start3A_107 : memref<80xi32, #tpu.memory_space<vmem>>) semaphore(%arg14 : memref<!tpu.dma_semaphore, #tpu.memory_space<semaphore_mem>>)
        %mul3A_111 = arith.constant 80 : i32
        %mul3A_112 = arith.muli %add3A_104, %mul3A_111 : i32
        %dma_start3A_113 = tpu.memref_slice %arg7[%mul3A_112] : memref<10000xi32, #tpu.memory_space<vmem>> -> memref<80xi32, #tpu.memory_space<vmem>>
        %dma_start3A_114 = arith.constant 0 : i32
        %dma_start3A_115 = arith.constant 0 : i32
        %dma_start3A_116 = tpu.memref_slice %arg5[%dma_start3A_114, %dma_start3A_115] : memref<10000x64xi32, #tpu.memory_space<vmem_shared>> -> memref<10000x64xi32, #tpu.memory_space<vmem_shared>>
        tpu.enqueue_indirect_dma source(%dma_start3A_116 : memref<10000x64xi32, #tpu.memory_space<vmem_shared>>) target(%arg11 : memref<80x64xi32, #tpu.memory_space<vmem>>) offsets(%dma_start3A_113 : memref<80xi32, #tpu.memory_space<vmem>>) semaphore(%arg14 : memref<!tpu.dma_semaphore, #tpu.memory_space<semaphore_mem>>)
      } else {
      }
    }
    %scan3A_37 = arith.constant 62 : i32
    %dma_wait3A = arith.constant 0 : i32
    %dma_wait3A_38 = tpu.memref_slice %arg6[%dma_wait3A] : memref<10000xi32, #tpu.memory_space<vmem>> -> memref<80xi32, #tpu.memory_space<vmem>>
    %dma_wait3A_39 = arith.constant 0 : i32
    %dma_wait3A_40 = arith.constant 0 : i32
    %dma_wait3A_41 = tpu.memref_slice %arg5[%dma_wait3A_39, %dma_wait3A_40] : memref<10000x64xi32, #tpu.memory_space<vmem_shared>> -> memref<10000x64xi32, #tpu.memory_space<vmem_shared>>
    tpu.wait_indirect_dma semaphore(%arg13 : memref<!tpu.dma_semaphore, #tpu.memory_space<semaphore_mem>>) src(%dma_wait3A_41 : memref<10000x64xi32, #tpu.memory_space<vmem_shared>>) dst(%arg8 : memref<80x64xi32, #tpu.memory_space<vmem>>)
    %dma_wait3A_42 = arith.constant 0 : i32
    %dma_wait3A_43 = tpu.memref_slice %arg7[%dma_wait3A_42] : memref<10000xi32, #tpu.memory_space<vmem>> -> memref<80xi32, #tpu.memory_space<vmem>>
    %dma_wait3A_44 = arith.constant 0 : i32
    %dma_wait3A_45 = arith.constant 0 : i32
    %dma_wait3A_46 = tpu.memref_slice %arg5[%dma_wait3A_44, %dma_wait3A_45] : memref<10000x64xi32, #tpu.memory_space<vmem_shared>> -> memref<10000x64xi32, #tpu.memory_space<vmem_shared>>
    tpu.wait_indirect_dma semaphore(%arg13 : memref<!tpu.dma_semaphore, #tpu.memory_space<semaphore_mem>>) src(%dma_wait3A_46 : memref<10000x64xi32, #tpu.memory_space<vmem_shared>>) dst(%arg9 : memref<80x64xi32, #tpu.memory_space<vmem>>)
    %scan3A_47 = arith.constant 0 : i32
    %scan3A_48 = arith.constant 0 : i32
    %scan3A_49 = arith.constant 5 : i32
    %scan3A_50 = arith.addi %scan3A_48, %scan3A_49 : i32
    %scan3A_51 = arith.constant 1 : i32
    scf.for %scan3A_55 = %scan3A_48 to %scan3A_50 step %scan3A_51  : i32 {
      %broadcast_in_dim3A = arith.constant 0.000000e+00 : f32
      %broadcast_in_dim3A_56 = vector.broadcast %broadcast_in_dim3A : f32 to vector<16xf32>
      %mul3A_57 = arith.constant 16 : i32
      %mul3A_58 = arith.muli %scan3A_55, %mul3A_57 : i32
      %add3A_59 = arith.constant 0 : i32
      %add3A_60 = arith.addi %mul3A_58, %add3A_59 : i32
      %get3A = arith.index_cast %add3A_60 : i32 to index
      %get3A_61 = arith.constant 0 : index
      %get3A_62 = tpu.vector_load %arg8[%get3A, %get3A_61] {strides = array<i32>} : memref<80x64xi32, #tpu.memory_space<vmem>>, vector<16xi32>,
      %bitcast3A = vector.bitcast %get3A_62 : vector<16xi32> to vector<32xbf16>
      %get3A_63 = arith.index_cast %add3A_60 : i32 to index
      %get3A_64 = arith.constant 0 : index
      %get3A_65 = tpu.vector_load %arg9[%get3A_63, %get3A_64] {strides = array<i32>} : memref<80x64xi32, #tpu.memory_space<vmem>>, vector<16xi32>,
      %bitcast3A_66 = vector.bitcast %get3A_65 : vector<16xi32> to vector<32xbf16>
      %mul3A_67 = arith.mulf %bitcast3A, %bitcast3A_66 : vector<32xbf16>
      %unpack3A = tpu.unpack_subelements %mul3A_67, 0 {pack_format = #tpu.pack_format<interleaved>} : vector<32xbf16> -> vector<16xf32>
      %unpack3A_68 = tpu.unpack_subelements %mul3A_67, 1 {pack_format = #tpu.pack_format<interleaved>} : vector<32xbf16> -> vector<16xf32>
      %add3A_69 = arith.addf %unpack3A, %unpack3A_68 : vector<16xf32>
      %get3A_70 = arith.index_cast %add3A_60 : i32 to index
      %get3A_71 = arith.constant 16 : index
      %get3A_72 = tpu.vector_load %arg8[%get3A_70, %get3A_71] {strides = array<i32>} : memref<80x64xi32, #tpu.memory_space<vmem>>, vector<16xi32>,
      %bitcast3A_73 = vector.bitcast %get3A_72 : vector<16xi32> to vector<32xbf16>
      %get3A_74 = arith.index_cast %add3A_60 : i32 to index
      %get3A_75 = arith.constant 16 : index
      %get3A_76 = tpu.vector_load %arg9[%get3A_74, %get3A_75] {strides = array<i32>} : memref<80x64xi32, #tpu.memory_space<vmem>>, vector<16xi32>,
      %bitcast3A_77 = vector.bitcast %get3A_76 : vector<16xi32> to vector<32xbf16>
      %mul3A_78 = arith.mulf %bitcast3A_73, %bitcast3A_77 : vector<32xbf16>
      %unpack3A_79 = tpu.unpack_subelements %mul3A_78, 0 {pack_format = #tpu.pack_format<interleaved>} : vector<32xbf16> -> vector<16xf32>
      %unpack3A_80 = tpu.unpack_subelements %mul3A_78, 1 {pack_format = #tpu.pack_format<interleaved>} : vector<32xbf16> -> vector<16xf32>
      %add3A_81 = arith.addf %unpack3A_79, %unpack3A_80 : vector<16xf32>
      %add3A_82 = arith.addf %add3A_69, %add3A_81 : vector<16xf32>
      %get3A_83 = arith.index_cast %add3A_60 : i32 to index
      %get3A_84 = arith.constant 32 : index
      %get3A_85 = tpu.vector_load %arg8[%get3A_83, %get3A_84] {strides = array<i32>} : memref<80x64xi32, #tpu.memory_space<vmem>>, vector<16xi32>,
      %bitcast3A_86 = vector.bitcast %get3A_85 : vector<16xi32> to vector<32xbf16>
      %get3A_87 = arith.index_cast %add3A_60 : i32 to index
      %get3A_88 = arith.constant 32 : index
      %get3A_89 = tpu.vector_load %arg9[%get3A_87, %get3A_88] {strides = array<i32>} : memref<80x64xi32, #tpu.memory_space<vmem>>, vector<16xi32>,
      %bitcast3A_90 = vector.bitcast %get3A_89 : vector<16xi32> to vector<32xbf16>
      %mul3A_91 = arith.mulf %bitcast3A_86, %bitcast3A_90 : vector<32xbf16>
      %unpack3A_92 = tpu.unpack_subelements %mul3A_91, 0 {pack_format = #tpu.pack_format<interleaved>} : vector<32xbf16> -> vector<16xf32>
      %unpack3A_93 = tpu.unpack_subelements %mul3A_91, 1 {pack_format = #tpu.pack_format<interleaved>} : vector<32xbf16> -> vector<16xf32>
      %add3A_94 = arith.addf %unpack3A_92, %unpack3A_93 : vector<16xf32>
      %add3A_95 = arith.addf %add3A_82, %add3A_94 : vector<16xf32>
      %get3A_96 = arith.index_cast %add3A_60 : i32 to index
      %get3A_97 = arith.constant 48 : index
      %get3A_98 = tpu.vector_load %arg8[%get3A_96, %get3A_97] {strides = array<i32>} : memref<80x64xi32, #tpu.memory_space<vmem>>, vector<16xi32>,
      %bitcast3A_99 = vector.bitcast %get3A_98 : vector<16xi32> to vector<32xbf16>
      %get3A_100 = arith.index_cast %add3A_60 : i32 to index
      %get3A_101 = arith.constant 48 : index
      %get3A_102 = tpu.vector_load %arg9[%get3A_100, %get3A_101] {strides = array<i32>} : memref<80x64xi32, #tpu.memory_space<vmem>>, vector<16xi32>,
      %bitcast3A_103 = vector.bitcast %get3A_102 : vector<16xi32> to vector<32xbf16>
      %mul3A_104 = arith.mulf %bitcast3A_99, %bitcast3A_103 : vector<32xbf16>
      %unpack3A_105 = tpu.unpack_subelements %mul3A_104, 0 {pack_format = #tpu.pack_format<interleaved>} : vector<32xbf16> -> vector<16xf32>
      %unpack3A_106 = tpu.unpack_subelements %mul3A_104, 1 {pack_format = #tpu.pack_format<interleaved>} : vector<32xbf16> -> vector<16xf32>
      %add3A_107 = arith.addf %unpack3A_105, %unpack3A_106 : vector<16xf32>
      %add3A_108 = arith.addf %add3A_95, %add3A_107 : vector<16xf32>
      %eq3A = arith.constant 0 : i32
      %eq3A_109 = vector.broadcast %eq3A : i32 to vector<16xi32>
      %eq3A_110 = arith.cmpi eq, %iota3A, %eq3A_109 : vector<16xi32>
      %reduce_sum3A = arith.constant true
      %reduce_sum3A_111 = vector.broadcast %reduce_sum3A : i1 to vector<16xi1>
      %reduce_sum3A_112 = tpu.scan <sum>, %add3A_108 masked %reduce_sum3A_111 : vector<16xf32>, vector<16xi1> -> vector<16xf32>
      %reduce_sum3A_113 = vector.extract %reduce_sum3A_112[15] : f32 from vector<16xf32>
      %broadcast_in_dim3A_114 = vector.broadcast %reduce_sum3A_113 : f32 to vector<16xf32>
      %select_n3A = arith.select %eq3A_110, %broadcast_in_dim3A_114, %broadcast_in_dim3A_56 : vector<16xi1>, vector<16xf32>
      %mul3A_115 = arith.constant 16 : i32
      %mul3A_116 = arith.muli %scan3A_55, %mul3A_115 : i32
      %add3A_117 = arith.constant 1 : i32
      %add3A_118 = arith.addi %mul3A_116, %add3A_117 : i32
      %get3A_119 = arith.index_cast %add3A_118 : i32 to index
      %get3A_120 = arith.constant 0 : index
      %get3A_121 = tpu.vector_load %arg8[%get3A_119, %get3A_120] {strides = array<i32>} : memref<80x64xi32, #tpu.memory_space<vmem>>, vector<16xi32>,
      %bitcast3A_122 = vector.bitcast %get3A_121 : vector<16xi32> to vector<32xbf16>
      %get3A_123 = arith.index_cast %add3A_118 : i32 to index
      %get3A_124 = arith.constant 0 : index
      %get3A_125 = tpu.vector_load %arg9[%get3A_123, %get3A_124] {strides = array<i32>} : memref<80x64xi32, #tpu.memory_space<vmem>>, vector<16xi32>,
      %bitcast3A_126 = vector.bitcast %get3A_125 : vector<16xi32> to vector<32xbf16>
      %mul3A_127 = arith.mulf %bitcast3A_122, %bitcast3A_126 : vector<32xbf16>
      %unpack3A_128 = tpu.unpack_subelements %mul3A_127, 0 {pack_format = #tpu.pack_format<interleaved>} : vector<32xbf16> -> vector<16xf32>
      %unpack3A_129 = tpu.unpack_subelements %mul3A_127, 1 {pack_format = #tpu.pack_format<interleaved>} : vector<32xbf16> -> vector<16xf32>
      %add3A_130 = arith.addf %unpack3A_128, %unpack3A_129 : vector<16xf32>
      %get3A_131 = arith.index_cast %add3A_118 : i32 to index
      %get3A_132 = arith.constant 16 : index
      %get3A_133 = tpu.vector_load %arg8[%get3A_131, %get3A_132] {strides = array<i32>} : memref<80x64xi32, #tpu.memory_space<vmem>>, vector<16xi32>,
      %bitcast3A_134 = vector.bitcast %get3A_133 : vector<16xi32> to vector<32xbf16>
      %get3A_135 = arith.index_cast %add3A_118 : i32 to index
      %get3A_136 = arith.constant 16 : index
      %get3A_137 = tpu.vector_load %arg9[%get3A_135, %get3A_136] {strides = array<i32>} : memref<80x64xi32, #tpu.memory_space<vmem>>, vector<16xi32>,
      %bitcast3A_138 = vector.bitcast %get3A_137 : vector<16xi32> to vector<32xbf16>
      %mul3A_139 = arith.mulf %bitcast3A_134, %bitcast3A_138 : vector<32xbf16>
      %unpack3A_140 = tpu.unpack_subelements %mul3A_139, 0 {pack_format = #tpu.pack_format<interleaved>} : vector<32xbf16> -> vector<16xf32>
      %unpack3A_141 = tpu.unpack_subelements %mul3A_139, 1 {pack_format = #tpu.pack_format<interleaved>} : vector<32xbf16> -> vector<16xf32>
      %add3A_142 = arith.addf %unpack3A_140, %unpack3A_141 : vector<16xf32>
      %add3A_143 = arith.addf %add3A_130, %add3A_142 : vector<16xf32>
      %get3A_144 = arith.index_cast %add3A_118 : i32 to index
      %get3A_145 = arith.constant 32 : index
      %get3A_146 = tpu.vector_load %arg8[%get3A_144, %get3A_145] {strides = array<i32>} : memref<80x64xi32, #tpu.memory_space<vmem>>, vector<16xi32>,
      %bitcast3A_147 = vector.bitcast %get3A_146 : vector<16xi32> to vector<32xbf16>
      %get3A_148 = arith.index_cast %add3A_118 : i32 to index
      %get3A_149 = arith.constant 32 : index
      %get3A_150 = tpu.vector_load %arg9[%get3A_148, %get3A_149] {strides = array<i32>} : memref<80x64xi32, #tpu.memory_space<vmem>>, vector<16xi32>,
      %bitcast3A_151 = vector.bitcast %get3A_150 : vector<16xi32> to vector<32xbf16>
      %mul3A_152 = arith.mulf %bitcast3A_147, %bitcast3A_151 : vector<32xbf16>
      %unpack3A_153 = tpu.unpack_subelements %mul3A_152, 0 {pack_format = #tpu.pack_format<interleaved>} : vector<32xbf16> -> vector<16xf32>
      %unpack3A_154 = tpu.unpack_subelements %mul3A_152, 1 {pack_format = #tpu.pack_format<interleaved>} : vector<32xbf16> -> vector<16xf32>
      %add3A_155 = arith.addf %unpack3A_153, %unpack3A_154 : vector<16xf32>
      %add3A_156 = arith.addf %add3A_143, %add3A_155 : vector<16xf32>
      %get3A_157 = arith.index_cast %add3A_118 : i32 to index
      %get3A_158 = arith.constant 48 : index
      %get3A_159 = tpu.vector_load %arg8[%get3A_157, %get3A_158] {strides = array<i32>} : memref<80x64xi32, #tpu.memory_space<vmem>>, vector<16xi32>,
      %bitcast3A_160 = vector.bitcast %get3A_159 : vector<16xi32> to vector<32xbf16>
      %get3A_161 = arith.index_cast %add3A_118 : i32 to index
      %get3A_162 = arith.constant 48 : index
      %get3A_163 = tpu.vector_load %arg9[%get3A_161, %get3A_162] {strides = array<i32>} : memref<80x64xi32, #tpu.memory_space<vmem>>, vector<16xi32>,
      %bitcast3A_164 = vector.bitcast %get3A_163 : vector<16xi32> to vector<32xbf16>
      %mul3A_165 = arith.mulf %bitcast3A_160, %bitcast3A_164 : vector<32xbf16>
      %unpack3A_166 = tpu.unpack_subelements %mul3A_165, 0 {pack_format = #tpu.pack_format<interleaved>} : vector<32xbf16> -> vector<16xf32>
      %unpack3A_167 = tpu.unpack_subelements %mul3A_165, 1 {pack_format = #tpu.pack_format<interleaved>} : vector<32xbf16> -> vector<16xf32>
      %add3A_168 = arith.addf %unpack3A_166, %unpack3A_167 : vector<16xf32>
      %add3A_169 = arith.addf %add3A_156, %add3A_168 : vector<16xf32>
      %eq3A_170 = arith.constant 1 : i32
      %eq3A_171 = vector.broadcast %eq3A_170 : i32 to vector<16xi32>
      %eq3A_172 = arith.cmpi eq, %iota3A, %eq3A_171 : vector<16xi32>
      %reduce_sum3A_173 = arith.constant true
      %reduce_sum3A_174 = vector.broadcast %reduce_sum3A_173 : i1 to vector<16xi1>
      %reduce_sum3A_175 = tpu.scan <sum>, %add3A_169 masked %reduce_sum3A_174 : vector<16xf32>, vector<16xi1> -> vector<16xf32>
      %reduce_sum3A_176 = vector.extract %reduce_sum3A_175[15] : f32 from vector<16xf32>
      %broadcast_in_dim3A_177 = vector.broadcast %reduce_sum3A_176 : f32 to vector<16xf32>
      %select_n3A_178 = arith.select %eq3A_172, %broadcast_in_dim3A_177, %select_n3A : vector<16xi1>, vector<16xf32>
      %mul3A_179 = arith.constant 16 : i32
      %mul3A_180 = arith.muli %scan3A_55, %mul3A_179 : i32
      %add3A_181 = arith.constant 2 : i32
      %add3A_182 = arith.addi %mul3A_180, %add3A_181 : i32
      %get3A_183 = arith.index_cast %add3A_182 : i32 to index
      %get3A_184 = arith.constant 0 : index
      %get3A_185 = tpu.vector_load %arg8[%get3A_183, %get3A_184] {strides = array<i32>} : memref<80x64xi32, #tpu.memory_space<vmem>>, vector<16xi32>,
      %bitcast3A_186 = vector.bitcast %get3A_185 : vector<16xi32> to vector<32xbf16>
      %get3A_187 = arith.index_cast %add3A_182 : i32 to index
      %get3A_188 = arith.constant 0 : index
      %get3A_189 = tpu.vector_load %arg9[%get3A_187, %get3A_188] {strides = array<i32>} : memref<80x64xi32, #tpu.memory_space<vmem>>, vector<16xi32>,
      %bitcast3A_190 = vector.bitcast %get3A_189 : vector<16xi32> to vector<32xbf16>
      %mul3A_191 = arith.mulf %bitcast3A_186, %bitcast3A_190 : vector<32xbf16>
      %unpack3A_192 = tpu.unpack_subelements %mul3A_191, 0 {pack_format = #tpu.pack_format<interleaved>} : vector<32xbf16> -> vector<16xf32>
      %unpack3A_193 = tpu.unpack_subelements %mul3A_191, 1 {pack_format = #tpu.pack_format<interleaved>} : vector<32xbf16> -> vector<16xf32>
      %add3A_194 = arith.addf %unpack3A_192, %unpack3A_193 : vector<16xf32>
      %get3A_195 = arith.index_cast %add3A_182 : i32 to index
      %get3A_196 = arith.constant 16 : index
      %get3A_197 = tpu.vector_load %arg8[%get3A_195, %get3A_196] {strides = array<i32>} : memref<80x64xi32, #tpu.memory_space<vmem>>, vector<16xi32>,
      %bitcast3A_198 = vector.bitcast %get3A_197 : vector<16xi32> to vector<32xbf16>
      %get3A_199 = arith.index_cast %add3A_182 : i32 to index
      %get3A_200 = arith.constant 16 : index
      %get3A_201 = tpu.vector_load %arg9[%get3A_199, %get3A_200] {strides = array<i32>} : memref<80x64xi32, #tpu.memory_space<vmem>>, vector<16xi32>,
      %bitcast3A_202 = vector.bitcast %get3A_201 : vector<16xi32> to vector<32xbf16>
      %mul3A_203 = arith.mulf %bitcast3A_198, %bitcast3A_202 : vector<32xbf16>
      %unpack3A_204 = tpu.unpack_subelements %mul3A_203, 0 {pack_format = #tpu.pack_format<interleaved>} : vector<32xbf16> -> vector<16xf32>
      %unpack3A_205 = tpu.unpack_subelements %mul3A_203, 1 {pack_format = #tpu.pack_format<interleaved>} : vector<32xbf16> -> vector<16xf32>
      %add3A_206 = arith.addf %unpack3A_204, %unpack3A_205 : vector<16xf32>
      %add3A_207 = arith.addf %add3A_194, %add3A_206 : vector<16xf32>
      %get3A_208 = arith.index_cast %add3A_182 : i32 to index
      %get3A_209 = arith.constant 32 : index
      %get3A_210 = tpu.vector_load %arg8[%get3A_208, %get3A_209] {strides = array<i32>} : memref<80x64xi32, #tpu.memory_space<vmem>>, vector<16xi32>,
      %bitcast3A_211 = vector.bitcast %get3A_210 : vector<16xi32> to vector<32xbf16>
      %get3A_212 = arith.index_cast %add3A_182 : i32 to index
      %get3A_213 = arith.constant 32 : index
      %get3A_214 = tpu.vector_load %arg9[%get3A_212, %get3A_213] {strides = array<i32>} : memref<80x64xi32, #tpu.memory_space<vmem>>, vector<16xi32>,
      %bitcast3A_215 = vector.bitcast %get3A_214 : vector<16xi32> to vector<32xbf16>
      %mul3A_216 = arith.mulf %bitcast3A_211, %bitcast3A_215 : vector<32xbf16>
      %unpack3A_217 = tpu.unpack_subelements %mul3A_216, 0 {pack_format = #tpu.pack_format<interleaved>} : vector<32xbf16> -> vector<16xf32>
      %unpack3A_218 = tpu.unpack_subelements %mul3A_216, 1 {pack_format = #tpu.pack_format<interleaved>} : vector<32xbf16> -> vector<16xf32>
      %add3A_219 = arith.addf %unpack3A_217, %unpack3A_218 : vector<16xf32>
      %add3A_220 = arith.addf %add3A_207, %add3A_219 : vector<16xf32>
      %get3A_221 = arith.index_cast %add3A_182 : i32 to index
      %get3A_222 = arith.constant 48 : index
      %get3A_223 = tpu.vector_load %arg8[%get3A_221, %get3A_222] {strides = array<i32>} : memref<80x64xi32, #tpu.memory_space<vmem>>, vector<16xi32>,
      %bitcast3A_224 = vector.bitcast %get3A_223 : vector<16xi32> to vector<32xbf16>
      %get3A_225 = arith.index_cast %add3A_182 : i32 to index
      %get3A_226 = arith.constant 48 : index
      %get3A_227 = tpu.vector_load %arg9[%get3A_225, %get3A_226] {strides = array<i32>} : memref<80x64xi32, #tpu.memory_space<vmem>>, vector<16xi32>,
      %bitcast3A_228 = vector.bitcast %get3A_227 : vector<16xi32> to vector<32xbf16>
      %mul3A_229 = arith.mulf %bitcast3A_224, %bitcast3A_228 : vector<32xbf16>
      %unpack3A_230 = tpu.unpack_subelements %mul3A_229, 0 {pack_format = #tpu.pack_format<interleaved>} : vector<32xbf16> -> vector<16xf32>
      %unpack3A_231 = tpu.unpack_subelements %mul3A_229, 1 {pack_format = #tpu.pack_format<interleaved>} : vector<32xbf16> -> vector<16xf32>
      %add3A_232 = arith.addf %unpack3A_230, %unpack3A_231 : vector<16xf32>
      %add3A_233 = arith.addf %add3A_220, %add3A_232 : vector<16xf32>
      %eq3A_234 = arith.constant 2 : i32
      %eq3A_235 = vector.broadcast %eq3A_234 : i32 to vector<16xi32>
      %eq3A_236 = arith.cmpi eq, %iota3A, %eq3A_235 : vector<16xi32>
      %reduce_sum3A_237 = arith.constant true
      %reduce_sum3A_238 = vector.broadcast %reduce_sum3A_237 : i1 to vector<16xi1>
      %reduce_sum3A_239 = tpu.scan <sum>, %add3A_233 masked %reduce_sum3A_238 : vector<16xf32>, vector<16xi1> -> vector<16xf32>
      %reduce_sum3A_240 = vector.extract %reduce_sum3A_239[15] : f32 from vector<16xf32>
      %broadcast_in_dim3A_241 = vector.broadcast %reduce_sum3A_240 : f32 to vector<16xf32>
      %select_n3A_242 = arith.select %eq3A_236, %broadcast_in_dim3A_241, %select_n3A_178 : vector<16xi1>, vector<16xf32>
      %mul3A_243 = arith.constant 16 : i32
      %mul3A_244 = arith.muli %scan3A_55, %mul3A_243 : i32
      %add3A_245 = arith.constant 3 : i32
      %add3A_246 = arith.addi %mul3A_244, %add3A_245 : i32
      %get3A_247 = arith.index_cast %add3A_246 : i32 to index
      %get3A_248 = arith.constant 0 : index
      %get3A_249 = tpu.vector_load %arg8[%get3A_247, %get3A_248] {strides = array<i32>} : memref<80x64xi32, #tpu.memory_space<vmem>>, vector<16xi32>,
      %bitcast3A_250 = vector.bitcast %get3A_249 : vector<16xi32> to vector<32xbf16>
      %get3A_251 = arith.index_cast %add3A_246 : i32 to index
      %get3A_252 = arith.constant 0 : index
      %get3A_253 = tpu.vector_load %arg9[%get3A_251, %get3A_252] {strides = array<i32>} : memref<80x64xi32, #tpu.memory_space<vmem>>, vector<16xi32>,
      %bitcast3A_254 = vector.bitcast %get3A_253 : vector<16xi32> to vector<32xbf16>
      %mul3A_255 = arith.mulf %bitcast3A_250, %bitcast3A_254 : vector<32xbf16>
      %unpack3A_256 = tpu.unpack_subelements %mul3A_255, 0 {pack_format = #tpu.pack_format<interleaved>} : vector<32xbf16> -> vector<16xf32>
      %unpack3A_257 = tpu.unpack_subelements %mul3A_255, 1 {pack_format = #tpu.pack_format<interleaved>} : vector<32xbf16> -> vector<16xf32>
      %add3A_258 = arith.addf %unpack3A_256, %unpack3A_257 : vector<16xf32>
      %get3A_259 = arith.index_cast %add3A_246 : i32 to index
      %get3A_260 = arith.constant 16 : index
      %get3A_261 = tpu.vector_load %arg8[%get3A_259, %get3A_260] {strides = array<i32>} : memref<80x64xi32, #tpu.memory_space<vmem>>, vector<16xi32>,
      %bitcast3A_262 = vector.bitcast %get3A_261 : vector<16xi32> to vector<32xbf16>
      %get3A_263 = arith.index_cast %add3A_246 : i32 to index
      %get3A_264 = arith.constant 16 : index
      %get3A_265 = tpu.vector_load %arg9[%get3A_263, %get3A_264] {strides = array<i32>} : memref<80x64xi32, #tpu.memory_space<vmem>>, vector<16xi32>,
      %bitcast3A_266 = vector.bitcast %get3A_265 : vector<16xi32> to vector<32xbf16>
      %mul3A_267 = arith.mulf %bitcast3A_262, %bitcast3A_266 : vector<32xbf16>
      %unpack3A_268 = tpu.unpack_subelements %mul3A_267, 0 {pack_format = #tpu.pack_format<interleaved>} : vector<32xbf16> -> vector<16xf32>
      %unpack3A_269 = tpu.unpack_subelements %mul3A_267, 1 {pack_format = #tpu.pack_format<interleaved>} : vector<32xbf16> -> vector<16xf32>
      %add3A_270 = arith.addf %unpack3A_268, %unpack3A_269 : vector<16xf32>
      %add3A_271 = arith.addf %add3A_258, %add3A_270 : vector<16xf32>
      %get3A_272 = arith.index_cast %add3A_246 : i32 to index
      %get3A_273 = arith.constant 32 : index
      %get3A_274 = tpu.vector_load %arg8[%get3A_272, %get3A_273] {strides = array<i32>} : memref<80x64xi32, #tpu.memory_space<vmem>>, vector<16xi32>,
      %bitcast3A_275 = vector.bitcast %get3A_274 : vector<16xi32> to vector<32xbf16>
      %get3A_276 = arith.index_cast %add3A_246 : i32 to index
      %get3A_277 = arith.constant 32 : index
      %get3A_278 = tpu.vector_load %arg9[%get3A_276, %get3A_277] {strides = array<i32>} : memref<80x64xi32, #tpu.memory_space<vmem>>, vector<16xi32>,
      %bitcast3A_279 = vector.bitcast %get3A_278 : vector<16xi32> to vector<32xbf16>
      %mul3A_280 = arith.mulf %bitcast3A_275, %bitcast3A_279 : vector<32xbf16>
      %unpack3A_281 = tpu.unpack_subelements %mul3A_280, 0 {pack_format = #tpu.pack_format<interleaved>} : vector<32xbf16> -> vector<16xf32>
      %unpack3A_282 = tpu.unpack_subelements %mul3A_280, 1 {pack_format = #tpu.pack_format<interleaved>} : vector<32xbf16> -> vector<16xf32>
      %add3A_283 = arith.addf %unpack3A_281, %unpack3A_282 : vector<16xf32>
      %add3A_284 = arith.addf %add3A_271, %add3A_283 : vector<16xf32>
      %get3A_285 = arith.index_cast %add3A_246 : i32 to index
      %get3A_286 = arith.constant 48 : index
      %get3A_287 = tpu.vector_load %arg8[%get3A_285, %get3A_286] {strides = array<i32>} : memref<80x64xi32, #tpu.memory_space<vmem>>, vector<16xi32>,
      %bitcast3A_288 = vector.bitcast %get3A_287 : vector<16xi32> to vector<32xbf16>
      %get3A_289 = arith.index_cast %add3A_246 : i32 to index
      %get3A_290 = arith.constant 48 : index
      %get3A_291 = tpu.vector_load %arg9[%get3A_289, %get3A_290] {strides = array<i32>} : memref<80x64xi32, #tpu.memory_space<vmem>>, vector<16xi32>,
      %bitcast3A_292 = vector.bitcast %get3A_291 : vector<16xi32> to vector<32xbf16>
      %mul3A_293 = arith.mulf %bitcast3A_288, %bitcast3A_292 : vector<32xbf16>
      %unpack3A_294 = tpu.unpack_subelements %mul3A_293, 0 {pack_format = #tpu.pack_format<interleaved>} : vector<32xbf16> -> vector<16xf32>
      %unpack3A_295 = tpu.unpack_subelements %mul3A_293, 1 {pack_format = #tpu.pack_format<interleaved>} : vector<32xbf16> -> vector<16xf32>
      %add3A_296 = arith.addf %unpack3A_294, %unpack3A_295 : vector<16xf32>
      %add3A_297 = arith.addf %add3A_284, %add3A_296 : vector<16xf32>
      %eq3A_298 = arith.constant 3 : i32
      %eq3A_299 = vector.broadcast %eq3A_298 : i32 to vector<16xi32>
      %eq3A_300 = arith.cmpi eq, %iota3A, %eq3A_299 : vector<16xi32>
      %reduce_sum3A_301 = arith.constant true
      %reduce_sum3A_302 = vector.broadcast %reduce_sum3A_301 : i1 to vector<16xi1>
      %reduce_sum3A_303 = tpu.scan <sum>, %add3A_297 masked %reduce_sum3A_302 : vector<16xf32>, vector<16xi1> -> vector<16xf32>
      %reduce_sum3A_304 = vector.extract %reduce_sum3A_303[15] : f32 from vector<16xf32>
      %broadcast_in_dim3A_305 = vector.broadcast %reduce_sum3A_304 : f32 to vector<16xf32>
      %select_n3A_306 = arith.select %eq3A_300, %broadcast_in_dim3A_305, %select_n3A_242 : vector<16xi1>, vector<16xf32>
      %mul3A_307 = arith.constant 16 : i32
      %mul3A_308 = arith.muli %scan3A_55, %mul3A_307 : i32
      %add3A_309 = arith.constant 4 : i32
      %add3A_310 = arith.addi %mul3A_308, %add3A_309 : i32
      %get3A_311 = arith.index_cast %add3A_310 : i32 to index
      %get3A_312 = arith.constant 0 : index
      %get3A_313 = tpu.vector_load %arg8[%get3A_311, %get3A_312] {strides = array<i32>} : memref<80x64xi32, #tpu.memory_space<vmem>>, vector<16xi32>,
      %bitcast3A_314 = vector.bitcast %get3A_313 : vector<16xi32> to vector<32xbf16>
      %get3A_315 = arith.index_cast %add3A_310 : i32 to index
      %get3A_316 = arith.constant 0 : index
      %get3A_317 = tpu.vector_load %arg9[%get3A_315, %get3A_316] {strides = array<i32>} : memref<80x64xi32, #tpu.memory_space<vmem>>, vector<16xi32>,
      %bitcast3A_318 = vector.bitcast %get3A_317 : vector<16xi32> to vector<32xbf16>
      %mul3A_319 = arith.mulf %bitcast3A_314, %bitcast3A_318 : vector<32xbf16>
      %unpack3A_320 = tpu.unpack_subelements %mul3A_319, 0 {pack_format = #tpu.pack_format<interleaved>} : vector<32xbf16> -> vector<16xf32>
      %unpack3A_321 = tpu.unpack_subelements %mul3A_319, 1 {pack_format = #tpu.pack_format<interleaved>} : vector<32xbf16> -> vector<16xf32>
      %add3A_322 = arith.addf %unpack3A_320, %unpack3A_321 : vector<16xf32>
      %get3A_323 = arith.index_cast %add3A_310 : i32 to index
      %get3A_324 = arith.constant 16 : index
      %get3A_325 = tpu.vector_load %arg8[%get3A_323, %get3A_324] {strides = array<i32>} : memref<80x64xi32, #tpu.memory_space<vmem>>, vector<16xi32>,
      %bitcast3A_326 = vector.bitcast %get3A_325 : vector<16xi32> to vector<32xbf16>
      %get3A_327 = arith.index_cast %add3A_310 : i32 to index
      %get3A_328 = arith.constant 16 : index
      %get3A_329 = tpu.vector_load %arg9[%get3A_327, %get3A_328] {strides = array<i32>} : memref<80x64xi32, #tpu.memory_space<vmem>>, vector<16xi32>,
      %bitcast3A_330 = vector.bitcast %get3A_329 : vector<16xi32> to vector<32xbf16>
      %mul3A_331 = arith.mulf %bitcast3A_326, %bitcast3A_330 : vector<32xbf16>
      %unpack3A_332 = tpu.unpack_subelements %mul3A_331, 0 {pack_format = #tpu.pack_format<interleaved>} : vector<32xbf16> -> vector<16xf32>
      %unpack3A_333 = tpu.unpack_subelements %mul3A_331, 1 {pack_format = #tpu.pack_format<interleaved>} : vector<32xbf16> -> vector<16xf32>
      %add3A_334 = arith.addf %unpack3A_332, %unpack3A_333 : vector<16xf32>
      %add3A_335 = arith.addf %add3A_322, %add3A_334 : vector<16xf32>
      %get3A_336 = arith.index_cast %add3A_310 : i32 to index
      %get3A_337 = arith.constant 32 : index
      %get3A_338 = tpu.vector_load %arg8[%get3A_336, %get3A_337] {strides = array<i32>} : memref<80x64xi32, #tpu.memory_space<vmem>>, vector<16xi32>,
      %bitcast3A_339 = vector.bitcast %get3A_338 : vector<16xi32> to vector<32xbf16>
      %get3A_340 = arith.index_cast %add3A_310 : i32 to index
      %get3A_341 = arith.constant 32 : index
      %get3A_342 = tpu.vector_load %arg9[%get3A_340, %get3A_341] {strides = array<i32>} : memref<80x64xi32, #tpu.memory_space<vmem>>, vector<16xi32>,
      %bitcast3A_343 = vector.bitcast %get3A_342 : vector<16xi32> to vector<32xbf16>
      %mul3A_344 = arith.mulf %bitcast3A_339, %bitcast3A_343 : vector<32xbf16>
      %unpack3A_345 = tpu.unpack_subelements %mul3A_344, 0 {pack_format = #tpu.pack_format<interleaved>} : vector<32xbf16> -> vector<16xf32>
      %unpack3A_346 = tpu.unpack_subelements %mul3A_344, 1 {pack_format = #tpu.pack_format<interleaved>} : vector<32xbf16> -> vector<16xf32>
      %add3A_347 = arith.addf %unpack3A_345, %unpack3A_346 : vector<16xf32>
      %add3A_348 = arith.addf %add3A_335, %add3A_347 : vector<16xf32>
      %get3A_349 = arith.index_cast %add3A_310 : i32 to index
      %get3A_350 = arith.constant 48 : index
      %get3A_351 = tpu.vector_load %arg8[%get3A_349, %get3A_350] {strides = array<i32>} : memref<80x64xi32, #tpu.memory_space<vmem>>, vector<16xi32>,
      %bitcast3A_352 = vector.bitcast %get3A_351 : vector<16xi32> to vector<32xbf16>
      %get3A_353 = arith.index_cast %add3A_310 : i32 to index
      %get3A_354 = arith.constant 48 : index
      %get3A_355 = tpu.vector_load %arg9[%get3A_353, %get3A_354] {strides = array<i32>} : memref<80x64xi32, #tpu.memory_space<vmem>>, vector<16xi32>,
      %bitcast3A_356 = vector.bitcast %get3A_355 : vector<16xi32> to vector<32xbf16>
      %mul3A_357 = arith.mulf %bitcast3A_352, %bitcast3A_356 : vector<32xbf16>
      %unpack3A_358 = tpu.unpack_subelements %mul3A_357, 0 {pack_format = #tpu.pack_format<interleaved>} : vector<32xbf16> -> vector<16xf32>
      %unpack3A_359 = tpu.unpack_subelements %mul3A_357, 1 {pack_format = #tpu.pack_format<interleaved>} : vector<32xbf16> -> vector<16xf32>
      %add3A_360 = arith.addf %unpack3A_358, %unpack3A_359 : vector<16xf32>
      %add3A_361 = arith.addf %add3A_348, %add3A_360 : vector<16xf32>
      %eq3A_362 = arith.constant 4 : i32
      %eq3A_363 = vector.broadcast %eq3A_362 : i32 to vector<16xi32>
      %eq3A_364 = arith.cmpi eq, %iota3A, %eq3A_363 : vector<16xi32>
      %reduce_sum3A_365 = arith.constant true
      %reduce_sum3A_366 = vector.broadcast %reduce_sum3A_365 : i1 to vector<16xi1>
      %reduce_sum3A_367 = tpu.scan <sum>, %add3A_361 masked %reduce_sum3A_366 : vector<16xf32>, vector<16xi1> -> vector<16xf32>
      %reduce_sum3A_368 = vector.extract %reduce_sum3A_367[15] : f32 from vector<16xf32>
      %broadcast_in_dim3A_369 = vector.broadcast %reduce_sum3A_368 : f32 to vector<16xf32>
      %select_n3A_370 = arith.select %eq3A_364, %broadcast_in_dim3A_369, %select_n3A_306 : vector<16xi1>, vector<16xf32>
      %mul3A_371 = arith.constant 16 : i32
      %mul3A_372 = arith.muli %scan3A_55, %mul3A_371 : i32
      %add3A_373 = arith.constant 5 : i32
      %add3A_374 = arith.addi %mul3A_372, %add3A_373 : i32
      %get3A_375 = arith.index_cast %add3A_374 : i32 to index
      %get3A_376 = arith.constant 0 : index
      %get3A_377 = tpu.vector_load %arg8[%get3A_375, %get3A_376] {strides = array<i32>} : memref<80x64xi32, #tpu.memory_space<vmem>>, vector<16xi32>,
      %bitcast3A_378 = vector.bitcast %get3A_377 : vector<16xi32> to vector<32xbf16>
      %get3A_379 = arith.index_cast %add3A_374 : i32 to index
      %get3A_380 = arith.constant 0 : index
      %get3A_381 = tpu.vector_load %arg9[%get3A_379, %get3A_380] {strides = array<i32>} : memref<80x64xi32, #tpu.memory_space<vmem>>, vector<16xi32>,
      %bitcast3A_382 = vector.bitcast %get3A_381 : vector<16xi32> to vector<32xbf16>
      %mul3A_383 = arith.mulf %bitcast3A_378, %bitcast3A_382 : vector<32xbf16>
      %unpack3A_384 = tpu.unpack_subelements %mul3A_383, 0 {pack_format = #tpu.pack_format<interleaved>} : vector<32xbf16> -> vector<16xf32>
      %unpack3A_385 = tpu.unpack_subelements %mul3A_383, 1 {pack_format = #tpu.pack_format<interleaved>} : vector<32xbf16> -> vector<16xf32>
      %add3A_386 = arith.addf %unpack3A_384, %unpack3A_385 : vector<16xf32>
      %get3A_387 = arith.index_cast %add3A_374 : i32 to index
      %get3A_388 = arith.constant 16 : index
      %get3A_389 = tpu.vector_load %arg8[%get3A_387, %get3A_388] {strides = array<i32>} : memref<80x64xi32, #tpu.memory_space<vmem>>, vector<16xi32>,
      %bitcast3A_390 = vector.bitcast %get3A_389 : vector<16xi32> to vector<32xbf16>
      %get3A_391 = arith.index_cast %add3A_374 : i32 to index
      %get3A_392 = arith.constant 16 : index
      %get3A_393 = tpu.vector_load %arg9[%get3A_391, %get3A_392] {strides = array<i32>} : memref<80x64xi32, #tpu.memory_space<vmem>>, vector<16xi32>,
      %bitcast3A_394 = vector.bitcast %get3A_393 : vector<16xi32> to vector<32xbf16>
      %mul3A_395 = arith.mulf %bitcast3A_390, %bitcast3A_394 : vector<32xbf16>
      %unpack3A_396 = tpu.unpack_subelements %mul3A_395, 0 {pack_format = #tpu.pack_format<interleaved>} : vector<32xbf16> -> vector<16xf32>
      %unpack3A_397 = tpu.unpack_subelements %mul3A_395, 1 {pack_format = #tpu.pack_format<interleaved>} : vector<32xbf16> -> vector<16xf32>
      %add3A_398 = arith.addf %unpack3A_396, %unpack3A_397 : vector<16xf32>
      %add3A_399 = arith.addf %add3A_386, %add3A_398 : vector<16xf32>
      %get3A_400 = arith.index_cast %add3A_374 : i32 to index
      %get3A_401 = arith.constant 32 : index
      %get3A_402 = tpu.vector_load %arg8[%get3A_400, %get3A_401] {strides = array<i32>} : memref<80x64xi32, #tpu.memory_space<vmem>>, vector<16xi32>,
      %bitcast3A_403 = vector.bitcast %get3A_402 : vector<16xi32> to vector<32xbf16>
      %get3A_404 = arith.index_cast %add3A_374 : i32 to index
      %get3A_405 = arith.constant 32 : index
      %get3A_406 = tpu.vector_load %arg9[%get3A_404, %get3A_405] {strides = array<i32>} : memref<80x64xi32, #tpu.memory_space<vmem>>, vector<16xi32>,
      %bitcast3A_407 = vector.bitcast %get3A_406 : vector<16xi32> to vector<32xbf16>
      %mul3A_408 = arith.mulf %bitcast3A_403, %bitcast3A_407 : vector<32xbf16>
      %unpack3A_409 = tpu.unpack_subelements %mul3A_408, 0 {pack_format = #tpu.pack_format<interleaved>} : vector<32xbf16> -> vector<16xf32>
      %unpack3A_410 = tpu.unpack_subelements %mul3A_408, 1 {pack_format = #tpu.pack_format<interleaved>} : vector<32xbf16> -> vector<16xf32>
      %add3A_411 = arith.addf %unpack3A_409, %unpack3A_410 : vector<16xf32>
      %add3A_412 = arith.addf %add3A_399, %add3A_411 : vector<16xf32>
      %get3A_413 = arith.index_cast %add3A_374 : i32 to index
      %get3A_414 = arith.constant 48 : index
      %get3A_415 = tpu.vector_load %arg8[%get3A_413, %get3A_414] {strides = array<i32>} : memref<80x64xi32, #tpu.memory_space<vmem>>, vector<16xi32>,
      %bitcast3A_416 = vector.bitcast %get3A_415 : vector<16xi32> to vector<32xbf16>
      %get3A_417 = arith.index_cast %add3A_374 : i32 to index
      %get3A_418 = arith.constant 48 : index
      %get3A_419 = tpu.vector_load %arg9[%get3A_417, %get3A_418] {strides = array<i32>} : memref<80x64xi32, #tpu.memory_space<vmem>>, vector<16xi32>,
      %bitcast3A_420 = vector.bitcast %get3A_419 : vector<16xi32> to vector<32xbf16>
      %mul3A_421 = arith.mulf %bitcast3A_416, %bitcast3A_420 : vector<32xbf16>
      %unpack3A_422 = tpu.unpack_subelements %mul3A_421, 0 {pack_format = #tpu.pack_format<interleaved>} : vector<32xbf16> -> vector<16xf32>
      %unpack3A_423 = tpu.unpack_subelements %mul3A_421, 1 {pack_format = #tpu.pack_format<interleaved>} : vector<32xbf16> -> vector<16xf32>
      %add3A_424 = arith.addf %unpack3A_422, %unpack3A_423 : vector<16xf32>
      %add3A_425 = arith.addf %add3A_412, %add3A_424 : vector<16xf32>
      %eq3A_426 = arith.constant 5 : i32
      %eq3A_427 = vector.broadcast %eq3A_426 : i32 to vector<16xi32>
      %eq3A_428 = arith.cmpi eq, %iota3A, %eq3A_427 : vector<16xi32>
      %reduce_sum3A_429 = arith.constant true
      %reduce_sum3A_430 = vector.broadcast %reduce_sum3A_429 : i1 to vector<16xi1>
      %reduce_sum3A_431 = tpu.scan <sum>, %add3A_425 masked %reduce_sum3A_430 : vector<16xf32>, vector<16xi1> -> vector<16xf32>
      %reduce_sum3A_432 = vector.extract %reduce_sum3A_431[15] : f32 from vector<16xf32>
      %broadcast_in_dim3A_433 = vector.broadcast %reduce_sum3A_432 : f32 to vector<16xf32>
      %select_n3A_434 = arith.select %eq3A_428, %broadcast_in_dim3A_433, %select_n3A_370 : vector<16xi1>, vector<16xf32>
      %mul3A_435 = arith.constant 16 : i32
      %mul3A_436 = arith.muli %scan3A_55, %mul3A_435 : i32
      %add3A_437 = arith.constant 6 : i32
      %add3A_438 = arith.addi %mul3A_436, %add3A_437 : i32
      %get3A_439 = arith.index_cast %add3A_438 : i32 to index
      %get3A_440 = arith.constant 0 : index
      %get3A_441 = tpu.vector_load %arg8[%get3A_439, %get3A_440] {strides = array<i32>} : memref<80x64xi32, #tpu.memory_space<vmem>>, vector<16xi32>,
      %bitcast3A_442 = vector.bitcast %get3A_441 : vector<16xi32> to vector<32xbf16>
      %get3A_443 = arith.index_cast %add3A_438 : i32 to index
      %get3A_444 = arith.constant 0 : index
      %get3A_445 = tpu.vector_load %arg9[%get3A_443, %get3A_444] {strides = array<i32>} : memref<80x64xi32, #tpu.memory_space<vmem>>, vector<16xi32>,
      %bitcast3A_446 = vector.bitcast %get3A_445 : vector<16xi32> to vector<32xbf16>
      %mul3A_447 = arith.mulf %bitcast3A_442, %bitcast3A_446 : vector<32xbf16>
      %unpack3A_448 = tpu.unpack_subelements %mul3A_447, 0 {pack_format = #tpu.pack_format<interleaved>} : vector<32xbf16> -> vector<16xf32>
      %unpack3A_449 = tpu.unpack_subelements %mul3A_447, 1 {pack_format = #tpu.pack_format<interleaved>} : vector<32xbf16> -> vector<16xf32>
      %add3A_450 = arith.addf %unpack3A_448, %unpack3A_449 : vector<16xf32>
      %get3A_451 = arith.index_cast %add3A_438 : i32 to index
      %get3A_452 = arith.constant 16 : index
      %get3A_453 = tpu.vector_load %arg8[%get3A_451, %get3A_452] {strides = array<i32>} : memref<80x64xi32, #tpu.memory_space<vmem>>, vector<16xi32>,
      %bitcast3A_454 = vector.bitcast %get3A_453 : vector<16xi32> to vector<32xbf16>
      %get3A_455 = arith.index_cast %add3A_438 : i32 to index
      %get3A_456 = arith.constant 16 : index
      %get3A_457 = tpu.vector_load %arg9[%get3A_455, %get3A_456] {strides = array<i32>} : memref<80x64xi32, #tpu.memory_space<vmem>>, vector<16xi32>,
      %bitcast3A_458 = vector.bitcast %get3A_457 : vector<16xi32> to vector<32xbf16>
      %mul3A_459 = arith.mulf %bitcast3A_454, %bitcast3A_458 : vector<32xbf16>
      %unpack3A_460 = tpu.unpack_subelements %mul3A_459, 0 {pack_format = #tpu.pack_format<interleaved>} : vector<32xbf16> -> vector<16xf32>
      %unpack3A_461 = tpu.unpack_subelements %mul3A_459, 1 {pack_format = #tpu.pack_format<interleaved>} : vector<32xbf16> -> vector<16xf32>
      %add3A_462 = arith.addf %unpack3A_460, %unpack3A_461 : vector<16xf32>
      %add3A_463 = arith.addf %add3A_450, %add3A_462 : vector<16xf32>
      %get3A_464 = arith.index_cast %add3A_438 : i32 to index
      %get3A_465 = arith.constant 32 : index
      %get3A_466 = tpu.vector_load %arg8[%get3A_464, %get3A_465] {strides = array<i32>} : memref<80x64xi32, #tpu.memory_space<vmem>>, vector<16xi32>,
      %bitcast3A_467 = vector.bitcast %get3A_466 : vector<16xi32> to vector<32xbf16>
      %get3A_468 = arith.index_cast %add3A_438 : i32 to index
      %get3A_469 = arith.constant 32 : index
      %get3A_470 = tpu.vector_load %arg9[%get3A_468, %get3A_469] {strides = array<i32>} : memref<80x64xi32, #tpu.memory_space<vmem>>, vector<16xi32>,
      %bitcast3A_471 = vector.bitcast %get3A_470 : vector<16xi32> to vector<32xbf16>
      %mul3A_472 = arith.mulf %bitcast3A_467, %bitcast3A_471 : vector<32xbf16>
      %unpack3A_473 = tpu.unpack_subelements %mul3A_472, 0 {pack_format = #tpu.pack_format<interleaved>} : vector<32xbf16> -> vector<16xf32>
      %unpack3A_474 = tpu.unpack_subelements %mul3A_472, 1 {pack_format = #tpu.pack_format<interleaved>} : vector<32xbf16> -> vector<16xf32>
      %add3A_475 = arith.addf %unpack3A_473, %unpack3A_474 : vector<16xf32>
      %add3A_476 = arith.addf %add3A_463, %add3A_475 : vector<16xf32>
      %get3A_477 = arith.index_cast %add3A_438 : i32 to index
      %get3A_478 = arith.constant 48 : index
      %get3A_479 = tpu.vector_load %arg8[%get3A_477, %get3A_478] {strides = array<i32>} : memref<80x64xi32, #tpu.memory_space<vmem>>, vector<16xi32>,
      %bitcast3A_480 = vector.bitcast %get3A_479 : vector<16xi32> to vector<32xbf16>
      %get3A_481 = arith.index_cast %add3A_438 : i32 to index
      %get3A_482 = arith.constant 48 : index
      %get3A_483 = tpu.vector_load %arg9[%get3A_481, %get3A_482] {strides = array<i32>} : memref<80x64xi32, #tpu.memory_space<vmem>>, vector<16xi32>,
      %bitcast3A_484 = vector.bitcast %get3A_483 : vector<16xi32> to vector<32xbf16>
      %mul3A_485 = arith.mulf %bitcast3A_480, %bitcast3A_484 : vector<32xbf16>
      %unpack3A_486 = tpu.unpack_subelements %mul3A_485, 0 {pack_format = #tpu.pack_format<interleaved>} : vector<32xbf16> -> vector<16xf32>
      %unpack3A_487 = tpu.unpack_subelements %mul3A_485, 1 {pack_format = #tpu.pack_format<interleaved>} : vector<32xbf16> -> vector<16xf32>
      %add3A_488 = arith.addf %unpack3A_486, %unpack3A_487 : vector<16xf32>
      %add3A_489 = arith.addf %add3A_476, %add3A_488 : vector<16xf32>
      %eq3A_490 = arith.constant 6 : i32
      %eq3A_491 = vector.broadcast %eq3A_490 : i32 to vector<16xi32>
      %eq3A_492 = arith.cmpi eq, %iota3A, %eq3A_491 : vector<16xi32>
      %reduce_sum3A_493 = arith.constant true
      %reduce_sum3A_494 = vector.broadcast %reduce_sum3A_493 : i1 to vector<16xi1>
      %reduce_sum3A_495 = tpu.scan <sum>, %add3A_489 masked %reduce_sum3A_494 : vector<16xf32>, vector<16xi1> -> vector<16xf32>
      %reduce_sum3A_496 = vector.extract %reduce_sum3A_495[15] : f32 from vector<16xf32>
      %broadcast_in_dim3A_497 = vector.broadcast %reduce_sum3A_496 : f32 to vector<16xf32>
      %select_n3A_498 = arith.select %eq3A_492, %broadcast_in_dim3A_497, %select_n3A_434 : vector<16xi1>, vector<16xf32>
      %mul3A_499 = arith.constant 16 : i32
      %mul3A_500 = arith.muli %scan3A_55, %mul3A_499 : i32
      %add3A_501 = arith.constant 7 : i32
      %add3A_502 = arith.addi %mul3A_500, %add3A_501 : i32
      %get3A_503 = arith.index_cast %add3A_502 : i32 to index
      %get3A_504 = arith.constant 0 : index
      %get3A_505 = tpu.vector_load %arg8[%get3A_503, %get3A_504] {strides = array<i32>} : memref<80x64xi32, #tpu.memory_space<vmem>>, vector<16xi32>,
      %bitcast3A_506 = vector.bitcast %get3A_505 : vector<16xi32> to vector<32xbf16>
      %get3A_507 = arith.index_cast %add3A_502 : i32 to index
      %get3A_508 = arith.constant 0 : index
      %get3A_509 = tpu.vector_load %arg9[%get3A_507, %get3A_508] {strides = array<i32>} : memref<80x64xi32, #tpu.memory_space<vmem>>, vector<16xi32>,
      %bitcast3A_510 = vector.bitcast %get3A_509 : vector<16xi32> to vector<32xbf16>
      %mul3A_511 = arith.mulf %bitcast3A_506, %bitcast3A_510 : vector<32xbf16>
      %unpack3A_512 = tpu.unpack_subelements %mul3A_511, 0 {pack_format = #tpu.pack_format<interleaved>} : vector<32xbf16> -> vector<16xf32>
      %unpack3A_513 = tpu.unpack_subelements %mul3A_511, 1 {pack_format = #tpu.pack_format<interleaved>} : vector<32xbf16> -> vector<16xf32>
      %add3A_514 = arith.addf %unpack3A_512, %unpack3A_513 : vector<16xf32>
      %get3A_515 = arith.index_cast %add3A_502 : i32 to index
      %get3A_516 = arith.constant 16 : index
      %get3A_517 = tpu.vector_load %arg8[%get3A_515, %get3A_516] {strides = array<i32>} : memref<80x64xi32, #tpu.memory_space<vmem>>, vector<16xi32>,
      %bitcast3A_518 = vector.bitcast %get3A_517 : vector<16xi32> to vector<32xbf16>
      %get3A_519 = arith.index_cast %add3A_502 : i32 to index
      %get3A_520 = arith.constant 16 : index
      %get3A_521 = tpu.vector_load %arg9[%get3A_519, %get3A_520] {strides = array<i32>} : memref<80x64xi32, #tpu.memory_space<vmem>>, vector<16xi32>,
      %bitcast3A_522 = vector.bitcast %get3A_521 : vector<16xi32> to vector<32xbf16>
      %mul3A_523 = arith.mulf %bitcast3A_518, %bitcast3A_522 : vector<32xbf16>
      %unpack3A_524 = tpu.unpack_subelements %mul3A_523, 0 {pack_format = #tpu.pack_format<interleaved>} : vector<32xbf16> -> vector<16xf32>
      %unpack3A_525 = tpu.unpack_subelements %mul3A_523, 1 {pack_format = #tpu.pack_format<interleaved>} : vector<32xbf16> -> vector<16xf32>
      %add3A_526 = arith.addf %unpack3A_524, %unpack3A_525 : vector<16xf32>
      %add3A_527 = arith.addf %add3A_514, %add3A_526 : vector<16xf32>
      %get3A_528 = arith.index_cast %add3A_502 : i32 to index
      %get3A_529 = arith.constant 32 : index
      %get3A_530 = tpu.vector_load %arg8[%get3A_528, %get3A_529] {strides = array<i32>} : memref<80x64xi32, #tpu.memory_space<vmem>>, vector<16xi32>,
      %bitcast3A_531 = vector.bitcast %get3A_530 : vector<16xi32> to vector<32xbf16>
      %get3A_532 = arith.index_cast %add3A_502 : i32 to index
      %get3A_533 = arith.constant 32 : index
      %get3A_534 = tpu.vector_load %arg9[%get3A_532, %get3A_533] {strides = array<i32>} : memref<80x64xi32, #tpu.memory_space<vmem>>, vector<16xi32>,
      %bitcast3A_535 = vector.bitcast %get3A_534 : vector<16xi32> to vector<32xbf16>
      %mul3A_536 = arith.mulf %bitcast3A_531, %bitcast3A_535 : vector<32xbf16>
      %unpack3A_537 = tpu.unpack_subelements %mul3A_536, 0 {pack_format = #tpu.pack_format<interleaved>} : vector<32xbf16> -> vector<16xf32>
      %unpack3A_538 = tpu.unpack_subelements %mul3A_536, 1 {pack_format = #tpu.pack_format<interleaved>} : vector<32xbf16> -> vector<16xf32>
      %add3A_539 = arith.addf %unpack3A_537, %unpack3A_538 : vector<16xf32>
      %add3A_540 = arith.addf %add3A_527, %add3A_539 : vector<16xf32>
      %get3A_541 = arith.index_cast %add3A_502 : i32 to index
      %get3A_542 = arith.constant 48 : index
      %get3A_543 = tpu.vector_load %arg8[%get3A_541, %get3A_542] {strides = array<i32>} : memref<80x64xi32, #tpu.memory_space<vmem>>, vector<16xi32>,
      %bitcast3A_544 = vector.bitcast %get3A_543 : vector<16xi32> to vector<32xbf16>
      %get3A_545 = arith.index_cast %add3A_502 : i32 to index
      %get3A_546 = arith.constant 48 : index
      %get3A_547 = tpu.vector_load %arg9[%get3A_545, %get3A_546] {strides = array<i32>} : memref<80x64xi32, #tpu.memory_space<vmem>>, vector<16xi32>,
      %bitcast3A_548 = vector.bitcast %get3A_547 : vector<16xi32> to vector<32xbf16>
      %mul3A_549 = arith.mulf %bitcast3A_544, %bitcast3A_548 : vector<32xbf16>
      %unpack3A_550 = tpu.unpack_subelements %mul3A_549, 0 {pack_format = #tpu.pack_format<interleaved>} : vector<32xbf16> -> vector<16xf32>
      %unpack3A_551 = tpu.unpack_subelements %mul3A_549, 1 {pack_format = #tpu.pack_format<interleaved>} : vector<32xbf16> -> vector<16xf32>
      %add3A_552 = arith.addf %unpack3A_550, %unpack3A_551 : vector<16xf32>
      %add3A_553 = arith.addf %add3A_540, %add3A_552 : vector<16xf32>
      %eq3A_554 = arith.constant 7 : i32
      %eq3A_555 = vector.broadcast %eq3A_554 : i32 to vector<16xi32>
      %eq3A_556 = arith.cmpi eq, %iota3A, %eq3A_555 : vector<16xi32>
      %reduce_sum3A_557 = arith.constant true
      %reduce_sum3A_558 = vector.broadcast %reduce_sum3A_557 : i1 to vector<16xi1>
      %reduce_sum3A_559 = tpu.scan <sum>, %add3A_553 masked %reduce_sum3A_558 : vector<16xf32>, vector<16xi1> -> vector<16xf32>
      %reduce_sum3A_560 = vector.extract %reduce_sum3A_559[15] : f32 from vector<16xf32>
      %broadcast_in_dim3A_561 = vector.broadcast %reduce_sum3A_560 : f32 to vector<16xf32>
      %select_n3A_562 = arith.select %eq3A_556, %broadcast_in_dim3A_561, %select_n3A_498 : vector<16xi1>, vector<16xf32>
      %mul3A_563 = arith.constant 16 : i32
      %mul3A_564 = arith.muli %scan3A_55, %mul3A_563 : i32
      %add3A_565 = arith.constant 8 : i32
      %add3A_566 = arith.addi %mul3A_564, %add3A_565 : i32
      %get3A_567 = arith.index_cast %add3A_566 : i32 to index
      %get3A_568 = arith.constant 0 : index
      %get3A_569 = tpu.vector_load %arg8[%get3A_567, %get3A_568] {strides = array<i32>} : memref<80x64xi32, #tpu.memory_space<vmem>>, vector<16xi32>,
      %bitcast3A_570 = vector.bitcast %get3A_569 : vector<16xi32> to vector<32xbf16>
      %get3A_571 = arith.index_cast %add3A_566 : i32 to index
      %get3A_572 = arith.constant 0 : index
      %get3A_573 = tpu.vector_load %arg9[%get3A_571, %get3A_572] {strides = array<i32>} : memref<80x64xi32, #tpu.memory_space<vmem>>, vector<16xi32>,
      %bitcast3A_574 = vector.bitcast %get3A_573 : vector<16xi32> to vector<32xbf16>
      %mul3A_575 = arith.mulf %bitcast3A_570, %bitcast3A_574 : vector<32xbf16>
      %unpack3A_576 = tpu.unpack_subelements %mul3A_575, 0 {pack_format = #tpu.pack_format<interleaved>} : vector<32xbf16> -> vector<16xf32>
      %unpack3A_577 = tpu.unpack_subelements %mul3A_575, 1 {pack_format = #tpu.pack_format<interleaved>} : vector<32xbf16> -> vector<16xf32>
      %add3A_578 = arith.addf %unpack3A_576, %unpack3A_577 : vector<16xf32>
      %get3A_579 = arith.index_cast %add3A_566 : i32 to index
      %get3A_580 = arith.constant 16 : index
      %get3A_581 = tpu.vector_load %arg8[%get3A_579, %get3A_580] {strides = array<i32>} : memref<80x64xi32, #tpu.memory_space<vmem>>, vector<16xi32>,
      %bitcast3A_582 = vector.bitcast %get3A_581 : vector<16xi32> to vector<32xbf16>
      %get3A_583 = arith.index_cast %add3A_566 : i32 to index
      %get3A_584 = arith.constant 16 : index
      %get3A_585 = tpu.vector_load %arg9[%get3A_583, %get3A_584] {strides = array<i32>} : memref<80x64xi32, #tpu.memory_space<vmem>>, vector<16xi32>,
      %bitcast3A_586 = vector.bitcast %get3A_585 : vector<16xi32> to vector<32xbf16>
      %mul3A_587 = arith.mulf %bitcast3A_582, %bitcast3A_586 : vector<32xbf16>
      %unpack3A_588 = tpu.unpack_subelements %mul3A_587, 0 {pack_format = #tpu.pack_format<interleaved>} : vector<32xbf16> -> vector<16xf32>
      %unpack3A_589 = tpu.unpack_subelements %mul3A_587, 1 {pack_format = #tpu.pack_format<interleaved>} : vector<32xbf16> -> vector<16xf32>
      %add3A_590 = arith.addf %unpack3A_588, %unpack3A_589 : vector<16xf32>
      %add3A_591 = arith.addf %add3A_578, %add3A_590 : vector<16xf32>
      %get3A_592 = arith.index_cast %add3A_566 : i32 to index
      %get3A_593 = arith.constant 32 : index
      %get3A_594 = tpu.vector_load %arg8[%get3A_592, %get3A_593] {strides = array<i32>} : memref<80x64xi32, #tpu.memory_space<vmem>>, vector<16xi32>,
      %bitcast3A_595 = vector.bitcast %get3A_594 : vector<16xi32> to vector<32xbf16>
      %get3A_596 = arith.index_cast %add3A_566 : i32 to index
      %get3A_597 = arith.constant 32 : index
      %get3A_598 = tpu.vector_load %arg9[%get3A_596, %get3A_597] {strides = array<i32>} : memref<80x64xi32, #tpu.memory_space<vmem>>, vector<16xi32>,
      %bitcast3A_599 = vector.bitcast %get3A_598 : vector<16xi32> to vector<32xbf16>
      %mul3A_600 = arith.mulf %bitcast3A_595, %bitcast3A_599 : vector<32xbf16>
      %unpack3A_601 = tpu.unpack_subelements %mul3A_600, 0 {pack_format = #tpu.pack_format<interleaved>} : vector<32xbf16> -> vector<16xf32>
      %unpack3A_602 = tpu.unpack_subelements %mul3A_600, 1 {pack_format = #tpu.pack_format<interleaved>} : vector<32xbf16> -> vector<16xf32>
      %add3A_603 = arith.addf %unpack3A_601, %unpack3A_602 : vector<16xf32>
      %add3A_604 = arith.addf %add3A_591, %add3A_603 : vector<16xf32>
      %get3A_605 = arith.index_cast %add3A_566 : i32 to index
      %get3A_606 = arith.constant 48 : index
      %get3A_607 = tpu.vector_load %arg8[%get3A_605, %get3A_606] {strides = array<i32>} : memref<80x64xi32, #tpu.memory_space<vmem>>, vector<16xi32>,
      %bitcast3A_608 = vector.bitcast %get3A_607 : vector<16xi32> to vector<32xbf16>
      %get3A_609 = arith.index_cast %add3A_566 : i32 to index
      %get3A_610 = arith.constant 48 : index
      %get3A_611 = tpu.vector_load %arg9[%get3A_609, %get3A_610] {strides = array<i32>} : memref<80x64xi32, #tpu.memory_space<vmem>>, vector<16xi32>,
      %bitcast3A_612 = vector.bitcast %get3A_611 : vector<16xi32> to vector<32xbf16>
      %mul3A_613 = arith.mulf %bitcast3A_608, %bitcast3A_612 : vector<32xbf16>
      %unpack3A_614 = tpu.unpack_subelements %mul3A_613, 0 {pack_format = #tpu.pack_format<interleaved>} : vector<32xbf16> -> vector<16xf32>
      %unpack3A_615 = tpu.unpack_subelements %mul3A_613, 1 {pack_format = #tpu.pack_format<interleaved>} : vector<32xbf16> -> vector<16xf32>
      %add3A_616 = arith.addf %unpack3A_614, %unpack3A_615 : vector<16xf32>
      %add3A_617 = arith.addf %add3A_604, %add3A_616 : vector<16xf32>
      %eq3A_618 = arith.constant 8 : i32
      %eq3A_619 = vector.broadcast %eq3A_618 : i32 to vector<16xi32>
      %eq3A_620 = arith.cmpi eq, %iota3A, %eq3A_619 : vector<16xi32>
      %reduce_sum3A_621 = arith.constant true
      %reduce_sum3A_622 = vector.broadcast %reduce_sum3A_621 : i1 to vector<16xi1>
      %reduce_sum3A_623 = tpu.scan <sum>, %add3A_617 masked %reduce_sum3A_622 : vector<16xf32>, vector<16xi1> -> vector<16xf32>
      %reduce_sum3A_624 = vector.extract %reduce_sum3A_623[15] : f32 from vector<16xf32>
      %broadcast_in_dim3A_625 = vector.broadcast %reduce_sum3A_624 : f32 to vector<16xf32>
      %select_n3A_626 = arith.select %eq3A_620, %broadcast_in_dim3A_625, %select_n3A_562 : vector<16xi1>, vector<16xf32>
      %mul3A_627 = arith.constant 16 : i32
      %mul3A_628 = arith.muli %scan3A_55, %mul3A_627 : i32
      %add3A_629 = arith.constant 9 : i32
      %add3A_630 = arith.addi %mul3A_628, %add3A_629 : i32
      %get3A_631 = arith.index_cast %add3A_630 : i32 to index
      %get3A_632 = arith.constant 0 : index
      %get3A_633 = tpu.vector_load %arg8[%get3A_631, %get3A_632] {strides = array<i32>} : memref<80x64xi32, #tpu.memory_space<vmem>>, vector<16xi32>,
      %bitcast3A_634 = vector.bitcast %get3A_633 : vector<16xi32> to vector<32xbf16>
      %get3A_635 = arith.index_cast %add3A_630 : i32 to index
      %get3A_636 = arith.constant 0 : index
      %get3A_637 = tpu.vector_load %arg9[%get3A_635, %get3A_636] {strides = array<i32>} : memref<80x64xi32, #tpu.memory_space<vmem>>, vector<16xi32>,
      %bitcast3A_638 = vector.bitcast %get3A_637 : vector<16xi32> to vector<32xbf16>
      %mul3A_639 = arith.mulf %bitcast3A_634, %bitcast3A_638 : vector<32xbf16>
      %unpack3A_640 = tpu.unpack_subelements %mul3A_639, 0 {pack_format = #tpu.pack_format<interleaved>} : vector<32xbf16> -> vector<16xf32>
      %unpack3A_641 = tpu.unpack_subelements %mul3A_639, 1 {pack_format = #tpu.pack_format<interleaved>} : vector<32xbf16> -> vector<16xf32>
      %add3A_642 = arith.addf %unpack3A_640, %unpack3A_641 : vector<16xf32>
      %get3A_643 = arith.index_cast %add3A_630 : i32 to index
      %get3A_644 = arith.constant 16 : index
      %get3A_645 = tpu.vector_load %arg8[%get3A_643, %get3A_644] {strides = array<i32>} : memref<80x64xi32, #tpu.memory_space<vmem>>, vector<16xi32>,
      %bitcast3A_646 = vector.bitcast %get3A_645 : vector<16xi32> to vector<32xbf16>
      %get3A_647 = arith.index_cast %add3A_630 : i32 to index
      %get3A_648 = arith.constant 16 : index
      %get3A_649 = tpu.vector_load %arg9[%get3A_647, %get3A_648] {strides = array<i32>} : memref<80x64xi32, #tpu.memory_space<vmem>>, vector<16xi32>,
      %bitcast3A_650 = vector.bitcast %get3A_649 : vector<16xi32> to vector<32xbf16>
      %mul3A_651 = arith.mulf %bitcast3A_646, %bitcast3A_650 : vector<32xbf16>
      %unpack3A_652 = tpu.unpack_subelements %mul3A_651, 0 {pack_format = #tpu.pack_format<interleaved>} : vector<32xbf16> -> vector<16xf32>
      %unpack3A_653 = tpu.unpack_subelements %mul3A_651, 1 {pack_format = #tpu.pack_format<interleaved>} : vector<32xbf16> -> vector<16xf32>
      %add3A_654 = arith.addf %unpack3A_652, %unpack3A_653 : vector<16xf32>
      %add3A_655 = arith.addf %add3A_642, %add3A_654 : vector<16xf32>
      %get3A_656 = arith.index_cast %add3A_630 : i32 to index
      %get3A_657 = arith.constant 32 : index
      %get3A_658 = tpu.vector_load %arg8[%get3A_656, %get3A_657] {strides = array<i32>} : memref<80x64xi32, #tpu.memory_space<vmem>>, vector<16xi32>,
      %bitcast3A_659 = vector.bitcast %get3A_658 : vector<16xi32> to vector<32xbf16>
      %get3A_660 = arith.index_cast %add3A_630 : i32 to index
      %get3A_661 = arith.constant 32 : index
      %get3A_662 = tpu.vector_load %arg9[%get3A_660, %get3A_661] {strides = array<i32>} : memref<80x64xi32, #tpu.memory_space<vmem>>, vector<16xi32>,
      %bitcast3A_663 = vector.bitcast %get3A_662 : vector<16xi32> to vector<32xbf16>
      %mul3A_664 = arith.mulf %bitcast3A_659, %bitcast3A_663 : vector<32xbf16>
      %unpack3A_665 = tpu.unpack_subelements %mul3A_664, 0 {pack_format = #tpu.pack_format<interleaved>} : vector<32xbf16> -> vector<16xf32>
      %unpack3A_666 = tpu.unpack_subelements %mul3A_664, 1 {pack_format = #tpu.pack_format<interleaved>} : vector<32xbf16> -> vector<16xf32>
      %add3A_667 = arith.addf %unpack3A_665, %unpack3A_666 : vector<16xf32>
      %add3A_668 = arith.addf %add3A_655, %add3A_667 : vector<16xf32>
      %get3A_669 = arith.index_cast %add3A_630 : i32 to index
      %get3A_670 = arith.constant 48 : index
      %get3A_671 = tpu.vector_load %arg8[%get3A_669, %get3A_670] {strides = array<i32>} : memref<80x64xi32, #tpu.memory_space<vmem>>, vector<16xi32>,
      %bitcast3A_672 = vector.bitcast %get3A_671 : vector<16xi32> to vector<32xbf16>
      %get3A_673 = arith.index_cast %add3A_630 : i32 to index
      %get3A_674 = arith.constant 48 : index
      %get3A_675 = tpu.vector_load %arg9[%get3A_673, %get3A_674] {strides = array<i32>} : memref<80x64xi32, #tpu.memory_space<vmem>>, vector<16xi32>,
      %bitcast3A_676 = vector.bitcast %get3A_675 : vector<16xi32> to vector<32xbf16>
      %mul3A_677 = arith.mulf %bitcast3A_672, %bitcast3A_676 : vector<32xbf16>
      %unpack3A_678 = tpu.unpack_subelements %mul3A_677, 0 {pack_format = #tpu.pack_format<interleaved>} : vector<32xbf16> -> vector<16xf32>
      %unpack3A_679 = tpu.unpack_subelements %mul3A_677, 1 {pack_format = #tpu.pack_format<interleaved>} : vector<32xbf16> -> vector<16xf32>
      %add3A_680 = arith.addf %unpack3A_678, %unpack3A_679 : vector<16xf32>
      %add3A_681 = arith.addf %add3A_668, %add3A_680 : vector<16xf32>
      %eq3A_682 = arith.constant 9 : i32
      %eq3A_683 = vector.broadcast %eq3A_682 : i32 to vector<16xi32>
      %eq3A_684 = arith.cmpi eq, %iota3A, %eq3A_683 : vector<16xi32>
      %reduce_sum3A_685 = arith.constant true
      %reduce_sum3A_686 = vector.broadcast %reduce_sum3A_685 : i1 to vector<16xi1>
      %reduce_sum3A_687 = tpu.scan <sum>, %add3A_681 masked %reduce_sum3A_686 : vector<16xf32>, vector<16xi1> -> vector<16xf32>
      %reduce_sum3A_688 = vector.extract %reduce_sum3A_687[15] : f32 from vector<16xf32>
      %broadcast_in_dim3A_689 = vector.broadcast %reduce_sum3A_688 : f32 to vector<16xf32>
      %select_n3A_690 = arith.select %eq3A_684, %broadcast_in_dim3A_689, %select_n3A_626 : vector<16xi1>, vector<16xf32>
      %mul3A_691 = arith.constant 16 : i32
      %mul3A_692 = arith.muli %scan3A_55, %mul3A_691 : i32
      %add3A_693 = arith.constant 10 : i32
      %add3A_694 = arith.addi %mul3A_692, %add3A_693 : i32
      %get3A_695 = arith.index_cast %add3A_694 : i32 to index
      %get3A_696 = arith.constant 0 : index
      %get3A_697 = tpu.vector_load %arg8[%get3A_695, %get3A_696] {strides = array<i32>} : memref<80x64xi32, #tpu.memory_space<vmem>>, vector<16xi32>,
      %bitcast3A_698 = vector.bitcast %get3A_697 : vector<16xi32> to vector<32xbf16>
      %get3A_699 = arith.index_cast %add3A_694 : i32 to index
      %get3A_700 = arith.constant 0 : index
      %get3A_701 = tpu.vector_load %arg9[%get3A_699, %get3A_700] {strides = array<i32>} : memref<80x64xi32, #tpu.memory_space<vmem>>, vector<16xi32>,
      %bitcast3A_702 = vector.bitcast %get3A_701 : vector<16xi32> to vector<32xbf16>
      %mul3A_703 = arith.mulf %bitcast3A_698, %bitcast3A_702 : vector<32xbf16>
      %unpack3A_704 = tpu.unpack_subelements %mul3A_703, 0 {pack_format = #tpu.pack_format<interleaved>} : vector<32xbf16> -> vector<16xf32>
      %unpack3A_705 = tpu.unpack_subelements %mul3A_703, 1 {pack_format = #tpu.pack_format<interleaved>} : vector<32xbf16> -> vector<16xf32>
      %add3A_706 = arith.addf %unpack3A_704, %unpack3A_705 : vector<16xf32>
      %get3A_707 = arith.index_cast %add3A_694 : i32 to index
      %get3A_708 = arith.constant 16 : index
      %get3A_709 = tpu.vector_load %arg8[%get3A_707, %get3A_708] {strides = array<i32>} : memref<80x64xi32, #tpu.memory_space<vmem>>, vector<16xi32>,
      %bitcast3A_710 = vector.bitcast %get3A_709 : vector<16xi32> to vector<32xbf16>
      %get3A_711 = arith.index_cast %add3A_694 : i32 to index
      %get3A_712 = arith.constant 16 : index
      %get3A_713 = tpu.vector_load %arg9[%get3A_711, %get3A_712] {strides = array<i32>} : memref<80x64xi32, #tpu.memory_space<vmem>>, vector<16xi32>,
      %bitcast3A_714 = vector.bitcast %get3A_713 : vector<16xi32> to vector<32xbf16>
      %mul3A_715 = arith.mulf %bitcast3A_710, %bitcast3A_714 : vector<32xbf16>
      %unpack3A_716 = tpu.unpack_subelements %mul3A_715, 0 {pack_format = #tpu.pack_format<interleaved>} : vector<32xbf16> -> vector<16xf32>
      %unpack3A_717 = tpu.unpack_subelements %mul3A_715, 1 {pack_format = #tpu.pack_format<interleaved>} : vector<32xbf16> -> vector<16xf32>
      %add3A_718 = arith.addf %unpack3A_716, %unpack3A_717 : vector<16xf32>
      %add3A_719 = arith.addf %add3A_706, %add3A_718 : vector<16xf32>
      %get3A_720 = arith.index_cast %add3A_694 : i32 to index
      %get3A_721 = arith.constant 32 : index
      %get3A_722 = tpu.vector_load %arg8[%get3A_720, %get3A_721] {strides = array<i32>} : memref<80x64xi32, #tpu.memory_space<vmem>>, vector<16xi32>,
      %bitcast3A_723 = vector.bitcast %get3A_722 : vector<16xi32> to vector<32xbf16>
      %get3A_724 = arith.index_cast %add3A_694 : i32 to index
      %get3A_725 = arith.constant 32 : index
      %get3A_726 = tpu.vector_load %arg9[%get3A_724, %get3A_725] {strides = array<i32>} : memref<80x64xi32, #tpu.memory_space<vmem>>, vector<16xi32>,
      %bitcast3A_727 = vector.bitcast %get3A_726 : vector<16xi32> to vector<32xbf16>
      %mul3A_728 = arith.mulf %bitcast3A_723, %bitcast3A_727 : vector<32xbf16>
      %unpack3A_729 = tpu.unpack_subelements %mul3A_728, 0 {pack_format = #tpu.pack_format<interleaved>} : vector<32xbf16> -> vector<16xf32>
      %unpack3A_730 = tpu.unpack_subelements %mul3A_728, 1 {pack_format = #tpu.pack_format<interleaved>} : vector<32xbf16> -> vector<16xf32>
      %add3A_731 = arith.addf %unpack3A_729, %unpack3A_730 : vector<16xf32>
      %add3A_732 = arith.addf %add3A_719, %add3A_731 : vector<16xf32>
      %get3A_733 = arith.index_cast %add3A_694 : i32 to index
      %get3A_734 = arith.constant 48 : index
      %get3A_735 = tpu.vector_load %arg8[%get3A_733, %get3A_734] {strides = array<i32>} : memref<80x64xi32, #tpu.memory_space<vmem>>, vector<16xi32>,
      %bitcast3A_736 = vector.bitcast %get3A_735 : vector<16xi32> to vector<32xbf16>
      %get3A_737 = arith.index_cast %add3A_694 : i32 to index
      %get3A_738 = arith.constant 48 : index
      %get3A_739 = tpu.vector_load %arg9[%get3A_737, %get3A_738] {strides = array<i32>} : memref<80x64xi32, #tpu.memory_space<vmem>>, vector<16xi32>,
      %bitcast3A_740 = vector.bitcast %get3A_739 : vector<16xi32> to vector<32xbf16>
      %mul3A_741 = arith.mulf %bitcast3A_736, %bitcast3A_740 : vector<32xbf16>
      %unpack3A_742 = tpu.unpack_subelements %mul3A_741, 0 {pack_format = #tpu.pack_format<interleaved>} : vector<32xbf16> -> vector<16xf32>
      %unpack3A_743 = tpu.unpack_subelements %mul3A_741, 1 {pack_format = #tpu.pack_format<interleaved>} : vector<32xbf16> -> vector<16xf32>
      %add3A_744 = arith.addf %unpack3A_742, %unpack3A_743 : vector<16xf32>
      %add3A_745 = arith.addf %add3A_732, %add3A_744 : vector<16xf32>
      %eq3A_746 = arith.constant 10 : i32
      %eq3A_747 = vector.broadcast %eq3A_746 : i32 to vector<16xi32>
      %eq3A_748 = arith.cmpi eq, %iota3A, %eq3A_747 : vector<16xi32>
      %reduce_sum3A_749 = arith.constant true
      %reduce_sum3A_750 = vector.broadcast %reduce_sum3A_749 : i1 to vector<16xi1>
      %reduce_sum3A_751 = tpu.scan <sum>, %add3A_745 masked %reduce_sum3A_750 : vector<16xf32>, vector<16xi1> -> vector<16xf32>
      %reduce_sum3A_752 = vector.extract %reduce_sum3A_751[15] : f32 from vector<16xf32>
      %broadcast_in_dim3A_753 = vector.broadcast %reduce_sum3A_752 : f32 to vector<16xf32>
      %select_n3A_754 = arith.select %eq3A_748, %broadcast_in_dim3A_753, %select_n3A_690 : vector<16xi1>, vector<16xf32>
      %mul3A_755 = arith.constant 16 : i32
      %mul3A_756 = arith.muli %scan3A_55, %mul3A_755 : i32
      %add3A_757 = arith.constant 11 : i32
      %add3A_758 = arith.addi %mul3A_756, %add3A_757 : i32
      %get3A_759 = arith.index_cast %add3A_758 : i32 to index
      %get3A_760 = arith.constant 0 : index
      %get3A_761 = tpu.vector_load %arg8[%get3A_759, %get3A_760] {strides = array<i32>} : memref<80x64xi32, #tpu.memory_space<vmem>>, vector<16xi32>,
      %bitcast3A_762 = vector.bitcast %get3A_761 : vector<16xi32> to vector<32xbf16>
      %get3A_763 = arith.index_cast %add3A_758 : i32 to index
      %get3A_764 = arith.constant 0 : index
      %get3A_765 = tpu.vector_load %arg9[%get3A_763, %get3A_764] {strides = array<i32>} : memref<80x64xi32, #tpu.memory_space<vmem>>, vector<16xi32>,
      %bitcast3A_766 = vector.bitcast %get3A_765 : vector<16xi32> to vector<32xbf16>
      %mul3A_767 = arith.mulf %bitcast3A_762, %bitcast3A_766 : vector<32xbf16>
      %unpack3A_768 = tpu.unpack_subelements %mul3A_767, 0 {pack_format = #tpu.pack_format<interleaved>} : vector<32xbf16> -> vector<16xf32>
      %unpack3A_769 = tpu.unpack_subelements %mul3A_767, 1 {pack_format = #tpu.pack_format<interleaved>} : vector<32xbf16> -> vector<16xf32>
      %add3A_770 = arith.addf %unpack3A_768, %unpack3A_769 : vector<16xf32>
      %get3A_771 = arith.index_cast %add3A_758 : i32 to index
      %get3A_772 = arith.constant 16 : index
      %get3A_773 = tpu.vector_load %arg8[%get3A_771, %get3A_772] {strides = array<i32>} : memref<80x64xi32, #tpu.memory_space<vmem>>, vector<16xi32>,
      %bitcast3A_774 = vector.bitcast %get3A_773 : vector<16xi32> to vector<32xbf16>
      %get3A_775 = arith.index_cast %add3A_758 : i32 to index
      %get3A_776 = arith.constant 16 : index
      %get3A_777 = tpu.vector_load %arg9[%get3A_775, %get3A_776] {strides = array<i32>} : memref<80x64xi32, #tpu.memory_space<vmem>>, vector<16xi32>,
      %bitcast3A_778 = vector.bitcast %get3A_777 : vector<16xi32> to vector<32xbf16>
      %mul3A_779 = arith.mulf %bitcast3A_774, %bitcast3A_778 : vector<32xbf16>
      %unpack3A_780 = tpu.unpack_subelements %mul3A_779, 0 {pack_format = #tpu.pack_format<interleaved>} : vector<32xbf16> -> vector<16xf32>
      %unpack3A_781 = tpu.unpack_subelements %mul3A_779, 1 {pack_format = #tpu.pack_format<interleaved>} : vector<32xbf16> -> vector<16xf32>
      %add3A_782 = arith.addf %unpack3A_780, %unpack3A_781 : vector<16xf32>
      %add3A_783 = arith.addf %add3A_770, %add3A_782 : vector<16xf32>
      %get3A_784 = arith.index_cast %add3A_758 : i32 to index
      %get3A_785 = arith.constant 32 : index
      %get3A_786 = tpu.vector_load %arg8[%get3A_784, %get3A_785] {strides = array<i32>} : memref<80x64xi32, #tpu.memory_space<vmem>>, vector<16xi32>,
      %bitcast3A_787 = vector.bitcast %get3A_786 : vector<16xi32> to vector<32xbf16>
      %get3A_788 = arith.index_cast %add3A_758 : i32 to index
      %get3A_789 = arith.constant 32 : index
      %get3A_790 = tpu.vector_load %arg9[%get3A_788, %get3A_789] {strides = array<i32>} : memref<80x64xi32, #tpu.memory_space<vmem>>, vector<16xi32>,
      %bitcast3A_791 = vector.bitcast %get3A_790 : vector<16xi32> to vector<32xbf16>
      %mul3A_792 = arith.mulf %bitcast3A_787, %bitcast3A_791 : vector<32xbf16>
      %unpack3A_793 = tpu.unpack_subelements %mul3A_792, 0 {pack_format = #tpu.pack_format<interleaved>} : vector<32xbf16> -> vector<16xf32>
      %unpack3A_794 = tpu.unpack_subelements %mul3A_792, 1 {pack_format = #tpu.pack_format<interleaved>} : vector<32xbf16> -> vector<16xf32>
      %add3A_795 = arith.addf %unpack3A_793, %unpack3A_794 : vector<16xf32>
      %add3A_796 = arith.addf %add3A_783, %add3A_795 : vector<16xf32>
      %get3A_797 = arith.index_cast %add3A_758 : i32 to index
      %get3A_798 = arith.constant 48 : index
      %get3A_799 = tpu.vector_load %arg8[%get3A_797, %get3A_798] {strides = array<i32>} : memref<80x64xi32, #tpu.memory_space<vmem>>, vector<16xi32>,
      %bitcast3A_800 = vector.bitcast %get3A_799 : vector<16xi32> to vector<32xbf16>
      %get3A_801 = arith.index_cast %add3A_758 : i32 to index
      %get3A_802 = arith.constant 48 : index
      %get3A_803 = tpu.vector_load %arg9[%get3A_801, %get3A_802] {strides = array<i32>} : memref<80x64xi32, #tpu.memory_space<vmem>>, vector<16xi32>,
      %bitcast3A_804 = vector.bitcast %get3A_803 : vector<16xi32> to vector<32xbf16>
      %mul3A_805 = arith.mulf %bitcast3A_800, %bitcast3A_804 : vector<32xbf16>
      %unpack3A_806 = tpu.unpack_subelements %mul3A_805, 0 {pack_format = #tpu.pack_format<interleaved>} : vector<32xbf16> -> vector<16xf32>
      %unpack3A_807 = tpu.unpack_subelements %mul3A_805, 1 {pack_format = #tpu.pack_format<interleaved>} : vector<32xbf16> -> vector<16xf32>
      %add3A_808 = arith.addf %unpack3A_806, %unpack3A_807 : vector<16xf32>
      %add3A_809 = arith.addf %add3A_796, %add3A_808 : vector<16xf32>
      %eq3A_810 = arith.constant 11 : i32
      %eq3A_811 = vector.broadcast %eq3A_810 : i32 to vector<16xi32>
      %eq3A_812 = arith.cmpi eq, %iota3A, %eq3A_811 : vector<16xi32>
      %reduce_sum3A_813 = arith.constant true
      %reduce_sum3A_814 = vector.broadcast %reduce_sum3A_813 : i1 to vector<16xi1>
      %reduce_sum3A_815 = tpu.scan <sum>, %add3A_809 masked %reduce_sum3A_814 : vector<16xf32>, vector<16xi1> -> vector<16xf32>
      %reduce_sum3A_816 = vector.extract %reduce_sum3A_815[15] : f32 from vector<16xf32>
      %broadcast_in_dim3A_817 = vector.broadcast %reduce_sum3A_816 : f32 to vector<16xf32>
      %select_n3A_818 = arith.select %eq3A_812, %broadcast_in_dim3A_817, %select_n3A_754 : vector<16xi1>, vector<16xf32>
      %mul3A_819 = arith.constant 16 : i32
      %mul3A_820 = arith.muli %scan3A_55, %mul3A_819 : i32
      %add3A_821 = arith.constant 12 : i32
      %add3A_822 = arith.addi %mul3A_820, %add3A_821 : i32
      %get3A_823 = arith.index_cast %add3A_822 : i32 to index
      %get3A_824 = arith.constant 0 : index
      %get3A_825 = tpu.vector_load %arg8[%get3A_823, %get3A_824] {strides = array<i32>} : memref<80x64xi32, #tpu.memory_space<vmem>>, vector<16xi32>,
      %bitcast3A_826 = vector.bitcast %get3A_825 : vector<16xi32> to vector<32xbf16>
      %get3A_827 = arith.index_cast %add3A_822 : i32 to index
      %get3A_828 = arith.constant 0 : index
      %get3A_829 = tpu.vector_load %arg9[%get3A_827, %get3A_828] {strides = array<i32>} : memref<80x64xi32, #tpu.memory_space<vmem>>, vector<16xi32>,
      %bitcast3A_830 = vector.bitcast %get3A_829 : vector<16xi32> to vector<32xbf16>
      %mul3A_831 = arith.mulf %bitcast3A_826, %bitcast3A_830 : vector<32xbf16>
      %unpack3A_832 = tpu.unpack_subelements %mul3A_831, 0 {pack_format = #tpu.pack_format<interleaved>} : vector<32xbf16> -> vector<16xf32>
      %unpack3A_833 = tpu.unpack_subelements %mul3A_831, 1 {pack_format = #tpu.pack_format<interleaved>} : vector<32xbf16> -> vector<16xf32>
      %add3A_834 = arith.addf %unpack3A_832, %unpack3A_833 : vector<16xf32>
      %get3A_835 = arith.index_cast %add3A_822 : i32 to index
      %get3A_836 = arith.constant 16 : index
      %get3A_837 = tpu.vector_load %arg8[%get3A_835, %get3A_836] {strides = array<i32>} : memref<80x64xi32, #tpu.memory_space<vmem>>, vector<16xi32>,
      %bitcast3A_838 = vector.bitcast %get3A_837 : vector<16xi32> to vector<32xbf16>
      %get3A_839 = arith.index_cast %add3A_822 : i32 to index
      %get3A_840 = arith.constant 16 : index
      %get3A_841 = tpu.vector_load %arg9[%get3A_839, %get3A_840] {strides = array<i32>} : memref<80x64xi32, #tpu.memory_space<vmem>>, vector<16xi32>,
      %bitcast3A_842 = vector.bitcast %get3A_841 : vector<16xi32> to vector<32xbf16>
      %mul3A_843 = arith.mulf %bitcast3A_838, %bitcast3A_842 : vector<32xbf16>
      %unpack3A_844 = tpu.unpack_subelements %mul3A_843, 0 {pack_format = #tpu.pack_format<interleaved>} : vector<32xbf16> -> vector<16xf32>
      %unpack3A_845 = tpu.unpack_subelements %mul3A_843, 1 {pack_format = #tpu.pack_format<interleaved>} : vector<32xbf16> -> vector<16xf32>
      %add3A_846 = arith.addf %unpack3A_844, %unpack3A_845 : vector<16xf32>
      %add3A_847 = arith.addf %add3A_834, %add3A_846 : vector<16xf32>
      %get3A_848 = arith.index_cast %add3A_822 : i32 to index
      %get3A_849 = arith.constant 32 : index
      %get3A_850 = tpu.vector_load %arg8[%get3A_848, %get3A_849] {strides = array<i32>} : memref<80x64xi32, #tpu.memory_space<vmem>>, vector<16xi32>,
      %bitcast3A_851 = vector.bitcast %get3A_850 : vector<16xi32> to vector<32xbf16>
      %get3A_852 = arith.index_cast %add3A_822 : i32 to index
      %get3A_853 = arith.constant 32 : index
      %get3A_854 = tpu.vector_load %arg9[%get3A_852, %get3A_853] {strides = array<i32>} : memref<80x64xi32, #tpu.memory_space<vmem>>, vector<16xi32>,
      %bitcast3A_855 = vector.bitcast %get3A_854 : vector<16xi32> to vector<32xbf16>
      %mul3A_856 = arith.mulf %bitcast3A_851, %bitcast3A_855 : vector<32xbf16>
      %unpack3A_857 = tpu.unpack_subelements %mul3A_856, 0 {pack_format = #tpu.pack_format<interleaved>} : vector<32xbf16> -> vector<16xf32>
      %unpack3A_858 = tpu.unpack_subelements %mul3A_856, 1 {pack_format = #tpu.pack_format<interleaved>} : vector<32xbf16> -> vector<16xf32>
      %add3A_859 = arith.addf %unpack3A_857, %unpack3A_858 : vector<16xf32>
      %add3A_860 = arith.addf %add3A_847, %add3A_859 : vector<16xf32>
      %get3A_861 = arith.index_cast %add3A_822 : i32 to index
      %get3A_862 = arith.constant 48 : index
      %get3A_863 = tpu.vector_load %arg8[%get3A_861, %get3A_862] {strides = array<i32>} : memref<80x64xi32, #tpu.memory_space<vmem>>, vector<16xi32>,
      %bitcast3A_864 = vector.bitcast %get3A_863 : vector<16xi32> to vector<32xbf16>
      %get3A_865 = arith.index_cast %add3A_822 : i32 to index
      %get3A_866 = arith.constant 48 : index
      %get3A_867 = tpu.vector_load %arg9[%get3A_865, %get3A_866] {strides = array<i32>} : memref<80x64xi32, #tpu.memory_space<vmem>>, vector<16xi32>,
      %bitcast3A_868 = vector.bitcast %get3A_867 : vector<16xi32> to vector<32xbf16>
      %mul3A_869 = arith.mulf %bitcast3A_864, %bitcast3A_868 : vector<32xbf16>
      %unpack3A_870 = tpu.unpack_subelements %mul3A_869, 0 {pack_format = #tpu.pack_format<interleaved>} : vector<32xbf16> -> vector<16xf32>
      %unpack3A_871 = tpu.unpack_subelements %mul3A_869, 1 {pack_format = #tpu.pack_format<interleaved>} : vector<32xbf16> -> vector<16xf32>
      %add3A_872 = arith.addf %unpack3A_870, %unpack3A_871 : vector<16xf32>
      %add3A_873 = arith.addf %add3A_860, %add3A_872 : vector<16xf32>
      %eq3A_874 = arith.constant 12 : i32
      %eq3A_875 = vector.broadcast %eq3A_874 : i32 to vector<16xi32>
      %eq3A_876 = arith.cmpi eq, %iota3A, %eq3A_875 : vector<16xi32>
      %reduce_sum3A_877 = arith.constant true
      %reduce_sum3A_878 = vector.broadcast %reduce_sum3A_877 : i1 to vector<16xi1>
      %reduce_sum3A_879 = tpu.scan <sum>, %add3A_873 masked %reduce_sum3A_878 : vector<16xf32>, vector<16xi1> -> vector<16xf32>
      %reduce_sum3A_880 = vector.extract %reduce_sum3A_879[15] : f32 from vector<16xf32>
      %broadcast_in_dim3A_881 = vector.broadcast %reduce_sum3A_880 : f32 to vector<16xf32>
      %select_n3A_882 = arith.select %eq3A_876, %broadcast_in_dim3A_881, %select_n3A_818 : vector<16xi1>, vector<16xf32>
      %mul3A_883 = arith.constant 16 : i32
      %mul3A_884 = arith.muli %scan3A_55, %mul3A_883 : i32
      %add3A_885 = arith.constant 13 : i32
      %add3A_886 = arith.addi %mul3A_884, %add3A_885 : i32
      %get3A_887 = arith.index_cast %add3A_886 : i32 to index
      %get3A_888 = arith.constant 0 : index
      %get3A_889 = tpu.vector_load %arg8[%get3A_887, %get3A_888] {strides = array<i32>} : memref<80x64xi32, #tpu.memory_space<vmem>>, vector<16xi32>,
      %bitcast3A_890 = vector.bitcast %get3A_889 : vector<16xi32> to vector<32xbf16>
      %get3A_891 = arith.index_cast %add3A_886 : i32 to index
      %get3A_892 = arith.constant 0 : index
      %get3A_893 = tpu.vector_load %arg9[%get3A_891, %get3A_892] {strides = array<i32>} : memref<80x64xi32, #tpu.memory_space<vmem>>, vector<16xi32>,
      %bitcast3A_894 = vector.bitcast %get3A_893 : vector<16xi32> to vector<32xbf16>
      %mul3A_895 = arith.mulf %bitcast3A_890, %bitcast3A_894 : vector<32xbf16>
      %unpack3A_896 = tpu.unpack_subelements %mul3A_895, 0 {pack_format = #tpu.pack_format<interleaved>} : vector<32xbf16> -> vector<16xf32>
      %unpack3A_897 = tpu.unpack_subelements %mul3A_895, 1 {pack_format = #tpu.pack_format<interleaved>} : vector<32xbf16> -> vector<16xf32>
      %add3A_898 = arith.addf %unpack3A_896, %unpack3A_897 : vector<16xf32>
      %get3A_899 = arith.index_cast %add3A_886 : i32 to index
      %get3A_900 = arith.constant 16 : index
      %get3A_901 = tpu.vector_load %arg8[%get3A_899, %get3A_900] {strides = array<i32>} : memref<80x64xi32, #tpu.memory_space<vmem>>, vector<16xi32>,
      %bitcast3A_902 = vector.bitcast %get3A_901 : vector<16xi32> to vector<32xbf16>
      %get3A_903 = arith.index_cast %add3A_886 : i32 to index
      %get3A_904 = arith.constant 16 : index
      %get3A_905 = tpu.vector_load %arg9[%get3A_903, %get3A_904] {strides = array<i32>} : memref<80x64xi32, #tpu.memory_space<vmem>>, vector<16xi32>,
      %bitcast3A_906 = vector.bitcast %get3A_905 : vector<16xi32> to vector<32xbf16>
      %mul3A_907 = arith.mulf %bitcast3A_902, %bitcast3A_906 : vector<32xbf16>
      %unpack3A_908 = tpu.unpack_subelements %mul3A_907, 0 {pack_format = #tpu.pack_format<interleaved>} : vector<32xbf16> -> vector<16xf32>
      %unpack3A_909 = tpu.unpack_subelements %mul3A_907, 1 {pack_format = #tpu.pack_format<interleaved>} : vector<32xbf16> -> vector<16xf32>
      %add3A_910 = arith.addf %unpack3A_908, %unpack3A_909 : vector<16xf32>
      %add3A_911 = arith.addf %add3A_898, %add3A_910 : vector<16xf32>
      %get3A_912 = arith.index_cast %add3A_886 : i32 to index
      %get3A_913 = arith.constant 32 : index
      %get3A_914 = tpu.vector_load %arg8[%get3A_912, %get3A_913] {strides = array<i32>} : memref<80x64xi32, #tpu.memory_space<vmem>>, vector<16xi32>,
      %bitcast3A_915 = vector.bitcast %get3A_914 : vector<16xi32> to vector<32xbf16>
      %get3A_916 = arith.index_cast %add3A_886 : i32 to index
      %get3A_917 = arith.constant 32 : index
      %get3A_918 = tpu.vector_load %arg9[%get3A_916, %get3A_917] {strides = array<i32>} : memref<80x64xi32, #tpu.memory_space<vmem>>, vector<16xi32>,
      %bitcast3A_919 = vector.bitcast %get3A_918 : vector<16xi32> to vector<32xbf16>
      %mul3A_920 = arith.mulf %bitcast3A_915, %bitcast3A_919 : vector<32xbf16>
      %unpack3A_921 = tpu.unpack_subelements %mul3A_920, 0 {pack_format = #tpu.pack_format<interleaved>} : vector<32xbf16> -> vector<16xf32>
      %unpack3A_922 = tpu.unpack_subelements %mul3A_920, 1 {pack_format = #tpu.pack_format<interleaved>} : vector<32xbf16> -> vector<16xf32>
      %add3A_923 = arith.addf %unpack3A_921, %unpack3A_922 : vector<16xf32>
      %add3A_924 = arith.addf %add3A_911, %add3A_923 : vector<16xf32>
      %get3A_925 = arith.index_cast %add3A_886 : i32 to index
      %get3A_926 = arith.constant 48 : index
      %get3A_927 = tpu.vector_load %arg8[%get3A_925, %get3A_926] {strides = array<i32>} : memref<80x64xi32, #tpu.memory_space<vmem>>, vector<16xi32>,
      %bitcast3A_928 = vector.bitcast %get3A_927 : vector<16xi32> to vector<32xbf16>
      %get3A_929 = arith.index_cast %add3A_886 : i32 to index
      %get3A_930 = arith.constant 48 : index
      %get3A_931 = tpu.vector_load %arg9[%get3A_929, %get3A_930] {strides = array<i32>} : memref<80x64xi32, #tpu.memory_space<vmem>>, vector<16xi32>,
      %bitcast3A_932 = vector.bitcast %get3A_931 : vector<16xi32> to vector<32xbf16>
      %mul3A_933 = arith.mulf %bitcast3A_928, %bitcast3A_932 : vector<32xbf16>
      %unpack3A_934 = tpu.unpack_subelements %mul3A_933, 0 {pack_format = #tpu.pack_format<interleaved>} : vector<32xbf16> -> vector<16xf32>
      %unpack3A_935 = tpu.unpack_subelements %mul3A_933, 1 {pack_format = #tpu.pack_format<interleaved>} : vector<32xbf16> -> vector<16xf32>
      %add3A_936 = arith.addf %unpack3A_934, %unpack3A_935 : vector<16xf32>
      %add3A_937 = arith.addf %add3A_924, %add3A_936 : vector<16xf32>
      %eq3A_938 = arith.constant 13 : i32
      %eq3A_939 = vector.broadcast %eq3A_938 : i32 to vector<16xi32>
      %eq3A_940 = arith.cmpi eq, %iota3A, %eq3A_939 : vector<16xi32>
      %reduce_sum3A_941 = arith.constant true
      %reduce_sum3A_942 = vector.broadcast %reduce_sum3A_941 : i1 to vector<16xi1>
      %reduce_sum3A_943 = tpu.scan <sum>, %add3A_937 masked %reduce_sum3A_942 : vector<16xf32>, vector<16xi1> -> vector<16xf32>
      %reduce_sum3A_944 = vector.extract %reduce_sum3A_943[15] : f32 from vector<16xf32>
      %broadcast_in_dim3A_945 = vector.broadcast %reduce_sum3A_944 : f32 to vector<16xf32>
      %select_n3A_946 = arith.select %eq3A_940, %broadcast_in_dim3A_945, %select_n3A_882 : vector<16xi1>, vector<16xf32>
      %mul3A_947 = arith.constant 16 : i32
      %mul3A_948 = arith.muli %scan3A_55, %mul3A_947 : i32
      %add3A_949 = arith.constant 14 : i32
      %add3A_950 = arith.addi %mul3A_948, %add3A_949 : i32
      %get3A_951 = arith.index_cast %add3A_950 : i32 to index
      %get3A_952 = arith.constant 0 : index
      %get3A_953 = tpu.vector_load %arg8[%get3A_951, %get3A_952] {strides = array<i32>} : memref<80x64xi32, #tpu.memory_space<vmem>>, vector<16xi32>,
      %bitcast3A_954 = vector.bitcast %get3A_953 : vector<16xi32> to vector<32xbf16>
      %get3A_955 = arith.index_cast %add3A_950 : i32 to index
      %get3A_956 = arith.constant 0 : index
      %get3A_957 = tpu.vector_load %arg9[%get3A_955, %get3A_956] {strides = array<i32>} : memref<80x64xi32, #tpu.memory_space<vmem>>, vector<16xi32>,
      %bitcast3A_958 = vector.bitcast %get3A_957 : vector<16xi32> to vector<32xbf16>
      %mul3A_959 = arith.mulf %bitcast3A_954, %bitcast3A_958 : vector<32xbf16>
      %unpack3A_960 = tpu.unpack_subelements %mul3A_959, 0 {pack_format = #tpu.pack_format<interleaved>} : vector<32xbf16> -> vector<16xf32>
      %unpack3A_961 = tpu.unpack_subelements %mul3A_959, 1 {pack_format = #tpu.pack_format<interleaved>} : vector<32xbf16> -> vector<16xf32>
      %add3A_962 = arith.addf %unpack3A_960, %unpack3A_961 : vector<16xf32>
      %get3A_963 = arith.index_cast %add3A_950 : i32 to index
      %get3A_964 = arith.constant 16 : index
      %get3A_965 = tpu.vector_load %arg8[%get3A_963, %get3A_964] {strides = array<i32>} : memref<80x64xi32, #tpu.memory_space<vmem>>, vector<16xi32>,
      %bitcast3A_966 = vector.bitcast %get3A_965 : vector<16xi32> to vector<32xbf16>
      %get3A_967 = arith.index_cast %add3A_950 : i32 to index
      %get3A_968 = arith.constant 16 : index
      %get3A_969 = tpu.vector_load %arg9[%get3A_967, %get3A_968] {strides = array<i32>} : memref<80x64xi32, #tpu.memory_space<vmem>>, vector<16xi32>,
      %bitcast3A_970 = vector.bitcast %get3A_969 : vector<16xi32> to vector<32xbf16>
      %mul3A_971 = arith.mulf %bitcast3A_966, %bitcast3A_970 : vector<32xbf16>
      %unpack3A_972 = tpu.unpack_subelements %mul3A_971, 0 {pack_format = #tpu.pack_format<interleaved>} : vector<32xbf16> -> vector<16xf32>
      %unpack3A_973 = tpu.unpack_subelements %mul3A_971, 1 {pack_format = #tpu.pack_format<interleaved>} : vector<32xbf16> -> vector<16xf32>
      %add3A_974 = arith.addf %unpack3A_972, %unpack3A_973 : vector<16xf32>
      %add3A_975 = arith.addf %add3A_962, %add3A_974 : vector<16xf32>
      %get3A_976 = arith.index_cast %add3A_950 : i32 to index
      %get3A_977 = arith.constant 32 : index
      %get3A_978 = tpu.vector_load %arg8[%get3A_976, %get3A_977] {strides = array<i32>} : memref<80x64xi32, #tpu.memory_space<vmem>>, vector<16xi32>,
      %bitcast3A_979 = vector.bitcast %get3A_978 : vector<16xi32> to vector<32xbf16>
      %get3A_980 = arith.index_cast %add3A_950 : i32 to index
      %get3A_981 = arith.constant 32 : index
      %get3A_982 = tpu.vector_load %arg9[%get3A_980, %get3A_981] {strides = array<i32>} : memref<80x64xi32, #tpu.memory_space<vmem>>, vector<16xi32>,
      %bitcast3A_983 = vector.bitcast %get3A_982 : vector<16xi32> to vector<32xbf16>
      %mul3A_984 = arith.mulf %bitcast3A_979, %bitcast3A_983 : vector<32xbf16>
      %unpack3A_985 = tpu.unpack_subelements %mul3A_984, 0 {pack_format = #tpu.pack_format<interleaved>} : vector<32xbf16> -> vector<16xf32>
      %unpack3A_986 = tpu.unpack_subelements %mul3A_984, 1 {pack_format = #tpu.pack_format<interleaved>} : vector<32xbf16> -> vector<16xf32>
      %add3A_987 = arith.addf %unpack3A_985, %unpack3A_986 : vector<16xf32>
      %add3A_988 = arith.addf %add3A_975, %add3A_987 : vector<16xf32>
      %get3A_989 = arith.index_cast %add3A_950 : i32 to index
      %get3A_990 = arith.constant 48 : index
      %get3A_991 = tpu.vector_load %arg8[%get3A_989, %get3A_990] {strides = array<i32>} : memref<80x64xi32, #tpu.memory_space<vmem>>, vector<16xi32>,
      %bitcast3A_992 = vector.bitcast %get3A_991 : vector<16xi32> to vector<32xbf16>
      %get3A_993 = arith.index_cast %add3A_950 : i32 to index
      %get3A_994 = arith.constant 48 : index
      %get3A_995 = tpu.vector_load %arg9[%get3A_993, %get3A_994] {strides = array<i32>} : memref<80x64xi32, #tpu.memory_space<vmem>>, vector<16xi32>,
      %bitcast3A_996 = vector.bitcast %get3A_995 : vector<16xi32> to vector<32xbf16>
      %mul3A_997 = arith.mulf %bitcast3A_992, %bitcast3A_996 : vector<32xbf16>
      %unpack3A_998 = tpu.unpack_subelements %mul3A_997, 0 {pack_format = #tpu.pack_format<interleaved>} : vector<32xbf16> -> vector<16xf32>
      %unpack3A_999 = tpu.unpack_subelements %mul3A_997, 1 {pack_format = #tpu.pack_format<interleaved>} : vector<32xbf16> -> vector<16xf32>
      %add3A_1000 = arith.addf %unpack3A_998, %unpack3A_999 : vector<16xf32>
      %add3A_1001 = arith.addf %add3A_988, %add3A_1000 : vector<16xf32>
      %eq3A_1002 = arith.constant 14 : i32
      %eq3A_1003 = vector.broadcast %eq3A_1002 : i32 to vector<16xi32>
      %eq3A_1004 = arith.cmpi eq, %iota3A, %eq3A_1003 : vector<16xi32>
      %reduce_sum3A_1005 = arith.constant true
      %reduce_sum3A_1006 = vector.broadcast %reduce_sum3A_1005 : i1 to vector<16xi1>
      %reduce_sum3A_1007 = tpu.scan <sum>, %add3A_1001 masked %reduce_sum3A_1006 : vector<16xf32>, vector<16xi1> -> vector<16xf32>
      %reduce_sum3A_1008 = vector.extract %reduce_sum3A_1007[15] : f32 from vector<16xf32>
      %broadcast_in_dim3A_1009 = vector.broadcast %reduce_sum3A_1008 : f32 to vector<16xf32>
      %select_n3A_1010 = arith.select %eq3A_1004, %broadcast_in_dim3A_1009, %select_n3A_946 : vector<16xi1>, vector<16xf32>
      %mul3A_1011 = arith.constant 16 : i32
      %mul3A_1012 = arith.muli %scan3A_55, %mul3A_1011 : i32
      %add3A_1013 = arith.constant 15 : i32
      %add3A_1014 = arith.addi %mul3A_1012, %add3A_1013 : i32
      %get3A_1015 = arith.index_cast %add3A_1014 : i32 to index
      %get3A_1016 = arith.constant 0 : index
      %get3A_1017 = tpu.vector_load %arg8[%get3A_1015, %get3A_1016] {strides = array<i32>} : memref<80x64xi32, #tpu.memory_space<vmem>>, vector<16xi32>,
      %bitcast3A_1018 = vector.bitcast %get3A_1017 : vector<16xi32> to vector<32xbf16>
      %get3A_1019 = arith.index_cast %add3A_1014 : i32 to index
      %get3A_1020 = arith.constant 0 : index
      %get3A_1021 = tpu.vector_load %arg9[%get3A_1019, %get3A_1020] {strides = array<i32>} : memref<80x64xi32, #tpu.memory_space<vmem>>, vector<16xi32>,
      %bitcast3A_1022 = vector.bitcast %get3A_1021 : vector<16xi32> to vector<32xbf16>
      %mul3A_1023 = arith.mulf %bitcast3A_1018, %bitcast3A_1022 : vector<32xbf16>
      %unpack3A_1024 = tpu.unpack_subelements %mul3A_1023, 0 {pack_format = #tpu.pack_format<interleaved>} : vector<32xbf16> -> vector<16xf32>
      %unpack3A_1025 = tpu.unpack_subelements %mul3A_1023, 1 {pack_format = #tpu.pack_format<interleaved>} : vector<32xbf16> -> vector<16xf32>
      %add3A_1026 = arith.addf %unpack3A_1024, %unpack3A_1025 : vector<16xf32>
      %get3A_1027 = arith.index_cast %add3A_1014 : i32 to index
      %get3A_1028 = arith.constant 16 : index
      %get3A_1029 = tpu.vector_load %arg8[%get3A_1027, %get3A_1028] {strides = array<i32>} : memref<80x64xi32, #tpu.memory_space<vmem>>, vector<16xi32>,
      %bitcast3A_1030 = vector.bitcast %get3A_1029 : vector<16xi32> to vector<32xbf16>
      %get3A_1031 = arith.index_cast %add3A_1014 : i32 to index
      %get3A_1032 = arith.constant 16 : index
      %get3A_1033 = tpu.vector_load %arg9[%get3A_1031, %get3A_1032] {strides = array<i32>} : memref<80x64xi32, #tpu.memory_space<vmem>>, vector<16xi32>,
      %bitcast3A_1034 = vector.bitcast %get3A_1033 : vector<16xi32> to vector<32xbf16>
      %mul3A_1035 = arith.mulf %bitcast3A_1030, %bitcast3A_1034 : vector<32xbf16>
      %unpack3A_1036 = tpu.unpack_subelements %mul3A_1035, 0 {pack_format = #tpu.pack_format<interleaved>} : vector<32xbf16> -> vector<16xf32>
      %unpack3A_1037 = tpu.unpack_subelements %mul3A_1035, 1 {pack_format = #tpu.pack_format<interleaved>} : vector<32xbf16> -> vector<16xf32>
      %add3A_1038 = arith.addf %unpack3A_1036, %unpack3A_1037 : vector<16xf32>
      %add3A_1039 = arith.addf %add3A_1026, %add3A_1038 : vector<16xf32>
      %get3A_1040 = arith.index_cast %add3A_1014 : i32 to index
      %get3A_1041 = arith.constant 32 : index
      %get3A_1042 = tpu.vector_load %arg8[%get3A_1040, %get3A_1041] {strides = array<i32>} : memref<80x64xi32, #tpu.memory_space<vmem>>, vector<16xi32>,
      %bitcast3A_1043 = vector.bitcast %get3A_1042 : vector<16xi32> to vector<32xbf16>
      %get3A_1044 = arith.index_cast %add3A_1014 : i32 to index
      %get3A_1045 = arith.constant 32 : index
      %get3A_1046 = tpu.vector_load %arg9[%get3A_1044, %get3A_1045] {strides = array<i32>} : memref<80x64xi32, #tpu.memory_space<vmem>>, vector<16xi32>,
      %bitcast3A_1047 = vector.bitcast %get3A_1046 : vector<16xi32> to vector<32xbf16>
      %mul3A_1048 = arith.mulf %bitcast3A_1043, %bitcast3A_1047 : vector<32xbf16>
      %unpack3A_1049 = tpu.unpack_subelements %mul3A_1048, 0 {pack_format = #tpu.pack_format<interleaved>} : vector<32xbf16> -> vector<16xf32>
      %unpack3A_1050 = tpu.unpack_subelements %mul3A_1048, 1 {pack_format = #tpu.pack_format<interleaved>} : vector<32xbf16> -> vector<16xf32>
      %add3A_1051 = arith.addf %unpack3A_1049, %unpack3A_1050 : vector<16xf32>
      %add3A_1052 = arith.addf %add3A_1039, %add3A_1051 : vector<16xf32>
      %get3A_1053 = arith.index_cast %add3A_1014 : i32 to index
      %get3A_1054 = arith.constant 48 : index
      %get3A_1055 = tpu.vector_load %arg8[%get3A_1053, %get3A_1054] {strides = array<i32>} : memref<80x64xi32, #tpu.memory_space<vmem>>, vector<16xi32>,
      %bitcast3A_1056 = vector.bitcast %get3A_1055 : vector<16xi32> to vector<32xbf16>
      %get3A_1057 = arith.index_cast %add3A_1014 : i32 to index
      %get3A_1058 = arith.constant 48 : index
      %get3A_1059 = tpu.vector_load %arg9[%get3A_1057, %get3A_1058] {strides = array<i32>} : memref<80x64xi32, #tpu.memory_space<vmem>>, vector<16xi32>,
      %bitcast3A_1060 = vector.bitcast %get3A_1059 : vector<16xi32> to vector<32xbf16>
      %mul3A_1061 = arith.mulf %bitcast3A_1056, %bitcast3A_1060 : vector<32xbf16>
      %unpack3A_1062 = tpu.unpack_subelements %mul3A_1061, 0 {pack_format = #tpu.pack_format<interleaved>} : vector<32xbf16> -> vector<16xf32>
      %unpack3A_1063 = tpu.unpack_subelements %mul3A_1061, 1 {pack_format = #tpu.pack_format<interleaved>} : vector<32xbf16> -> vector<16xf32>
      %add3A_1064 = arith.addf %unpack3A_1062, %unpack3A_1063 : vector<16xf32>
      %add3A_1065 = arith.addf %add3A_1052, %add3A_1064 : vector<16xf32>
      %eq3A_1066 = arith.constant 15 : i32
      %eq3A_1067 = vector.broadcast %eq3A_1066 : i32 to vector<16xi32>
      %eq3A_1068 = arith.cmpi eq, %iota3A, %eq3A_1067 : vector<16xi32>
      %reduce_sum3A_1069 = arith.constant true
      %reduce_sum3A_1070 = vector.broadcast %reduce_sum3A_1069 : i1 to vector<16xi1>
      %reduce_sum3A_1071 = tpu.scan <sum>, %add3A_1065 masked %reduce_sum3A_1070 : vector<16xf32>, vector<16xi1> -> vector<16xf32>
      %reduce_sum3A_1072 = vector.extract %reduce_sum3A_1071[15] : f32 from vector<16xf32>
      %broadcast_in_dim3A_1073 = vector.broadcast %reduce_sum3A_1072 : f32 to vector<16xf32>
      %select_n3A_1074 = arith.select %eq3A_1068, %broadcast_in_dim3A_1073, %select_n3A_1010 : vector<16xi1>, vector<16xf32>
      %neg3A = arith.constant 0.000000e+00 : f32
      %neg3A_1075 = vector.broadcast %neg3A : f32 to vector<16xf32>
      %neg3A_1076 = arith.subf %neg3A_1075, %select_n3A_1074 : vector<16xf32>
      %exp3A = math.exp %neg3A_1076 : vector<16xf32>
      %add3A_1077 = arith.constant 1.000000e+00 : f32
      %add3A_1078 = vector.broadcast %add3A_1077 : f32 to vector<16xf32>
      %add3A_1079 = arith.addf %add3A_1078, %exp3A : vector<16xf32>
      %div3A = arith.constant 1.000000e+00 : f32
      %div3A_1080 = vector.broadcast %div3A : f32 to vector<16xf32>
      %div3A_1081 = arith.divf %div3A_1080, %add3A_1079 : vector<16xf32>
      %mul3A_1082 = arith.constant 16 : i32
      %mul3A_1083 = arith.muli %scan3A_55, %mul3A_1082 : i32
      %add3A_1084 = arith.constant 9920 : i32
      %add3A_1085 = arith.addi %add3A_1084, %mul3A_1083 : i32
      %swap3A = arith.index_cast %add3A_1085 : i32 to index
      %swap3A_1086 = tpu.vector_load %arg12[%swap3A] {strides = array<i32>} : memref<10000xf32, #tpu.memory_space<vmem>>, vector<16xf32>,
      tpu.vector_store %arg12[%swap3A], %div3A_1081 {strides = array<i32>} : memref<10000xf32, #tpu.memory_space<vmem>>, vector<16xf32>,
    }
    %scan3A_52 = arith.constant 5 : i32
    %mul3A_53 = arith.constant 10000 : i32
    %mul3A_54 = arith.muli %add3A, %mul3A_53 : i32
    "tpu.region"() ({
      %run_scoped3A_55 = tpu.sem_alloc : memref<!tpu.dma_semaphore, #tpu.memory_space<semaphore_mem>>
      %dma_start3A_56 = tpu.memref_slice %arg4[%mul3A_54] : memref<320000xf32, #tpu.memory_space<hbm>> -> memref<10000xf32, #tpu.memory_space<hbm>>
      %dma_start3A_57 = tpu.memref_slice %arg4[%mul3A_54] : memref<320000xf32, #tpu.memory_space<hbm>> -> memref<10000xf32, #tpu.memory_space<hbm>>
      tpu.enqueue_dma source(%arg12 : memref<10000xf32, #tpu.memory_space<vmem>>) target(%dma_start3A_57 : memref<10000xf32, #tpu.memory_space<hbm>>) target_semaphore(%run_scoped3A_55 : memref<!tpu.dma_semaphore, #tpu.memory_space<semaphore_mem>>)
      %dma_wait3A_58 = tpu.memref_slice %arg4[%mul3A_54] : memref<320000xf32, #tpu.memory_space<hbm>> -> memref<10000xf32, #tpu.memory_space<hbm>>
      %dma_wait3A_59 = tpu.memref_slice %arg4[%mul3A_54] : memref<320000xf32, #tpu.memory_space<hbm>> -> memref<10000xf32, #tpu.memory_space<hbm>>
      tpu.wait_dma2 semaphore(%run_scoped3A_55 : memref<!tpu.dma_semaphore, #tpu.memory_space<semaphore_mem>>) src(%arg12 : memref<10000xf32, #tpu.memory_space<vmem>>) dst(%dma_wait3A_59 : memref<10000xf32, #tpu.memory_space<hbm>>)
      tpu.yield
    }) : () -> ()
    return
  }
}

module attributes {stable_mosaic.version = 14 : i64} {
  func.func @_zm_body(%arg0: i32, %arg1: memref<1000x128xf32, #tpu.memory_space<vmem>>, %arg2: memref<1000x128xf32, #tpu.memory_space<vmem>>, %arg3: memref<1000x64xi32, #tpu.memory_space<vmem>>) attributes {dimension_semantics = [#tpu.dimension_semantics<arbitrary>], iteration_bounds = array<i64: 10>, scalar_prefetch = 0 : i64, scratch_operands = 0 : i64, tpu.core_type = #tpu.core_type<tc>, window_params = [{transform_indices = @transform_0, window_bounds = array<i64: 1000, 128>}, {transform_indices = @transform_1, window_bounds = array<i64: 1000, 128>}, {transform_indices = @transform_2, window_bounds = array<i64: 1000, 64>}]} {
    %get3A = arith.constant 0 : index
    %get3A_0 = arith.constant 0 : index
    %get3A_1 = vector.load %arg1[%get3A, %get3A_0] : memref<1000x128xf32, #tpu.memory_space<vmem>>, vector<1000x128xf32>
    %get3A_2 = arith.constant 0 : index
    %get3A_3 = arith.constant 0 : index
    %get3A_4 = vector.load %arg2[%get3A_2, %get3A_3] : memref<1000x128xf32, #tpu.memory_space<vmem>>, vector<1000x128xf32>
    %mul3A = arith.mulf %get3A_1, %get3A_4 : vector<1000x128xf32>
    %slice3A = vector.extract_strided_slice %mul3A {offsets = [0, 0], sizes = [1000, 64], strides = [1, 1]} : vector<1000x128xf32> to vector<1000x64xf32>
    %convert_element_type3A = arith.truncf %slice3A : vector<1000x64xf32> to vector<1000x64xbf16>
    %bitcast_convert_type3A = tpu.bitcast %convert_element_type3A : vector<1000x64xbf16> -> vector<1000x64xi16>
    %convert_element_type3A_5 = arith.extui %bitcast_convert_type3A : vector<1000x64xi16> to vector<1000x64xi32>
    %slice3A_6 = vector.extract_strided_slice %mul3A {offsets = [0, 64], sizes = [1000, 64], strides = [1, 1]} : vector<1000x128xf32> to vector<1000x64xf32>
    %convert_element_type3A_7 = arith.truncf %slice3A_6 : vector<1000x64xf32> to vector<1000x64xbf16>
    %bitcast_convert_type3A_8 = tpu.bitcast %convert_element_type3A_7 : vector<1000x64xbf16> -> vector<1000x64xi16>
    %convert_element_type3A_9 = arith.extui %bitcast_convert_type3A_8 : vector<1000x64xi16> to vector<1000x64xi32>
    %shift_left3A = arith.constant 16 : i32
    %shift_left3A_10 = vector.broadcast %shift_left3A : i32 to vector<1000x64xi32>
    %shift_left3A_11 = arith.shli %convert_element_type3A_9, %shift_left3A_10 : vector<1000x64xi32>
    %or3A = arith.ori %convert_element_type3A_5, %shift_left3A_11 : vector<1000x64xi32>
    %bitcast_convert_type3A_12 = tpu.bitcast %or3A : vector<1000x64xi32> -> vector<1000x64xi32>
    %swap3A = arith.constant 0 : index
    %swap3A_13 = arith.constant 0 : index
    %swap3A_14 = vector.load %arg3[%swap3A, %swap3A_13] : memref<1000x64xi32, #tpu.memory_space<vmem>>, vector<1000x64xi32>
    tpu.vector_store %arg3[%swap3A, %swap3A_13], %bitcast_convert_type3A_12 {strides = array<i32>} : memref<1000x64xi32, #tpu.memory_space<vmem>>, vector<1000x64xi32>,
    return
  }
  func.func @transform_0(%arg0: i32) -> (i32, i32) {
    %c0_i32 = arith.constant 0 : i32
    %c0_i32_0 = arith.constant 0 : i32
    return %arg0, %c0_i32 : i32, i32
  }
  func.func @transform_1(%arg0: i32) -> (i32, i32) {
    %c0_i32 = arith.constant 0 : i32
    %c0_i32_0 = arith.constant 0 : i32
    return %arg0, %c0_i32 : i32, i32
  }
  func.func @transform_2(%arg0: i32) -> (i32, i32) {
    %c0_i32 = arith.constant 0 : i32
    %c0_i32_0 = arith.constant 0 : i32
    return %arg0, %c0_i32 : i32, i32
  }
}

</mosaic_0001>

<sc_bundles>
// kernel: kernel.4.cloned.1.call-start
scs
__scs_entry_jumppad:
0x0: {  	(pc) =	sbr.rel $0x88, $3  }
0x1: {  	(tag) =	ssettag $0x0;
	lr =	simm.s32 $0x1  }
0x2: {  	[smem:$0x3F9E] =	sst lr;
	_ =	strace $0xD0000000  }
0x3: {  	_ = 	snop  }
0x4: {  	_ = 	snop  }
0x5: {  	_ = 	snop  }
0x6: {  	_ = 	snop  }
0x7: {  	_ = 	snop  }
__scs_overlays_trampoline_lowered:
0x8: {  	[smem:$0x3FAD] =	sst s0  }
0x9: {  	[smem:$0x3FAE] =	sst s1  }
0xa: {  	[smem:$0x3FAF] =	sst s2  }
0xb: {  	[smem:$0x3FB0] =	sst s3  }
0xc: {  	[smem:$0x3FB1] =	sst s4  }
0xd: {  	[smem:$0x3FB2] =	sst s5  }
0xe: {  	[smem:$0x3FB3] =	sst s6  }
0xf: {  	[smem:$0x3FB4] =	sst s7  }
0x10: {  	[smem:$0x3FB5] =	sst s8  }
0x11: {  	[smem:$0x3FB6] =	sst s9;
	s0 =	simm.s32 @!p0 $0x0  }
0x12: {  	s1 =	sld [smem:$0x3F9C];
	s0 =	simm.s32 @p0 $0x1  }
0x13: {  	[smem:$0x3FB7] =	sst s0;
	s0 =	simm.s32 @!p1 $0x0  }
0x14: {  	s2 =	sld [smem:$0x3F9B];
	s0 =	simm.s32 @p1 $0x1  }
0x15: {  	[smem:$0x3FB8] =	sst s0;
	s0 =	simm.s32 @!p2 $0x0  }
0x16: {  	s3 =	sld [smem:$0x3FDB];
	s0 =	simm.s32 @p2 $0x1  }
0x17: {  	s4 =	simm.s32 $0x1BF5;
	[smem:$0x3FBA] =	sst s0  }
0x18: {  	s0 =	sld [smem:$0x3F9D];
	_ =	swait.ge [sflag:s4], $0x0  }
0x19: {  	s7 =	sld [smem:$0x3F9E]  }
0x1a: {  	s8 =	sadd.s32 $0xFFFFE003, lr  }
0x1b: {  	s9 =	sadd.s32 $0xFFFFFEF7, lr;
	s5 =	simm.s32 $0xFFFFFFFF;
	p2 =	slt.u32 s8, $0xFFFFF086  }
0x1c: {  	p1 =	slt.u32 s9, $0xF7A;
	s5 =	simm.s32 @!p2 $0x0  }
0x1d: {  	s5 =	simm.s32 @p1 $0x1;
	p0 =	seq.s32 s7, s2  }
0x1e: {  	s7 =	smul.u32 @!p0 $0xF7A, s2;
	p2 =	seq.s32 @!p0 s5, $0x0  }
0x1f: {  	s9 =	smul.u32 $0xF7A, s1;
	s8 =	simm.s32 @!p0 $0x1BF5;
	p2 =	por !p2, p0  }
0x20: {  	[sflag:s8] =	ssyncset.s32 @!p0 $0xFFFFF086;
	s6 =	sadd.s32 @!p0 s3, s7;
	s7 =	simm.s32 @!p0 $0x108  }
0x21: {  	s3 =	sadd.s32 s3, s9;
	s6 =	sadd.s32 @!p0 $0x88, s6;
	s7 =	simm.s32 @p2 $0x1082  }
0x22: {  	[simem:s7], [sflag:s8] =	dma.local @!p0 [hbm:s6], $0xF7A  }
0x23: {  	s9 =	sor.u32 $0xD0000000, s2;
	s6 =	simm.s32 $0x108;
	_ =	swait.ge @!p0 [sflag:s8], $0x0  }
0x24: {  	s3 =	sadd.s32 $0x88, s3;
	s6 =	simm.s32 @!p1 $0x1082;
	[sflag:s4] =	ssyncset.s32 $0xFFFFF086  }
0x25: {  	[simem:s6], [sflag:s4] =	dma.local [hbm:s3], $0xF7A  }
0x26: {  	[smem:$0x3F9E] =	sst s1;
	(tag) =	ssettag s2;
	_ =	strace s9  }
0x27: {  	s1 =	sld [smem:$0x3FAE]  }
0x28: {  	s2 =	sld [smem:$0x3FAF]  }
0x29: {  	s4 =	sld [smem:$0x3FB1]  }
0x2a: {  	p0 =	seq.s32 s5, $0x0;
	s5 =	sld [smem:$0x3FB2]  }
0x2b: {  	s6 =	sld [smem:$0x3FB3]  }
0x2c: {  	s7 =	sld [smem:$0x3FB4]  }
0x2d: {  	s3 =	simm.s32 $0x108;
	s8 =	sld [smem:$0x3FB5]  }
0x2e: {  	s3 =	simm.s32 @!p0 $0x1082;
	s9 =	sld [smem:$0x3FB6]  }
0x2f: {  	lr =	sadd.s32 s0, s3;
	s0 =	sld [smem:$0x3FAD]  }
0x30: {  	s3 =	sld [smem:$0x3FB0]  }
0x31: {  	[smem:$0x3FB9] =	sst s10  }
0x32: {  	s10 =	sld [smem:$0x3FB7];
	_ =	sdelay $0x3  }
0x33: {  	p0 =	seq.s32 s10, $0x1;
	s10 =	sld [smem:$0x3FB9];
	_ =	sdelay $0x3  }
0x34: {  	[smem:$0x3FB9] =	sst s10  }
0x35: {  	s10 =	sld [smem:$0x3FB8];
	_ =	sdelay $0x3  }
0x36: {  	p1 =	seq.s32 s10, $0x1;
	s10 =	sld [smem:$0x3FB9];
	_ =	sdelay $0x3  }
0x37: {  	[smem:$0x3FB9] =	sst s10  }
0x38: {  	s10 =	sld [smem:$0x3FBA]  }
0x39: {  	_ = 	snop;
	(pc) =	sbr.ind lr, $3  }
0x3a: {  	_ = 	snop  }
0x3b: {  	_ = 	snop  }
0x3c: {  	p2 =	seq.s32 s10, $0x1;
	s10 =	sld [smem:$0x3FB9]  }
0x3d: {  	_ =	shalt  }
0x3e: {  	_ =	shalt  }
0x3f: {  	_ =	shalt  }
0x40: {  	_ =	shalt  }
0x41: {  	_ =	shalt  }
0x42: {  	_ =	shalt  }
0x43: {  	_ =	shalt  }
0x44: {  	_ =	shalt  }
0x45: {  	_ =	shalt  }
0x46: {  	_ =	shalt  }
0x47: {  	_ =	shalt  }
0x48: {  	_ =	shalt  }
0x49: {  	_ =	shalt  }
0x4a: {  	_ =	shalt  }
0x4b: {  	_ =	shalt  }
0x4c: {  	_ =	shalt  }
0x4d: {  	_ =	shalt  }
0x4e: {  	_ =	shalt  }
0x4f: {  	_ =	shalt  }
0x50: {  	_ =	shalt  }
0x51: {  	_ =	shalt  }
0x52: {  	_ =	shalt  }
0x53: {  	_ =	shalt  }
0x54: {  	_ =	shalt  }
0x55: {  	_ =	shalt  }
0x56: {  	_ =	shalt  }
0x57: {  	_ =	shalt  }
0x58: {  	_ =	shalt  }
0x59: {  	_ =	shalt  }
0x5a: {  	_ =	shalt  }
0x5b: {  	_ =	shalt  }
0x5c: {  	_ =	shalt  }
0x5d: {  	_ =	shalt  }
0x5e: {  	_ =	shalt  }
0x5f: {  	_ =	shalt  }
0x60: {  	_ =	shalt  }
0x61: {  	_ =	shalt  }
0x62: {  	_ =	shalt  }
0x63: {  	_ =	shalt  }
0x64: {  	_ =	shalt  }
0x65: {  	_ =	shalt  }
0x66: {  	_ =	shalt  }
0x67: {  	_ =	shalt  }
0x68: {  	_ =	shalt  }
0x69: {  	_ =	shalt  }
0x6a: {  	_ =	shalt  }
0x6b: {  	_ =	shalt  }
0x6c: {  	_ =	shalt  }
0x6d: {  	_ =	shalt  }
0x6e: {  	_ =	shalt  }
0x6f: {  	_ =	shalt  }
0x70: {  	_ =	shalt  }
0x71: {  	_ =	shalt  }
0x72: {  	_ =	shalt  }
0x73: {  	_ =	shalt  }
0x74: {  	_ =	shalt  }
0x75: {  	_ =	shalt  }
0x76: {  	_ =	shalt  }
0x77: {  	_ =	shalt  }
0x78: {  	_ =	shalt  }
0x79: {  	_ =	shalt  }
0x7a: {  	_ =	shalt  }
0x7b: {  	_ =	shalt  }
0x7c: {  	_ =	shalt  }
0x7d: {  	_ =	shalt  }
0x7e: {  	_ =	shalt  }
0x7f: {  	_ =	shalt  }
0x80: {  	_ =	shalt  }
0x81: {  	_ =	shalt  }
0x82: {  	_ =	shalt  }
0x83: {  	_ =	shalt  }
0x84: {  	_ =	shalt  }
0x85: {  	_ =	shalt  }
0x86: {  	_ =	shalt  }
0x87: {  	_ =	shalt  }
.Lfunc_end0:
.L_simem_size_0:
called_computation_lowered:
.L_overlay_start_0:
0x88: {  	s2 =	sld [smem:$0x3FD9]  }
0x89: {  	s3 =	sld [smem:$0x3FFE];
	_ =	sdelay $0x1  }
0x8a: {  	s1 =	srdreg.scid  }
0x8b: {  	s0 =	sand.u32 $0x1, s1  }
0x8c: {  	s17 =	sshll.u32 s0, $0xA;
	s2 =	sadd.s32 s3, s2  }
0x8d: {  	s2 =	sadd.s32 s2, s17  }
0x8e: {  	[smem:$0x3FC5] =	sst s2  }
0x8f: {  	_ = 	snop  }
0x90: {  	s2 =	sld [smem:$0x3FD0];
	(tm) =	ssettm $0x1  }
0x91: {  	s18 =	sld [smem:$0x3FFB];
	_ =	sdelay $0x3  }
0x92: {  	_ =	strace s18  }
0x93: {  	s3 =	sld [smem:$0x3FFC];
	_ =	sdelay $0x3  }
0x94: {  	_ =	strace s3  }
0x95: {  	s3 =	sld [smem:$0x3FFD];
	_ =	sdelay $0x3  }
0x96: {  	_ =	strace s3  }
0x97: {  	_ =	strace $0x8FFFFFFF  }
0x98: {  	s19 =	sld [smem:$0x3FDB];
	_ =	sdelay $0x1  }
0x99: {  	s4 =	simm.s32 $_scs_section_size  }
0x9a: {  	s5 =	simm.s32 $_size__tile_overlayer_lowered;
	s6 =	simm.s32 $_tile_overlayer_lowered  }
0x9b: {  	s22 =	simm.s32 $0x1BFF;
	s21 =	sshll.u32 s6, $0x1;
	s3 =	sadd.s32 s4, s19  }
0x9c: {  	s7 =	simm.s32 $0x0;
	s20 =	sshll.u32 s5, $0x1;
	s5 =	sadd.s32 s21, s3  }
0x9d: {  	[timem:s7], [sflag:s22] =	dma.local [hbm:s5], s20  }
0x9e: {  	_ =	swait.ge [sflag:s22], s20  }
0x9f: {  	s4 =	ssub.s32 $0x0, s20;
	[sflag:s22] =	ssyncset.done $0x0  }
0xa0: {  	[sflag:s22] =	ssyncadd.s32 s4;
	_ =	sdelay $0x1  }
0xa1: {  	s23 =	simm.s32 $0x1B8B  }
0xa2: {  	_ =	swait.ge [sflag:s23], $0x1  }
0xa3: {  	[sflag:s23] =	ssyncset.done $0x0  }
0xa4: {  	s25 =	simm.s32 $0x1B8E;
	s24 =	sld [smem:$0x3FFE];
	[sflag:s23] =	ssyncadd.s32 $0xFFFFFFFF  }
0xa5: {  	s26 =	simm.s32 $execute0_lowered;
	[smem:$0x3FD2] =	sst s25  }
0xa6: {  	s5 =	sshll.u32 s26, $0x1;
	_ =	strace $0x80000046;
	[dreg:$0x1] =	wrdreg $0xFFFFFFFF  }
0xa7: {  	s28 =	simm.s32 $_size_execute0_lowered;
	s3 =	sadd.s32 s3, s5;
	[dreg:$0x0] =	wrdreg $0x0  }
0xa8: {  	s5 =	sshll.u32 s28, $0x1;
	[dreg:$0x2] =	wrdreg s3  }
0xa9: {  	[dreg:$0x3] =	wrdreg s5  }
0xaa: {  	[dreg:$0x4] =	wrdreg $0xC0  }
0xab: {  	_ =	task [dreg:s7], $0x5FFFF  }
0xac: {  	[dreg:$0x1] =	wrdreg $0xFFFFFFFF  }
0xad: {  	[dreg:$0x0] =	wrdreg $0x60  }
0xae: {  	[dreg:$0x2] =	wrdreg s24  }
0xaf: {  	[dreg:$0x3] =	wrdreg s2  }
0xb0: {  	[dreg:$0x4] =	wrdreg $0x0  }
0xb1: {  	[dreg:$0x5] =	wrdreg $0x9  }
0xb2: {  	_ =	task.clear_ibuf [dreg:s7], $0x6FFFF;
	_ =	strace $0x90000046  }
0xb3: {  	s29 =	simm.s32 $0x9;
	_ =	strace $0x80000048  }
0xb4: {  	_ =	swait.ge [sflag:s29], $0x1  }
0xb5: {  	[sflag:s29] =	ssyncadd.s32 $0xFFFFFFFF  }
0xb6: {  	_ =	strace $0x90000048  }
0xb7: {  	_ =	sfence  }
0xb8: {  	s30 =	sld [smem:$0x0];
	_ =	sdelay $0x2  }
0xb9: {  	s31 =	sshll.u32 s1, $0xD;
	s1 =	sshrl.u32 s1, $0x2  }
0xba: {  	s3 =	sand.u32 $0x4000, s31;
	s1 =	sadd.s32 s1, s30  }
0xbb: {  	s0 =	sor.u32 s3, s0;
	s1 =	sshll.u32 s1, $0x11  }
0xbc: {  	s0 =	sor.u32 s1, s0  }
0xbd: {  	s0 =	sadd.s32 $0x8F2B, s0  }
0xbe: {  	[sflag:s0] =	ssyncadd.remote.s32 $0x1  }
0xbf: {  	_ =	sfence.sel $0xFFFF  }
0xc0: {  	[dreg:$0x0] =	wrdreg $0xFFFFFFFF;
	(pc) =	sbr.abs _section_cstart, $3  }
0xc1: {  	[dreg:$0x1] =	wrdreg $0xFFFFFFFF  }
0xc2: {  	_ =	task.clear_ibuf [dreg:s7], $0x2FFFF;
	_ =	strace $0x9FFFFFFF  }
0xc3: {  	(tm) =	ssettm $0x7FFFFFFF  }
tec
execute0_lowered:
.L_overlay_start_1:
0x0: {  	(tag) =	ssettag $0x1  }
0x1: {  	s0 =	rddreg [dreg:$0x0]  }
0x2: {  	s1 =	srdreg.scid;
	s4 =	rddreg [dreg:$0x1]  }
0x3: {  	s9 =	stileid.u32;
	s2 =	rddreg [dreg:$0x2]  }
0x4: {  	s30 =	simm.s32 $0x50;
	s31 =	simm.s32 $0xFE60;
	s28 =	simm.s32 $0x1  }
0x5: {  	s29 =	simm.s32 $0x2;
	s1 =	sand.u32 $0x1, s1;
	s3 =	sshll.u32 s9, $0x1  }
0x6: {  	s8 =	smul.u32 $0x1400, s9;
	s11 =	sor.u32 $0x70, s9;
	s5 =	sor.u32 s1, s3  }
0x7: {  	s3 =	simm.s32 $0x0;
	s1 =	ssub.s32 $0x2, s1;
	p0 =	sgt.u32 s11, $0x7C  }
0x8: {  	s5 =	smul.u32 $0x2710, s5;
	[smem:$0x7FF] =	sst s3;
	s7 =	sshrl.u32 s1, $0x1  }
0x9: {  	s18 =	sshrl.u32 s8, $0x3;
	s20 =	sadd.s32 $0x14000, s8;
	s21 =	sadd.s32 s8, s2  }
0xa: {  	s23 =	sadd.s32 $0x28000, s8;
	s25 =	sadd.s32 $0x3C000, s8;
	s26 =	sadd.s32 $0x50000, s8  }
0xb: {  	s10 =	sadd.s32 $0x64000, s8;
	_ =	strace $0x80000047;
	s1 =	ssub.s32 s1, s7  }
0xc: {  	[dreg:$0x9] =	wrdreg s21;
	s22 =	sshrl.u32 s20, $0x3;
	s24 =	sshrl.u32 s23, $0x3  }
0xd: {  	s13 =	sadd.s32 s23, s2;
	s7 =	sshrl.u32 s26, $0x3;
	s15 =	sadd.s32 s25, s2  }
0xe: {  	s23 =	sadd.s32 $0x78000, s8;
	s5 =	sshrl.u32 s5, $0x3;
	s1 =	smax.u32 s1, $0x1  }
0xf: {  	s21 =	sadd.s32 s23, s2;
	s4 =	sadd.s32 s4, s5;
	[dreg:$0x7] =	wrdreg s1  }
0x10: {  	s6 =	sadd.s32 s5, s0;
	s1 =	sadd.s32 s20, s2;
	[dreg:$0x6] =	wrdreg s4  }
0x11: {  	s0 =	sadd.s32 $0xA00, s0;
	s17 =	sadd.s32 $0x14400, s6;
	[dreg:$0xb] =	wrdreg s1  }
0x12: {  	s6 =	sadd.s32 $0x1E040, s6;
	s19 =	sadd.s32 s0, s18;
	[dreg:$0x4] =	wrdreg s17  }
0x13: {  	s4 =	sadd.s32 s0, s22;
	s12 =	sadd.s32 s0, s24;
	[dreg:$0x5] =	wrdreg s6  }
0x14: {  	s16 =	sadd.s32 s0, s7;
	s22 =	sshrl.u32 s10, $0x3;
	[dreg:$0x8] =	wrdreg s19  }
0x15: {  	s24 =	smul.u32 $0x1400, s11;
	s1 =	simm.s32 $0x12660;
	[dreg:$0xa] =	wrdreg s4  }
0x16: {  	vm0 =	vmmov $0x1;
	vm1 =	vmmov $0x3;
	vm2 =	vmmov $0x7;
	s6 =	sshrl.u32 s25, $0x3;
	s17 =	sadd.s32 s26, s2;
	s18 =	sadd.s32 s0, s22  }
0x17: {  	vm3 =	vmmov $0xf;
	vm4 =	vmmov $0x1f;
	vm5 =	vmmov $0x3f;
	s19 =	sadd.s32 s10, s2;
	s25 =	sshrl.u32 s23, $0x3;
	s4 =	simm.s32 $0x0  }
0x18: {  	vm6 =	vmmov $0x7f;
	vm7 =	vmmov $0xff;
	vm8 =	vmmov $0x1ff;
	s14 =	sadd.s32 s0, s6;
	s20 =	sadd.s32 s0, s25;
	s26 =	sshrl.u32 s24, $0x3  }
0x19: {  	vm9 =	vmmov $0x3ff;
	vm10 =	vmmov $0x7ff;
	vm11 =	vmmov $0xfff;
	s23 =	sadd.s32 s24, s2;
	s24 =	simm.s32 $0xEA60;
	s25 =	simm.s32 $0x4  }
0x1a: {  	vm12 =	vmmov $0x1fff;
	vm13 =	vmmov $0x3fff;
	vm14 =	vmmov $0x7fff;
	s22 =	sadd.s32 s0, s26;
	s26 =	simm.s32 $0x3;
	s0 =	simm.s32 $0x11260  }
.LBB2_1:
0x1b: {  	s5 =	rddreg [dreg:$0x8]  }
0x1c: {  	[tilespmem:s24], [sflag:$0x4] =	stream.linear.gather [hbm4b:s5+s3], $0x1400, $0x38;
	[tilespmem:$0x16170] =	vst v63  }
0x1d: {  	_ =	swait.ge [sflag:s25], $0x1400  }
0x1e: {  	[sflag:s25] =	ssyncset.done $0x0  }
0x1f: {  	s10 =	rddreg [dreg:$0x9];
	[sflag:s25] =	ssyncadd.s32 $0xFFFFEC00  }
0x20: {  	[spmem:s10] =	stream.linear.scatter [tilespmem:s24], [sflag:$0x3], $0x1400, $0x38;
	[tilespmem:$0x16170] =	vst v63  }
0x21: {  	_ =	swait.ge [sflag:s26], $0x1400  }
0x22: {  	[sflag:s26] =	ssyncset.done $0x0  }
0x23: {  	s11 =	rddreg [dreg:$0xa];
	[sflag:s26] =	ssyncadd.s32 $0xFFFFEC00  }
0x24: {  	[tilespmem:s24], [sflag:$0x4] =	stream.linear.gather [hbm4b:s11+s3], $0x1400, $0x38;
	[tilespmem:$0x16170] =	vst v63  }
0x25: {  	_ =	swait.ge [sflag:s25], $0x1400  }
0x26: {  	[sflag:s25] =	ssyncset.done $0x0  }
0x27: {  	s6 =	rddreg [dreg:$0xb];
	[sflag:s25] =	ssyncadd.s32 $0xFFFFEC00  }
0x28: {  	[spmem:s6] =	stream.linear.scatter [tilespmem:s24], [sflag:$0x3], $0x1400, $0x38;
	[tilespmem:$0x16170] =	vst v63  }
0x29: {  	_ =	swait.ge [sflag:s26], $0x1400  }
0x2a: {  	[sflag:s26] =	ssyncset.done $0x0  }
0x2b: {  	[sflag:s26] =	ssyncadd.s32 $0xFFFFEC00  }
0x2c: {  	[tilespmem:s24], [sflag:$0x4] =	stream.linear.gather [hbm4b:s12+s3], $0x1400, $0x38;
	[tilespmem:$0x16170] =	vst v63  }
0x2d: {  	_ =	swait.ge [sflag:s25], $0x1400  }
0x2e: {  	[sflag:s25] =	ssyncset.done $0x0  }
0x2f: {  	[sflag:s25] =	ssyncadd.s32 $0xFFFFEC00  }
0x30: {  	[spmem:s13] =	stream.linear.scatter [tilespmem:s24], [sflag:$0x3], $0x1400, $0x38;
	[tilespmem:$0x16170] =	vst v63  }
0x31: {  	_ =	swait.ge [sflag:s26], $0x1400  }
0x32: {  	[sflag:s26] =	ssyncset.done $0x0  }
0x33: {  	[sflag:s26] =	ssyncadd.s32 $0xFFFFEC00  }
0x34: {  	[tilespmem:s24], [sflag:$0x4] =	stream.linear.gather [hbm4b:s14+s3], $0x1400, $0x38;
	[tilespmem:$0x16170] =	vst v63  }
0x35: {  	_ =	swait.ge [sflag:s25], $0x1400  }
0x36: {  	[sflag:s25] =	ssyncset.done $0x0  }
0x37: {  	[sflag:s25] =	ssyncadd.s32 $0xFFFFEC00  }
0x38: {  	[spmem:s15] =	stream.linear.scatter [tilespmem:s24], [sflag:$0x3], $0x1400, $0x38;
	[tilespmem:$0x16170] =	vst v63  }
0x39: {  	_ =	swait.ge [sflag:s26], $0x1400  }
0x3a: {  	[sflag:s26] =	ssyncset.done $0x0  }
0x3b: {  	[sflag:s26] =	ssyncadd.s32 $0xFFFFEC00  }
0x3c: {  	[tilespmem:s24], [sflag:$0x4] =	stream.linear.gather [hbm4b:s16+s3], $0x1400, $0x38;
	[tilespmem:$0x16170] =	vst v63  }
0x3d: {  	_ =	swait.ge [sflag:s25], $0x1400  }
0x3e: {  	[sflag:s25] =	ssyncset.done $0x0  }
0x3f: {  	[sflag:s25] =	ssyncadd.s32 $0xFFFFEC00  }
0x40: {  	[spmem:s17] =	stream.linear.scatter [tilespmem:s24], [sflag:$0x3], $0x1400, $0x38;
	[tilespmem:$0x16170] =	vst v63  }
0x41: {  	_ =	swait.ge [sflag:s26], $0x1400  }
0x42: {  	[sflag:s26] =	ssyncset.done $0x0  }
0x43: {  	[sflag:s26] =	ssyncadd.s32 $0xFFFFEC00  }
0x44: {  	[tilespmem:s24], [sflag:$0x4] =	stream.linear.gather [hbm4b:s18+s3], $0x1400, $0x38;
	[tilespmem:$0x16170] =	vst v63  }
0x45: {  	_ =	swait.ge [sflag:s25], $0x1400  }
0x46: {  	[sflag:s25] =	ssyncset.done $0x0  }
0x47: {  	[sflag:s25] =	ssyncadd.s32 $0xFFFFEC00  }
0x48: {  	[spmem:s19] =	stream.linear.scatter [tilespmem:s24], [sflag:$0x3], $0x1400, $0x38;
	[tilespmem:$0x16170] =	vst v63  }
0x49: {  	_ =	swait.ge [sflag:s26], $0x1400  }
0x4a: {  	[sflag:s26] =	ssyncset.done $0x0  }
0x4b: {  	[sflag:s26] =	ssyncadd.s32 $0xFFFFEC00  }
0x4c: {  	[tilespmem:s24], [sflag:$0x4] =	stream.linear.gather [hbm4b:s20+s3], $0x1400, $0x38;
	[tilespmem:$0x16170] =	vst v63  }
0x4d: {  	_ =	swait.ge [sflag:s25], $0x1400  }
0x4e: {  	[sflag:s25] =	ssyncset.done $0x0  }
0x4f: {  	[sflag:s25] =	ssyncadd.s32 $0xFFFFEC00  }
0x50: {  	[spmem:s21] =	stream.linear.scatter [tilespmem:s24], [sflag:$0x3], $0x1400, $0x38;
	[tilespmem:$0x16170] =	vst v63  }
0x51: {  	_ =	swait.ge [sflag:s26], $0x1400  }
0x52: {  	[sflag:s26] =	ssyncset.done $0x0  }
0x53: {  	s5 =	simm.s32 @!p0 $0x0;
	s6 =	simm.s32 @!p0 $0xEA60;
	[sflag:s26] =	ssyncadd.s32 $0xFFFFEC00  }
0x54: {  	[tilespmem:s6], [sflag:$0x4] =	stream.linear.gather @!p0 [hbm4b:s22+s5], $0x1400, $0x38;
	[tilespmem:$0x16170] =	vst v63  }
0x55: {  	s5 =	simm.s32 @!p0 $0x4  }
0x56: {  	_ =	swait.ge @!p0 [sflag:s5], $0x1400  }
0x57: {  	[sflag:s5] =	ssyncset.done @!p0 $0x0  }
0x58: {  	[sflag:s5] =	ssyncadd.s32 @!p0 $0xFFFFEC00;
	s5 =	simm.s32 @!p0 $0x3  }
0x59: {  	[spmem:s23] =	stream.linear.scatter @!p0 [tilespmem:s6], [sflag:$0x3], $0x1400, $0x38;
	[tilespmem:$0x16170] =	vst v63  }
0x5a: {  	_ =	swait.ge @!p0 [sflag:s5], $0x1400  }
0x5b: {  	[sflag:s5] =	ssyncset.done @!p0 $0x0  }
0x5c: {  	s8 =	simm.s32 $0x9C40;
	s7 =	rddreg [dreg:$0x4];
	[sflag:s5] =	ssyncadd.s32 @!p0 $0xFFFFEC00  }
0x5d: {  	[tilespmem:s8], [sflag:$0x3] =	stream.linear.gather [hbm4b:s7+s3], $0x2710, $0x38;
	[tilespmem:$0x16170] =	vst v63  }
0x5e: {  	_ =	swait.ge [sflag:s26], $0x2710  }
0x5f: {  	[sflag:s26] =	ssyncset.done $0x0  }
0x60: {  	s7 =	simm.s32 $0xC350;
	s9 =	rddreg [dreg:$0x5];
	[sflag:s26] =	ssyncadd.s32 $0xFFFFD8F0  }
0x61: {  	[tilespmem:s7], [sflag:$0x3] =	stream.linear.gather [hbm4b:s9+s3], $0x2710, $0x38;
	[tilespmem:$0x16170] =	vst v63  }
0x62: {  	_ =	swait.ge [sflag:s26], $0x2710  }
0x63: {  	[sflag:s26] =	ssyncset.done $0x0  }
0x64: {  	[sflag:s26] =	ssyncadd.s32 $0xFFFFD8F0  }
0x65: {  	[bflag:$0x0] =	sbarrier.arrive $0xFFFF  }
0x66: {  	[tilespmem:s24], [sflag:$0x1] =	stream.indirect.gather [spmem:s2], $0x40, s8, s30, $0xb8;
	[tilespmem:$0x16170] =	vst v63  }
0x67: {  	_ = 	snop  }
0x68: {  	[tilespmem:s31], [sflag:$0x1] =	stream.indirect.gather [spmem:s2], $0x40, s7, s30, $0xb8;
	[tilespmem:$0x16170] =	vst v63  }
0x69: {  	s10 =	simm.s32 $0x9C90;
	s11 =	simm.s32 $0xC3A0  }
0x6a: {  	[tilespmem:s0], [sflag:$0x2] =	stream.indirect.gather [spmem:s2], $0x40, s10, s30, $0xb8;
	[tilespmem:$0x16170] =	vst v63  }
0x6b: {  	s6 =	simm.s32 $0x13A60;
	s7 =	simm.s32 $0x0;
	s10 =	simm.s32 $0x13AB0  }
0x6c: {  	[tilespmem:s1], [sflag:$0x2] =	stream.indirect.gather [spmem:s2], $0x40, s11, s30, $0xb8;
	[tilespmem:$0x16170] =	vst v63  }
.LBB2_2:
0x6d: {  	_ =	swait.ge [sflag:s28], $0x1400  }
0x6e: {  	[sflag:s28] =	ssyncset.done $0x0  }
0x6f: {  	[sflag:s28] =	ssyncadd.s32 $0xFFFFEC00  }
0x70: {  	_ =	swait.ge [sflag:s28], $0x1400  }
0x71: {  	[sflag:s28] =	ssyncset.done $0x0  }
0x72: {  	s5 =	simm.s32 $0x3F0;
	[sflag:s28] =	ssyncadd.s32 $0xFFFFEC00  }
0x73: {  	v1 =	vld [tilespmem:s5+$0xFE60]  }
0x74: {  	v2 =	vld [tilespmem:s5+$0xEA60]  }
0x75: {  	v3 =	vld [tilespmem:s5+$0xFE50]  }
0x76: {  	v4 =	vld [tilespmem:s5+$0xEA50]  }
0x77: {  	v0 =	vld [tilespmem:s5+$0xFE20]  }
0x78: {  	v5 =	vld [tilespmem:s5+$0xEA20]  }
0x79: {  	v6 =	vld [tilespmem:s5+$0xFE30]  }
0x7a: {  	v9 =	vld [tilespmem:s5+$0xEA30]  }
0x7b: {  	v10 =	vld [tilespmem:s5+$0xFE40]  }
0x7c: {  	v11 =	vld [tilespmem:s5+$0xEA40]  }
0x7d: {  	v20 =	vld [tilespmem:s5+$0xFDE0]  }
0x7e: {  	v21 =	vld [tilespmem:s5+$0xE9E0]  }
0x7f: {  	v17 =	vld [tilespmem:s5+$0xFE10]  }
0x80: {  	v18 =	vld [tilespmem:s5+$0xEA10]  }
0x81: {  	v19 =	vld [tilespmem:s5+$0xFDA0]  }
0x82: {  	v22 =	vld [tilespmem:s5+$0xE9A0]  }
0x83: {  	v7 =	vld [tilespmem:s5+$0xFDD0]  }
0x84: {  	v8 =	vld [tilespmem:s5+$0xE9D0]  }
0x85: {  	v13 =	vld [tilespmem:s5+$0xFDF0]  }
0x86: {  	v15 =	vld [tilespmem:s5+$0xE9F0]  }
0x87: {  	v23 =	vld [tilespmem:s5+$0xFE00]  }
0x88: {  	v24 =	vld [tilespmem:s5+$0xEA00]  }
0x89: {  	v25 =	vld [tilespmem:s5+$0xFD60]  }
0x8a: {  	v26 =	vld [tilespmem:s5+$0xE960]  }
0x8b: {  	v27 =	vld [tilespmem:s5+$0xFD90]  }
0x8c: {  	v28 =	vld [tilespmem:s5+$0xE990]  }
0x8d: {  	v29 =	vld [tilespmem:s5+$0xFDB0]  }
0x8e: {  	v30 =	vld [tilespmem:s5+$0xE9B0]  }
0x8f: {  	v31 =	vld [tilespmem:s5+$0xFDC0]  }
0x90: {  	v32 =	vld [tilespmem:s5+$0xE9C0]  }
0x91: {  	v33 =	vld [tilespmem:s5+$0xFD20]  }
0x92: {  	v34 =	vld [tilespmem:s5+$0xE920]  }
0x93: {  	v35 =	vld [tilespmem:s5+$0xFD50]  }
0x94: {  	v36 =	vld [tilespmem:s5+$0xE950]  }
0x95: {  	v37 =	vld [tilespmem:s5+$0xFD70]  }
0x96: {  	v38 =	vld [tilespmem:s5+$0xE970]  }
0x97: {  	v39 =	vld [tilespmem:s5+$0xFD80]  }
0x98: {  	v40 =	vld [tilespmem:s5+$0xE980]  }
0x99: {  	v41 =	vld [tilespmem:s5+$0xFCE0]  }
0x9a: {  	v42 =	vld [tilespmem:s5+$0xE8E0]  }
0x9b: {  	v14 =	vld [tilespmem:s5+$0xFD10]  }
0x9c: {  	v16 =	vld [tilespmem:s5+$0xE910]  }
0x9d: {  	v43 =	vld [tilespmem:s5+$0xFD30]  }
0x9e: {  	v44 =	vld [tilespmem:s5+$0xE930]  }
0x9f: {  	v45 =	vld [tilespmem:s5+$0xFD40]  }
0xa0: {  	v46 =	vld [tilespmem:s5+$0xE940]  }
0xa1: {  	v47 =	vld [tilespmem:s5+$0xFCA0]  }
0xa2: {  	v48 =	vld [tilespmem:s5+$0xE8A0]  }
0xa3: {  	v49 =	vld [tilespmem:s5+$0xFCD0]  }
0xa4: {  	v50 =	vld [tilespmem:s5+$0xE8D0]  }
0xa5: {  	v51 =	vld [tilespmem:s5+$0xFCF0];
	v0 =	vmul.bf16 v0, v5;
	v6 =	vmul.bf16 v6, v9  }
0xa6: {  	v52 =	vld [tilespmem:s5+$0xE8F0];
	v9 =	vmul.bf16 v13, v15;
	v23 =	vmul.bf16 v23, v24  }
0xa7: {  	v12 =	vld [tilespmem:s5+$0xFD00];
	v17 =	vmul.bf16 v17, v18;
	v10 =	vmul.bf16 v10, v11  }
0xa8: {  	v53 =	vld [tilespmem:s5+$0xFC90];
	v1 =	vmul.bf16 v1, v2;
	v11 =	vmul.bf16 v19, v22  }
0xa9: {  	v54 =	vld [tilespmem:s5+$0xFCB0];
	v3 =	vmul.bf16 v3, v4;
	v4 =	vmul.bf16 v25, v26  }
0xaa: {  	v55 =	vld [tilespmem:s5+$0xE8C0];
	v59 =	vmul.bf16 v39, v40;
	v60 =	vmul.bf16 v43, v44  }
0xab: {  	v13 =	vld [tilespmem:s5+$0xE900];
	v62 =	vmul.bf16 v45, v46;
	v41 =	vmul.bf16 v41, v42  }
0xac: {  	v15 =	vld [tilespmem:s5+$0xFC60];
	v7 =	vmul.bf16 v7, v8;
	v8 =	vmul.bf16 v33, v34  }
0xad: {  	v18 =	vld [tilespmem:s5+$0xE860];
	v58 =	vmul.bf16 v47, v48;
	v14 =	vmul.bf16 v14, v16;
	v5 =	vunpack.i.u.bf16.f32 v0  }
0xae: {  	v22 =	vld [tilespmem:s5+$0xFCC0];
	v0 =	vunpack.i.l.bf16.f32 v0;
	v24 =	vunpack.i.u.bf16.f32 v9;
	v2 =	vunpack.i.u.bf16.f32 v10  }
0xaf: {  	v25 =	vld [tilespmem:s5+$0xFC20];
	v10 =	vunpack.i.l.bf16.f32 v10;
	v39 =	vunpack.i.u.bf16.f32 v59;
	v43 =	vunpack.i.u.bf16.f32 v60  }
0xb0: {  	v26 =	vld [tilespmem:s5+$0xE820];
	v63 =	vunpack.i.u.bf16.f32 v62;
	v57 =	vunpack.i.u.bf16.f32 v41;
	v33 =	vunpack.i.l.bf16.f32 v58  }
0xb1: {  	v19 =	vld [tilespmem:s5+$0xE850];
	v5 =	vadd.f32 v0, v5;
	v0 =	vunpack.i.u.bf16.f32 v6;
	v6 =	vunpack.i.l.bf16.f32 v6  }
0xb2: {  	v40 =	vld [tilespmem:s5+$0xE7E0];
	v2 =	vadd.f32 v10, v2;
	v10 =	vunpack.i.l.bf16.f32 v11;
	v0 =	vadd.f32 v6, v0  }
0xb3: {  	v44 =	vld [tilespmem:s5+$0xE810];
	v6 =	vunpack.i.l.bf16.f32 v9;
	v9 =	vunpack.i.u.bf16.f32 v23;
	v23 =	vunpack.i.l.bf16.f32 v23  }
0xb4: {  	v45 =	vld [tilespmem:s5+$0xE7D0];
	v6 =	vadd.f32 v6, v24;
	v9 =	vadd.f32 v23, v9;
	v24 =	vunpack.i.u.bf16.f32 v17  }
0xb5: {  	v42 =	vld [tilespmem:s5+$0xFB60];
	v17 =	vunpack.i.l.bf16.f32 v17;
	v22 =	vmul.bf16 v22, v55;
	v12 =	vmul.bf16 v12, v13  }
0xb6: {  	v23 =	vld [tilespmem:s5+$0xE890];
	v25 =	vmul.bf16 v25, v26;
	v6 =	vadd.f32 v9, v6;
	v9 =	vadd.f32 v17, v24  }
0xb7: {  	v26 =	vld [tilespmem:s5+$0xFBC0];
	v15 =	vmul.bf16 v15, v18;
	v55 =	vunpack.i.u.bf16.f32 v22;
	v22 =	vunpack.i.l.bf16.f32 v22  }
0xb8: {  	v24 =	vld [tilespmem:s5+$0xE8B0];
	v6 =	vadd.f32 v9, v6;
	v9 =	vunpack.i.u.bf16.f32 v11;
	v11 =	vmul.bf16 v27, v28  }
0xb9: {  	v17 =	vld [tilespmem:s5+$0xFC50];
	v22 =	vadd.f32 v22, v55;
	v28 =	vmul.bf16 v31, v32;
	v31 =	vmul.bf16 v35, v36  }
0xba: {  	v55 =	vld [tilespmem:s5+$0xE6A0];
	v32 =	vunpack.i.l.bf16.f32 v59;
	v35 =	vunpack.i.l.bf16.f32 v60;
	v59 =	vunpack.i.l.bf16.f32 v41  }
0xbb: {  	v36 =	vld [tilespmem:s5+$0xFC10];
	v60 =	vmul.bf16 v49, v50;
	v10 =	vadd.f32 v10, v9;
	v32 =	vadd.f32 v32, v39  }
0xbc: {  	v35 =	vadd.f32 v35, v43;
	v43 =	vld [tilespmem:s5+$0xFC30];
	v34 =	vadd.f32 v59, v57;
	v23 =	vmul.bf16 v53, v23  }
0xbd: {  	v39 =	vld [tilespmem:s5+$0xE7A0];
	v59 =	vunpack.i.u.bf16.f32 v12;
	v9 =	vadd.f32 v5, v6;
	v5 =	vunpack.i.u.bf16.f32 v4  }
0xbe: {  	v4 =	vunpack.i.l.bf16.f32 v4;
	v6 =	vmul.bf16 v29, v30;
	v29 =	vld [tilespmem:s5+$0xFC70];
	v56 =	vunpack.i.u.bf16.f32 v31  }
0xbf: {  	v31 =	vunpack.i.l.bf16.f32 v31;
	v41 =	vunpack.i.l.bf16.f32 v60;
	v24 =	vmul.bf16 v54, v24;
	v54 =	vld [tilespmem:s5+$0xE7F0]  }
0xc0: {  	v27 =	vadd.f32 v4, v5;
	v4 =	vunpack.i.u.bf16.f32 v11;
	v31 =	vadd.f32 v31, v56;
	v56 =	vld [tilespmem:s5+$0xFC00]  }
0xc1: {  	v5 =	vunpack.i.l.bf16.f32 v11;
	v17 =	vmul.bf16 v17, v19;
	v19 =	vld [tilespmem:s5+$0xFB40];
	v11 =	vunpack.i.u.bf16.f32 v6  }
0xc2: {  	v6 =	vunpack.i.l.bf16.f32 v6;
	v30 =	vadd.f32 v5, v4;
	v4 =	vmul.bf16 v20, v21;
	v20 =	vld [tilespmem:s5+$0xE870]  }
0xc3: {  	v21 =	vunpack.i.l.bf16.f32 v28;
	v5 =	vadd.f32 v6, v11;
	v6 =	vunpack.i.u.bf16.f32 v28;
	v28 =	vld [tilespmem:s5+$0xFC80]  }
0xc4: {  	v57 =	vunpack.i.u.bf16.f32 v23;
	v11 =	vmul.bf16 v37, v38;
	v37 =	vld [tilespmem:s5+$0xFBE0];
	v38 =	vunpack.i.l.bf16.f32 v62  }
0xc5: {  	v62 =	vunpack.i.u.bf16.f32 v24;
	v24 =	vunpack.i.l.bf16.f32 v24;
	v6 =	vadd.f32 v21, v6;
	v21 =	vld [tilespmem:s5+$0xE880]  }
0xc6: {  	v36 =	vmul.bf16 v36, v44;
	v38 =	vadd.f32 v38, v63;
	v63 =	vmul.bf16 v51, v52;
	v51 =	vld [tilespmem:s5+$0xFB90]  }
0xc7: {  	v24 =	vadd.f32 v24, v62;
	v62 =	vld [tilespmem:s5+$0xFB50];
	v61 =	vunpack.i.u.bf16.f32 v11;
	v11 =	vunpack.i.l.bf16.f32 v11  }
0xc8: {  	v52 =	vld [tilespmem:s5+$0xFB80];
	v11 =	vadd.f32 v11, v61;
	v35 =	vadd.f32 v38, v35;
	v61 =	vunpack.i.u.bf16.f32 v58  }
0xc9: {  	v22 =	vadd.f32 v22, v24;
	v24 =	vld [tilespmem:s5+$0xE760];
	v46 =	vunpack.i.l.bf16.f32 v63;
	v33 =	vadd.f32 v33, v61  }
0xca: {  	v38 =	vld [tilespmem:s5+$0xFC40];
	v20 =	vmul.bf16 v29, v20;
	v11 =	vadd.f32 v32, v11;
	v31 =	vadd.f32 v31, v35  }
0xcb: {  	v29 =	vld [tilespmem:s5+$0xE800];
	v16 =	vmul.bf16 v37, v40;
	v21 =	vmul.bf16 v28, v21;
	v28 =	vunpack.i.u.bf16.f32 v63  }
0xcc: {  	v32 =	vld [tilespmem:s5+$0xE830];
	v13 =	vunpack.i.u.bf16.f32 v20;
	v20 =	vunpack.i.l.bf16.f32 v20;
	v11 =	vadd.f32 v30, v11  }
0xcd: {  	v35 =	vld [tilespmem:s5+$0xFBA0];
	v13 =	vadd.f32 v20, v13;
	v61 =	vunpack.i.u.bf16.f32 v16;
	v16 =	vunpack.i.l.bf16.f32 v16  }
0xce: {  	v63 =	vld [tilespmem:s5+$0xE750];
	v58 =	vunpack.i.u.bf16.f32 v21;
	v21 =	vunpack.i.l.bf16.f32 v21;
	v24 =	vmul.bf16 v42, v24  }
0xcf: {  	v30 =	vld [tilespmem:s5+$0xE840];
	v10 =	vadd.f32 v10, v11;
	v11 =	vadd.f32 v27, v31;
	v31 =	vunpack.i.u.bf16.f32 v60  }
0xd0: {  	v27 =	vld [tilespmem:s5+$0xFBD0];
	v20 =	vadd.f32 v21, v58;
	v21 =	vunpack.i.l.bf16.f32 v23;
	v29 =	vmul.bf16 v56, v29  }
0xd1: {  	v23 =	vld [tilespmem:s5+$0xE790];
	v31 =	vadd.f32 v41, v31;
	v21 =	vadd.f32 v21, v57;
	v32 =	vmul.bf16 v43, v32  }
0xd2: {  	v60 =	vld [tilespmem:s5+$0xFBB0];
	v35 =	vmul.bf16 v35, v39;
	v20 =	vadd.f32 v20, v13;
	v13 =	vunpack.i.l.bf16.f32 v12  }
0xd3: {  	v41 =	vld [tilespmem:s5+$0xFBF0];
	v12 =	vadd.f32 v46, v28;
	v28 =	vunpack.i.u.bf16.f32 v25;
	v25 =	vunpack.i.l.bf16.f32 v25  }
0xd4: {  	v62 =	vmul.bf16 v62, v63;
	v22 =	vadd.f32 v31, v22;
	v31 =	vld [tilespmem:s5+$0xE7B0];
	v13 =	vadd.f32 v13, v59  }
0xd5: {  	v25 =	vadd.f32 v25, v28;
	v28 =	vld [tilespmem:s5+$0xE720];
	v43 =	vunpack.i.u.bf16.f32 v32;
	v30 =	vmul.bf16 v38, v30  }
0xd6: {  	v32 =	vunpack.i.l.bf16.f32 v32;
	v38 =	vld [tilespmem:s5+$0xFB70];
	v21 =	vadd.f32 v21, v20;
	v37 =	vunpack.i.u.bf16.f32 v62  }
0xd7: {  	v59 =	vld [tilespmem:s5+$0xFB30];
	v20 =	vadd.f32 v34, v22;
	v18 =	vunpack.i.u.bf16.f32 v30;
	v30 =	vunpack.i.l.bf16.f32 v30  }
0xd8: {  	v22 =	vld [tilespmem:s5+$0xE7C0];
	v27 =	vmul.bf16 v27, v45;
	v23 =	vmul.bf16 v51, v23;
	v21 =	vadd.f32 v33, v21  }
0xd9: {  	v34 =	vld [tilespmem:s5+$0xFB20];
	v33 =	vadd.f32 v16, v61;
	v16 =	vunpack.i.u.bf16.f32 v36;
	v36 =	vunpack.i.l.bf16.f32 v36  }
0xda: {  	v41 =	vmul.bf16 v41, v54;
	v18 =	vadd.f32 v30, v18;
	v30 =	vld [tilespmem:s5+$0xE780];
	v36 =	vadd.f32 v36, v16  }
0xdb: {  	v54 =	vld [tilespmem:s5+$0xFAA0];
	v16 =	vadd.f32 v32, v43;
	v58 =	vunpack.i.u.bf16.f32 v27;
	v27 =	vunpack.i.l.bf16.f32 v27  }
0xdc: {  	v61 =	vld [tilespmem:s5+$0xE740];
	v31 =	vmul.bf16 v60, v31;
	v53 =	vunpack.i.u.bf16.f32 v41;
	v41 =	vunpack.i.l.bf16.f32 v41  }
0xdd: {  	v32 =	vld [tilespmem:s5+$0xE770];
	v27 =	vadd.f32 v27, v58;
	v41 =	vadd.f32 v41, v53;
	v22 =	vmul.bf16 v26, v22  }
0xde: {  	v60 =	vld [tilespmem:s5+$0xE730];
	v26 =	vunpack.i.u.bf16.f32 v29;
	v29 =	vunpack.i.l.bf16.f32 v29;
	v56 =	vunpack.i.u.bf16.f32 v31  }
0xdf: {  	v31 =	vunpack.i.l.bf16.f32 v31;
	v28 =	vmul.bf16 v34, v28;
	v26 =	vadd.f32 v29, v26  }
0xe0: {  	v31 =	vadd.f32 v31, v56;
	v30 =	vmul.bf16 v52, v30;
	v52 =	vmul.bf16 v54, v55  }
0xe1: {  	v48 =	vld [tilespmem:s5+$0xE710];
	v19 =	vmul.bf16 v19, v61;
	v57 =	vunpack.i.u.bf16.f32 v22;
	v22 =	vunpack.i.l.bf16.f32 v22  }
0xe2: {  	v49 =	vld [tilespmem:s5+$0xE6F0];
	v32 =	vmul.bf16 v38, v32;
	v22 =	vadd.f32 v22, v57;
	v26 =	vadd.f32 v26, v41  }
0xe3: {  	v50 =	vld [tilespmem:s5+$0xFB00];
	v41 =	vmul.bf16 v59, v60;
	v54 =	vunpack.i.u.bf16.f32 v30;
	v30 =	vunpack.i.l.bf16.f32 v30  }
0xe4: {  	v63 =	vld [tilespmem:s5+$0xFAF0];
	v55 =	vunpack.i.u.bf16.f32 v52;
	v58 =	vunpack.i.u.bf16.f32 v19;
	v19 =	vunpack.i.l.bf16.f32 v19  }
0xe5: {  	v43 =	vld [tilespmem:s5+$0xE6D0];
	v39 =	vunpack.i.l.bf16.f32 v52;
	v51 =	vunpack.i.u.bf16.f32 v32;
	v19 =	vadd.f32 v19, v58  }
0xe6: {  	v29 =	vld [tilespmem:s5+$0xFB10];
	v32 =	vunpack.i.l.bf16.f32 v32;
	v39 =	vadd.f32 v39, v55;
	v30 =	vadd.f32 v30, v54  }
0xe7: {  	v53 =	vld [tilespmem:s5+$0xE700];
	v22 =	vadd.f32 v22, v31;
	v31 =	vunpack.i.u.bf16.f32 v24;
	v26 =	vadd.f32 v36, v26  }
0xe8: {  	v61 =	vld [tilespmem:s5+$0xFA80];
	v24 =	vunpack.i.l.bf16.f32 v24;
	v36 =	vunpack.i.l.bf16.f32 v62;
	v32 =	vadd.f32 v32, v51  }
0xe9: {  	v57 =	vld [tilespmem:s5+$0xFA70];
	v56 =	vunpack.i.u.bf16.f32 v41;
	v41 =	vunpack.i.l.bf16.f32 v41;
	v24 =	vadd.f32 v24, v31  }
0xea: {  	v59 =	vld [tilespmem:s5+$0xE670];
	v31 =	vunpack.i.u.bf16.f32 v28;
	v28 =	vunpack.i.l.bf16.f32 v28;
	v60 =	vadd.f32 v41, v56  }
0xeb: {  	v62 =	vld [tilespmem:s5+$0xE680];
	v29 =	vmul.bf16 v29, v48;
	v22 =	vadd.f32 v27, v22;
	v25 =	vadd.f32 v25, v26  }
0xec: {  	v27 =	vld [tilespmem:s5+$0xFA90];
	v28 =	vadd.f32 v28, v31;
	v31 =	vadd.f32 v36, v37  }
0xed: {  	v26 =	vld [tilespmem:s5+$0xE690];
	v36 =	vmul.bf16 v50, v53;
	v19 =	vadd.f32 v19, v60;
	v52 =	vunpack.i.u.bf16.f32 v29  }
0xee: {  	v51 =	vld [tilespmem:s5+$0xE6B0];
	v29 =	vunpack.i.l.bf16.f32 v29;
	v22 =	vadd.f32 v33, v22;
	v33 =	vmul.bf16 v63, v49  }
0xef: {  	(xrf2) =	vadd.scan.msk.f32 $0xffff, v9;
	v37 =	vld [tilespmem:s5+$0xFAD0];
	v50 =	vunpack.i.u.bf16.f32 v36;
	v36 =	vunpack.i.l.bf16.f32 v36;
	v29 =	vadd.f32 v29, v52  }
0xf0: {  	(xrf2) =	vadd.scan.msk.f32 $0xffff, v10;
	v53 =	vld [tilespmem:s5+$0xE6C0];
	v36 =	vadd.f32 v36, v50;
	v19 =	vadd.f32 v31, v19;
	v31 =	vmul.bf16 v57, v59  }
0xf1: {  	(xrf2) =	vadd.scan.msk.f32 $0xffff, v11;
	v49 =	vld [tilespmem:s5+$0xFAB0];
	v34 =	vmul.bf16 v61, v62;
	v63 =	vunpack.i.u.bf16.f32 v33;
	v33 =	vunpack.i.l.bf16.f32 v33  }
0xf2: {  	(xrf2) =	vadd.scan.msk.f32 $0xffff, v20;
	v33 =	vadd.f32 v33, v63;
	v26 =	vmul.bf16 v27, v26;
	v27 =	vld [tilespmem:s5+$0xFAC0];
	v19 =	vadd.f32 v24, v19  }
0xf3: {  	(xrf2) =	vadd.scan.msk.f32 $0xffff, v21;
	v24 =	vunpack.i.u.bf16.f32 v31;
	v31 =	vunpack.i.l.bf16.f32 v31;
	v56 =	vunpack.i.u.bf16.f32 v34  }
0xf4: {  	(xrf2) =	vadd.scan.msk.f32 $0xffff, v25;
	v34 =	vunpack.i.l.bf16.f32 v34;
	v59 =	vmul.bf16 v37, v43;
	v24 =	vadd.f32 v31, v24  }
0xf5: {  	v55 =	vld [tilespmem:s5+$0xFAE0];
	(xrf2) =	vadd.scan.msk.f32 $0xffff, v22;
	v31 =	vadd.f32 v34, v56;
	v33 =	vadd.f32 v36, v33;
	v54 =	vunpack.i.u.bf16.f32 v26  }
0xf6: {  	v57 =	vld [tilespmem:s5+$0xE6E0];
	v26 =	vunpack.i.l.bf16.f32 v26;
	v58 =	vmul.bf16 v49, v51;
	(xrf2) =	vadd.scan.msk.f32 $0xffff, v19;
	v19 =	vadd.f32 v30, v32  }
0xf7: {  	v26 =	vadd.f32 v26, v54;
	v29 =	vadd.f32 v29, v33;
	v27 =	vmul.bf16 v27, v53  }
0xf8: {  	v9 =	vadd.f32 v31, v24;
	v24 =	vunpack.i.u.bf16.f32 v58;
	v10 =	vunpack.i.l.bf16.f32 v58  }
0xf9: {  	v28 =	vadd.f32 v28, v29;
	v29 =	vunpack.i.u.bf16.f32 v27;
	v27 =	vunpack.i.l.bf16.f32 v27  }
0xfa: {  	v20 =	vunpack.i.u.bf16.f32 v59;
	v10 =	vadd.f32 v10, v24;
	v11 =	vadd.f32 v27, v29  }
0xfb: {  	v24 =	vmul.bf16 v55, v57;
	v9 =	vadd.f32 v26, v9;
	v26 =	vunpack.i.l.bf16.f32 v59  }
0xfc: {  	v10 =	vadd.f32 v11, v10;
	v11 =	vadd.f32 v26, v20  }
0xfd: {  	v21 =	vunpack.i.u.bf16.f32 v24;
	v24 =	vunpack.i.l.bf16.f32 v24;
	v20 =	vunpack.i.u.bf16.f32 v23  }
0xfe: {  	v10 =	vadd.f32 v11, v10;
	v11 =	vadd.f32 v24, v21;
	v21 =	vunpack.i.l.bf16.f32 v23  }
0xff: {  	v22 =	vunpack.i.l.bf16.f32 v35;
	v9 =	vadd.f32 v39, v9;
	v20 =	vadd.f32 v21, v20  }
0x100: {  	(xrf2) =	vadd.scan.msk.f32 $0xffff, v28;
	v21 =	vunpack.i.u.bf16.f32 v17;
	v10 =	vadd.f32 v11, v10;
	v11 =	vunpack.i.u.bf16.f32 v35  }
0x101: {  	(xrf2) =	vadd.scan.msk.f32 $0xffff, v9;
	v17 =	vunpack.i.l.bf16.f32 v17;
	v9 =	vadd.f32 v20, v19;
	v11 =	vadd.f32 v22, v11  }
0x102: {  	v16 =	vadd.f32 v18, v16;
	v18 =	vunpack.i.u.bf16.f32 v14;
	v17 =	vadd.f32 v17, v21  }
0x103: {  	v9 =	vadd.f32 v11, v9;
	v11 =	vunpack.i.u.bf16.f32 v15;
	v15 =	vunpack.i.l.bf16.f32 v15  }
0x104: {  	v14 =	vunpack.i.l.bf16.f32 v14;
	v16 =	vadd.f32 v17, v16;
	v11 =	vadd.f32 v15, v11  }
0x105: {  	v12 =	vadd.f32 v13, v12;
	v13 =	vadd.f32 v14, v18;
	v14 =	vunpack.i.u.bf16.f32 v7;
	v19, _, _ =	vpop (xrf2);
	(xrf2) =	vadd.scan.msk.f32 $0xffff, v10  }
0x106: {  	v10, _, _ =	vpop (xrf2);
	(xrf2) =	vadd.scan.msk.f32 $0xffff, v9;
	v11 =	vadd.f32 v11, v16;
	v16 =	vunpack.i.u.bf16.f32 v8;
	v8 =	vunpack.i.l.bf16.f32 v8  }
0x107: {  	v7 =	vunpack.i.l.bf16.f32 v7;
	v12 =	vadd.f32 v13, v12;
	v20, _, _ =	vpop (xrf2);
	v8 =	vadd.f32 v8, v16  }
0x108: {  	v5 =	vadd.f32 v6, v5;
	v6 =	vadd.f32 v7, v14;
	v15, _, _ =	vpop (xrf2)  }
0x109: {  	v9, _, _ =	vpop (xrf2);
	v8 =	vadd.f32 v8, v12;
	v12 =	vunpack.i.u.bf16.f32 v4;
	v4 =	vunpack.i.l.bf16.f32 v4  }
0x10a: {  	v5 =	vadd.f32 v6, v5;
	v17, _, _ =	vpop (xrf2);
	v4 =	vadd.f32 v4, v12  }
0x10b: {  	(xrf2) =	vadd.scan.msk.f32 $0xffff, v11;
	v13, _, _ =	vpop (xrf2)  }
0x10c: {  	v11, _, _ =	vpop (xrf2);
	v4 =	vadd.f32 v4, v5  }
0x10d: {  	v14, _, _ =	vpop (xrf2)  }
0x10e: {  	v0 =	vadd.f32 v2, v0;
	v7 =	vunpack.i.u.bf16.f32 v3;
	v3 =	vunpack.i.l.bf16.f32 v3;
	(xrf2) =	vadd.scan.msk.f32 $0xffff, v8;
	v6, _, _ =	vpop (xrf2)  }
0x10f: {  	v2 =	vunpack.i.u.bf16.f32 v1;
	v1 =	vunpack.i.l.bf16.f32 v1;
	v3 =	vadd.f32 v3, v7;
	v5, _, _ =	vpop (xrf2)  }
0x110: {  	v1 =	vadd.f32 v1, v2;
	v6 =	vbroadcast v6, $0xF;
	v5 =	vbroadcast v5, $0xF;
	(xrf2) =	vadd.scan.msk.f32 $0xffff, v4;
	v4, _, _ =	vpop (xrf2)  }
0x111: {  	v0 =	vadd.f32 v3, v0;
	v7 =	vbroadcast v14, $0xF;
	v4 =	vbroadcast v4, $0xF  }
0x112: {  	v3 =	vbroadcast v11, $0xF;
	v2 =	vsel vm0, v6, v5  }
0x113: {  	v0 =	vadd.f32 v1, v0;
	v2 =	vsel vm1, v2, v7  }
0x114: {  	v1 =	vsel vm2, v2, v3;
	v2 =	vbroadcast v13, $0xF;
	v3 =	vbroadcast v17, $0xF  }
0x115: {  	v1 =	vsel vm3, v1, v4;
	v4, _, _ =	vpop (xrf2)  }
0x116: {  	(xrf2) =	vadd.scan.msk.f32 $0xffff, v0;
	v0 =	vsel vm4, v1, v2;
	v1 =	vbroadcast v4, $0xF  }
0x117: {  	v2 =	vbroadcast v9, $0xF;
	v0 =	vsel vm5, v0, v3  }
0x118: {  	v3, _, _ =	vpop (xrf2);
	v0 =	vsel vm6, v0, v1;
	v1 =	vbroadcast v15, $0xF  }
0x119: {  	v0 =	vsel vm7, v0, v2;
	v2 =	vbroadcast v3, $0xF  }
0x11a: {  	v0 =	vsel vm8, v0, v1;
	v1 =	vbroadcast v20, $0xF  }
0x11b: {  	v3, _, _ =	vpop (xrf2);
	v0 =	vsel vm9, v0, v2  }
0x11c: {  	v2 =	vbroadcast v10, $0xF;
	v0 =	vsel vm10, v0, v1;
	v1 =	vbroadcast v3, $0xF;
	_ =	sdelay $0x1  }
0x11d: {  	v0 =	vsel vm11, v0, v2;
	v2 =	vbroadcast v19, $0xF  }
0x11e: {  	v0 =	vsel vm12, v0, v1  }
0x11f: {  	v0 =	vsel vm13, v0, v2;
	v1, _, _ =	vpop (xrf2)  }
0x120: {  	v0 =	vsel vm14, v0, v1  }
0x121: {  	v0 =	vsub.f32 $0.0e+00, v0;
	_ =	sdelay $0x1  }
0x122: {  	v0 =	vmul.f32 $1.442695020e+00, v0;
	_ =	sdelay $0x1  }
0x123: {  	(erf) = vpow2.f32 v0;
	_ =	sdelay $0x8  }
0x124: {  	v0 =	vpop (erf)  }
0x125: {  	v0 =	vadd.f32 $1.000000000e+00, v0;
	_ =	sdelay $0x1  }
0x126: {  	(erf) = vrcp.f32 v0;
	_ =	sdelay $0x8  }
0x127: {  	v0 =	vpop (erf)  }
0x128: {  	s8 =	simm.s32 $0x7F0;
	[tilespmem:s6+$0x0] =	vst v0  }
0x129: {  	v1 =	vld [tilespmem:s8+$0xFE60]  }
0x12a: {  	v2 =	vld [tilespmem:s8+$0xEA60]  }
0x12b: {  	v3 =	vld [tilespmem:s8+$0xFE50]  }
0x12c: {  	v4 =	vld [tilespmem:s8+$0xEA50]  }
0x12d: {  	v0 =	vld [tilespmem:s8+$0xFE20]  }
0x12e: {  	v5 =	vld [tilespmem:s8+$0xEA20]  }
0x12f: {  	v6 =	vld [tilespmem:s8+$0xFE30]  }
0x130: {  	v9 =	vld [tilespmem:s8+$0xEA30]  }
0x131: {  	v15 =	vld [tilespmem:s8+$0xFE40]  }
0x132: {  	v16 =	vld [tilespmem:s8+$0xEA40]  }
0x133: {  	v18 =	vld [tilespmem:s8+$0xFDE0]  }
0x134: {  	v19 =	vld [tilespmem:s8+$0xE9E0]  }
0x135: {  	v14 =	vld [tilespmem:s8+$0xFE10]  }
0x136: {  	v17 =	vld [tilespmem:s8+$0xEA10]  }
0x137: {  	v20 =	vld [tilespmem:s8+$0xFDA0]  }
0x138: {  	v21 =	vld [tilespmem:s8+$0xE9A0]  }
0x139: {  	v7 =	vld [tilespmem:s8+$0xFDD0]  }
0x13a: {  	v8 =	vld [tilespmem:s8+$0xE9D0]  }
0x13b: {  	v10 =	vld [tilespmem:s8+$0xFDF0]  }
0x13c: {  	v12 =	vld [tilespmem:s8+$0xE9F0]  }
0x13d: {  	v22 =	vld [tilespmem:s8+$0xFE00]  }
0x13e: {  	v23 =	vld [tilespmem:s8+$0xEA00]  }
0x13f: {  	v24 =	vld [tilespmem:s8+$0xFD60]  }
0x140: {  	v25 =	vld [tilespmem:s8+$0xE960]  }
0x141: {  	v26 =	vld [tilespmem:s8+$0xFD90]  }
0x142: {  	v27 =	vld [tilespmem:s8+$0xE990]  }
0x143: {  	v28 =	vld [tilespmem:s8+$0xFDB0]  }
0x144: {  	v29 =	vld [tilespmem:s8+$0xE9B0]  }
0x145: {  	v30 =	vld [tilespmem:s8+$0xFDC0]  }
0x146: {  	v31 =	vld [tilespmem:s8+$0xE9C0]  }
0x147: {  	v32 =	vld [tilespmem:s8+$0xFD20]  }
0x148: {  	v33 =	vld [tilespmem:s8+$0xE920]  }
0x149: {  	v34 =	vld [tilespmem:s8+$0xFD50]  }
0x14a: {  	v35 =	vld [tilespmem:s8+$0xE950]  }
0x14b: {  	v36 =	vld [tilespmem:s8+$0xFD70]  }
0x14c: {  	v37 =	vld [tilespmem:s8+$0xE970]  }
0x14d: {  	v38 =	vld [tilespmem:s8+$0xFD80]  }
0x14e: {  	v39 =	vld [tilespmem:s8+$0xE980]  }
0x14f: {  	v40 =	vld [tilespmem:s8+$0xFCE0]  }
0x150: {  	v41 =	vld [tilespmem:s8+$0xE8E0]  }
0x151: {  	v11 =	vld [tilespmem:s8+$0xFD10]  }
0x152: {  	v13 =	vld [tilespmem:s8+$0xE910]  }
0x153: {  	v60 =	vld [tilespmem:s8+$0xFD30]  }
0x154: {  	v61 =	vld [tilespmem:s8+$0xE930]  }
0x155: {  	v62 =	vld [tilespmem:s8+$0xFD40]  }
0x156: {  	v63 =	vld [tilespmem:s8+$0xE940]  }
0x157: {  	v46 =	vld [tilespmem:s8+$0xFCA0]  }
0x158: {  	v57 =	vld [tilespmem:s8+$0xE8A0]  }
0x159: {  	v48 =	vld [tilespmem:s8+$0xFCD0];
	v0 =	vmul.bf16 v0, v5  }
0x15a: {  	v49 =	vld [tilespmem:s8+$0xE8D0];
	v6 =	vmul.bf16 v6, v9;
	v58 =	vmul.bf16 v10, v12  }
0x15b: {  	v50 =	vld [tilespmem:s8+$0xFCF0];
	v22 =	vmul.bf16 v22, v23;
	v17 =	vmul.bf16 v14, v17  }
0x15c: {  	v51 =	vld [tilespmem:s8+$0xE8F0];
	v15 =	vmul.bf16 v15, v16;
	v1 =	vmul.bf16 v1, v2  }
0x15d: {  	v53 =	vld [tilespmem:s8+$0xFC90];
	v3 =	vmul.bf16 v3, v4;
	v4 =	vmul.bf16 v24, v25  }
0x15e: {  	v52 =	vld [tilespmem:s8+$0xE890];
	v60 =	vmul.bf16 v60, v61;
	v62 =	vmul.bf16 v62, v63  }
0x15f: {  	v54 =	vld [tilespmem:s8+$0xFCB0];
	v40 =	vmul.bf16 v40, v41;
	v7 =	vmul.bf16 v7, v8  }
0x160: {  	v55 =	vld [tilespmem:s8+$0xE8C0];
	v8 =	vmul.bf16 v32, v33;
	v57 =	vmul.bf16 v46, v57  }
0x161: {  	v9 =	vld [tilespmem:s8+$0xFD00];
	v11 =	vmul.bf16 v11, v13;
	v5 =	vunpack.i.u.bf16.f32 v0;
	v0 =	vunpack.i.l.bf16.f32 v0  }
0x162: {  	v10 =	vld [tilespmem:s8+$0xE900];
	v23 =	vunpack.i.u.bf16.f32 v58;
	v59 =	vunpack.i.u.bf16.f32 v22;
	v22 =	vunpack.i.l.bf16.f32 v22  }
0x163: {  	v12 =	vld [tilespmem:s8+$0xFC60];
	v2 =	vunpack.i.u.bf16.f32 v15;
	v15 =	vunpack.i.l.bf16.f32 v15;
	v42 =	vunpack.i.u.bf16.f32 v60  }
0x164: {  	v24 =	vld [tilespmem:s8+$0xFC20];
	v63 =	vunpack.i.u.bf16.f32 v62;
	v56 =	vunpack.i.u.bf16.f32 v40;
	v32 =	vunpack.i.l.bf16.f32 v57  }
0x165: {  	v25 =	vld [tilespmem:s8+$0xE820];
	v5 =	vadd.f32 v0, v5;
	v0 =	vunpack.i.u.bf16.f32 v6;
	v6 =	vunpack.i.l.bf16.f32 v6  }
0x166: {  	v14 =	vld [tilespmem:s8+$0xE860];
	v22 =	vadd.f32 v22, v59;
	v0 =	vadd.f32 v6, v0;
	v6 =	vunpack.i.l.bf16.f32 v58  }
0x167: {  	v43 =	vld [tilespmem:s8+$0xE810];
	v2 =	vadd.f32 v15, v2;
	v59 =	vmul.bf16 v48, v49;
	v6 =	vadd.f32 v6, v23  }
0x168: {  	v44 =	vld [tilespmem:s8+$0xE7D0];
	v58 =	vunpack.i.l.bf16.f32 v40;
	v23 =	vunpack.i.u.bf16.f32 v17;
	v17 =	vunpack.i.l.bf16.f32 v17  }
0x169: {  	v41 =	vld [tilespmem:s8+$0xE790];
	v16 =	vadd.f32 v17, v23;
	v17 =	vmul.bf16 v20, v21;
	v6 =	vadd.f32 v22, v6  }
0x16a: {  	v48 =	vld [tilespmem:s8+$0xE710];
	v33 =	vadd.f32 v58, v56;
	v9 =	vmul.bf16 v9, v10;
	v24 =	vmul.bf16 v24, v25  }
0x16b: {  	v49 =	vld [tilespmem:s8+$0xE690];
	v12 =	vmul.bf16 v12, v14;
	v15 =	vunpack.i.u.bf16.f32 v17;
	v6 =	vadd.f32 v16, v6  }
0x16c: {  	v25 =	vld [tilespmem:s8+$0xFBC0];
	v16 =	vunpack.i.l.bf16.f32 v17;
	v17 =	vmul.bf16 v26, v27;
	v27 =	vmul.bf16 v30, v31  }
0x16d: {  	v40 =	vunpack.i.l.bf16.f32 v59;
	v21 =	vld [tilespmem:s8+$0xFCC0];
	v30 =	vmul.bf16 v34, v35;
	v31 =	vmul.bf16 v38, v39  }
0x16e: {  	v22 =	vld [tilespmem:s8+$0xE8B0];
	v34 =	vunpack.i.l.bf16.f32 v60;
	v60 =	vunpack.i.u.bf16.f32 v57;
	v20 =	vadd.f32 v16, v15  }
0x16f: {  	v39 =	vld [tilespmem:s8+$0xE7E0];
	v34 =	vadd.f32 v34, v42;
	v32 =	vadd.f32 v32, v60;
	v60 =	vunpack.i.u.bf16.f32 v9  }
0x170: {  	v35 =	vld [tilespmem:s8+$0xFC10];
	v15 =	vadd.f32 v5, v6;
	v5 =	vunpack.i.u.bf16.f32 v4;
	v4 =	vunpack.i.l.bf16.f32 v4  }
0x171: {  	v57 =	vld [tilespmem:s8+$0xFC00];
	v6 =	vmul.bf16 v28, v29;
	v38 =	vunpack.i.u.bf16.f32 v31;
	v31 =	vunpack.i.l.bf16.f32 v31  }
0x172: {  	v16 =	vld [tilespmem:s8+$0xFC50];
	v45 =	vunpack.i.u.bf16.f32 v30;
	v30 =	vunpack.i.l.bf16.f32 v30;
	v21 =	vmul.bf16 v21, v55  }
0x173: {  	v42 =	vld [tilespmem:s8+$0xFC30];
	v23 =	vadd.f32 v4, v5;
	v4 =	vunpack.i.u.bf16.f32 v17;
	v5 =	vunpack.i.l.bf16.f32 v17  }
0x174: {  	v28 =	vld [tilespmem:s8+$0xFC70];
	v31 =	vadd.f32 v31, v38;
	v30 =	vadd.f32 v30, v45;
	v22 =	vmul.bf16 v54, v22  }
0x175: {  	v55 =	vld [tilespmem:s8+$0xE7F0];
	v54 =	vmul.bf16 v50, v51;
	v26 =	vunpack.i.u.bf16.f32 v6;
	v6 =	vunpack.i.l.bf16.f32 v6  }
0x176: {  	v17 =	vld [tilespmem:s8+$0xE850];
	v29 =	vadd.f32 v5, v4;
	v4 =	vmul.bf16 v18, v19;
	v19 =	vmul.bf16 v36, v37  }
0x177: {  	v45 =	vld [tilespmem:s8+$0xFB60];
	v37 =	vunpack.i.l.bf16.f32 v62;
	v56 =	vunpack.i.u.bf16.f32 v21;
	v21 =	vunpack.i.l.bf16.f32 v21  }
0x178: {  	v18 =	vld [tilespmem:s8+$0xE870];
	v5 =	vadd.f32 v6, v26;
	v6 =	vunpack.i.u.bf16.f32 v27;
	v26 =	vunpack.i.l.bf16.f32 v27  }
0x179: {  	v36 =	vld [tilespmem:s8+$0xFBE0];
	v37 =	vadd.f32 v37, v63;
	v63 =	vmul.bf16 v53, v52;
	v53 =	vunpack.i.u.bf16.f32 v22  }
0x17a: {  	v27 =	vld [tilespmem:s8+$0xFC80];
	v22 =	vunpack.i.l.bf16.f32 v22;
	v21 =	vadd.f32 v21, v56;
	v6 =	vadd.f32 v26, v6  }
0x17b: {  	v26 =	vld [tilespmem:s8+$0xE880];
	v61 =	vunpack.i.u.bf16.f32 v19;
	v19 =	vunpack.i.l.bf16.f32 v19;
	v22 =	vadd.f32 v22, v53  }
0x17c: {  	v46 =	vunpack.i.l.bf16.f32 v54;
	v19 =	vadd.f32 v19, v61;
	v34 =	vadd.f32 v37, v34;
	v37 =	vld [tilespmem:s8+$0xFC40]  }
0x17d: {  	v35 =	vmul.bf16 v35, v43;
	v61 =	vunpack.i.u.bf16.f32 v59;
	v21 =	vadd.f32 v21, v22;
	v22 =	vld [tilespmem:s8+$0xE760]  }
0x17e: {  	v58 =	vunpack.i.u.bf16.f32 v63;
	v62 =	vadd.f32 v40, v61;
	v61 =	vld [tilespmem:s8+$0xFBB0];
	v19 =	vadd.f32 v31, v19  }
0x17f: {  	v17 =	vmul.bf16 v16, v17;
	v31 =	vld [tilespmem:s8+$0xE830];
	v30 =	vadd.f32 v30, v34;
	v18 =	vmul.bf16 v28, v18  }
0x180: {  	v28 =	vld [tilespmem:s8+$0xE800];
	v13 =	vmul.bf16 v36, v39;
	v21 =	vadd.f32 v62, v21;
	v19 =	vadd.f32 v29, v19  }
0x181: {  	v62 =	vld [tilespmem:s8+$0xE7B0];
	v26 =	vmul.bf16 v27, v26;
	v10 =	vunpack.i.u.bf16.f32 v18;
	v18 =	vunpack.i.l.bf16.f32 v18  }
0x182: {  	v29 =	vld [tilespmem:s8+$0xE840];
	v23 =	vadd.f32 v23, v30;
	v27 =	vunpack.i.u.bf16.f32 v54;
	v10 =	vadd.f32 v18, v10  }
0x183: {  	v30 =	vld [tilespmem:s8+$0xFBD0];
	v20 =	vadd.f32 v20, v19;
	v59 =	vunpack.i.u.bf16.f32 v26;
	v26 =	vunpack.i.l.bf16.f32 v26  }
0x184: {  	v51 =	vld [tilespmem:s8+$0xFB90];
	v22 =	vmul.bf16 v45, v22;
	v18 =	vadd.f32 v26, v59;
	v26 =	vunpack.i.l.bf16.f32 v63  }
0x185: {  	v52 =	vld [tilespmem:s8+$0xFB70];
	v31 =	vmul.bf16 v42, v31;
	v28 =	vmul.bf16 v57, v28;
	v26 =	vadd.f32 v26, v58  }
0x186: {  	v40 =	vld [tilespmem:s8+$0xFBF0];
	v38 =	vmul.bf16 v61, v62;
	v18 =	vadd.f32 v18, v10;
	v10 =	vunpack.i.l.bf16.f32 v9  }
0x187: {  	v16 =	vld [tilespmem:s8+$0xFB40];
	v9 =	vadd.f32 v46, v27;
	v27 =	vadd.f32 v33, v21;
	v42 =	vunpack.i.u.bf16.f32 v31  }
0x188: {  	v34 =	vld [tilespmem:s8+$0xFBA0];
	v31 =	vunpack.i.l.bf16.f32 v31;
	v29 =	vmul.bf16 v37, v29;
	v30 =	vmul.bf16 v30, v44  }
0x189: {  	v21 =	vld [tilespmem:s8+$0xE7C0];
	v10 =	vadd.f32 v10, v60;
	v58 =	vunpack.i.u.bf16.f32 v38;
	v18 =	vadd.f32 v26, v18  }
0x18a: {  	v19 =	vld [tilespmem:s8+$0xE7A0];
	v26 =	vunpack.i.u.bf16.f32 v24;
	v24 =	vunpack.i.l.bf16.f32 v24;
	v14 =	vunpack.i.u.bf16.f32 v29  }
0x18b: {  	v63 =	vld [tilespmem:s8+$0xFB20];
	v29 =	vunpack.i.l.bf16.f32 v29;
	v60 =	vunpack.i.u.bf16.f32 v30;
	v30 =	vunpack.i.l.bf16.f32 v30  }
0x18c: {  	v61 =	vld [tilespmem:s8+$0xFB30];
	v36 =	vadd.f32 v32, v18;
	v18 =	vunpack.i.u.bf16.f32 v13;
	v13 =	vunpack.i.l.bf16.f32 v13  }
0x18d: {  	v62 =	vld [tilespmem:s8+$0xE730];
	v24 =	vadd.f32 v24, v26;
	v39 =	vadd.f32 v13, v18;
	v13 =	vunpack.i.u.bf16.f32 v35  }
0x18e: {  	v26 =	vld [tilespmem:s8+$0xE720];
	v18 =	vunpack.i.l.bf16.f32 v35;
	v21 =	vmul.bf16 v25, v21;
	v25 =	vunpack.i.u.bf16.f32 v28  }
0x18f: {  	v32 =	vld [tilespmem:s8+$0xFB50];
	v28 =	vunpack.i.l.bf16.f32 v28;
	v53 =	vadd.f32 v18, v13;
	v13 =	vadd.f32 v31, v42  }
0x190: {  	v31 =	vld [tilespmem:s8+$0xE770];
	v18 =	vmul.bf16 v40, v55;
	v25 =	vadd.f32 v28, v25;
	v28 =	vunpack.i.l.bf16.f32 v38  }
0x191: {  	v42 =	vld [tilespmem:s8+$0xFB10];
	v59 =	vunpack.i.u.bf16.f32 v21;
	v21 =	vunpack.i.l.bf16.f32 v21;
	v28 =	vadd.f32 v28, v58  }
0x192: {  	v35 =	vld [tilespmem:s8+$0xE750];
	v55 =	vunpack.i.u.bf16.f32 v18;
	v18 =	vunpack.i.l.bf16.f32 v18;
	v21 =	vadd.f32 v21, v59  }
0x193: {  	v14 =	vadd.f32 v29, v14;
	v26 =	vmul.bf16 v63, v26;
	v63 =	vld [tilespmem:s8+$0xE740];
	v18 =	vadd.f32 v18, v55  }
0x194: {  	(xrf2) =	vadd.scan.msk.f32 $0xffff, v15;
	v15 =	vld [tilespmem:s8+$0xE6F0];
	v21 =	vadd.f32 v21, v28;
	v28 =	vadd.f32 v30, v60  }
0x195: {  	v56 =	vld [tilespmem:s8+$0xFAA0];
	v30 =	vunpack.i.u.bf16.f32 v22;
	v25 =	vadd.f32 v25, v18;
	v18 =	vmul.bf16 v34, v19  }
0x196: {  	v43 =	vld [tilespmem:s8+$0xFA90];
	v22 =	vunpack.i.l.bf16.f32 v22;
	v31 =	vmul.bf16 v52, v31;
	v60 =	vmul.bf16 v42, v48  }
0x197: {  	v54 =	vld [tilespmem:s8+$0xFB80];
	v21 =	vadd.f32 v28, v21;
	v28 =	vmul.bf16 v32, v35;
	v19 =	vadd.f32 v53, v25  }
0x198: {  	v29 =	vld [tilespmem:s8+$0xE780];
	v25 =	vadd.f32 v22, v30;
	v53 =	vmul.bf16 v61, v62;
	v16 =	vmul.bf16 v16, v63  }
0x199: {  	v57 =	vld [tilespmem:s8+$0xE6A0];
	v21 =	vadd.f32 v39, v21;
	v30 =	vunpack.i.u.bf16.f32 v28;
	v28 =	vunpack.i.l.bf16.f32 v28  }
0x19a: {  	v52 =	vld [tilespmem:s8+$0xE700];
	v22 =	vadd.f32 v24, v19;
	v19 =	vunpack.i.u.bf16.f32 v26;
	v24 =	vunpack.i.l.bf16.f32 v26  }
0x19b: {  	(xrf2) =	vadd.scan.msk.f32 $0xffff, v20;
	v26 =	vld [tilespmem:s8+$0xFAF0];
	v50 =	vadd.f32 v28, v30;
	v28 =	vunpack.i.u.bf16.f32 v31;
	v31 =	vunpack.i.l.bf16.f32 v31  }
0x19c: {  	v30 =	vld [tilespmem:s8+$0xFB00];
	v37 =	vunpack.i.l.bf16.f32 v53;
	v58 =	vunpack.i.u.bf16.f32 v16;
	v16 =	vunpack.i.l.bf16.f32 v16  }
0x19d: {  	v33 =	vld [tilespmem:s8+$0xE670];
	v24 =	vadd.f32 v24, v19;
	v19 =	vmul.bf16 v51, v41;
	v41 =	vmul.bf16 v54, v29  }
0x19e: {  	(xrf2) =	vadd.scan.msk.f32 $0xffff, v23;
	v23 =	vld [tilespmem:s8+$0xFAB0];
	v51 =	vmul.bf16 v56, v57;
	v20 =	vadd.f32 v31, v28;
	v57 =	vunpack.i.u.bf16.f32 v53  }
0x19f: {  	(xrf2) =	vadd.scan.msk.f32 $0xffff, v27;
	v27 =	vld [tilespmem:s8+$0xFAC0];
	v39 =	vunpack.i.u.bf16.f32 v60;
	v16 =	vadd.f32 v16, v58;
	v37 =	vadd.f32 v37, v57  }
0x1a0: {  	v34 =	vld [tilespmem:s8+$0xFA80];
	v54 =	vunpack.i.u.bf16.f32 v41;
	v28 =	vunpack.i.u.bf16.f32 v51;
	v15 =	vmul.bf16 v26, v15  }
0x1a1: {  	v32 =	vld [tilespmem:s8+$0xFA70];
	v56 =	vunpack.i.l.bf16.f32 v51;
	v16 =	vadd.f32 v16, v37;
	v30 =	vmul.bf16 v30, v52  }
0x1a2: {  	v35 =	vld [tilespmem:s8+$0xE680];
	v55 =	vunpack.i.l.bf16.f32 v41;
	v28 =	vadd.f32 v56, v28;
	v59 =	vunpack.i.u.bf16.f32 v15  }
0x1a3: {  	v29 =	vld [tilespmem:s8+$0xFAD0];
	v61 =	vunpack.i.l.bf16.f32 v15;
	v62 =	vunpack.i.u.bf16.f32 v30;
	v63 =	vunpack.i.l.bf16.f32 v30  }
0x1a4: {  	v31 =	vld [tilespmem:s8+$0xE6D0];
	v41 =	vunpack.i.l.bf16.f32 v60;
	v37 =	vadd.f32 v61, v59;
	v38 =	vadd.f32 v63, v62;
	v15, _, _ =	vpop (xrf2);
	(xrf2) =	vadd.scan.msk.f32 $0xffff, v36  }
0x1a5: {  	s9 =	smov.u32 s6;
	s5 =	simm.s32 $0x2FC0;
	v26 =	vadd.f32 v55, v54;
	v40 =	vadd.f32 v50, v16;
	v30 =	vld [tilespmem:s8+$0xE6B0];
	v36 =	vmul.bf16 v43, v49;
	v16, _, _ =	vpop (xrf2)  }
.LBB2_3:
0x1a6: {  	p1 =	sne.s32 s5, $0x4FC0;
	v32 =	vmul.bf16 v32, v33;
	v33 =	vld [tilespmem:s8+$0xE6C0];
	v37 =	vadd.f32 v38, v37;
	v38 =	vadd.f32 v41, v39  }
0x1a7: {  	v34 =	vmul.bf16 v34, v35;
	v35 =	vunpack.i.u.bf16.f32 v36;
	v25 =	vadd.f32 v25, v40;
	(xrf2) =	vadd.scan.msk.f32 $0xffff, v22  }
0x1a8: {  	v36 =	vunpack.i.l.bf16.f32 v36;
	v39 =	vunpack.i.u.bf16.f32 v32;
	v40 =	vld [tilespmem:s8+$0xFAE0];
	v37 =	vadd.f32 v38, v37;
	v22, _, _ =	vpop (xrf2)  }
0x1a9: {  	v32 =	vunpack.i.l.bf16.f32 v32;
	v38 =	vunpack.i.u.bf16.f32 v34;
	v34 =	vunpack.i.l.bf16.f32 v34;
	v41 =	vld [tilespmem:s8+$0xE6E0]  }
0x1aa: {  	v32 =	vadd.f32 v32, v39;
	v23 =	vmul.bf16 v23, v30;
	v34 =	vadd.f32 v34, v38;
	(xrf2) =	vadd.scan.msk.f32 $0xffff, v21  }
0x1ab: {  	v29 =	vmul.bf16 v29, v31;
	v30 =	vadd.f32 v36, v35;
	v27 =	vmul.bf16 v27, v33;
	v21, _, _ =	vpop (xrf2)  }
0x1ac: {  	v24 =	vadd.f32 v24, v37;
	v31 =	vadd.f32 v34, v32;
	v34 =	vunpack.i.u.bf16.f32 v23  }
0x1ad: {  	v23 =	vunpack.i.l.bf16.f32 v23;
	v33 =	vunpack.i.u.bf16.f32 v27;
	v27 =	vunpack.i.l.bf16.f32 v27;
	(xrf2) =	vadd.scan.msk.f32 $0xffff, v25  }
0x1ae: {  	v23 =	vadd.f32 v23, v34;
	v25 =	vadd.f32 v27, v33;
	v27 =	vmul.bf16 v40, v41;
	v32, _, _ =	vpop (xrf2)  }
0x1af: {  	v33 =	vadd.f32 v30, v31;
	v31 =	vunpack.i.u.bf16.f32 v29;
	v29 =	vunpack.i.l.bf16.f32 v29  }
0x1b0: {  	v23 =	vadd.f32 v25, v23;
	v25 =	vadd.f32 v29, v31;
	v29 =	vunpack.i.u.bf16.f32 v19;
	(xrf2) =	vadd.scan.msk.f32 $0xffff, v24  }
0x1b1: {  	v24 =	vadd.f32 v28, v33;
	v28 =	vunpack.i.u.bf16.f32 v27;
	v27 =	vunpack.i.l.bf16.f32 v27;
	v30, _, _ =	vpop (xrf2)  }
0x1b2: {  	v19 =	vunpack.i.l.bf16.f32 v19;
	v27 =	vadd.f32 v27, v28;
	v23 =	vadd.f32 v25, v23  }
0x1b3: {  	v20 =	vadd.f32 v26, v20;
	v26 =	vunpack.i.u.bf16.f32 v17;
	v19 =	vadd.f32 v19, v29;
	(xrf2) =	vadd.scan.msk.f32 $0xffff, v24  }
0x1b4: {  	v24 =	vunpack.i.u.bf16.f32 v18;
	v18 =	vunpack.i.l.bf16.f32 v18;
	v23 =	vadd.f32 v27, v23;
	v25, _, _ =	vpop (xrf2)  }
0x1b5: {  	v17 =	vunpack.i.l.bf16.f32 v17;
	v19 =	vadd.f32 v19, v20;
	v18 =	vadd.f32 v18, v24  }
0x1b6: {  	v13 =	vadd.f32 v14, v13;
	v14 =	vadd.f32 v17, v26;
	v17 =	vunpack.i.u.bf16.f32 v11;
	(xrf2) =	vadd.scan.msk.f32 $0xffff, v23  }
0x1b7: {  	v18 =	vadd.f32 v18, v19;
	v19 =	vunpack.i.u.bf16.f32 v12;
	v12 =	vunpack.i.l.bf16.f32 v12;
	v20, _, _ =	vpop (xrf2)  }
0x1b8: {  	v11 =	vunpack.i.l.bf16.f32 v11;
	v13 =	vadd.f32 v14, v13;
	v12 =	vadd.f32 v12, v19  }
0x1b9: {  	v9 =	vadd.f32 v10, v9;
	v10 =	vadd.f32 v11, v17;
	v11 =	vunpack.i.u.bf16.f32 v7;
	(xrf2) =	vadd.scan.msk.f32 $0xffff, v18  }
0x1ba: {  	v12 =	vadd.f32 v12, v13;
	v13 =	vunpack.i.u.bf16.f32 v8;
	v8 =	vunpack.i.l.bf16.f32 v8;
	v14, _, _ =	vpop (xrf2)  }
0x1bb: {  	v7 =	vunpack.i.l.bf16.f32 v7;
	v9 =	vadd.f32 v10, v9;
	v8 =	vadd.f32 v8, v13  }
0x1bc: {  	v5 =	vadd.f32 v6, v5;
	v6 =	vadd.f32 v7, v11;
	v7 =	vunpack.i.u.bf16.f32 v3;
	(xrf2) =	vadd.scan.msk.f32 $0xffff, v12  }
0x1bd: {  	v8 =	vadd.f32 v8, v9;
	v9 =	vunpack.i.u.bf16.f32 v4;
	v4 =	vunpack.i.l.bf16.f32 v4;
	v10, _, _ =	vpop (xrf2)  }
0x1be: {  	v3 =	vunpack.i.l.bf16.f32 v3;
	v6 =	vadd.f32 v6, v5;
	v4 =	vadd.f32 v4, v9  }
0x1bf: {  	v3 =	vadd.f32 v3, v7;
	(xrf2) =	vadd.scan.msk.f32 $0xffff, v8  }
0x1c0: {  	v0 =	vadd.f32 v2, v0;
	v2 =	vunpack.i.u.bf16.f32 v1;
	v8 =	vadd.f32 v4, v6;
	v5, _, _ =	vpop (xrf2)  }
0x1c1: {  	v1 =	vunpack.i.l.bf16.f32 v1;
	v6 =	vbroadcast v10, $0xF;
	v5 =	vbroadcast v5, $0xF  }
0x1c2: {  	v1 =	vadd.f32 v1, v2;
	v0 =	vadd.f32 v3, v0;
	v7 =	vbroadcast v14, $0xF;
	(xrf2) =	vadd.scan.msk.f32 $0xffff, v8  }
0x1c3: {  	v3 =	vbroadcast v20, $0xF;
	v2 =	vsel vm0, v6, v5;
	v4, _, _ =	vpop (xrf2)  }
0x1c4: {  	v0 =	vadd.f32 v1, v0;
	v2 =	vsel vm1, v2, v7;
	v5 =	vbroadcast v4, $0xF  }
0x1c5: {  	v1 =	vsel vm2, v2, v3;
	v2 =	vbroadcast v25, $0xF  }
0x1c6: {  	v1 =	vsel vm3, v1, v5;
	v5 =	vbroadcast v30, $0xF;
	v4, _, _ =	vpop (xrf2);
	(xrf2) =	vadd.scan.msk.f32 $0xffff, v0  }
0x1c7: {  	v0 =	vsel vm4, v1, v2;
	v1 =	vbroadcast v4, $0xF  }
0x1c8: {  	v2 =	vbroadcast v32, $0xF;
	v0 =	vsel vm5, v0, v5  }
0x1c9: {  	v0 =	vsel vm6, v0, v1;
	v1 =	vbroadcast v21, $0xF;
	v3, _, _ =	vpop (xrf2)  }
0x1ca: {  	v0 =	vsel vm7, v0, v2;
	v2 =	vbroadcast v3, $0xF  }
0x1cb: {  	v0 =	vsel vm8, v0, v1;
	v1 =	vbroadcast v22, $0xF  }
0x1cc: {  	v0 =	vsel vm9, v0, v2;
	v2 =	vbroadcast v16, $0xF;
	v3, _, _ =	vpop (xrf2)  }
0x1cd: {  	v0 =	vsel vm10, v0, v1;
	v3 =	vbroadcast v3, $0xF  }
0x1ce: {  	v0 =	vsel vm11, v0, v2;
	v2 =	vbroadcast v15, $0xF  }
0x1cf: {  	v0 =	vsel vm12, v0, v3  }
0x1d0: {  	v0 =	vsel vm13, v0, v2;
	v1, _, _ =	vpop (xrf2)  }
0x1d1: {  	v0 =	vsel vm14, v0, v1  }
0x1d2: {  	v0 =	vsub.f32 $0.0e+00, v0;
	_ =	sdelay $0x1  }
0x1d3: {  	v0 =	vmul.f32 $1.442695020e+00, v0;
	_ =	sdelay $0x1  }
0x1d4: {  	(erf) = vpow2.f32 v0;
	_ =	sdelay $0x8  }
0x1d5: {  	v0 =	vpop (erf)  }
0x1d6: {  	v0 =	vadd.f32 $1.000000000e+00, v0;
	_ =	sdelay $0x1  }
0x1d7: {  	(erf) = vrcp.f32 v0;
	_ =	sdelay $0x8  }
0x1d8: {  	s9 =	sadd.s32 $0x10, s9;
	v0 =	vpop (erf)  }
0x1d9: {  	s8 =	sshra.s32 s5, $0x2;
	[tilespmem:s9+$0x0] =	vst v0  }
0x1da: {  	v1 =	vld [tilespmem:s8+$0xFE60]  }
0x1db: {  	v2 =	vld [tilespmem:s8+$0xEA60]  }
0x1dc: {  	v3 =	vld [tilespmem:s8+$0xFE50]  }
0x1dd: {  	v5 =	vld [tilespmem:s8+$0xEA50]  }
0x1de: {  	v0 =	vld [tilespmem:s8+$0xFE20]  }
0x1df: {  	v10 =	vld [tilespmem:s8+$0xEA20]  }
0x1e0: {  	v14 =	vld [tilespmem:s8+$0xFE30]  }
0x1e1: {  	v15 =	vld [tilespmem:s8+$0xEA30]  }
0x1e2: {  	v16 =	vld [tilespmem:s8+$0xFE40]  }
0x1e3: {  	v18 =	vld [tilespmem:s8+$0xEA40]  }
0x1e4: {  	v4 =	vld [tilespmem:s8+$0xFDE0]  }
0x1e5: {  	v6 =	vld [tilespmem:s8+$0xE9E0]  }
0x1e6: {  	v17 =	vld [tilespmem:s8+$0xFE10]  }
0x1e7: {  	v26 =	vld [tilespmem:s8+$0xEA10]  }
0x1e8: {  	v27 =	vld [tilespmem:s8+$0xFDA0]  }
0x1e9: {  	v31 =	vld [tilespmem:s8+$0xE9A0]  }
0x1ea: {  	v7 =	vld [tilespmem:s8+$0xFDD0]  }
0x1eb: {  	v8 =	vld [tilespmem:s8+$0xE9D0]  }
0x1ec: {  	v19 =	vld [tilespmem:s8+$0xFDF0]  }
0x1ed: {  	v30 =	vld [tilespmem:s8+$0xE9F0]  }
0x1ee: {  	v32 =	vld [tilespmem:s8+$0xFE00]  }
0x1ef: {  	v33 =	vld [tilespmem:s8+$0xEA00]  }
0x1f0: {  	v34 =	vld [tilespmem:s8+$0xFD60]  }
0x1f1: {  	v35 =	vld [tilespmem:s8+$0xE960]  }
0x1f2: {  	v36 =	vld [tilespmem:s8+$0xFD90]  }
0x1f3: {  	v37 =	vld [tilespmem:s8+$0xE990]  }
0x1f4: {  	v38 =	vld [tilespmem:s8+$0xFDB0]  }
0x1f5: {  	v39 =	vld [tilespmem:s8+$0xE9B0]  }
0x1f6: {  	v40 =	vld [tilespmem:s8+$0xFDC0]  }
0x1f7: {  	v41 =	vld [tilespmem:s8+$0xE9C0]  }
0x1f8: {  	v9 =	vld [tilespmem:s8+$0xFD20]  }
0x1f9: {  	v13 =	vld [tilespmem:s8+$0xE920]  }
0x1fa: {  	v42 =	vld [tilespmem:s8+$0xFD50]  }
0x1fb: {  	v43 =	vld [tilespmem:s8+$0xE950]  }
0x1fc: {  	v44 =	vld [tilespmem:s8+$0xFD70]  }
0x1fd: {  	v45 =	vld [tilespmem:s8+$0xE970]  }
0x1fe: {  	v46 =	vld [tilespmem:s8+$0xFD80]  }
0x1ff: {  	v47 =	vld [tilespmem:s8+$0xE980]  }
0x200: {  	v23 =	vld [tilespmem:s8+$0xFCE0]  }
0x201: {  	v28 =	vld [tilespmem:s8+$0xE8E0]  }
0x202: {  	v11 =	vld [tilespmem:s8+$0xFD10]  }
0x203: {  	v12 =	vld [tilespmem:s8+$0xE910]  }
0x204: {  	v48 =	vld [tilespmem:s8+$0xFD30]  }
0x205: {  	v49 =	vld [tilespmem:s8+$0xE930]  }
0x206: {  	v50 =	vld [tilespmem:s8+$0xFD40]  }
0x207: {  	v51 =	vld [tilespmem:s8+$0xE940]  }
0x208: {  	v24 =	vld [tilespmem:s8+$0xFCA0]  }
0x209: {  	v29 =	vld [tilespmem:s8+$0xE8A0]  }
0x20a: {  	v20 =	vld [tilespmem:s8+$0xFCD0]  }
0x20b: {  	v0 =	vmul.bf16 v0, v10;
	v25 =	vld [tilespmem:s8+$0xE8D0]  }
0x20c: {  	v21 =	vld [tilespmem:s8+$0xFCF0]  }
0x20d: {  	v52 =	vunpack.i.u.bf16.f32 v0;
	v0 =	vunpack.i.l.bf16.f32 v0;
	v14 =	vmul.bf16 v14, v15;
	v22 =	vld [tilespmem:s8+$0xE8F0]  }
0x20e: {  	v52 =	vadd.f32 v0, v52;
	v15 =	vmul.bf16 v19, v30;
	v10 =	vld [tilespmem:s8+$0xFD00]  }
0x20f: {  	v0 =	vunpack.i.u.bf16.f32 v14;
	v30 =	vmul.bf16 v32, v33;
	v32 =	vunpack.i.l.bf16.f32 v14;
	v19 =	vld [tilespmem:s8+$0xE900]  }
0x210: {  	v26 =	vmul.bf16 v17, v26;
	v33 =	vunpack.i.u.bf16.f32 v15;
	v0 =	vadd.f32 v32, v0;
	v14 =	vld [tilespmem:s8+$0xFC60]  }
0x211: {  	v15 =	vunpack.i.l.bf16.f32 v15;
	v32 =	vunpack.i.u.bf16.f32 v30;
	v53 =	vunpack.i.l.bf16.f32 v30;
	v17 =	vld [tilespmem:s8+$0xE860]  }
0x212: {  	v15 =	vadd.f32 v15, v33;
	v32 =	vadd.f32 v53, v32;
	v30 =	vld [tilespmem:s8+$0xFC90]  }
0x213: {  	v16 =	vmul.bf16 v16, v18;
	v53 =	vunpack.i.u.bf16.f32 v26;
	v26 =	vunpack.i.l.bf16.f32 v26;
	v33 =	vld [tilespmem:s8+$0xE890]  }
0x214: {  	v1 =	vmul.bf16 v1, v2;
	v18 =	vadd.f32 v26, v53;
	v15 =	vadd.f32 v32, v15;
	v54 =	vld [tilespmem:s8+$0xFCB0]  }
0x215: {  	v2 =	vunpack.i.u.bf16.f32 v16;
	v16 =	vunpack.i.l.bf16.f32 v16;
	v26 =	vmul.bf16 v27, v31;
	v32 =	vld [tilespmem:s8+$0xE8B0]  }
0x216: {  	v3 =	vmul.bf16 v3, v5;
	v2 =	vadd.f32 v16, v2;
	v15 =	vadd.f32 v18, v15;
	v31 =	vld [tilespmem:s8+$0xFCC0]  }
0x217: {  	v5 =	vmul.bf16 v34, v35;
	v16 =	vunpack.i.u.bf16.f32 v26;
	v18 =	vunpack.i.l.bf16.f32 v26;
	v53 =	vld [tilespmem:s8+$0xE8C0]  }
0x218: {  	v34 =	vmul.bf16 v36, v37;
	v35 =	vadd.f32 v18, v16;
	v15 =	vadd.f32 v52, v15;
	v26 =	vld [tilespmem:s8+$0xFC20]  }
0x219: {  	v36 =	vmul.bf16 v38, v39;
	v18 =	vunpack.i.u.bf16.f32 v5;
	v5 =	vunpack.i.l.bf16.f32 v5;
	v27 =	vld [tilespmem:s8+$0xE820]  }
0x21a: {  	v37 =	vadd.f32 v5, v18;
	v5 =	vunpack.i.u.bf16.f32 v34;
	v34 =	vunpack.i.l.bf16.f32 v34;
	v16 =	vld [tilespmem:s8+$0xFC50]  }
0x21b: {  	v38 =	vunpack.i.u.bf16.f32 v36;
	v36 =	vunpack.i.l.bf16.f32 v36;
	v39 =	vmul.bf16 v40, v41;
	v18 =	vld [tilespmem:s8+$0xE850]  }
0x21c: {  	v4 =	vmul.bf16 v4, v6;
	v34 =	vadd.f32 v34, v5;
	v5 =	vadd.f32 v36, v38;
	v40 =	vld [tilespmem:s8+$0xFC70]  }
0x21d: {  	v6 =	vunpack.i.u.bf16.f32 v39;
	v39 =	vunpack.i.l.bf16.f32 v39;
	v38 =	vmul.bf16 v44, v45;
	v36 =	vld [tilespmem:s8+$0xE870]  }
0x21e: {  	v6 =	vadd.f32 v39, v6;
	v42 =	vmul.bf16 v42, v43;
	v43 =	vmul.bf16 v46, v47;
	v41 =	vld [tilespmem:s8+$0xFC80]  }
0x21f: {  	v45 =	vunpack.i.u.bf16.f32 v38;
	v38 =	vunpack.i.l.bf16.f32 v38;
	v44 =	vmul.bf16 v48, v49;
	v39 =	vld [tilespmem:s8+$0xE880]  }
0x220: {  	v48 =	vunpack.i.u.bf16.f32 v43;
	v43 =	vunpack.i.l.bf16.f32 v43;
	v47 =	vmul.bf16 v50, v51;
	v46 =	vld [tilespmem:s8+$0xFBE0]  }
0x221: {  	v38 =	vadd.f32 v38, v45;
	v43 =	vadd.f32 v43, v48;
	v50 =	vunpack.i.u.bf16.f32 v44;
	v49 =	vld [tilespmem:s8+$0xE7E0]  }
0x222: {  	v44 =	vunpack.i.l.bf16.f32 v44;
	v48 =	vunpack.i.u.bf16.f32 v47;
	v47 =	vunpack.i.l.bf16.f32 v47;
	v45 =	vld [tilespmem:s8+$0xFC10]  }
0x223: {  	v44 =	vadd.f32 v44, v50;
	v47 =	vadd.f32 v47, v48;
	v48 =	vunpack.i.u.bf16.f32 v42;
	v51 =	vld [tilespmem:s8+$0xE810]  }
0x224: {  	v23 =	vmul.bf16 v23, v28;
	v28 =	vunpack.i.l.bf16.f32 v42;
	v38 =	vadd.f32 v43, v38;
	v50 =	vld [tilespmem:s8+$0xFC30]  }
0x225: {  	v7 =	vmul.bf16 v7, v8;
	v28 =	vadd.f32 v28, v48;
	v43 =	vadd.f32 v47, v44;
	v42 =	vld [tilespmem:s8+$0xE830]  }
0x226: {  	v8 =	vmul.bf16 v9, v13;
	v9 =	vadd.f32 v34, v38;
	v47 =	vunpack.i.u.bf16.f32 v23;
	v44 =	vld [tilespmem:s8+$0xFC40]  }
0x227: {  	v29 =	vmul.bf16 v24, v29;
	v23 =	vunpack.i.l.bf16.f32 v23;
	v28 =	vadd.f32 v28, v43;
	v13 =	vld [tilespmem:s8+$0xE840]  }
0x228: {  	v34 =	vmul.bf16 v20, v25;
	v20 =	vadd.f32 v35, v9;
	v38 =	vadd.f32 v23, v47;
	v24 =	vld [tilespmem:s8+$0xFBA0]  }
0x229: {  	v9 =	vunpack.i.u.bf16.f32 v29;
	v29 =	vunpack.i.l.bf16.f32 v29;
	v23 =	vadd.f32 v37, v28;
	v25 =	vld [tilespmem:s8+$0xE7A0]  }
0x22a: {  	v35 =	vunpack.i.u.bf16.f32 v34;
	v34 =	vunpack.i.l.bf16.f32 v34;
	v32 =	vmul.bf16 v54, v32;
	v28 =	vld [tilespmem:s8+$0xFBD0]  }
0x22b: {  	v29 =	vadd.f32 v29, v9;
	v9 =	vmul.bf16 v31, v53;
	v31 =	vadd.f32 v34, v35;
	v37 =	vld [tilespmem:s8+$0xE7D0]  }
0x22c: {  	v21 =	vmul.bf16 v21, v22;
	v30 =	vmul.bf16 v30, v33;
	v33 =	vunpack.i.u.bf16.f32 v32;
	v34 =	vld [tilespmem:s8+$0xFBF0]  }
0x22d: {  	v32 =	vunpack.i.l.bf16.f32 v32;
	v35 =	vunpack.i.u.bf16.f32 v9;
	v9 =	vunpack.i.l.bf16.f32 v9;
	v22 =	vld [tilespmem:s8+$0xE7F0]  }
0x22e: {  	v32 =	vadd.f32 v32, v33;
	v9 =	vadd.f32 v9, v35;
	v36 =	vmul.bf16 v40, v36;
	v43 =	vld [tilespmem:s8+$0xFC00]  }
0x22f: {  	v10 =	vmul.bf16 v10, v19;
	v35 =	vmul.bf16 v41, v39;
	v39 =	vunpack.i.u.bf16.f32 v21;
	v33 =	vld [tilespmem:s8+$0xE800]  }
0x230: {  	v47 =	vunpack.i.u.bf16.f32 v30;
	v9 =	vadd.f32 v9, v32;
	v41 =	vunpack.i.u.bf16.f32 v36;
	v40 =	vld [tilespmem:s8+$0xFB60]  }
0x231: {  	v36 =	vunpack.i.l.bf16.f32 v36;
	v48 =	vunpack.i.u.bf16.f32 v35;
	v35 =	vunpack.i.l.bf16.f32 v35;
	v32 =	vld [tilespmem:s8+$0xE760]  }
0x232: {  	v30 =	vunpack.i.l.bf16.f32 v30;
	v36 =	vadd.f32 v36, v41;
	v35 =	vadd.f32 v35, v48;
	v19 =	vld [tilespmem:s8+$0xFB90]  }
0x233: {  	v30 =	vadd.f32 v30, v47;
	v47 =	vunpack.i.u.bf16.f32 v10;
	v21 =	vunpack.i.l.bf16.f32 v21;
	v41 =	vld [tilespmem:s8+$0xE790]  }
0x234: {  	v10 =	vunpack.i.l.bf16.f32 v10;
	v31 =	vadd.f32 v31, v9;
	v35 =	vadd.f32 v35, v36;
	v48 =	vld [tilespmem:s8+$0xFBB0]  }
0x235: {  	v10 =	vadd.f32 v10, v47;
	v26 =	vmul.bf16 v26, v27;
	v9 =	vadd.f32 v21, v39;
	v36 =	vld [tilespmem:s8+$0xE7B0]  }
0x236: {  	v11 =	vmul.bf16 v11, v12;
	v27 =	vadd.f32 v30, v35;
	v30 =	vadd.f32 v38, v31;
	v21 =	vld [tilespmem:s8+$0xFBC0]  }
0x237: {  	v12 =	vmul.bf16 v46, v49;
	v35 =	vunpack.i.u.bf16.f32 v26;
	v26 =	vunpack.i.l.bf16.f32 v26;
	v31 =	vld [tilespmem:s8+$0xE7C0]  }
0x238: {  	v39 =	vmul.bf16 v45, v51;
	v26 =	vadd.f32 v26, v35;
	v27 =	vadd.f32 v29, v27;
	v38 =	vld [tilespmem:s8+$0xFB20]  }
0x239: {  	v42 =	vmul.bf16 v50, v42;
	v35 =	vunpack.i.u.bf16.f32 v12;
	v12 =	vunpack.i.l.bf16.f32 v12;
	v29 =	vld [tilespmem:s8+$0xE720]  }
0x23a: {  	v35 =	vadd.f32 v12, v35;
	v12 =	vunpack.i.u.bf16.f32 v39;
	v39 =	vunpack.i.l.bf16.f32 v39;
	v45 =	vld [tilespmem:s8+$0xFB50]  }
0x23b: {  	v47 =	vunpack.i.u.bf16.f32 v42;
	v42 =	vunpack.i.l.bf16.f32 v42;
	v44 =	vmul.bf16 v44, v13;
	v46 =	vld [tilespmem:s8+$0xE750]  }
0x23c: {  	v13 =	vadd.f32 v42, v47;
	v39 =	vadd.f32 v39, v12;
	v12 =	vmul.bf16 v14, v17;
	v49 =	vld [tilespmem:s8+$0xFB70]  }
0x23d: {  	v14 =	vunpack.i.u.bf16.f32 v44;
	v17 =	vmul.bf16 v34, v22;
	v22 =	vunpack.i.l.bf16.f32 v44;
	v42 =	vld [tilespmem:s8+$0xE770]  }
0x23e: {  	v28 =	vmul.bf16 v28, v37;
	v14 =	vadd.f32 v22, v14;
	v33 =	vmul.bf16 v43, v33;
	v34 =	vld [tilespmem:s8+$0xFB80]  }
0x23f: {  	v22 =	vmul.bf16 v48, v36;
	v36 =	vunpack.i.u.bf16.f32 v17;
	v17 =	vunpack.i.l.bf16.f32 v17;
	v37 =	vld [tilespmem:s8+$0xE780]  }
0x240: {  	v21 =	vmul.bf16 v21, v31;
	v31 =	vunpack.i.u.bf16.f32 v33;
	v33 =	vunpack.i.l.bf16.f32 v33;
	v43 =	vld [tilespmem:s8+$0xFAA0]  }
0x241: {  	v17 =	vadd.f32 v17, v36;
	v47 =	vunpack.i.u.bf16.f32 v22;
	v31 =	vadd.f32 v33, v31;
	v44 =	vld [tilespmem:s8+$0xE6A0]  }
0x242: {  	v22 =	vunpack.i.l.bf16.f32 v22;
	v33 =	vunpack.i.u.bf16.f32 v21;
	v21 =	vunpack.i.l.bf16.f32 v21;
	v36 =	vld [tilespmem:s8+$0xFB10]  }
0x243: {  	v22 =	vadd.f32 v22, v47;
	v21 =	vadd.f32 v21, v33;
	v33 =	vunpack.i.u.bf16.f32 v28;
	v48 =	vld [tilespmem:s8+$0xE710]  }
0x244: {  	v32 =	vmul.bf16 v40, v32;
	v28 =	vunpack.i.l.bf16.f32 v28;
	v31 =	vadd.f32 v31, v17;
	v47 =	vld [tilespmem:s8+$0xFB30]  }
0x245: {  	v17 =	vmul.bf16 v16, v18;
	v21 =	vadd.f32 v21, v22;
	v22 =	vadd.f32 v28, v33;
	v40 =	vld [tilespmem:s8+$0xE730]  }
0x246: {  	v18 =	vmul.bf16 v24, v25;
	v28 =	vunpack.i.u.bf16.f32 v32;
	v24 =	vadd.f32 v39, v31;
	v16 =	vld [tilespmem:s8+$0xFB40]  }
0x247: {  	v29 =	vmul.bf16 v38, v29;
	v25 =	vunpack.i.l.bf16.f32 v32;
	v21 =	vadd.f32 v22, v21;
	v31 =	vld [tilespmem:s8+$0xE740]  }
0x248: {  	v32 =	vmul.bf16 v45, v46;
	v25 =	vadd.f32 v25, v28;
	v22 =	vadd.f32 v26, v24;
	v50 =	vld [tilespmem:s8+$0xFA90]  }
0x249: {  	v24 =	vunpack.i.u.bf16.f32 v29;
	v26 =	vunpack.i.l.bf16.f32 v29;
	v21 =	vadd.f32 v35, v21;
	v45 =	vld [tilespmem:s8+$0xE690];
	(xrf2) =	vadd.scan.msk.f32 $0xffff, v15  }
0x24a: {  	v28 =	vunpack.i.u.bf16.f32 v32;
	v29 =	vunpack.i.l.bf16.f32 v32;
	v32 =	vmul.bf16 v49, v42;
	v15 =	vld [tilespmem:s8+$0xFAF0]  }
0x24b: {  	v19 =	vmul.bf16 v19, v41;
	v24 =	vadd.f32 v26, v24;
	v42 =	vadd.f32 v29, v28;
	v35 =	vld [tilespmem:s8+$0xE6F0]  }
0x24c: {  	v28 =	vunpack.i.u.bf16.f32 v32;
	v29 =	vunpack.i.l.bf16.f32 v32;
	v32 =	vmul.bf16 v34, v37;
	v26 =	vld [tilespmem:s8+$0xFB00];
	(xrf2) =	vadd.scan.msk.f32 $0xffff, v20  }
0x24d: {  	v33 =	vmul.bf16 v43, v44;
	v34 =	vmul.bf16 v47, v40;
	v20 =	vadd.f32 v29, v28;
	v37 =	vld [tilespmem:s8+$0xE700]  }
0x24e: {  	v38 =	vunpack.i.u.bf16.f32 v32;
	v39 =	vunpack.i.l.bf16.f32 v32;
	v16 =	vmul.bf16 v16, v31;
	v29 =	vld [tilespmem:s8+$0xFAD0]  }
0x24f: {  	v40 =	vunpack.i.l.bf16.f32 v33;
	v28 =	vunpack.i.u.bf16.f32 v33;
	v41 =	vunpack.i.u.bf16.f32 v34;
	v31 =	vld [tilespmem:s8+$0xE6D0];
	(xrf2) =	vadd.scan.msk.f32 $0xffff, v23  }
0x250: {  	v23 =	vunpack.i.l.bf16.f32 v34;
	v34 =	vunpack.i.u.bf16.f32 v16;
	v16 =	vunpack.i.l.bf16.f32 v16;
	v32 =	vld [tilespmem:s8+$0xFA70]  }
0x251: {  	v43 =	vmul.bf16 v15, v35;
	v23 =	vadd.f32 v23, v41;
	v16 =	vadd.f32 v16, v34;
	v33 =	vld [tilespmem:s8+$0xE670]  }
.Ltmp0:
0x252: {  	v28 =	vadd.f32 v40, v28;
	v34 =	vld [tilespmem:s8+$0xFA80];
	v37 =	vmul.bf16 v26, v37;
	v26 =	vadd.f32 v39, v38;
	(xrf2) =	vadd.scan.msk.f32 $0xffff, v30;
	(pc) =	sbr.rel @p1 .LBB2_3-.Ltmp0, $4  }
0x253: {  	v40 =	vmul.bf16 v36, v48;
	v38 =	vunpack.i.u.bf16.f32 v43;
	v44 =	vadd.f32 v16, v23;
	v35 =	vld [tilespmem:s8+$0xE680];
	v15, _, _ =	vpop (xrf2)  }
0x254: {  	v36 =	vunpack.i.l.bf16.f32 v43;
	v23 =	vld [tilespmem:s8+$0xFAB0];
	v39 =	vunpack.i.u.bf16.f32 v37;
	v41 =	vunpack.i.l.bf16.f32 v37  }
0x255: {  	v37 =	vadd.f32 v36, v38;
	v30 =	vld [tilespmem:s8+$0xE6B0];
	v38 =	vadd.f32 v41, v39;
	v39 =	vunpack.i.u.bf16.f32 v40;
	(xrf2) =	vadd.scan.msk.f32 $0xffff, v27  }
0x256: {  	s5 =	sadd.s32 $0x1000, s5;
	v36 =	vmul.bf16 v50, v45;
	v41 =	vunpack.i.l.bf16.f32 v40;
	v40 =	vadd.f32 v42, v44;
	v27 =	vld [tilespmem:s8+$0xFAC0];
	v16, _, _ =	vpop (xrf2)  }
0x257: {  	v32 =	vmul.bf16 v32, v33;
	v49 =	vld [tilespmem:s8+$0xE6C0];
	v37 =	vadd.f32 v38, v37;
	v50 =	vadd.f32 v41, v39  }
0x258: {  	v29 =	vmul.bf16 v29, v31;
	v20 =	vadd.f32 v26, v20;
	v34 =	vmul.bf16 v34, v35  }
0x259: {  	v54 =	vld [tilespmem:s8+$0xFAE0];
	v51 =	vunpack.i.u.bf16.f32 v36;
	v25 =	vadd.f32 v25, v40;
	v53 =	vunpack.i.l.bf16.f32 v36  }
0x25a: {  	v56 =	vld [tilespmem:s8+$0xE6E0];
	v52 =	vunpack.i.u.bf16.f32 v32;
	v37 =	vadd.f32 v50, v37;
	v32 =	vunpack.i.l.bf16.f32 v32  }
0x25b: {  	v55 =	vunpack.i.u.bf16.f32 v34;
	v34 =	vunpack.i.l.bf16.f32 v34;
	v23 =	vmul.bf16 v23, v30  }
0x25c: {  	v32 =	vadd.f32 v32, v52;
	v34 =	vadd.f32 v34, v55;
	v27 =	vmul.bf16 v27, v49  }
0x25d: {  	v30 =	vadd.f32 v53, v51;
	v57 =	vunpack.i.u.bf16.f32 v23;
	v23 =	vunpack.i.l.bf16.f32 v23  }
0x25e: {  	v31 =	vadd.f32 v34, v32;
	v33 =	vunpack.i.u.bf16.f32 v27;
	v27 =	vunpack.i.l.bf16.f32 v27  }
0x25f: {  	v58 =	vmul.bf16 v54, v56;
	v23 =	vadd.f32 v23, v57;
	v27 =	vadd.f32 v27, v33  }
0x260: {  	v30 =	vadd.f32 v30, v31;
	v31 =	vunpack.i.u.bf16.f32 v29;
	v29 =	vunpack.i.l.bf16.f32 v29  }
0x261: {  	v23 =	vadd.f32 v27, v23;
	v27 =	vadd.f32 v29, v31;
	v29 =	vunpack.i.u.bf16.f32 v19  }
0x262: {  	(xrf2) =	vadd.scan.msk.f32 $0xffff, v22;
	v22 =	vadd.f32 v28, v30;
	v28 =	vunpack.i.u.bf16.f32 v58;
	v30 =	vunpack.i.l.bf16.f32 v58  }
0x263: {  	(xrf2) =	vadd.scan.msk.f32 $0xffff, v21;
	v19 =	vunpack.i.l.bf16.f32 v19;
	v21 =	vadd.f32 v27, v23;
	v23 =	vadd.f32 v30, v28  }
0x264: {  	(xrf2) =	vadd.scan.msk.f32 $0xffff, v25;
	v25 =	vunpack.i.u.bf16.f32 v17;
	v24 =	vadd.f32 v24, v37;
	v19 =	vadd.f32 v19, v29  }
0x265: {  	v21 =	vadd.f32 v23, v21;
	v23 =	vunpack.i.u.bf16.f32 v18;
	v18 =	vunpack.i.l.bf16.f32 v18  }
0x266: {  	v17 =	vunpack.i.l.bf16.f32 v17;
	v19 =	vadd.f32 v19, v20;
	v18 =	vadd.f32 v18, v23  }
0x267: {  	v13 =	vadd.f32 v14, v13;
	v14 =	vadd.f32 v17, v25;
	v17 =	vunpack.i.u.bf16.f32 v11  }
0x268: {  	(xrf2) =	vadd.scan.msk.f32 $0xffff, v24;
	v18 =	vadd.f32 v18, v19;
	v19 =	vunpack.i.u.bf16.f32 v12;
	v12 =	vunpack.i.l.bf16.f32 v12  }
0x269: {  	v11 =	vunpack.i.l.bf16.f32 v11;
	v13 =	vadd.f32 v14, v13;
	(xrf2) =	vadd.scan.msk.f32 $0xffff, v22;
	v12 =	vadd.f32 v12, v19  }
0x26a: {  	v9 =	vadd.f32 v10, v9;
	v10 =	vadd.f32 v11, v17;
	v11 =	vunpack.i.u.bf16.f32 v7;
	v20, _, _ =	vpop (xrf2);
	(xrf2) =	vadd.scan.msk.f32 $0xffff, v21  }
0x26b: {  	v14, _, _ =	vpop (xrf2);
	(xrf2) =	vadd.scan.msk.f32 $0xffff, v18;
	v12 =	vadd.f32 v12, v13;
	v13 =	vunpack.i.u.bf16.f32 v8;
	v8 =	vunpack.i.l.bf16.f32 v8  }
0x26c: {  	v7 =	vunpack.i.l.bf16.f32 v7;
	v9 =	vadd.f32 v10, v9;
	v8 =	vadd.f32 v8, v13  }
0x26d: {  	v5 =	vadd.f32 v6, v5;
	v6 =	vadd.f32 v7, v11  }
0x26e: {  	v17, _, _ =	vpop (xrf2);
	v8 =	vadd.f32 v8, v9;
	v9 =	vunpack.i.u.bf16.f32 v4;
	v4 =	vunpack.i.l.bf16.f32 v4  }
0x26f: {  	v5 =	vadd.f32 v6, v5;
	v18, _, _ =	vpop (xrf2);
	v4 =	vadd.f32 v4, v9  }
0x270: {  	v10, _, _ =	vpop (xrf2);
	(xrf2) =	vadd.scan.msk.f32 $0xffff, v12  }
0x271: {  	v11, _, _ =	vpop (xrf2);
	v4 =	vadd.f32 v4, v5  }
0x272: {  	v12, _, _ =	vpop (xrf2)  }
0x273: {  	v0 =	vadd.f32 v2, v0;
	v7 =	vunpack.i.u.bf16.f32 v3;
	v3 =	vunpack.i.l.bf16.f32 v3;
	v6, _, _ =	vpop (xrf2);
	(xrf2) =	vadd.scan.msk.f32 $0xffff, v8  }
0x274: {  	v2 =	vunpack.i.u.bf16.f32 v1;
	v1 =	vunpack.i.l.bf16.f32 v1;
	v3 =	vadd.f32 v3, v7;
	v5, _, _ =	vpop (xrf2)  }
0x275: {  	v1 =	vadd.f32 v1, v2;
	v6 =	vbroadcast v6, $0xF;
	v5 =	vbroadcast v5, $0xF;
	(xrf2) =	vadd.scan.msk.f32 $0xffff, v4;
	v4, _, _ =	vpop (xrf2)  }
0x276: {  	v0 =	vadd.f32 v3, v0;
	v7 =	vbroadcast v12, $0xF;
	v4 =	vbroadcast v4, $0xF  }
0x277: {  	v3 =	vbroadcast v11, $0xF;
	v2 =	vsel vm0, v6, v5  }
0x278: {  	v0 =	vadd.f32 v1, v0;
	v2 =	vsel vm1, v2, v7  }
0x279: {  	v1 =	vsel vm2, v2, v3;
	v2 =	vbroadcast v10, $0xF;
	v3 =	vbroadcast v18, $0xF  }
0x27a: {  	v1 =	vsel vm3, v1, v4;
	v4, _, _ =	vpop (xrf2)  }
0x27b: {  	(xrf2) =	vadd.scan.msk.f32 $0xffff, v0;
	v0 =	vsel vm4, v1, v2;
	v1 =	vbroadcast v4, $0xF  }
0x27c: {  	v2 =	vbroadcast v17, $0xF;
	v0 =	vsel vm5, v0, v3  }
0x27d: {  	v3, _, _ =	vpop (xrf2);
	v0 =	vsel vm6, v0, v1;
	v1 =	vbroadcast v14, $0xF  }
0x27e: {  	v0 =	vsel vm7, v0, v2;
	v2 =	vbroadcast v3, $0xF  }
0x27f: {  	v0 =	vsel vm8, v0, v1;
	v1 =	vbroadcast v20, $0xF  }
0x280: {  	v3, _, _ =	vpop (xrf2);
	v0 =	vsel vm9, v0, v2  }
0x281: {  	v2 =	vbroadcast v16, $0xF;
	v0 =	vsel vm10, v0, v1;
	v1 =	vbroadcast v3, $0xF;
	_ =	sdelay $0x1  }
0x282: {  	v0 =	vsel vm11, v0, v2;
	v2 =	vbroadcast v15, $0xF  }
0x283: {  	v0 =	vsel vm12, v0, v1  }
0x284: {  	v0 =	vsel vm13, v0, v2;
	v1, _, _ =	vpop (xrf2)  }
0x285: {  	v0 =	vsel vm14, v0, v1  }
0x286: {  	v0 =	vsub.f32 $0.0e+00, v0;
	_ =	sdelay $0x1  }
0x287: {  	v0 =	vmul.f32 $1.442695020e+00, v0;
	_ =	sdelay $0x1  }
0x288: {  	(erf) = vpow2.f32 v0;
	_ =	sdelay $0x8  }
0x289: {  	v0 =	vpop (erf)  }
0x28a: {  	v0 =	vadd.f32 $1.000000000e+00, v0;
	_ =	sdelay $0x1  }
0x28b: {  	(erf) = vrcp.f32 v0;
	_ =	sdelay $0x7  }
0x28c: {  	s8 =	smul.u32 $0xA0, s7  }
0x28d: {  	s5 =	sadd.s32 $0x10, s9;
	v0 =	vpop (erf)  }
0x28e: {  	s11 =	sadd.s32 $0x9CE0, s8;
	[tilespmem:s5+$0x0] =	vst v0  }
0x28f: {  	[tilespmem:s24], [sflag:$0x1] =	stream.indirect.gather [spmem:s2], $0x40, s11, s30, $0xb8;
	[tilespmem:$0x16170] =	vst v63  }
0x290: {  	s9 =	sadd.s32 $0xC3F0, s8  }
0x291: {  	[tilespmem:s31], [sflag:$0x1] =	stream.indirect.gather [spmem:s2], $0x40, s9, s30, $0xb8;
	[tilespmem:$0x16170] =	vst v63  }
0x292: {  	_ =	swait.ge [sflag:s29], $0x1400  }
0x293: {  	[sflag:s29] =	ssyncset.done $0x0  }
0x294: {  	[sflag:s29] =	ssyncadd.s32 $0xFFFFEC00  }
0x295: {  	_ =	swait.ge [sflag:s29], $0x1400  }
0x296: {  	[sflag:s29] =	ssyncset.done $0x0  }
0x297: {  	s11 =	simm.s32 $0x3F0;
	[sflag:s29] =	ssyncadd.s32 $0xFFFFEC00  }
0x298: {  	v1 =	vld [tilespmem:s11+$0x12660]  }
0x299: {  	v2 =	vld [tilespmem:s11+$0x11260]  }
0x29a: {  	v3 =	vld [tilespmem:s11+$0x12650]  }
0x29b: {  	v4 =	vld [tilespmem:s11+$0x11250]  }
0x29c: {  	v0 =	vld [tilespmem:s11+$0x12620]  }
0x29d: {  	v5 =	vld [tilespmem:s11+$0x11220]  }
0x29e: {  	v6 =	vld [tilespmem:s11+$0x12630]  }
0x29f: {  	v9 =	vld [tilespmem:s11+$0x11230]  }
0x2a0: {  	v10 =	vld [tilespmem:s11+$0x12640]  }
0x2a1: {  	v11 =	vld [tilespmem:s11+$0x11240]  }
0x2a2: {  	v20 =	vld [tilespmem:s11+$0x125E0]  }
0x2a3: {  	v21 =	vld [tilespmem:s11+$0x111E0]  }
0x2a4: {  	v17 =	vld [tilespmem:s11+$0x12610]  }
0x2a5: {  	v18 =	vld [tilespmem:s11+$0x11210]  }
0x2a6: {  	v19 =	vld [tilespmem:s11+$0x125A0]  }
0x2a7: {  	v22 =	vld [tilespmem:s11+$0x111A0]  }
0x2a8: {  	v7 =	vld [tilespmem:s11+$0x125D0]  }
0x2a9: {  	v8 =	vld [tilespmem:s11+$0x111D0]  }
0x2aa: {  	v13 =	vld [tilespmem:s11+$0x125F0]  }
0x2ab: {  	v15 =	vld [tilespmem:s11+$0x111F0]  }
0x2ac: {  	v23 =	vld [tilespmem:s11+$0x12600]  }
0x2ad: {  	v24 =	vld [tilespmem:s11+$0x11200]  }
0x2ae: {  	v25 =	vld [tilespmem:s11+$0x12560]  }
0x2af: {  	v26 =	vld [tilespmem:s11+$0x11160]  }
0x2b0: {  	v27 =	vld [tilespmem:s11+$0x12590]  }
0x2b1: {  	v28 =	vld [tilespmem:s11+$0x11190]  }
0x2b2: {  	v29 =	vld [tilespmem:s11+$0x125B0]  }
0x2b3: {  	v30 =	vld [tilespmem:s11+$0x111B0]  }
0x2b4: {  	v31 =	vld [tilespmem:s11+$0x125C0]  }
0x2b5: {  	v32 =	vld [tilespmem:s11+$0x111C0]  }
0x2b6: {  	v33 =	vld [tilespmem:s11+$0x12520]  }
0x2b7: {  	v34 =	vld [tilespmem:s11+$0x11120]  }
0x2b8: {  	v59 =	vld [tilespmem:s11+$0x12550]  }
0x2b9: {  	v60 =	vld [tilespmem:s11+$0x11150]  }
0x2ba: {  	v61 =	vld [tilespmem:s11+$0x12570]  }
0x2bb: {  	v62 =	vld [tilespmem:s11+$0x11170]  }
0x2bc: {  	v63 =	vld [tilespmem:s11+$0x12580]  }
0x2bd: {  	v57 =	vld [tilespmem:s11+$0x11180]  }
0x2be: {  	v58 =	vld [tilespmem:s11+$0x124E0]  }
0x2bf: {  	v42 =	vld [tilespmem:s11+$0x110E0]  }
0x2c0: {  	v14 =	vld [tilespmem:s11+$0x12510]  }
0x2c1: {  	v16 =	vld [tilespmem:s11+$0x11110]  }
0x2c2: {  	v43 =	vld [tilespmem:s11+$0x12530]  }
0x2c3: {  	v44 =	vld [tilespmem:s11+$0x11130]  }
0x2c4: {  	v45 =	vld [tilespmem:s11+$0x12540]  }
0x2c5: {  	v46 =	vld [tilespmem:s11+$0x11140]  }
0x2c6: {  	v47 =	vld [tilespmem:s11+$0x124A0]  }
0x2c7: {  	v48 =	vld [tilespmem:s11+$0x110A0]  }
0x2c8: {  	v49 =	vld [tilespmem:s11+$0x124D0]  }
0x2c9: {  	v50 =	vld [tilespmem:s11+$0x110D0]  }
0x2ca: {  	v51 =	vld [tilespmem:s11+$0x124F0];
	v0 =	vmul.bf16 v0, v5;
	v6 =	vmul.bf16 v6, v9  }
0x2cb: {  	v37 =	vld [tilespmem:s11+$0x123E0];
	v9 =	vmul.bf16 v13, v15;
	v23 =	vmul.bf16 v23, v24  }
0x2cc: {  	v40 =	vld [tilespmem:s11+$0x10FE0];
	v17 =	vmul.bf16 v17, v18;
	v10 =	vmul.bf16 v10, v11  }
0x2cd: {  	v52 =	vld [tilespmem:s11+$0x110F0];
	v1 =	vmul.bf16 v1, v2;
	v11 =	vmul.bf16 v19, v22  }
0x2ce: {  	v12 =	vld [tilespmem:s11+$0x12500];
	v3 =	vmul.bf16 v3, v4;
	v4 =	vmul.bf16 v25, v26  }
0x2cf: {  	v55 =	vld [tilespmem:s11+$0x110C0];
	v41 =	vmul.bf16 v58, v42;
	v7 =	vmul.bf16 v7, v8  }
0x2d0: {  	v13 =	vld [tilespmem:s11+$0x11100];
	v8 =	vmul.bf16 v33, v34;
	v58 =	vmul.bf16 v47, v48  }
0x2d1: {  	v15 =	vld [tilespmem:s11+$0x12460];
	v14 =	vmul.bf16 v14, v16;
	v16 =	vmul.bf16 v37, v40  }
0x2d2: {  	v22 =	vld [tilespmem:s11+$0x124C0];
	v5 =	vunpack.i.u.bf16.f32 v0;
	v0 =	vunpack.i.l.bf16.f32 v0;
	v24 =	vunpack.i.u.bf16.f32 v9  }
0x2d3: {  	v25 =	vld [tilespmem:s11+$0x12420];
	v2 =	vunpack.i.u.bf16.f32 v10;
	v10 =	vunpack.i.l.bf16.f32 v10;
	v33 =	vunpack.i.l.bf16.f32 v58  }
0x2d4: {  	v26 =	vld [tilespmem:s11+$0x11020];
	v5 =	vadd.f32 v0, v5;
	v0 =	vunpack.i.u.bf16.f32 v6;
	v6 =	vunpack.i.l.bf16.f32 v6  }
0x2d5: {  	v18 =	vld [tilespmem:s11+$0x11060];
	v2 =	vadd.f32 v10, v2;
	v10 =	vunpack.i.l.bf16.f32 v11;
	v0 =	vadd.f32 v6, v0  }
0x2d6: {  	v53 =	vld [tilespmem:s11+$0x12490];
	v6 =	vunpack.i.l.bf16.f32 v9;
	v9 =	vunpack.i.u.bf16.f32 v23;
	v23 =	vunpack.i.l.bf16.f32 v23  }
0x2d7: {  	v54 =	vld [tilespmem:s11+$0x124B0];
	v6 =	vadd.f32 v6, v24;
	v9 =	vadd.f32 v23, v9;
	v24 =	vunpack.i.u.bf16.f32 v17  }
0x2d8: {  	v36 =	vld [tilespmem:s11+$0x12410];
	v17 =	vunpack.i.l.bf16.f32 v17;
	v22 =	vmul.bf16 v22, v55;
	v12 =	vmul.bf16 v12, v13  }
0x2d9: {  	v23 =	vld [tilespmem:s11+$0x11090];
	v25 =	vmul.bf16 v25, v26;
	v6 =	vadd.f32 v9, v6;
	v9 =	vadd.f32 v17, v24  }
0x2da: {  	v19 =	vld [tilespmem:s11+$0x11050];
	v15 =	vmul.bf16 v15, v18;
	v55 =	vunpack.i.u.bf16.f32 v22;
	v22 =	vunpack.i.l.bf16.f32 v22  }
0x2db: {  	v42 =	vld [tilespmem:s11+$0x12360];
	v6 =	vadd.f32 v9, v6;
	v9 =	vunpack.i.u.bf16.f32 v11;
	v11 =	vmul.bf16 v27, v28  }
0x2dc: {  	v26 =	vld [tilespmem:s11+$0x123C0];
	v22 =	vadd.f32 v22, v55;
	v28 =	vmul.bf16 v31, v32;
	v31 =	vmul.bf16 v59, v60  }
0x2dd: {  	v24 =	vld [tilespmem:s11+$0x110B0];
	v59 =	vmul.bf16 v63, v57;
	v60 =	vmul.bf16 v43, v44;
	v57 =	vunpack.i.u.bf16.f32 v41  }
0x2de: {  	v17 =	vld [tilespmem:s11+$0x12450];
	v10 =	vadd.f32 v10, v9;
	v23 =	vmul.bf16 v53, v23;
	v9 =	vadd.f32 v5, v6  }
0x2df: {  	v55 =	vld [tilespmem:s11+$0x10EA0];
	v5 =	vunpack.i.u.bf16.f32 v4;
	v4 =	vunpack.i.l.bf16.f32 v4;
	v6 =	vmul.bf16 v29, v30  }
0x2e0: {  	v44 =	vld [tilespmem:s11+$0x11010];
	v39 =	vunpack.i.u.bf16.f32 v59;
	v32 =	vunpack.i.l.bf16.f32 v59;
	v43 =	vunpack.i.u.bf16.f32 v60  }
0x2e1: {  	v29 =	vld [tilespmem:s11+$0x12470];
	v35 =	vunpack.i.l.bf16.f32 v60;
	v56 =	vunpack.i.u.bf16.f32 v31;
	v31 =	vunpack.i.l.bf16.f32 v31  }
0x2e2: {  	v59 =	vunpack.i.l.bf16.f32 v41;
	v60 =	vmul.bf16 v49, v50;
	v35 =	vadd.f32 v35, v43;
	v43 =	vld [tilespmem:s11+$0x12430]  }
0x2e3: {  	v27 =	vadd.f32 v4, v5;
	v4 =	vunpack.i.u.bf16.f32 v11;
	v32 =	vadd.f32 v32, v39;
	v39 =	vld [tilespmem:s11+$0x10FA0]  }
0x2e4: {  	v5 =	vunpack.i.l.bf16.f32 v11;
	v31 =	vadd.f32 v31, v56;
	v24 =	vmul.bf16 v54, v24;
	v54 =	vld [tilespmem:s11+$0x10FF0]  }
0x2e5: {  	v34 =	vadd.f32 v59, v57;
	v56 =	vld [tilespmem:s11+$0x12400];
	v57 =	vunpack.i.u.bf16.f32 v23;
	v17 =	vmul.bf16 v17, v19  }
0x2e6: {  	v19 =	vld [tilespmem:s11+$0x12340];
	v11 =	vunpack.i.u.bf16.f32 v6;
	v6 =	vunpack.i.l.bf16.f32 v6;
	v30 =	vadd.f32 v5, v4  }
0x2e7: {  	v4 =	vmul.bf16 v20, v21;
	v20 =	vld [tilespmem:s11+$0x11070];
	v21 =	vunpack.i.l.bf16.f32 v28;
	v5 =	vadd.f32 v6, v11  }
0x2e8: {  	v11 =	vmul.bf16 v61, v62;
	v6 =	vunpack.i.u.bf16.f32 v28;
	v28 =	vld [tilespmem:s11+$0x12480];
	v62 =	vmul.bf16 v45, v46  }
0x2e9: {  	v59 =	vunpack.i.u.bf16.f32 v12;
	v41 =	vunpack.i.l.bf16.f32 v60;
	v45 =	vld [tilespmem:s11+$0x10FD0];
	v6 =	vadd.f32 v21, v6  }
0x2ea: {  	v21 =	vld [tilespmem:s11+$0x11080];
	v63 =	vunpack.i.u.bf16.f32 v62;
	v38 =	vunpack.i.l.bf16.f32 v62;
	v62 =	vunpack.i.u.bf16.f32 v24  }
0x2eb: {  	v24 =	vunpack.i.l.bf16.f32 v24;
	v38 =	vadd.f32 v38, v63;
	v63 =	vmul.bf16 v51, v52;
	v51 =	vld [tilespmem:s11+$0x12390]  }
0x2ec: {  	v61 =	vunpack.i.u.bf16.f32 v11;
	v11 =	vunpack.i.l.bf16.f32 v11;
	v24 =	vadd.f32 v24, v62;
	v62 =	vld [tilespmem:s11+$0x12350]  }
0x2ed: {  	v36 =	vmul.bf16 v36, v44;
	v11 =	vadd.f32 v11, v61;
	v61 =	vunpack.i.u.bf16.f32 v58;
	v52 =	vld [tilespmem:s11+$0x12380]  }
0x2ee: {  	v33 =	vadd.f32 v33, v61;
	v20 =	vmul.bf16 v29, v20;
	v29 =	vld [tilespmem:s11+$0x11000];
	v61 =	vunpack.i.u.bf16.f32 v16  }
0x2ef: {  	v16 =	vunpack.i.l.bf16.f32 v16;
	v11 =	vadd.f32 v32, v11;
	v32 =	vld [tilespmem:s11+$0x11030];
	v35 =	vadd.f32 v38, v35  }
0x2f0: {  	v38 =	vld [tilespmem:s11+$0x12440];
	v22 =	vadd.f32 v22, v24;
	v46 =	vunpack.i.l.bf16.f32 v63;
	v21 =	vmul.bf16 v28, v21  }
0x2f1: {  	v24 =	vld [tilespmem:s11+$0x10F60];
	v13 =	vunpack.i.u.bf16.f32 v20;
	v20 =	vunpack.i.l.bf16.f32 v20;
	v11 =	vadd.f32 v30, v11  }
0x2f2: {  	v28 =	vunpack.i.u.bf16.f32 v63;
	v63 =	vld [tilespmem:s11+$0x10F50];
	v31 =	vadd.f32 v31, v35;
	v13 =	vadd.f32 v20, v13  }
0x2f3: {  	v30 =	vld [tilespmem:s11+$0x11040];
	v58 =	vunpack.i.u.bf16.f32 v21;
	v21 =	vunpack.i.l.bf16.f32 v21;
	v10 =	vadd.f32 v10, v11  }
0x2f4: {  	v35 =	vld [tilespmem:s11+$0x123A0];
	v11 =	vadd.f32 v27, v31;
	v31 =	vunpack.i.u.bf16.f32 v60;
	v20 =	vadd.f32 v21, v58  }
0x2f5: {  	v27 =	vld [tilespmem:s11+$0x123D0];
	v21 =	vunpack.i.l.bf16.f32 v23;
	v29 =	vmul.bf16 v56, v29;
	v31 =	vadd.f32 v41, v31  }
0x2f6: {  	v23 =	vld [tilespmem:s11+$0x10F90];
	v21 =	vadd.f32 v21, v57;
	v32 =	vmul.bf16 v43, v32;
	v24 =	vmul.bf16 v42, v24  }
0x2f7: {  	v60 =	vld [tilespmem:s11+$0x123B0];
	v20 =	vadd.f32 v20, v13;
	v13 =	vunpack.i.l.bf16.f32 v12;
	v12 =	vadd.f32 v46, v28  }
0x2f8: {  	v41 =	vld [tilespmem:s11+$0x123F0];
	v28 =	vunpack.i.u.bf16.f32 v25;
	v25 =	vunpack.i.l.bf16.f32 v25;
	v22 =	vadd.f32 v31, v22  }
0x2f9: {  	v62 =	vmul.bf16 v62, v63;
	v31 =	vld [tilespmem:s11+$0x10FB0];
	v13 =	vadd.f32 v13, v59;
	v25 =	vadd.f32 v25, v28  }
0x2fa: {  	v28 =	vld [tilespmem:s11+$0x10F20];
	v43 =	vunpack.i.u.bf16.f32 v32;
	v32 =	vunpack.i.l.bf16.f32 v32;
	v30 =	vmul.bf16 v38, v30  }
0x2fb: {  	v38 =	vld [tilespmem:s11+$0x12370];
	v35 =	vmul.bf16 v35, v39;
	v21 =	vadd.f32 v21, v20;
	v37 =	vunpack.i.u.bf16.f32 v62  }
0x2fc: {  	v59 =	vld [tilespmem:s11+$0x12330];
	v20 =	vadd.f32 v34, v22;
	v18 =	vunpack.i.u.bf16.f32 v30;
	v30 =	vunpack.i.l.bf16.f32 v30  }
0x2fd: {  	v22 =	vld [tilespmem:s11+$0x10FC0];
	v27 =	vmul.bf16 v27, v45;
	v23 =	vmul.bf16 v51, v23;
	v21 =	vadd.f32 v33, v21  }
0x2fe: {  	v34 =	vld [tilespmem:s11+$0x12320];
	v33 =	vadd.f32 v16, v61;
	v16 =	vunpack.i.u.bf16.f32 v36;
	v36 =	vunpack.i.l.bf16.f32 v36  }
0x2ff: {  	v41 =	vmul.bf16 v41, v54;
	v18 =	vadd.f32 v30, v18;
	v30 =	vld [tilespmem:s11+$0x10F80];
	v36 =	vadd.f32 v36, v16  }
0x300: {  	v54 =	vld [tilespmem:s11+$0x122A0];
	v16 =	vadd.f32 v32, v43;
	v58 =	vunpack.i.u.bf16.f32 v27;
	v27 =	vunpack.i.l.bf16.f32 v27  }
0x301: {  	v61 =	vld [tilespmem:s11+$0x10F40];
	v31 =	vmul.bf16 v60, v31;
	v53 =	vunpack.i.u.bf16.f32 v41;
	v41 =	vunpack.i.l.bf16.f32 v41  }
0x302: {  	v32 =	vld [tilespmem:s11+$0x10F70];
	v27 =	vadd.f32 v27, v58;
	v41 =	vadd.f32 v41, v53;
	v22 =	vmul.bf16 v26, v22  }
0x303: {  	v60 =	vld [tilespmem:s11+$0x10F30];
	v26 =	vunpack.i.u.bf16.f32 v29;
	v29 =	vunpack.i.l.bf16.f32 v29;
	v56 =	vunpack.i.u.bf16.f32 v31  }
0x304: {  	v31 =	vunpack.i.l.bf16.f32 v31;
	v28 =	vmul.bf16 v34, v28;
	v26 =	vadd.f32 v29, v26  }
0x305: {  	v31 =	vadd.f32 v31, v56;
	v30 =	vmul.bf16 v52, v30;
	v52 =	vmul.bf16 v54, v55  }
0x306: {  	v48 =	vld [tilespmem:s11+$0x10F10];
	v19 =	vmul.bf16 v19, v61;
	v57 =	vunpack.i.u.bf16.f32 v22;
	v22 =	vunpack.i.l.bf16.f32 v22  }
0x307: {  	v49 =	vld [tilespmem:s11+$0x10EF0];
	v32 =	vmul.bf16 v38, v32;
	v22 =	vadd.f32 v22, v57;
	v26 =	vadd.f32 v26, v41  }
0x308: {  	v50 =	vld [tilespmem:s11+$0x12300];
	v41 =	vmul.bf16 v59, v60;
	v54 =	vunpack.i.u.bf16.f32 v30;
	v30 =	vunpack.i.l.bf16.f32 v30  }
0x309: {  	v63 =	vld [tilespmem:s11+$0x122F0];
	v55 =	vunpack.i.u.bf16.f32 v52;
	v58 =	vunpack.i.u.bf16.f32 v19;
	v19 =	vunpack.i.l.bf16.f32 v19  }
0x30a: {  	v43 =	vld [tilespmem:s11+$0x10ED0];
	v39 =	vunpack.i.l.bf16.f32 v52;
	v51 =	vunpack.i.u.bf16.f32 v32;
	v19 =	vadd.f32 v19, v58  }
0x30b: {  	v29 =	vld [tilespmem:s11+$0x12310];
	v32 =	vunpack.i.l.bf16.f32 v32;
	v39 =	vadd.f32 v39, v55;
	v30 =	vadd.f32 v30, v54  }
0x30c: {  	v53 =	vld [tilespmem:s11+$0x10F00];
	v22 =	vadd.f32 v22, v31;
	v31 =	vunpack.i.u.bf16.f32 v24;
	v26 =	vadd.f32 v36, v26  }
0x30d: {  	v61 =	vld [tilespmem:s11+$0x12280];
	v24 =	vunpack.i.l.bf16.f32 v24;
	v36 =	vunpack.i.l.bf16.f32 v62;
	v32 =	vadd.f32 v32, v51  }
0x30e: {  	v57 =	vld [tilespmem:s11+$0x12270];
	v56 =	vunpack.i.u.bf16.f32 v41;
	v41 =	vunpack.i.l.bf16.f32 v41;
	v24 =	vadd.f32 v24, v31  }
0x30f: {  	v59 =	vld [tilespmem:s11+$0x10E70];
	v31 =	vunpack.i.u.bf16.f32 v28;
	v28 =	vunpack.i.l.bf16.f32 v28;
	v60 =	vadd.f32 v41, v56  }
0x310: {  	v62 =	vld [tilespmem:s11+$0x10E80];
	v29 =	vmul.bf16 v29, v48;
	v22 =	vadd.f32 v27, v22;
	v25 =	vadd.f32 v25, v26  }
0x311: {  	v27 =	vld [tilespmem:s11+$0x12290];
	v28 =	vadd.f32 v28, v31;
	v31 =	vadd.f32 v36, v37  }
0x312: {  	v26 =	vld [tilespmem:s11+$0x10E90];
	v36 =	vmul.bf16 v50, v53;
	v19 =	vadd.f32 v19, v60;
	v52 =	vunpack.i.u.bf16.f32 v29  }
0x313: {  	v51 =	vld [tilespmem:s11+$0x10EB0];
	v29 =	vunpack.i.l.bf16.f32 v29;
	v22 =	vadd.f32 v33, v22;
	v33 =	vmul.bf16 v63, v49  }
0x314: {  	(xrf2) =	vadd.scan.msk.f32 $0xffff, v9;
	v37 =	vld [tilespmem:s11+$0x122D0];
	v50 =	vunpack.i.u.bf16.f32 v36;
	v36 =	vunpack.i.l.bf16.f32 v36;
	v29 =	vadd.f32 v29, v52  }
0x315: {  	(xrf2) =	vadd.scan.msk.f32 $0xffff, v10;
	v53 =	vld [tilespmem:s11+$0x10EC0];
	v36 =	vadd.f32 v36, v50;
	v19 =	vadd.f32 v31, v19;
	v31 =	vmul.bf16 v57, v59  }
0x316: {  	(xrf2) =	vadd.scan.msk.f32 $0xffff, v11;
	v49 =	vld [tilespmem:s11+$0x122B0];
	v34 =	vmul.bf16 v61, v62;
	v63 =	vunpack.i.u.bf16.f32 v33;
	v33 =	vunpack.i.l.bf16.f32 v33  }
0x317: {  	(xrf2) =	vadd.scan.msk.f32 $0xffff, v20;
	v33 =	vadd.f32 v33, v63;
	v26 =	vmul.bf16 v27, v26;
	v27 =	vld [tilespmem:s11+$0x122C0];
	v19 =	vadd.f32 v24, v19  }
0x318: {  	(xrf2) =	vadd.scan.msk.f32 $0xffff, v21;
	v24 =	vunpack.i.u.bf16.f32 v31;
	v31 =	vunpack.i.l.bf16.f32 v31;
	v56 =	vunpack.i.u.bf16.f32 v34  }
0x319: {  	(xrf2) =	vadd.scan.msk.f32 $0xffff, v25;
	v34 =	vunpack.i.l.bf16.f32 v34;
	v59 =	vmul.bf16 v37, v43;
	v24 =	vadd.f32 v31, v24  }
0x31a: {  	v55 =	vld [tilespmem:s11+$0x122E0];
	(xrf2) =	vadd.scan.msk.f32 $0xffff, v22;
	v31 =	vadd.f32 v34, v56;
	v33 =	vadd.f32 v36, v33;
	v54 =	vunpack.i.u.bf16.f32 v26  }
0x31b: {  	v57 =	vld [tilespmem:s11+$0x10EE0];
	v26 =	vunpack.i.l.bf16.f32 v26;
	v58 =	vmul.bf16 v49, v51;
	(xrf2) =	vadd.scan.msk.f32 $0xffff, v19;
	v19 =	vadd.f32 v30, v32  }
0x31c: {  	v26 =	vadd.f32 v26, v54;
	v29 =	vadd.f32 v29, v33;
	v27 =	vmul.bf16 v27, v53  }
0x31d: {  	v9 =	vadd.f32 v31, v24;
	v24 =	vunpack.i.u.bf16.f32 v58;
	v10 =	vunpack.i.l.bf16.f32 v58  }
0x31e: {  	v28 =	vadd.f32 v28, v29;
	v29 =	vunpack.i.u.bf16.f32 v27;
	v27 =	vunpack.i.l.bf16.f32 v27  }
0x31f: {  	v20 =	vunpack.i.u.bf16.f32 v59;
	v10 =	vadd.f32 v10, v24;
	v11 =	vadd.f32 v27, v29  }
0x320: {  	v24 =	vmul.bf16 v55, v57;
	v9 =	vadd.f32 v26, v9;
	v26 =	vunpack.i.l.bf16.f32 v59  }
0x321: {  	v10 =	vadd.f32 v11, v10;
	v11 =	vadd.f32 v26, v20  }
0x322: {  	v21 =	vunpack.i.u.bf16.f32 v24;
	v24 =	vunpack.i.l.bf16.f32 v24;
	v20 =	vunpack.i.u.bf16.f32 v23  }
0x323: {  	v10 =	vadd.f32 v11, v10;
	v11 =	vadd.f32 v24, v21;
	v21 =	vunpack.i.l.bf16.f32 v23  }
0x324: {  	v22 =	vunpack.i.l.bf16.f32 v35;
	v9 =	vadd.f32 v39, v9;
	v20 =	vadd.f32 v21, v20  }
0x325: {  	(xrf2) =	vadd.scan.msk.f32 $0xffff, v28;
	v21 =	vunpack.i.u.bf16.f32 v17;
	v10 =	vadd.f32 v11, v10;
	v11 =	vunpack.i.u.bf16.f32 v35  }
0x326: {  	(xrf2) =	vadd.scan.msk.f32 $0xffff, v9;
	v17 =	vunpack.i.l.bf16.f32 v17;
	v9 =	vadd.f32 v20, v19;
	v11 =	vadd.f32 v22, v11  }
0x327: {  	v16 =	vadd.f32 v18, v16;
	v18 =	vunpack.i.u.bf16.f32 v14;
	v17 =	vadd.f32 v17, v21  }
0x328: {  	v9 =	vadd.f32 v11, v9;
	v11 =	vunpack.i.u.bf16.f32 v15;
	v15 =	vunpack.i.l.bf16.f32 v15  }
0x329: {  	v14 =	vunpack.i.l.bf16.f32 v14;
	v16 =	vadd.f32 v17, v16;
	v11 =	vadd.f32 v15, v11  }
0x32a: {  	v12 =	vadd.f32 v13, v12;
	v13 =	vadd.f32 v14, v18;
	v14 =	vunpack.i.u.bf16.f32 v7;
	v19, _, _ =	vpop (xrf2);
	(xrf2) =	vadd.scan.msk.f32 $0xffff, v10  }
0x32b: {  	v10, _, _ =	vpop (xrf2);
	(xrf2) =	vadd.scan.msk.f32 $0xffff, v9;
	v11 =	vadd.f32 v11, v16;
	v16 =	vunpack.i.u.bf16.f32 v8;
	v8 =	vunpack.i.l.bf16.f32 v8  }
0x32c: {  	v7 =	vunpack.i.l.bf16.f32 v7;
	v12 =	vadd.f32 v13, v12;
	v20, _, _ =	vpop (xrf2);
	v8 =	vadd.f32 v8, v16  }
0x32d: {  	v5 =	vadd.f32 v6, v5;
	v6 =	vadd.f32 v7, v14;
	v15, _, _ =	vpop (xrf2)  }
0x32e: {  	v9, _, _ =	vpop (xrf2);
	v8 =	vadd.f32 v8, v12;
	v12 =	vunpack.i.u.bf16.f32 v4;
	v4 =	vunpack.i.l.bf16.f32 v4  }
0x32f: {  	v5 =	vadd.f32 v6, v5;
	v17, _, _ =	vpop (xrf2);
	v4 =	vadd.f32 v4, v12  }
0x330: {  	(xrf2) =	vadd.scan.msk.f32 $0xffff, v11;
	v13, _, _ =	vpop (xrf2)  }
0x331: {  	v11, _, _ =	vpop (xrf2);
	v4 =	vadd.f32 v4, v5  }
0x332: {  	v14, _, _ =	vpop (xrf2)  }
0x333: {  	v0 =	vadd.f32 v2, v0;
	v7 =	vunpack.i.u.bf16.f32 v3;
	v3 =	vunpack.i.l.bf16.f32 v3;
	(xrf2) =	vadd.scan.msk.f32 $0xffff, v8;
	v6, _, _ =	vpop (xrf2)  }
0x334: {  	v2 =	vunpack.i.u.bf16.f32 v1;
	v1 =	vunpack.i.l.bf16.f32 v1;
	v3 =	vadd.f32 v3, v7;
	v5, _, _ =	vpop (xrf2)  }
0x335: {  	v1 =	vadd.f32 v1, v2;
	v6 =	vbroadcast v6, $0xF;
	v5 =	vbroadcast v5, $0xF;
	(xrf2) =	vadd.scan.msk.f32 $0xffff, v4;
	v4, _, _ =	vpop (xrf2)  }
0x336: {  	v0 =	vadd.f32 v3, v0;
	v7 =	vbroadcast v14, $0xF;
	v4 =	vbroadcast v4, $0xF  }
0x337: {  	v3 =	vbroadcast v11, $0xF;
	v2 =	vsel vm0, v6, v5  }
0x338: {  	v0 =	vadd.f32 v1, v0;
	v2 =	vsel vm1, v2, v7  }
0x339: {  	v1 =	vsel vm2, v2, v3;
	v2 =	vbroadcast v13, $0xF;
	v3 =	vbroadcast v17, $0xF  }
0x33a: {  	v1 =	vsel vm3, v1, v4;
	v4, _, _ =	vpop (xrf2)  }
0x33b: {  	(xrf2) =	vadd.scan.msk.f32 $0xffff, v0;
	v0 =	vsel vm4, v1, v2;
	v1 =	vbroadcast v4, $0xF  }
0x33c: {  	v2 =	vbroadcast v9, $0xF;
	v0 =	vsel vm5, v0, v3  }
0x33d: {  	v3, _, _ =	vpop (xrf2);
	v0 =	vsel vm6, v0, v1;
	v1 =	vbroadcast v15, $0xF  }
0x33e: {  	v0 =	vsel vm7, v0, v2;
	v2 =	vbroadcast v3, $0xF  }
0x33f: {  	v0 =	vsel vm8, v0, v1;
	v1 =	vbroadcast v20, $0xF  }
0x340: {  	v3, _, _ =	vpop (xrf2);
	v0 =	vsel vm9, v0, v2  }
0x341: {  	v2 =	vbroadcast v10, $0xF;
	v0 =	vsel vm10, v0, v1;
	v1 =	vbroadcast v3, $0xF;
	_ =	sdelay $0x1  }
0x342: {  	v0 =	vsel vm11, v0, v2;
	v2 =	vbroadcast v19, $0xF  }
0x343: {  	v0 =	vsel vm12, v0, v1  }
0x344: {  	v0 =	vsel vm13, v0, v2;
	v1, _, _ =	vpop (xrf2)  }
0x345: {  	v0 =	vsel vm14, v0, v1  }
0x346: {  	v0 =	vsub.f32 $0.0e+00, v0;
	_ =	sdelay $0x1  }
0x347: {  	v0 =	vmul.f32 $1.442695020e+00, v0;
	_ =	sdelay $0x1  }
0x348: {  	(erf) = vpow2.f32 v0;
	_ =	sdelay $0x8  }
0x349: {  	v0 =	vpop (erf)  }
0x34a: {  	v0 =	vadd.f32 $1.000000000e+00, v0;
	_ =	sdelay $0x1  }
0x34b: {  	(erf) = vrcp.f32 v0;
	_ =	sdelay $0x8  }
0x34c: {  	v0 =	vpop (erf)  }
0x34d: {  	s9 =	simm.s32 $0x7F0;
	[tilespmem:s10+$0x0] =	vst v0  }
0x34e: {  	v1 =	vld [tilespmem:s9+$0x12660]  }
0x34f: {  	v2 =	vld [tilespmem:s9+$0x11260]  }
0x350: {  	v3 =	vld [tilespmem:s9+$0x12650]  }
0x351: {  	v4 =	vld [tilespmem:s9+$0x11250]  }
0x352: {  	v0 =	vld [tilespmem:s9+$0x12620]  }
0x353: {  	v5 =	vld [tilespmem:s9+$0x11220]  }
0x354: {  	v6 =	vld [tilespmem:s9+$0x12630]  }
0x355: {  	v9 =	vld [tilespmem:s9+$0x11230]  }
0x356: {  	v15 =	vld [tilespmem:s9+$0x12640]  }
0x357: {  	v16 =	vld [tilespmem:s9+$0x11240]  }
0x358: {  	v18 =	vld [tilespmem:s9+$0x125E0]  }
0x359: {  	v19 =	vld [tilespmem:s9+$0x111E0]  }
0x35a: {  	v14 =	vld [tilespmem:s9+$0x12610]  }
0x35b: {  	v17 =	vld [tilespmem:s9+$0x11210]  }
0x35c: {  	v20 =	vld [tilespmem:s9+$0x125A0]  }
0x35d: {  	v21 =	vld [tilespmem:s9+$0x111A0]  }
0x35e: {  	v7 =	vld [tilespmem:s9+$0x125D0]  }
0x35f: {  	v8 =	vld [tilespmem:s9+$0x111D0]  }
0x360: {  	v10 =	vld [tilespmem:s9+$0x125F0]  }
0x361: {  	v12 =	vld [tilespmem:s9+$0x111F0]  }
0x362: {  	v22 =	vld [tilespmem:s9+$0x12600]  }
0x363: {  	v23 =	vld [tilespmem:s9+$0x11200]  }
0x364: {  	v24 =	vld [tilespmem:s9+$0x12560]  }
0x365: {  	v25 =	vld [tilespmem:s9+$0x11160]  }
0x366: {  	v26 =	vld [tilespmem:s9+$0x12590]  }
0x367: {  	v27 =	vld [tilespmem:s9+$0x11190]  }
0x368: {  	v28 =	vld [tilespmem:s9+$0x125B0]  }
0x369: {  	v29 =	vld [tilespmem:s9+$0x111B0]  }
0x36a: {  	v30 =	vld [tilespmem:s9+$0x125C0]  }
0x36b: {  	v31 =	vld [tilespmem:s9+$0x111C0]  }
0x36c: {  	v32 =	vld [tilespmem:s9+$0x12520]  }
0x36d: {  	v33 =	vld [tilespmem:s9+$0x11120]  }
0x36e: {  	v34 =	vld [tilespmem:s9+$0x12550]  }
0x36f: {  	v35 =	vld [tilespmem:s9+$0x11150]  }
0x370: {  	v36 =	vld [tilespmem:s9+$0x12570]  }
0x371: {  	v37 =	vld [tilespmem:s9+$0x11170]  }
0x372: {  	v38 =	vld [tilespmem:s9+$0x12580]  }
0x373: {  	v39 =	vld [tilespmem:s9+$0x11180]  }
0x374: {  	v40 =	vld [tilespmem:s9+$0x124E0]  }
0x375: {  	v41 =	vld [tilespmem:s9+$0x110E0]  }
0x376: {  	v11 =	vld [tilespmem:s9+$0x12510]  }
0x377: {  	v13 =	vld [tilespmem:s9+$0x11110]  }
0x378: {  	v60 =	vld [tilespmem:s9+$0x12530]  }
0x379: {  	v61 =	vld [tilespmem:s9+$0x11130]  }
0x37a: {  	v62 =	vld [tilespmem:s9+$0x12540]  }
0x37b: {  	v63 =	vld [tilespmem:s9+$0x11140]  }
0x37c: {  	v46 =	vld [tilespmem:s9+$0x124A0]  }
0x37d: {  	v57 =	vld [tilespmem:s9+$0x110A0]  }
0x37e: {  	v48 =	vld [tilespmem:s9+$0x124D0];
	v0 =	vmul.bf16 v0, v5  }
0x37f: {  	v49 =	vld [tilespmem:s9+$0x110D0];
	v6 =	vmul.bf16 v6, v9;
	v58 =	vmul.bf16 v10, v12  }
0x380: {  	v50 =	vld [tilespmem:s9+$0x124F0];
	v22 =	vmul.bf16 v22, v23;
	v17 =	vmul.bf16 v14, v17  }
0x381: {  	v51 =	vld [tilespmem:s9+$0x110F0];
	v15 =	vmul.bf16 v15, v16;
	v1 =	vmul.bf16 v1, v2  }
0x382: {  	v53 =	vld [tilespmem:s9+$0x12490];
	v3 =	vmul.bf16 v3, v4;
	v4 =	vmul.bf16 v24, v25  }
0x383: {  	v52 =	vld [tilespmem:s9+$0x11090];
	v60 =	vmul.bf16 v60, v61;
	v62 =	vmul.bf16 v62, v63  }
0x384: {  	v54 =	vld [tilespmem:s9+$0x124B0];
	v40 =	vmul.bf16 v40, v41;
	v7 =	vmul.bf16 v7, v8  }
0x385: {  	v55 =	vld [tilespmem:s9+$0x110C0];
	v8 =	vmul.bf16 v32, v33;
	v57 =	vmul.bf16 v46, v57  }
0x386: {  	v9 =	vld [tilespmem:s9+$0x12500];
	v11 =	vmul.bf16 v11, v13;
	v5 =	vunpack.i.u.bf16.f32 v0;
	v0 =	vunpack.i.l.bf16.f32 v0  }
0x387: {  	v10 =	vld [tilespmem:s9+$0x11100];
	v23 =	vunpack.i.u.bf16.f32 v58;
	v59 =	vunpack.i.u.bf16.f32 v22;
	v22 =	vunpack.i.l.bf16.f32 v22  }
0x388: {  	v12 =	vld [tilespmem:s9+$0x12460];
	v2 =	vunpack.i.u.bf16.f32 v15;
	v15 =	vunpack.i.l.bf16.f32 v15;
	v42 =	vunpack.i.u.bf16.f32 v60  }
0x389: {  	v24 =	vld [tilespmem:s9+$0x12420];
	v63 =	vunpack.i.u.bf16.f32 v62;
	v56 =	vunpack.i.u.bf16.f32 v40;
	v32 =	vunpack.i.l.bf16.f32 v57  }
0x38a: {  	v25 =	vld [tilespmem:s9+$0x11020];
	v5 =	vadd.f32 v0, v5;
	v0 =	vunpack.i.u.bf16.f32 v6;
	v6 =	vunpack.i.l.bf16.f32 v6  }
0x38b: {  	v14 =	vld [tilespmem:s9+$0x11060];
	v22 =	vadd.f32 v22, v59;
	v0 =	vadd.f32 v6, v0;
	v6 =	vunpack.i.l.bf16.f32 v58  }
0x38c: {  	v43 =	vld [tilespmem:s9+$0x11010];
	v2 =	vadd.f32 v15, v2;
	v59 =	vmul.bf16 v48, v49;
	v6 =	vadd.f32 v6, v23  }
0x38d: {  	v44 =	vld [tilespmem:s9+$0x10FD0];
	v58 =	vunpack.i.l.bf16.f32 v40;
	v23 =	vunpack.i.u.bf16.f32 v17;
	v17 =	vunpack.i.l.bf16.f32 v17  }
0x38e: {  	v41 =	vld [tilespmem:s9+$0x10F90];
	v16 =	vadd.f32 v17, v23;
	v17 =	vmul.bf16 v20, v21;
	v6 =	vadd.f32 v22, v6  }
0x38f: {  	v48 =	vld [tilespmem:s9+$0x10F10];
	v33 =	vadd.f32 v58, v56;
	v9 =	vmul.bf16 v9, v10;
	v24 =	vmul.bf16 v24, v25  }
0x390: {  	v49 =	vld [tilespmem:s9+$0x10E90];
	v12 =	vmul.bf16 v12, v14;
	v15 =	vunpack.i.u.bf16.f32 v17;
	v6 =	vadd.f32 v16, v6  }
0x391: {  	v25 =	vld [tilespmem:s9+$0x123C0];
	v16 =	vunpack.i.l.bf16.f32 v17;
	v17 =	vmul.bf16 v26, v27;
	v27 =	vmul.bf16 v30, v31  }
0x392: {  	v40 =	vunpack.i.l.bf16.f32 v59;
	v21 =	vld [tilespmem:s9+$0x124C0];
	v30 =	vmul.bf16 v34, v35;
	v31 =	vmul.bf16 v38, v39  }
0x393: {  	v22 =	vld [tilespmem:s9+$0x110B0];
	v34 =	vunpack.i.l.bf16.f32 v60;
	v60 =	vunpack.i.u.bf16.f32 v57;
	v20 =	vadd.f32 v16, v15  }
0x394: {  	v39 =	vld [tilespmem:s9+$0x10FE0];
	v34 =	vadd.f32 v34, v42;
	v32 =	vadd.f32 v32, v60;
	v60 =	vunpack.i.u.bf16.f32 v9  }
0x395: {  	v35 =	vld [tilespmem:s9+$0x12410];
	v15 =	vadd.f32 v5, v6;
	v5 =	vunpack.i.u.bf16.f32 v4;
	v4 =	vunpack.i.l.bf16.f32 v4  }
0x396: {  	v57 =	vld [tilespmem:s9+$0x12400];
	v6 =	vmul.bf16 v28, v29;
	v38 =	vunpack.i.u.bf16.f32 v31;
	v31 =	vunpack.i.l.bf16.f32 v31  }
0x397: {  	v16 =	vld [tilespmem:s9+$0x12450];
	v45 =	vunpack.i.u.bf16.f32 v30;
	v30 =	vunpack.i.l.bf16.f32 v30;
	v21 =	vmul.bf16 v21, v55  }
0x398: {  	v42 =	vld [tilespmem:s9+$0x12430];
	v23 =	vadd.f32 v4, v5;
	v4 =	vunpack.i.u.bf16.f32 v17;
	v5 =	vunpack.i.l.bf16.f32 v17  }
0x399: {  	v28 =	vld [tilespmem:s9+$0x12470];
	v31 =	vadd.f32 v31, v38;
	v30 =	vadd.f32 v30, v45;
	v22 =	vmul.bf16 v54, v22  }
0x39a: {  	v55 =	vld [tilespmem:s9+$0x10FF0];
	v54 =	vmul.bf16 v50, v51;
	v26 =	vunpack.i.u.bf16.f32 v6;
	v6 =	vunpack.i.l.bf16.f32 v6  }
0x39b: {  	v17 =	vld [tilespmem:s9+$0x11050];
	v29 =	vadd.f32 v5, v4;
	v4 =	vmul.bf16 v18, v19;
	v19 =	vmul.bf16 v36, v37  }
0x39c: {  	v45 =	vld [tilespmem:s9+$0x12360];
	v37 =	vunpack.i.l.bf16.f32 v62;
	v56 =	vunpack.i.u.bf16.f32 v21;
	v21 =	vunpack.i.l.bf16.f32 v21  }
0x39d: {  	v18 =	vld [tilespmem:s9+$0x11070];
	v5 =	vadd.f32 v6, v26;
	v6 =	vunpack.i.u.bf16.f32 v27;
	v26 =	vunpack.i.l.bf16.f32 v27  }
0x39e: {  	v36 =	vld [tilespmem:s9+$0x123E0];
	v37 =	vadd.f32 v37, v63;
	v63 =	vmul.bf16 v53, v52;
	v53 =	vunpack.i.u.bf16.f32 v22  }
0x39f: {  	v27 =	vld [tilespmem:s9+$0x12480];
	v22 =	vunpack.i.l.bf16.f32 v22;
	v21 =	vadd.f32 v21, v56;
	v6 =	vadd.f32 v26, v6  }
0x3a0: {  	v26 =	vld [tilespmem:s9+$0x11080];
	v61 =	vunpack.i.u.bf16.f32 v19;
	v19 =	vunpack.i.l.bf16.f32 v19;
	v22 =	vadd.f32 v22, v53  }
0x3a1: {  	v46 =	vunpack.i.l.bf16.f32 v54;
	v19 =	vadd.f32 v19, v61;
	v34 =	vadd.f32 v37, v34;
	v37 =	vld [tilespmem:s9+$0x12440]  }
0x3a2: {  	v35 =	vmul.bf16 v35, v43;
	v61 =	vunpack.i.u.bf16.f32 v59;
	v21 =	vadd.f32 v21, v22;
	v22 =	vld [tilespmem:s9+$0x10F60]  }
0x3a3: {  	v58 =	vunpack.i.u.bf16.f32 v63;
	v62 =	vadd.f32 v40, v61;
	v61 =	vld [tilespmem:s9+$0x123B0];
	v19 =	vadd.f32 v31, v19  }
0x3a4: {  	v17 =	vmul.bf16 v16, v17;
	v31 =	vld [tilespmem:s9+$0x11030];
	v30 =	vadd.f32 v30, v34;
	v18 =	vmul.bf16 v28, v18  }
0x3a5: {  	v28 =	vld [tilespmem:s9+$0x11000];
	v13 =	vmul.bf16 v36, v39;
	v21 =	vadd.f32 v62, v21;
	v19 =	vadd.f32 v29, v19  }
0x3a6: {  	v62 =	vld [tilespmem:s9+$0x10FB0];
	v26 =	vmul.bf16 v27, v26;
	v10 =	vunpack.i.u.bf16.f32 v18;
	v18 =	vunpack.i.l.bf16.f32 v18  }
0x3a7: {  	v29 =	vld [tilespmem:s9+$0x11040];
	v23 =	vadd.f32 v23, v30;
	v27 =	vunpack.i.u.bf16.f32 v54;
	v10 =	vadd.f32 v18, v10  }
0x3a8: {  	v30 =	vld [tilespmem:s9+$0x123D0];
	v20 =	vadd.f32 v20, v19;
	v59 =	vunpack.i.u.bf16.f32 v26;
	v26 =	vunpack.i.l.bf16.f32 v26  }
0x3a9: {  	v51 =	vld [tilespmem:s9+$0x12390];
	v22 =	vmul.bf16 v45, v22;
	v18 =	vadd.f32 v26, v59;
	v26 =	vunpack.i.l.bf16.f32 v63  }
0x3aa: {  	v52 =	vld [tilespmem:s9+$0x12370];
	v31 =	vmul.bf16 v42, v31;
	v28 =	vmul.bf16 v57, v28;
	v26 =	vadd.f32 v26, v58  }
0x3ab: {  	v40 =	vld [tilespmem:s9+$0x123F0];
	v38 =	vmul.bf16 v61, v62;
	v18 =	vadd.f32 v18, v10;
	v10 =	vunpack.i.l.bf16.f32 v9  }
0x3ac: {  	v16 =	vld [tilespmem:s9+$0x12340];
	v9 =	vadd.f32 v46, v27;
	v27 =	vadd.f32 v33, v21;
	v42 =	vunpack.i.u.bf16.f32 v31  }
0x3ad: {  	v34 =	vld [tilespmem:s9+$0x123A0];
	v31 =	vunpack.i.l.bf16.f32 v31;
	v29 =	vmul.bf16 v37, v29;
	v30 =	vmul.bf16 v30, v44  }
0x3ae: {  	v21 =	vld [tilespmem:s9+$0x10FC0];
	v10 =	vadd.f32 v10, v60;
	v58 =	vunpack.i.u.bf16.f32 v38;
	v18 =	vadd.f32 v26, v18  }
0x3af: {  	v19 =	vld [tilespmem:s9+$0x10FA0];
	v26 =	vunpack.i.u.bf16.f32 v24;
	v24 =	vunpack.i.l.bf16.f32 v24;
	v14 =	vunpack.i.u.bf16.f32 v29  }
0x3b0: {  	v63 =	vld [tilespmem:s9+$0x12320];
	v29 =	vunpack.i.l.bf16.f32 v29;
	v60 =	vunpack.i.u.bf16.f32 v30;
	v30 =	vunpack.i.l.bf16.f32 v30  }
0x3b1: {  	v61 =	vld [tilespmem:s9+$0x12330];
	v36 =	vadd.f32 v32, v18;
	v18 =	vunpack.i.u.bf16.f32 v13;
	v13 =	vunpack.i.l.bf16.f32 v13  }
0x3b2: {  	v62 =	vld [tilespmem:s9+$0x10F30];
	v24 =	vadd.f32 v24, v26;
	v39 =	vadd.f32 v13, v18;
	v13 =	vunpack.i.u.bf16.f32 v35  }
0x3b3: {  	v26 =	vld [tilespmem:s9+$0x10F20];
	v18 =	vunpack.i.l.bf16.f32 v35;
	v21 =	vmul.bf16 v25, v21;
	v25 =	vunpack.i.u.bf16.f32 v28  }
0x3b4: {  	v32 =	vld [tilespmem:s9+$0x12350];
	v28 =	vunpack.i.l.bf16.f32 v28;
	v53 =	vadd.f32 v18, v13;
	v13 =	vadd.f32 v31, v42  }
0x3b5: {  	v31 =	vld [tilespmem:s9+$0x10F70];
	v18 =	vmul.bf16 v40, v55;
	v25 =	vadd.f32 v28, v25;
	v28 =	vunpack.i.l.bf16.f32 v38  }
0x3b6: {  	v42 =	vld [tilespmem:s9+$0x12310];
	v59 =	vunpack.i.u.bf16.f32 v21;
	v21 =	vunpack.i.l.bf16.f32 v21;
	v28 =	vadd.f32 v28, v58  }
0x3b7: {  	v35 =	vld [tilespmem:s9+$0x10F50];
	v55 =	vunpack.i.u.bf16.f32 v18;
	v18 =	vunpack.i.l.bf16.f32 v18;
	v21 =	vadd.f32 v21, v59  }
0x3b8: {  	v14 =	vadd.f32 v29, v14;
	v26 =	vmul.bf16 v63, v26;
	v63 =	vld [tilespmem:s9+$0x10F40];
	v18 =	vadd.f32 v18, v55  }
0x3b9: {  	(xrf2) =	vadd.scan.msk.f32 $0xffff, v15;
	v15 =	vld [tilespmem:s9+$0x10EF0];
	v21 =	vadd.f32 v21, v28;
	v28 =	vadd.f32 v30, v60  }
0x3ba: {  	v56 =	vld [tilespmem:s9+$0x122A0];
	v30 =	vunpack.i.u.bf16.f32 v22;
	v25 =	vadd.f32 v25, v18;
	v18 =	vmul.bf16 v34, v19  }
0x3bb: {  	v43 =	vld [tilespmem:s9+$0x12290];
	v22 =	vunpack.i.l.bf16.f32 v22;
	v31 =	vmul.bf16 v52, v31;
	v60 =	vmul.bf16 v42, v48  }
0x3bc: {  	v54 =	vld [tilespmem:s9+$0x12380];
	v21 =	vadd.f32 v28, v21;
	v28 =	vmul.bf16 v32, v35;
	v19 =	vadd.f32 v53, v25  }
0x3bd: {  	v29 =	vld [tilespmem:s9+$0x10F80];
	v25 =	vadd.f32 v22, v30;
	v53 =	vmul.bf16 v61, v62;
	v16 =	vmul.bf16 v16, v63  }
0x3be: {  	v57 =	vld [tilespmem:s9+$0x10EA0];
	v21 =	vadd.f32 v39, v21;
	v30 =	vunpack.i.u.bf16.f32 v28;
	v28 =	vunpack.i.l.bf16.f32 v28  }
0x3bf: {  	v52 =	vld [tilespmem:s9+$0x10F00];
	v22 =	vadd.f32 v24, v19;
	v19 =	vunpack.i.u.bf16.f32 v26;
	v24 =	vunpack.i.l.bf16.f32 v26  }
0x3c0: {  	(xrf2) =	vadd.scan.msk.f32 $0xffff, v20;
	v26 =	vld [tilespmem:s9+$0x122F0];
	v50 =	vadd.f32 v28, v30;
	v28 =	vunpack.i.u.bf16.f32 v31;
	v31 =	vunpack.i.l.bf16.f32 v31  }
0x3c1: {  	v30 =	vld [tilespmem:s9+$0x12300];
	v37 =	vunpack.i.l.bf16.f32 v53;
	v58 =	vunpack.i.u.bf16.f32 v16;
	v16 =	vunpack.i.l.bf16.f32 v16  }
0x3c2: {  	v33 =	vld [tilespmem:s9+$0x10E70];
	v24 =	vadd.f32 v24, v19;
	v19 =	vmul.bf16 v51, v41;
	v41 =	vmul.bf16 v54, v29  }
0x3c3: {  	(xrf2) =	vadd.scan.msk.f32 $0xffff, v23;
	v23 =	vld [tilespmem:s9+$0x122B0];
	v51 =	vmul.bf16 v56, v57;
	v20 =	vadd.f32 v31, v28;
	v57 =	vunpack.i.u.bf16.f32 v53  }
0x3c4: {  	(xrf2) =	vadd.scan.msk.f32 $0xffff, v27;
	v27 =	vld [tilespmem:s9+$0x122C0];
	v39 =	vunpack.i.u.bf16.f32 v60;
	v16 =	vadd.f32 v16, v58;
	v37 =	vadd.f32 v37, v57  }
0x3c5: {  	v34 =	vld [tilespmem:s9+$0x12280];
	v54 =	vunpack.i.u.bf16.f32 v41;
	v28 =	vunpack.i.u.bf16.f32 v51;
	v15 =	vmul.bf16 v26, v15  }
0x3c6: {  	v32 =	vld [tilespmem:s9+$0x12270];
	v56 =	vunpack.i.l.bf16.f32 v51;
	v16 =	vadd.f32 v16, v37;
	v30 =	vmul.bf16 v30, v52  }
0x3c7: {  	v35 =	vld [tilespmem:s9+$0x10E80];
	v55 =	vunpack.i.l.bf16.f32 v41;
	v28 =	vadd.f32 v56, v28;
	v59 =	vunpack.i.u.bf16.f32 v15  }
0x3c8: {  	v29 =	vld [tilespmem:s9+$0x122D0];
	v61 =	vunpack.i.l.bf16.f32 v15;
	v62 =	vunpack.i.u.bf16.f32 v30;
	v63 =	vunpack.i.l.bf16.f32 v30  }
0x3c9: {  	v31 =	vld [tilespmem:s9+$0x10ED0];
	v41 =	vunpack.i.l.bf16.f32 v60;
	v37 =	vadd.f32 v61, v59;
	v38 =	vadd.f32 v63, v62;
	v15, _, _ =	vpop (xrf2);
	(xrf2) =	vadd.scan.msk.f32 $0xffff, v36  }
0x3ca: {  	s5 =	smov.u32 s10;
	s11 =	simm.s32 $0x2FC0;
	v26 =	vadd.f32 v55, v54;
	v40 =	vadd.f32 v50, v16;
	v30 =	vld [tilespmem:s9+$0x10EB0];
	v36 =	vmul.bf16 v43, v49;
	v16, _, _ =	vpop (xrf2)  }
.LBB2_5:
0x3cb: {  	p1 =	sne.s32 s11, $0x4FC0;
	v32 =	vmul.bf16 v32, v33;
	v33 =	vld [tilespmem:s9+$0x10EC0];
	v37 =	vadd.f32 v38, v37;
	v38 =	vadd.f32 v41, v39  }
0x3cc: {  	v34 =	vmul.bf16 v34, v35;
	v35 =	vunpack.i.u.bf16.f32 v36;
	v25 =	vadd.f32 v25, v40;
	(xrf2) =	vadd.scan.msk.f32 $0xffff, v22  }
0x3cd: {  	v36 =	vunpack.i.l.bf16.f32 v36;
	v39 =	vunpack.i.u.bf16.f32 v32;
	v40 =	vld [tilespmem:s9+$0x122E0];
	v37 =	vadd.f32 v38, v37;
	v22, _, _ =	vpop (xrf2)  }
0x3ce: {  	v32 =	vunpack.i.l.bf16.f32 v32;
	v38 =	vunpack.i.u.bf16.f32 v34;
	v34 =	vunpack.i.l.bf16.f32 v34;
	v41 =	vld [tilespmem:s9+$0x10EE0]  }
0x3cf: {  	v32 =	vadd.f32 v32, v39;
	v23 =	vmul.bf16 v23, v30;
	v34 =	vadd.f32 v34, v38;
	(xrf2) =	vadd.scan.msk.f32 $0xffff, v21  }
0x3d0: {  	v29 =	vmul.bf16 v29, v31;
	v30 =	vadd.f32 v36, v35;
	v27 =	vmul.bf16 v27, v33;
	v21, _, _ =	vpop (xrf2)  }
0x3d1: {  	v24 =	vadd.f32 v24, v37;
	v31 =	vadd.f32 v34, v32;
	v34 =	vunpack.i.u.bf16.f32 v23  }
0x3d2: {  	v23 =	vunpack.i.l.bf16.f32 v23;
	v33 =	vunpack.i.u.bf16.f32 v27;
	v27 =	vunpack.i.l.bf16.f32 v27;
	(xrf2) =	vadd.scan.msk.f32 $0xffff, v25  }
0x3d3: {  	v23 =	vadd.f32 v23, v34;
	v25 =	vadd.f32 v27, v33;
	v27 =	vmul.bf16 v40, v41;
	v32, _, _ =	vpop (xrf2)  }
0x3d4: {  	v33 =	vadd.f32 v30, v31;
	v31 =	vunpack.i.u.bf16.f32 v29;
	v29 =	vunpack.i.l.bf16.f32 v29  }
0x3d5: {  	v23 =	vadd.f32 v25, v23;
	v25 =	vadd.f32 v29, v31;
	v29 =	vunpack.i.u.bf16.f32 v19;
	(xrf2) =	vadd.scan.msk.f32 $0xffff, v24  }
0x3d6: {  	v24 =	vadd.f32 v28, v33;
	v28 =	vunpack.i.u.bf16.f32 v27;
	v27 =	vunpack.i.l.bf16.f32 v27;
	v30, _, _ =	vpop (xrf2)  }
0x3d7: {  	v19 =	vunpack.i.l.bf16.f32 v19;
	v27 =	vadd.f32 v27, v28;
	v23 =	vadd.f32 v25, v23  }
0x3d8: {  	v20 =	vadd.f32 v26, v20;
	v26 =	vunpack.i.u.bf16.f32 v17;
	v19 =	vadd.f32 v19, v29;
	(xrf2) =	vadd.scan.msk.f32 $0xffff, v24  }
0x3d9: {  	v24 =	vunpack.i.u.bf16.f32 v18;
	v18 =	vunpack.i.l.bf16.f32 v18;
	v23 =	vadd.f32 v27, v23;
	v25, _, _ =	vpop (xrf2)  }
0x3da: {  	v17 =	vunpack.i.l.bf16.f32 v17;
	v19 =	vadd.f32 v19, v20;
	v18 =	vadd.f32 v18, v24  }
0x3db: {  	v13 =	vadd.f32 v14, v13;
	v14 =	vadd.f32 v17, v26;
	v17 =	vunpack.i.u.bf16.f32 v11;
	(xrf2) =	vadd.scan.msk.f32 $0xffff, v23  }
0x3dc: {  	v18 =	vadd.f32 v18, v19;
	v19 =	vunpack.i.u.bf16.f32 v12;
	v12 =	vunpack.i.l.bf16.f32 v12;
	v20, _, _ =	vpop (xrf2)  }
0x3dd: {  	v11 =	vunpack.i.l.bf16.f32 v11;
	v13 =	vadd.f32 v14, v13;
	v12 =	vadd.f32 v12, v19  }
0x3de: {  	v9 =	vadd.f32 v10, v9;
	v10 =	vadd.f32 v11, v17;
	v11 =	vunpack.i.u.bf16.f32 v7;
	(xrf2) =	vadd.scan.msk.f32 $0xffff, v18  }
0x3df: {  	v12 =	vadd.f32 v12, v13;
	v13 =	vunpack.i.u.bf16.f32 v8;
	v8 =	vunpack.i.l.bf16.f32 v8;
	v14, _, _ =	vpop (xrf2)  }
0x3e0: {  	v7 =	vunpack.i.l.bf16.f32 v7;
	v9 =	vadd.f32 v10, v9;
	v8 =	vadd.f32 v8, v13  }
0x3e1: {  	v5 =	vadd.f32 v6, v5;
	v6 =	vadd.f32 v7, v11;
	v7 =	vunpack.i.u.bf16.f32 v3;
	(xrf2) =	vadd.scan.msk.f32 $0xffff, v12  }
0x3e2: {  	v8 =	vadd.f32 v8, v9;
	v9 =	vunpack.i.u.bf16.f32 v4;
	v4 =	vunpack.i.l.bf16.f32 v4;
	v10, _, _ =	vpop (xrf2)  }
0x3e3: {  	v3 =	vunpack.i.l.bf16.f32 v3;
	v6 =	vadd.f32 v6, v5;
	v4 =	vadd.f32 v4, v9  }
0x3e4: {  	v3 =	vadd.f32 v3, v7;
	(xrf2) =	vadd.scan.msk.f32 $0xffff, v8  }
0x3e5: {  	v0 =	vadd.f32 v2, v0;
	v2 =	vunpack.i.u.bf16.f32 v1;
	v8 =	vadd.f32 v4, v6;
	v5, _, _ =	vpop (xrf2)  }
0x3e6: {  	v1 =	vunpack.i.l.bf16.f32 v1;
	v6 =	vbroadcast v10, $0xF;
	v5 =	vbroadcast v5, $0xF  }
0x3e7: {  	v1 =	vadd.f32 v1, v2;
	v0 =	vadd.f32 v3, v0;
	v7 =	vbroadcast v14, $0xF;
	(xrf2) =	vadd.scan.msk.f32 $0xffff, v8  }
0x3e8: {  	v3 =	vbroadcast v20, $0xF;
	v2 =	vsel vm0, v6, v5;
	v4, _, _ =	vpop (xrf2)  }
0x3e9: {  	v0 =	vadd.f32 v1, v0;
	v2 =	vsel vm1, v2, v7;
	v5 =	vbroadcast v4, $0xF  }
0x3ea: {  	v1 =	vsel vm2, v2, v3;
	v2 =	vbroadcast v25, $0xF  }
0x3eb: {  	v1 =	vsel vm3, v1, v5;
	v5 =	vbroadcast v30, $0xF;
	v4, _, _ =	vpop (xrf2);
	(xrf2) =	vadd.scan.msk.f32 $0xffff, v0  }
0x3ec: {  	v0 =	vsel vm4, v1, v2;
	v1 =	vbroadcast v4, $0xF  }
0x3ed: {  	v2 =	vbroadcast v32, $0xF;
	v0 =	vsel vm5, v0, v5  }
0x3ee: {  	v0 =	vsel vm6, v0, v1;
	v1 =	vbroadcast v21, $0xF;
	v3, _, _ =	vpop (xrf2)  }
0x3ef: {  	v0 =	vsel vm7, v0, v2;
	v2 =	vbroadcast v3, $0xF  }
0x3f0: {  	v0 =	vsel vm8, v0, v1;
	v1 =	vbroadcast v22, $0xF  }
0x3f1: {  	v0 =	vsel vm9, v0, v2;
	v2 =	vbroadcast v16, $0xF;
	v3, _, _ =	vpop (xrf2)  }
0x3f2: {  	v0 =	vsel vm10, v0, v1;
	v3 =	vbroadcast v3, $0xF  }
0x3f3: {  	v0 =	vsel vm11, v0, v2;
	v2 =	vbroadcast v15, $0xF  }
0x3f4: {  	v0 =	vsel vm12, v0, v3  }
0x3f5: {  	v0 =	vsel vm13, v0, v2;
	v1, _, _ =	vpop (xrf2)  }
0x3f6: {  	v0 =	vsel vm14, v0, v1  }
0x3f7: {  	v0 =	vsub.f32 $0.0e+00, v0;
	_ =	sdelay $0x1  }
0x3f8: {  	v0 =	vmul.f32 $1.442695020e+00, v0;
	_ =	sdelay $0x1  }
0x3f9: {  	(erf) = vpow2.f32 v0;
	_ =	sdelay $0x8  }
0x3fa: {  	v0 =	vpop (erf)  }
0x3fb: {  	v0 =	vadd.f32 $1.000000000e+00, v0;
	_ =	sdelay $0x1  }
0x3fc: {  	(erf) = vrcp.f32 v0;
	_ =	sdelay $0x8  }
0x3fd: {  	s5 =	sadd.s32 $0x10, s5;
	v0 =	vpop (erf)  }
0x3fe: {  	s9 =	sshra.s32 s11, $0x2;
	[tilespmem:s5+$0x0] =	vst v0  }
0x3ff: {  	v1 =	vld [tilespmem:s9+$0x12660]  }
0x400: {  	v2 =	vld [tilespmem:s9+$0x11260]  }
0x401: {  	v3 =	vld [tilespmem:s9+$0x12650]  }
0x402: {  	v5 =	vld [tilespmem:s9+$0x11250]  }
0x403: {  	v0 =	vld [tilespmem:s9+$0x12620]  }
0x404: {  	v10 =	vld [tilespmem:s9+$0x11220]  }
0x405: {  	v14 =	vld [tilespmem:s9+$0x12630]  }
0x406: {  	v15 =	vld [tilespmem:s9+$0x11230]  }
0x407: {  	v16 =	vld [tilespmem:s9+$0x12640]  }
0x408: {  	v18 =	vld [tilespmem:s9+$0x11240]  }
0x409: {  	v4 =	vld [tilespmem:s9+$0x125E0]  }
0x40a: {  	v6 =	vld [tilespmem:s9+$0x111E0]  }
0x40b: {  	v17 =	vld [tilespmem:s9+$0x12610]  }
0x40c: {  	v26 =	vld [tilespmem:s9+$0x11210]  }
0x40d: {  	v27 =	vld [tilespmem:s9+$0x125A0]  }
0x40e: {  	v31 =	vld [tilespmem:s9+$0x111A0]  }
0x40f: {  	v7 =	vld [tilespmem:s9+$0x125D0]  }
0x410: {  	v8 =	vld [tilespmem:s9+$0x111D0]  }
0x411: {  	v19 =	vld [tilespmem:s9+$0x125F0]  }
0x412: {  	v30 =	vld [tilespmem:s9+$0x111F0]  }
0x413: {  	v32 =	vld [tilespmem:s9+$0x12600]  }
0x414: {  	v33 =	vld [tilespmem:s9+$0x11200]  }
0x415: {  	v34 =	vld [tilespmem:s9+$0x12560]  }
0x416: {  	v35 =	vld [tilespmem:s9+$0x11160]  }
0x417: {  	v36 =	vld [tilespmem:s9+$0x12590]  }
0x418: {  	v37 =	vld [tilespmem:s9+$0x11190]  }
0x419: {  	v38 =	vld [tilespmem:s9+$0x125B0]  }
0x41a: {  	v39 =	vld [tilespmem:s9+$0x111B0]  }
0x41b: {  	v40 =	vld [tilespmem:s9+$0x125C0]  }
0x41c: {  	v41 =	vld [tilespmem:s9+$0x111C0]  }
0x41d: {  	v9 =	vld [tilespmem:s9+$0x12520]  }
0x41e: {  	v13 =	vld [tilespmem:s9+$0x11120]  }
0x41f: {  	v42 =	vld [tilespmem:s9+$0x12550]  }
0x420: {  	v43 =	vld [tilespmem:s9+$0x11150]  }
0x421: {  	v44 =	vld [tilespmem:s9+$0x12570]  }
0x422: {  	v45 =	vld [tilespmem:s9+$0x11170]  }
0x423: {  	v46 =	vld [tilespmem:s9+$0x12580]  }
0x424: {  	v47 =	vld [tilespmem:s9+$0x11180]  }
0x425: {  	v23 =	vld [tilespmem:s9+$0x124E0]  }
0x426: {  	v28 =	vld [tilespmem:s9+$0x110E0]  }
0x427: {  	v11 =	vld [tilespmem:s9+$0x12510]  }
0x428: {  	v12 =	vld [tilespmem:s9+$0x11110]  }
0x429: {  	v48 =	vld [tilespmem:s9+$0x12530]  }
0x42a: {  	v49 =	vld [tilespmem:s9+$0x11130]  }
0x42b: {  	v50 =	vld [tilespmem:s9+$0x12540]  }
0x42c: {  	v51 =	vld [tilespmem:s9+$0x11140]  }
0x42d: {  	v24 =	vld [tilespmem:s9+$0x124A0]  }
0x42e: {  	v29 =	vld [tilespmem:s9+$0x110A0]  }
0x42f: {  	v20 =	vld [tilespmem:s9+$0x124D0]  }
0x430: {  	v0 =	vmul.bf16 v0, v10;
	v25 =	vld [tilespmem:s9+$0x110D0]  }
0x431: {  	v21 =	vld [tilespmem:s9+$0x124F0]  }
0x432: {  	v52 =	vunpack.i.u.bf16.f32 v0;
	v0 =	vunpack.i.l.bf16.f32 v0;
	v14 =	vmul.bf16 v14, v15;
	v22 =	vld [tilespmem:s9+$0x110F0]  }
0x433: {  	v52 =	vadd.f32 v0, v52;
	v15 =	vmul.bf16 v19, v30;
	v10 =	vld [tilespmem:s9+$0x12500]  }
0x434: {  	v0 =	vunpack.i.u.bf16.f32 v14;
	v30 =	vmul.bf16 v32, v33;
	v32 =	vunpack.i.l.bf16.f32 v14;
	v19 =	vld [tilespmem:s9+$0x11100]  }
0x435: {  	v26 =	vmul.bf16 v17, v26;
	v33 =	vunpack.i.u.bf16.f32 v15;
	v0 =	vadd.f32 v32, v0;
	v14 =	vld [tilespmem:s9+$0x12460]  }
0x436: {  	v15 =	vunpack.i.l.bf16.f32 v15;
	v32 =	vunpack.i.u.bf16.f32 v30;
	v53 =	vunpack.i.l.bf16.f32 v30;
	v17 =	vld [tilespmem:s9+$0x11060]  }
0x437: {  	v15 =	vadd.f32 v15, v33;
	v32 =	vadd.f32 v53, v32;
	v30 =	vld [tilespmem:s9+$0x12490]  }
0x438: {  	v16 =	vmul.bf16 v16, v18;
	v53 =	vunpack.i.u.bf16.f32 v26;
	v26 =	vunpack.i.l.bf16.f32 v26;
	v33 =	vld [tilespmem:s9+$0x11090]  }
0x439: {  	v1 =	vmul.bf16 v1, v2;
	v18 =	vadd.f32 v26, v53;
	v15 =	vadd.f32 v32, v15;
	v54 =	vld [tilespmem:s9+$0x124B0]  }
0x43a: {  	v2 =	vunpack.i.u.bf16.f32 v16;
	v16 =	vunpack.i.l.bf16.f32 v16;
	v26 =	vmul.bf16 v27, v31;
	v32 =	vld [tilespmem:s9+$0x110B0]  }
0x43b: {  	v3 =	vmul.bf16 v3, v5;
	v2 =	vadd.f32 v16, v2;
	v15 =	vadd.f32 v18, v15;
	v31 =	vld [tilespmem:s9+$0x124C0]  }
0x43c: {  	v5 =	vmul.bf16 v34, v35;
	v16 =	vunpack.i.u.bf16.f32 v26;
	v18 =	vunpack.i.l.bf16.f32 v26;
	v53 =	vld [tilespmem:s9+$0x110C0]  }
0x43d: {  	v34 =	vmul.bf16 v36, v37;
	v35 =	vadd.f32 v18, v16;
	v15 =	vadd.f32 v52, v15;
	v26 =	vld [tilespmem:s9+$0x12420]  }
0x43e: {  	v36 =	vmul.bf16 v38, v39;
	v18 =	vunpack.i.u.bf16.f32 v5;
	v5 =	vunpack.i.l.bf16.f32 v5;
	v27 =	vld [tilespmem:s9+$0x11020]  }
0x43f: {  	v37 =	vadd.f32 v5, v18;
	v5 =	vunpack.i.u.bf16.f32 v34;
	v34 =	vunpack.i.l.bf16.f32 v34;
	v16 =	vld [tilespmem:s9+$0x12450]  }
0x440: {  	v38 =	vunpack.i.u.bf16.f32 v36;
	v36 =	vunpack.i.l.bf16.f32 v36;
	v39 =	vmul.bf16 v40, v41;
	v18 =	vld [tilespmem:s9+$0x11050]  }
0x441: {  	v4 =	vmul.bf16 v4, v6;
	v34 =	vadd.f32 v34, v5;
	v5 =	vadd.f32 v36, v38;
	v40 =	vld [tilespmem:s9+$0x12470]  }
0x442: {  	v6 =	vunpack.i.u.bf16.f32 v39;
	v39 =	vunpack.i.l.bf16.f32 v39;
	v38 =	vmul.bf16 v44, v45;
	v36 =	vld [tilespmem:s9+$0x11070]  }
0x443: {  	v6 =	vadd.f32 v39, v6;
	v42 =	vmul.bf16 v42, v43;
	v43 =	vmul.bf16 v46, v47;
	v41 =	vld [tilespmem:s9+$0x12480]  }
0x444: {  	v45 =	vunpack.i.u.bf16.f32 v38;
	v38 =	vunpack.i.l.bf16.f32 v38;
	v44 =	vmul.bf16 v48, v49;
	v39 =	vld [tilespmem:s9+$0x11080]  }
0x445: {  	v48 =	vunpack.i.u.bf16.f32 v43;
	v43 =	vunpack.i.l.bf16.f32 v43;
	v47 =	vmul.bf16 v50, v51;
	v46 =	vld [tilespmem:s9+$0x123E0]  }
0x446: {  	v38 =	vadd.f32 v38, v45;
	v43 =	vadd.f32 v43, v48;
	v50 =	vunpack.i.u.bf16.f32 v44;
	v49 =	vld [tilespmem:s9+$0x10FE0]  }
0x447: {  	v44 =	vunpack.i.l.bf16.f32 v44;
	v48 =	vunpack.i.u.bf16.f32 v47;
	v47 =	vunpack.i.l.bf16.f32 v47;
	v45 =	vld [tilespmem:s9+$0x12410]  }
0x448: {  	v44 =	vadd.f32 v44, v50;
	v47 =	vadd.f32 v47, v48;
	v48 =	vunpack.i.u.bf16.f32 v42;
	v51 =	vld [tilespmem:s9+$0x11010]  }
0x449: {  	v23 =	vmul.bf16 v23, v28;
	v28 =	vunpack.i.l.bf16.f32 v42;
	v38 =	vadd.f32 v43, v38;
	v50 =	vld [tilespmem:s9+$0x12430]  }
0x44a: {  	v7 =	vmul.bf16 v7, v8;
	v28 =	vadd.f32 v28, v48;
	v43 =	vadd.f32 v47, v44;
	v42 =	vld [tilespmem:s9+$0x11030]  }
0x44b: {  	v8 =	vmul.bf16 v9, v13;
	v9 =	vadd.f32 v34, v38;
	v47 =	vunpack.i.u.bf16.f32 v23;
	v44 =	vld [tilespmem:s9+$0x12440]  }
0x44c: {  	v29 =	vmul.bf16 v24, v29;
	v23 =	vunpack.i.l.bf16.f32 v23;
	v28 =	vadd.f32 v28, v43;
	v13 =	vld [tilespmem:s9+$0x11040]  }
0x44d: {  	v34 =	vmul.bf16 v20, v25;
	v20 =	vadd.f32 v35, v9;
	v38 =	vadd.f32 v23, v47;
	v24 =	vld [tilespmem:s9+$0x123A0]  }
0x44e: {  	v9 =	vunpack.i.u.bf16.f32 v29;
	v29 =	vunpack.i.l.bf16.f32 v29;
	v23 =	vadd.f32 v37, v28;
	v25 =	vld [tilespmem:s9+$0x10FA0]  }
0x44f: {  	v35 =	vunpack.i.u.bf16.f32 v34;
	v34 =	vunpack.i.l.bf16.f32 v34;
	v32 =	vmul.bf16 v54, v32;
	v28 =	vld [tilespmem:s9+$0x123D0]  }
0x450: {  	v29 =	vadd.f32 v29, v9;
	v9 =	vmul.bf16 v31, v53;
	v31 =	vadd.f32 v34, v35;
	v37 =	vld [tilespmem:s9+$0x10FD0]  }
0x451: {  	v21 =	vmul.bf16 v21, v22;
	v30 =	vmul.bf16 v30, v33;
	v33 =	vunpack.i.u.bf16.f32 v32;
	v34 =	vld [tilespmem:s9+$0x123F0]  }
0x452: {  	v32 =	vunpack.i.l.bf16.f32 v32;
	v35 =	vunpack.i.u.bf16.f32 v9;
	v9 =	vunpack.i.l.bf16.f32 v9;
	v22 =	vld [tilespmem:s9+$0x10FF0]  }
0x453: {  	v32 =	vadd.f32 v32, v33;
	v9 =	vadd.f32 v9, v35;
	v36 =	vmul.bf16 v40, v36;
	v43 =	vld [tilespmem:s9+$0x12400]  }
0x454: {  	v10 =	vmul.bf16 v10, v19;
	v35 =	vmul.bf16 v41, v39;
	v39 =	vunpack.i.u.bf16.f32 v21;
	v33 =	vld [tilespmem:s9+$0x11000]  }
0x455: {  	v47 =	vunpack.i.u.bf16.f32 v30;
	v9 =	vadd.f32 v9, v32;
	v41 =	vunpack.i.u.bf16.f32 v36;
	v40 =	vld [tilespmem:s9+$0x12360]  }
0x456: {  	v36 =	vunpack.i.l.bf16.f32 v36;
	v48 =	vunpack.i.u.bf16.f32 v35;
	v35 =	vunpack.i.l.bf16.f32 v35;
	v32 =	vld [tilespmem:s9+$0x10F60]  }
0x457: {  	v30 =	vunpack.i.l.bf16.f32 v30;
	v36 =	vadd.f32 v36, v41;
	v35 =	vadd.f32 v35, v48;
	v19 =	vld [tilespmem:s9+$0x12390]  }
0x458: {  	v30 =	vadd.f32 v30, v47;
	v47 =	vunpack.i.u.bf16.f32 v10;
	v21 =	vunpack.i.l.bf16.f32 v21;
	v41 =	vld [tilespmem:s9+$0x10F90]  }
0x459: {  	v10 =	vunpack.i.l.bf16.f32 v10;
	v31 =	vadd.f32 v31, v9;
	v35 =	vadd.f32 v35, v36;
	v48 =	vld [tilespmem:s9+$0x123B0]  }
0x45a: {  	v10 =	vadd.f32 v10, v47;
	v26 =	vmul.bf16 v26, v27;
	v9 =	vadd.f32 v21, v39;
	v36 =	vld [tilespmem:s9+$0x10FB0]  }
0x45b: {  	v11 =	vmul.bf16 v11, v12;
	v27 =	vadd.f32 v30, v35;
	v30 =	vadd.f32 v38, v31;
	v21 =	vld [tilespmem:s9+$0x123C0]  }
0x45c: {  	v12 =	vmul.bf16 v46, v49;
	v35 =	vunpack.i.u.bf16.f32 v26;
	v26 =	vunpack.i.l.bf16.f32 v26;
	v31 =	vld [tilespmem:s9+$0x10FC0]  }
0x45d: {  	v39 =	vmul.bf16 v45, v51;
	v26 =	vadd.f32 v26, v35;
	v27 =	vadd.f32 v29, v27;
	v38 =	vld [tilespmem:s9+$0x12320]  }
0x45e: {  	v42 =	vmul.bf16 v50, v42;
	v35 =	vunpack.i.u.bf16.f32 v12;
	v12 =	vunpack.i.l.bf16.f32 v12;
	v29 =	vld [tilespmem:s9+$0x10F20]  }
0x45f: {  	v35 =	vadd.f32 v12, v35;
	v12 =	vunpack.i.u.bf16.f32 v39;
	v39 =	vunpack.i.l.bf16.f32 v39;
	v45 =	vld [tilespmem:s9+$0x12350]  }
0x460: {  	v47 =	vunpack.i.u.bf16.f32 v42;
	v42 =	vunpack.i.l.bf16.f32 v42;
	v44 =	vmul.bf16 v44, v13;
	v46 =	vld [tilespmem:s9+$0x10F50]  }
0x461: {  	v13 =	vadd.f32 v42, v47;
	v39 =	vadd.f32 v39, v12;
	v12 =	vmul.bf16 v14, v17;
	v49 =	vld [tilespmem:s9+$0x12370]  }
0x462: {  	v14 =	vunpack.i.u.bf16.f32 v44;
	v17 =	vmul.bf16 v34, v22;
	v22 =	vunpack.i.l.bf16.f32 v44;
	v42 =	vld [tilespmem:s9+$0x10F70]  }
0x463: {  	v28 =	vmul.bf16 v28, v37;
	v14 =	vadd.f32 v22, v14;
	v33 =	vmul.bf16 v43, v33;
	v34 =	vld [tilespmem:s9+$0x12380]  }
0x464: {  	v22 =	vmul.bf16 v48, v36;
	v36 =	vunpack.i.u.bf16.f32 v17;
	v17 =	vunpack.i.l.bf16.f32 v17;
	v37 =	vld [tilespmem:s9+$0x10F80]  }
0x465: {  	v21 =	vmul.bf16 v21, v31;
	v31 =	vunpack.i.u.bf16.f32 v33;
	v33 =	vunpack.i.l.bf16.f32 v33;
	v43 =	vld [tilespmem:s9+$0x122A0]  }
0x466: {  	v17 =	vadd.f32 v17, v36;
	v47 =	vunpack.i.u.bf16.f32 v22;
	v31 =	vadd.f32 v33, v31;
	v44 =	vld [tilespmem:s9+$0x10EA0]  }
0x467: {  	v22 =	vunpack.i.l.bf16.f32 v22;
	v33 =	vunpack.i.u.bf16.f32 v21;
	v21 =	vunpack.i.l.bf16.f32 v21;
	v36 =	vld [tilespmem:s9+$0x12310]  }
0x468: {  	v22 =	vadd.f32 v22, v47;
	v21 =	vadd.f32 v21, v33;
	v33 =	vunpack.i.u.bf16.f32 v28;
	v48 =	vld [tilespmem:s9+$0x10F10]  }
0x469: {  	v32 =	vmul.bf16 v40, v32;
	v28 =	vunpack.i.l.bf16.f32 v28;
	v31 =	vadd.f32 v31, v17;
	v47 =	vld [tilespmem:s9+$0x12330]  }
0x46a: {  	v17 =	vmul.bf16 v16, v18;
	v21 =	vadd.f32 v21, v22;
	v22 =	vadd.f32 v28, v33;
	v40 =	vld [tilespmem:s9+$0x10F30]  }
0x46b: {  	v18 =	vmul.bf16 v24, v25;
	v28 =	vunpack.i.u.bf16.f32 v32;
	v24 =	vadd.f32 v39, v31;
	v16 =	vld [tilespmem:s9+$0x12340]  }
0x46c: {  	v29 =	vmul.bf16 v38, v29;
	v25 =	vunpack.i.l.bf16.f32 v32;
	v21 =	vadd.f32 v22, v21;
	v31 =	vld [tilespmem:s9+$0x10F40]  }
0x46d: {  	v32 =	vmul.bf16 v45, v46;
	v25 =	vadd.f32 v25, v28;
	v22 =	vadd.f32 v26, v24;
	v50 =	vld [tilespmem:s9+$0x12290]  }
0x46e: {  	v24 =	vunpack.i.u.bf16.f32 v29;
	v26 =	vunpack.i.l.bf16.f32 v29;
	v21 =	vadd.f32 v35, v21;
	v45 =	vld [tilespmem:s9+$0x10E90];
	(xrf2) =	vadd.scan.msk.f32 $0xffff, v15  }
0x46f: {  	v28 =	vunpack.i.u.bf16.f32 v32;
	v29 =	vunpack.i.l.bf16.f32 v32;
	v32 =	vmul.bf16 v49, v42;
	v15 =	vld [tilespmem:s9+$0x122F0]  }
0x470: {  	v19 =	vmul.bf16 v19, v41;
	v24 =	vadd.f32 v26, v24;
	v42 =	vadd.f32 v29, v28;
	v35 =	vld [tilespmem:s9+$0x10EF0]  }
0x471: {  	v28 =	vunpack.i.u.bf16.f32 v32;
	v29 =	vunpack.i.l.bf16.f32 v32;
	v32 =	vmul.bf16 v34, v37;
	v26 =	vld [tilespmem:s9+$0x12300];
	(xrf2) =	vadd.scan.msk.f32 $0xffff, v20  }
0x472: {  	v33 =	vmul.bf16 v43, v44;
	v34 =	vmul.bf16 v47, v40;
	v20 =	vadd.f32 v29, v28;
	v37 =	vld [tilespmem:s9+$0x10F00]  }
0x473: {  	v38 =	vunpack.i.u.bf16.f32 v32;
	v39 =	vunpack.i.l.bf16.f32 v32;
	v16 =	vmul.bf16 v16, v31;
	v29 =	vld [tilespmem:s9+$0x122D0]  }
0x474: {  	v40 =	vunpack.i.l.bf16.f32 v33;
	v28 =	vunpack.i.u.bf16.f32 v33;
	v41 =	vunpack.i.u.bf16.f32 v34;
	v31 =	vld [tilespmem:s9+$0x10ED0];
	(xrf2) =	vadd.scan.msk.f32 $0xffff, v23  }
0x475: {  	v23 =	vunpack.i.l.bf16.f32 v34;
	v34 =	vunpack.i.u.bf16.f32 v16;
	v16 =	vunpack.i.l.bf16.f32 v16;
	v32 =	vld [tilespmem:s9+$0x12270]  }
0x476: {  	v43 =	vmul.bf16 v15, v35;
	v23 =	vadd.f32 v23, v41;
	v16 =	vadd.f32 v16, v34;
	v33 =	vld [tilespmem:s9+$0x10E70]  }
.Ltmp1:
0x477: {  	v28 =	vadd.f32 v40, v28;
	v34 =	vld [tilespmem:s9+$0x12280];
	v37 =	vmul.bf16 v26, v37;
	v26 =	vadd.f32 v39, v38;
	(xrf2) =	vadd.scan.msk.f32 $0xffff, v30;
	(pc) =	sbr.rel @p1 .LBB2_5-.Ltmp1, $4  }
0x478: {  	v40 =	vmul.bf16 v36, v48;
	v38 =	vunpack.i.u.bf16.f32 v43;
	v44 =	vadd.f32 v16, v23;
	v35 =	vld [tilespmem:s9+$0x10E80];
	v15, _, _ =	vpop (xrf2)  }
0x479: {  	v36 =	vunpack.i.l.bf16.f32 v43;
	v23 =	vld [tilespmem:s9+$0x122B0];
	v39 =	vunpack.i.u.bf16.f32 v37;
	v41 =	vunpack.i.l.bf16.f32 v37  }
0x47a: {  	v37 =	vadd.f32 v36, v38;
	v30 =	vld [tilespmem:s9+$0x10EB0];
	v38 =	vadd.f32 v41, v39;
	v39 =	vunpack.i.u.bf16.f32 v40;
	(xrf2) =	vadd.scan.msk.f32 $0xffff, v27  }
0x47b: {  	s11 =	sadd.s32 $0x1000, s11;
	v36 =	vmul.bf16 v50, v45;
	v41 =	vunpack.i.l.bf16.f32 v40;
	v40 =	vadd.f32 v42, v44;
	v27 =	vld [tilespmem:s9+$0x122C0];
	v16, _, _ =	vpop (xrf2)  }
0x47c: {  	v32 =	vmul.bf16 v32, v33;
	v56 =	vld [tilespmem:s9+$0x10EC0];
	v37 =	vadd.f32 v38, v37;
	v57 =	vadd.f32 v41, v39  }
0x47d: {  	v29 =	vmul.bf16 v29, v31;
	v20 =	vadd.f32 v26, v20;
	v34 =	vmul.bf16 v34, v35  }
0x47e: {  	v58 =	vunpack.i.u.bf16.f32 v36;
	v25 =	vadd.f32 v25, v40;
	v60 =	vunpack.i.l.bf16.f32 v36  }
0x47f: {  	v61 =	vld [tilespmem:s9+$0x122E0];
	v59 =	vunpack.i.u.bf16.f32 v32;
	v37 =	vadd.f32 v57, v37;
	v32 =	vunpack.i.l.bf16.f32 v32  }
0x480: {  	v63 =	vld [tilespmem:s9+$0x10EE0];
	v42 =	vadd.f32 v60, v58;
	v46 =	vunpack.i.u.bf16.f32 v29;
	v23 =	vmul.bf16 v23, v30  }
0x481: {  	v62 =	vunpack.i.u.bf16.f32 v34;
	v34 =	vunpack.i.l.bf16.f32 v34;
	v27 =	vmul.bf16 v27, v56  }
0x482: {  	v32 =	vadd.f32 v32, v59;
	v34 =	vadd.f32 v34, v62;
	v44 =	vunpack.i.u.bf16.f32 v23  }
0x483: {  	v23 =	vunpack.i.l.bf16.f32 v23;
	v33 =	vunpack.i.u.bf16.f32 v27;
	v27 =	vunpack.i.l.bf16.f32 v27  }
0x484: {  	v29 =	vunpack.i.l.bf16.f32 v29;
	v23 =	vadd.f32 v23, v44;
	v27 =	vadd.f32 v27, v33  }
0x485: {  	v47 =	vadd.f32 v29, v46;
	v45 =	vmul.bf16 v61, v63;
	v43 =	vadd.f32 v34, v32  }
0x486: {  	v48 =	vunpack.i.u.bf16.f32 v19;
	v24 =	vadd.f32 v24, v37;
	v23 =	vadd.f32 v27, v23  }
0x487: {  	(xrf2) =	vadd.scan.msk.f32 $0xffff, v22;
	v50 =	vunpack.i.u.bf16.f32 v45;
	v51 =	vunpack.i.l.bf16.f32 v45;
	v30 =	vadd.f32 v42, v43  }
0x488: {  	v54 =	vunpack.i.l.bf16.f32 v19;
	(xrf2) =	vadd.scan.msk.f32 $0xffff, v21;
	v53 =	vadd.f32 v51, v50;
	v52 =	vadd.f32 v47, v23  }
0x489: {  	v55 =	vunpack.i.u.bf16.f32 v17;
	v19 =	vadd.f32 v54, v48;
	(xrf2) =	vadd.scan.msk.f32 $0xffff, v25;
	v49 =	vadd.f32 v28, v30  }
0x48a: {  	v57 =	vunpack.i.l.bf16.f32 v18;
	v56 =	vunpack.i.u.bf16.f32 v18;
	(xrf2) =	vadd.scan.msk.f32 $0xffff, v24;
	v21 =	vadd.f32 v53, v52  }
0x48b: {  	v58 =	vunpack.i.l.bf16.f32 v17;
	v19 =	vadd.f32 v19, v20;
	v18 =	vadd.f32 v57, v56;
	(xrf2) =	vadd.scan.msk.f32 $0xffff, v49  }
0x48c: {  	v13 =	vadd.f32 v14, v13;
	v60 =	vunpack.i.u.bf16.f32 v11;
	v59 =	vadd.f32 v58, v55;
	(xrf2) =	vadd.scan.msk.f32 $0xffff, v21  }
0x48d: {  	v62 =	vunpack.i.l.bf16.f32 v12;
	v61 =	vunpack.i.u.bf16.f32 v12;
	v18 =	vadd.f32 v18, v19  }
0x48e: {  	v63, _, _ =	vpop (xrf2);
	v13 =	vadd.f32 v59, v13;
	v12 =	vadd.f32 v62, v61;
	v23 =	vunpack.i.l.bf16.f32 v11  }
0x48f: {  	v9 =	vadd.f32 v10, v9;
	v26 =	vunpack.i.u.bf16.f32 v7;
	v24, _, _ =	vpop (xrf2);
	v25 =	vadd.f32 v23, v60;
	(xrf2) =	vadd.scan.msk.f32 $0xffff, v18  }
0x490: {  	v29 =	vunpack.i.l.bf16.f32 v8;
	v12 =	vadd.f32 v12, v13;
	v28 =	vunpack.i.u.bf16.f32 v8;
	v27, _, _ =	vpop (xrf2)  }
0x491: {  	v31 =	vunpack.i.l.bf16.f32 v7;
	v8 =	vadd.f32 v29, v28;
	v30, _, _ =	vpop (xrf2);
	v9 =	vadd.f32 v25, v9  }
0x492: {  	v5 =	vadd.f32 v6, v5;
	v33 =	vadd.f32 v31, v26;
	v32, _, _ =	vpop (xrf2);
	(xrf2) =	vadd.scan.msk.f32 $0xffff, v12  }
0x493: {  	v36 =	vunpack.i.u.bf16.f32 v4;
	v37 =	vunpack.i.l.bf16.f32 v4;
	v35, _, _ =	vpop (xrf2);
	v8 =	vadd.f32 v8, v9  }
0x494: {  	v4 =	vadd.f32 v37, v36;
	v5 =	vadd.f32 v33, v5;
	v38, _, _ =	vpop (xrf2)  }
0x495: {  	v39 =	vunpack.i.l.bf16.f32 v3;
	v0 =	vadd.f32 v2, v0;
	v34 =	vunpack.i.u.bf16.f32 v3;
	(xrf2) =	vadd.scan.msk.f32 $0xffff, v8;
	v40, _, _ =	vpop (xrf2)  }
0x496: {  	v41 =	vunpack.i.u.bf16.f32 v1;
	v3 =	vadd.f32 v39, v34;
	v4 =	vadd.f32 v4, v5;
	v42, _, _ =	vpop (xrf2)  }
0x497: {  	v43 =	vunpack.i.l.bf16.f32 v1;
	v6 =	vbroadcast v40, $0xF;
	v5 =	vbroadcast v42, $0xF  }
0x498: {  	v0 =	vadd.f32 v3, v0;
	v1 =	vadd.f32 v43, v41;
	v44 =	vbroadcast v38, $0xF;
	(xrf2) =	vadd.scan.msk.f32 $0xffff, v4  }
0x499: {  	v46 =	vbroadcast v35, $0xF;
	v47, _, _ =	vpop (xrf2);
	v45 =	vsel vm0, v6, v5  }
0x49a: {  	v0 =	vadd.f32 v1, v0;
	v4 =	vbroadcast v47, $0xF;
	v2 =	vsel vm1, v45, v44  }
0x49b: {  	v49 =	vbroadcast v32, $0xF;
	v48 =	vsel vm2, v2, v46  }
0x49c: {  	v50 =	vbroadcast v30, $0xF;
	(xrf2) =	vadd.scan.msk.f32 $0xffff, v0;
	v51, _, _ =	vpop (xrf2);
	v1 =	vsel vm3, v48, v4  }
0x49d: {  	v53 =	vbroadcast v51, $0xF;
	v52 =	vsel vm4, v1, v49  }
0x49e: {  	v54 =	vbroadcast v27, $0xF;
	v0 =	vsel vm5, v52, v50  }
0x49f: {  	v55 =	vbroadcast v24, $0xF;
	v56, _, _ =	vpop (xrf2);
	v0 =	vsel vm6, v0, v53  }
0x4a0: {  	v57 =	vbroadcast v56, $0xF;
	v0 =	vsel vm7, v0, v54  }
0x4a1: {  	v58 =	vbroadcast v63, $0xF;
	v0 =	vsel vm8, v0, v55  }
0x4a2: {  	v59 =	vbroadcast v16, $0xF;
	v60, _, _ =	vpop (xrf2);
	v0 =	vsel vm9, v0, v57  }
0x4a3: {  	v61 =	vbroadcast v60, $0xF;
	v0 =	vsel vm10, v0, v58  }
0x4a4: {  	v62 =	vbroadcast v15, $0xF;
	v0 =	vsel vm11, v0, v59  }
0x4a5: {  	v0 =	vsel vm12, v0, v61  }
0x4a6: {  	v63, _, _ =	vpop (xrf2);
	v0 =	vsel vm13, v0, v62  }
0x4a7: {  	v0 =	vsel vm14, v0, v63  }
0x4a8: {  	v0 =	vsub.f32 $0.0e+00, v0;
	_ =	sdelay $0x1  }
0x4a9: {  	v0 =	vmul.f32 $1.442695020e+00, v0;
	_ =	sdelay $0x1  }
0x4aa: {  	(erf) = vpow2.f32 v0;
	_ =	sdelay $0x8  }
0x4ab: {  	v0 =	vpop (erf)  }
0x4ac: {  	v0 =	vadd.f32 $1.000000000e+00, v0;
	_ =	sdelay $0x1  }
0x4ad: {  	(erf) = vrcp.f32 v0;
	_ =	sdelay $0x4  }
0x4ae: {  	p1 =	seq.s32 s7, $0x3D  }
.Ltmp2:
0x4af: {  	_ = 	snop;
	(pc) =	sbr.rel @p1 .LBB2_8-.Ltmp2, $3  }
0x4b0: {  	_ =	sdelay $0x1  }
0x4b1: {  	s5 =	sadd.s32 $0x10, s5;
	v0 =	vpop (erf)  }
0x4b2: {  	[tilespmem:s5+$0x0] =	vst v0  }
.Ltmp3:
0x4b3: {  	(pc) =	sbr.rel .LBB2_2-.Ltmp3, $4  }
0x4b4: {  	s5 =	sadd.s32 $0x9D30, s8;
	s11 =	sadd.s32 $0xC440, s8  }
0x4b5: {  	[tilespmem:s0], [sflag:$0x2] =	stream.indirect.gather [spmem:s2], $0x40, s5, s30, $0xb8;
	[tilespmem:$0x16170] =	vst v63  }
0x4b6: {  	s7 =	sadd.s32 $0x1, s7;
	s6 =	sadd.s32 $0xA0, s6;
	s10 =	sadd.s32 $0xA0, s10  }
0x4b7: {  	[tilespmem:s1], [sflag:$0x2] =	stream.indirect.gather [spmem:s2], $0x40, s11, s30, $0xb8;
	[tilespmem:$0x16170] =	vst v63  }
.LBB2_8:
0x4b8: {  	_ =	swait.ge [sflag:s28], $0x1400  }
0x4b9: {  	[sflag:s28] =	ssyncset.done $0x0  }
0x4ba: {  	[sflag:s28] =	ssyncadd.s32 $0xFFFFEC00  }
0x4bb: {  	_ =	swait.ge [sflag:s28], $0x1400  }
0x4bc: {  	[sflag:s28] =	ssyncset.done $0x0  }
0x4bd: {  	s5 =	simm.s32 $0x3F0;
	[sflag:s28] =	ssyncadd.s32 $0xFFFFEC00  }
0x4be: {  	v1 =	vld [tilespmem:s5+$0xFE60]  }
0x4bf: {  	v2 =	vld [tilespmem:s5+$0xEA60]  }
0x4c0: {  	v3 =	vld [tilespmem:s5+$0xFE50]  }
0x4c1: {  	v4 =	vld [tilespmem:s5+$0xEA50]  }
0x4c2: {  	v0 =	vld [tilespmem:s5+$0xFE20]  }
0x4c3: {  	v5 =	vld [tilespmem:s5+$0xEA20]  }
0x4c4: {  	v6 =	vld [tilespmem:s5+$0xFE30]  }
0x4c5: {  	v9 =	vld [tilespmem:s5+$0xEA30]  }
0x4c6: {  	v10 =	vld [tilespmem:s5+$0xFE40]  }
0x4c7: {  	v11 =	vld [tilespmem:s5+$0xEA40]  }
0x4c8: {  	v20 =	vld [tilespmem:s5+$0xFDE0]  }
0x4c9: {  	v21 =	vld [tilespmem:s5+$0xE9E0]  }
0x4ca: {  	v17 =	vld [tilespmem:s5+$0xFE10]  }
0x4cb: {  	v18 =	vld [tilespmem:s5+$0xEA10]  }
0x4cc: {  	v19 =	vld [tilespmem:s5+$0xFDA0]  }
0x4cd: {  	v22 =	vld [tilespmem:s5+$0xE9A0]  }
0x4ce: {  	v7 =	vld [tilespmem:s5+$0xFDD0]  }
0x4cf: {  	v8 =	vld [tilespmem:s5+$0xE9D0]  }
0x4d0: {  	v13 =	vld [tilespmem:s5+$0xFDF0]  }
0x4d1: {  	v15 =	vld [tilespmem:s5+$0xE9F0]  }
0x4d2: {  	v23 =	vld [tilespmem:s5+$0xFE00]  }
0x4d3: {  	v24 =	vld [tilespmem:s5+$0xEA00]  }
0x4d4: {  	v25 =	vld [tilespmem:s5+$0xFD60]  }
0x4d5: {  	v26 =	vld [tilespmem:s5+$0xE960]  }
0x4d6: {  	v27 =	vld [tilespmem:s5+$0xFD90]  }
0x4d7: {  	v28 =	vld [tilespmem:s5+$0xE990]  }
0x4d8: {  	v29 =	vld [tilespmem:s5+$0xFDB0]  }
0x4d9: {  	v30 =	vld [tilespmem:s5+$0xE9B0]  }
0x4da: {  	v31 =	vld [tilespmem:s5+$0xFDC0]  }
0x4db: {  	v32 =	vld [tilespmem:s5+$0xE9C0]  }
0x4dc: {  	v33 =	vld [tilespmem:s5+$0xFD20]  }
0x4dd: {  	v34 =	vld [tilespmem:s5+$0xE920]  }
0x4de: {  	v35 =	vld [tilespmem:s5+$0xFD50]  }
0x4df: {  	v36 =	vld [tilespmem:s5+$0xE950]  }
0x4e0: {  	v37 =	vld [tilespmem:s5+$0xFD70]  }
0x4e1: {  	v38 =	vld [tilespmem:s5+$0xE970]  }
0x4e2: {  	v39 =	vld [tilespmem:s5+$0xFD80]  }
0x4e3: {  	v40 =	vld [tilespmem:s5+$0xE980]  }
0x4e4: {  	v41 =	vld [tilespmem:s5+$0xFCE0]  }
0x4e5: {  	v42 =	vld [tilespmem:s5+$0xE8E0]  }
0x4e6: {  	v14 =	vld [tilespmem:s5+$0xFD10]  }
0x4e7: {  	v16 =	vld [tilespmem:s5+$0xE910]  }
0x4e8: {  	v43 =	vld [tilespmem:s5+$0xFD30]  }
0x4e9: {  	v44 =	vld [tilespmem:s5+$0xE930]  }
0x4ea: {  	v45 =	vld [tilespmem:s5+$0xFD40]  }
0x4eb: {  	v46 =	vld [tilespmem:s5+$0xE940]  }
0x4ec: {  	v47 =	vld [tilespmem:s5+$0xFCA0]  }
0x4ed: {  	v48 =	vld [tilespmem:s5+$0xE8A0]  }
0x4ee: {  	v49 =	vld [tilespmem:s5+$0xFCD0]  }
0x4ef: {  	v50 =	vld [tilespmem:s5+$0xE8D0]  }
0x4f0: {  	v51 =	vld [tilespmem:s5+$0xFCF0];
	v0 =	vmul.bf16 v0, v5;
	v6 =	vmul.bf16 v6, v9  }
0x4f1: {  	v52 =	vld [tilespmem:s5+$0xE8F0];
	v9 =	vmul.bf16 v13, v15;
	v23 =	vmul.bf16 v23, v24  }
0x4f2: {  	v12 =	vld [tilespmem:s5+$0xFD00];
	v17 =	vmul.bf16 v17, v18;
	v10 =	vmul.bf16 v10, v11  }
0x4f3: {  	v53 =	vld [tilespmem:s5+$0xFC90];
	v1 =	vmul.bf16 v1, v2;
	v11 =	vmul.bf16 v19, v22  }
0x4f4: {  	v54 =	vld [tilespmem:s5+$0xFCB0];
	v3 =	vmul.bf16 v3, v4;
	v4 =	vmul.bf16 v25, v26  }
0x4f5: {  	v55 =	vld [tilespmem:s5+$0xE8C0];
	v59 =	vmul.bf16 v39, v40;
	v60 =	vmul.bf16 v43, v44  }
0x4f6: {  	v13 =	vld [tilespmem:s5+$0xE900];
	v62 =	vmul.bf16 v45, v46;
	v41 =	vmul.bf16 v41, v42  }
0x4f7: {  	v15 =	vld [tilespmem:s5+$0xFC60];
	v7 =	vmul.bf16 v7, v8;
	v8 =	vmul.bf16 v33, v34  }
0x4f8: {  	v18 =	vld [tilespmem:s5+$0xE860];
	v58 =	vmul.bf16 v47, v48;
	v14 =	vmul.bf16 v14, v16;
	v5 =	vunpack.i.u.bf16.f32 v0  }
0x4f9: {  	v22 =	vld [tilespmem:s5+$0xFCC0];
	v0 =	vunpack.i.l.bf16.f32 v0;
	v24 =	vunpack.i.u.bf16.f32 v9;
	v2 =	vunpack.i.u.bf16.f32 v10  }
0x4fa: {  	v25 =	vld [tilespmem:s5+$0xFC20];
	v10 =	vunpack.i.l.bf16.f32 v10;
	v39 =	vunpack.i.u.bf16.f32 v59;
	v43 =	vunpack.i.u.bf16.f32 v60  }
0x4fb: {  	v26 =	vld [tilespmem:s5+$0xE820];
	v63 =	vunpack.i.u.bf16.f32 v62;
	v57 =	vunpack.i.u.bf16.f32 v41;
	v33 =	vunpack.i.l.bf16.f32 v58  }
0x4fc: {  	v19 =	vld [tilespmem:s5+$0xE850];
	v5 =	vadd.f32 v0, v5;
	v0 =	vunpack.i.u.bf16.f32 v6;
	v6 =	vunpack.i.l.bf16.f32 v6  }
0x4fd: {  	v40 =	vld [tilespmem:s5+$0xE7E0];
	v2 =	vadd.f32 v10, v2;
	v10 =	vunpack.i.l.bf16.f32 v11;
	v0 =	vadd.f32 v6, v0  }
0x4fe: {  	v44 =	vld [tilespmem:s5+$0xE810];
	v6 =	vunpack.i.l.bf16.f32 v9;
	v9 =	vunpack.i.u.bf16.f32 v23;
	v23 =	vunpack.i.l.bf16.f32 v23  }
0x4ff: {  	v45 =	vld [tilespmem:s5+$0xE7D0];
	v6 =	vadd.f32 v6, v24;
	v9 =	vadd.f32 v23, v9;
	v24 =	vunpack.i.u.bf16.f32 v17  }
0x500: {  	v42 =	vld [tilespmem:s5+$0xFB60];
	v17 =	vunpack.i.l.bf16.f32 v17;
	v22 =	vmul.bf16 v22, v55;
	v12 =	vmul.bf16 v12, v13  }
0x501: {  	v23 =	vld [tilespmem:s5+$0xE890];
	v25 =	vmul.bf16 v25, v26;
	v6 =	vadd.f32 v9, v6;
	v9 =	vadd.f32 v17, v24  }
0x502: {  	v26 =	vld [tilespmem:s5+$0xFBC0];
	v15 =	vmul.bf16 v15, v18;
	v55 =	vunpack.i.u.bf16.f32 v22;
	v22 =	vunpack.i.l.bf16.f32 v22  }
0x503: {  	v24 =	vld [tilespmem:s5+$0xE8B0];
	v6 =	vadd.f32 v9, v6;
	v9 =	vunpack.i.u.bf16.f32 v11;
	v11 =	vmul.bf16 v27, v28  }
0x504: {  	v17 =	vld [tilespmem:s5+$0xFC50];
	v22 =	vadd.f32 v22, v55;
	v28 =	vmul.bf16 v31, v32;
	v31 =	vmul.bf16 v35, v36  }
0x505: {  	v55 =	vld [tilespmem:s5+$0xE6A0];
	v32 =	vunpack.i.l.bf16.f32 v59;
	v35 =	vunpack.i.l.bf16.f32 v60;
	v59 =	vunpack.i.l.bf16.f32 v41  }
0x506: {  	v36 =	vld [tilespmem:s5+$0xFC10];
	v60 =	vmul.bf16 v49, v50;
	v10 =	vadd.f32 v10, v9;
	v32 =	vadd.f32 v32, v39  }
0x507: {  	v35 =	vadd.f32 v35, v43;
	v43 =	vld [tilespmem:s5+$0xFC30];
	v34 =	vadd.f32 v59, v57;
	v23 =	vmul.bf16 v53, v23  }
0x508: {  	v39 =	vld [tilespmem:s5+$0xE7A0];
	v59 =	vunpack.i.u.bf16.f32 v12;
	v9 =	vadd.f32 v5, v6;
	v5 =	vunpack.i.u.bf16.f32 v4  }
0x509: {  	v4 =	vunpack.i.l.bf16.f32 v4;
	v6 =	vmul.bf16 v29, v30;
	v29 =	vld [tilespmem:s5+$0xFC70];
	v56 =	vunpack.i.u.bf16.f32 v31  }
0x50a: {  	v31 =	vunpack.i.l.bf16.f32 v31;
	v41 =	vunpack.i.l.bf16.f32 v60;
	v24 =	vmul.bf16 v54, v24;
	v54 =	vld [tilespmem:s5+$0xE7F0]  }
0x50b: {  	v27 =	vadd.f32 v4, v5;
	v4 =	vunpack.i.u.bf16.f32 v11;
	v31 =	vadd.f32 v31, v56;
	v56 =	vld [tilespmem:s5+$0xFC00]  }
0x50c: {  	v5 =	vunpack.i.l.bf16.f32 v11;
	v17 =	vmul.bf16 v17, v19;
	v19 =	vld [tilespmem:s5+$0xFB40];
	v11 =	vunpack.i.u.bf16.f32 v6  }
0x50d: {  	v6 =	vunpack.i.l.bf16.f32 v6;
	v30 =	vadd.f32 v5, v4;
	v4 =	vmul.bf16 v20, v21;
	v20 =	vld [tilespmem:s5+$0xE870]  }
0x50e: {  	v21 =	vunpack.i.l.bf16.f32 v28;
	v5 =	vadd.f32 v6, v11;
	v6 =	vunpack.i.u.bf16.f32 v28;
	v28 =	vld [tilespmem:s5+$0xFC80]  }
0x50f: {  	v57 =	vunpack.i.u.bf16.f32 v23;
	v11 =	vmul.bf16 v37, v38;
	v37 =	vld [tilespmem:s5+$0xFBE0];
	v38 =	vunpack.i.l.bf16.f32 v62  }
0x510: {  	v62 =	vunpack.i.u.bf16.f32 v24;
	v24 =	vunpack.i.l.bf16.f32 v24;
	v6 =	vadd.f32 v21, v6;
	v21 =	vld [tilespmem:s5+$0xE880]  }
0x511: {  	v36 =	vmul.bf16 v36, v44;
	v38 =	vadd.f32 v38, v63;
	v63 =	vmul.bf16 v51, v52;
	v51 =	vld [tilespmem:s5+$0xFB90]  }
0x512: {  	v24 =	vadd.f32 v24, v62;
	v62 =	vld [tilespmem:s5+$0xFB50];
	v61 =	vunpack.i.u.bf16.f32 v11;
	v11 =	vunpack.i.l.bf16.f32 v11  }
0x513: {  	v52 =	vld [tilespmem:s5+$0xFB80];
	v11 =	vadd.f32 v11, v61;
	v35 =	vadd.f32 v38, v35;
	v61 =	vunpack.i.u.bf16.f32 v58  }
0x514: {  	v22 =	vadd.f32 v22, v24;
	v24 =	vld [tilespmem:s5+$0xE760];
	v46 =	vunpack.i.l.bf16.f32 v63;
	v33 =	vadd.f32 v33, v61  }
0x515: {  	v38 =	vld [tilespmem:s5+$0xFC40];
	v20 =	vmul.bf16 v29, v20;
	v11 =	vadd.f32 v32, v11;
	v31 =	vadd.f32 v31, v35  }
0x516: {  	v29 =	vld [tilespmem:s5+$0xE800];
	v16 =	vmul.bf16 v37, v40;
	v21 =	vmul.bf16 v28, v21;
	v28 =	vunpack.i.u.bf16.f32 v63  }
0x517: {  	v32 =	vld [tilespmem:s5+$0xE830];
	v13 =	vunpack.i.u.bf16.f32 v20;
	v20 =	vunpack.i.l.bf16.f32 v20;
	v11 =	vadd.f32 v30, v11  }
0x518: {  	v35 =	vld [tilespmem:s5+$0xFBA0];
	v13 =	vadd.f32 v20, v13;
	v61 =	vunpack.i.u.bf16.f32 v16;
	v16 =	vunpack.i.l.bf16.f32 v16  }
0x519: {  	v63 =	vld [tilespmem:s5+$0xE750];
	v58 =	vunpack.i.u.bf16.f32 v21;
	v21 =	vunpack.i.l.bf16.f32 v21;
	v24 =	vmul.bf16 v42, v24  }
0x51a: {  	v30 =	vld [tilespmem:s5+$0xE840];
	v10 =	vadd.f32 v10, v11;
	v11 =	vadd.f32 v27, v31;
	v31 =	vunpack.i.u.bf16.f32 v60  }
0x51b: {  	v27 =	vld [tilespmem:s5+$0xFBD0];
	v20 =	vadd.f32 v21, v58;
	v21 =	vunpack.i.l.bf16.f32 v23;
	v29 =	vmul.bf16 v56, v29  }
0x51c: {  	v23 =	vld [tilespmem:s5+$0xE790];
	v31 =	vadd.f32 v41, v31;
	v21 =	vadd.f32 v21, v57;
	v32 =	vmul.bf16 v43, v32  }
0x51d: {  	v60 =	vld [tilespmem:s5+$0xFBB0];
	v35 =	vmul.bf16 v35, v39;
	v20 =	vadd.f32 v20, v13;
	v13 =	vunpack.i.l.bf16.f32 v12  }
0x51e: {  	v41 =	vld [tilespmem:s5+$0xFBF0];
	v12 =	vadd.f32 v46, v28;
	v28 =	vunpack.i.u.bf16.f32 v25;
	v25 =	vunpack.i.l.bf16.f32 v25  }
0x51f: {  	v62 =	vmul.bf16 v62, v63;
	v22 =	vadd.f32 v31, v22;
	v31 =	vld [tilespmem:s5+$0xE7B0];
	v13 =	vadd.f32 v13, v59  }
0x520: {  	v25 =	vadd.f32 v25, v28;
	v28 =	vld [tilespmem:s5+$0xE720];
	v43 =	vunpack.i.u.bf16.f32 v32;
	v30 =	vmul.bf16 v38, v30  }
0x521: {  	v32 =	vunpack.i.l.bf16.f32 v32;
	v38 =	vld [tilespmem:s5+$0xFB70];
	v21 =	vadd.f32 v21, v20;
	v37 =	vunpack.i.u.bf16.f32 v62  }
0x522: {  	v59 =	vld [tilespmem:s5+$0xFB30];
	v20 =	vadd.f32 v34, v22;
	v18 =	vunpack.i.u.bf16.f32 v30;
	v30 =	vunpack.i.l.bf16.f32 v30  }
0x523: {  	v22 =	vld [tilespmem:s5+$0xE7C0];
	v27 =	vmul.bf16 v27, v45;
	v23 =	vmul.bf16 v51, v23;
	v21 =	vadd.f32 v33, v21  }
0x524: {  	v34 =	vld [tilespmem:s5+$0xFB20];
	v33 =	vadd.f32 v16, v61;
	v16 =	vunpack.i.u.bf16.f32 v36;
	v36 =	vunpack.i.l.bf16.f32 v36  }
0x525: {  	v41 =	vmul.bf16 v41, v54;
	v18 =	vadd.f32 v30, v18;
	v30 =	vld [tilespmem:s5+$0xE780];
	v36 =	vadd.f32 v36, v16  }
0x526: {  	v54 =	vld [tilespmem:s5+$0xFAA0];
	v16 =	vadd.f32 v32, v43;
	v58 =	vunpack.i.u.bf16.f32 v27;
	v27 =	vunpack.i.l.bf16.f32 v27  }
0x527: {  	v61 =	vld [tilespmem:s5+$0xE740];
	v31 =	vmul.bf16 v60, v31;
	v53 =	vunpack.i.u.bf16.f32 v41;
	v41 =	vunpack.i.l.bf16.f32 v41  }
0x528: {  	v32 =	vld [tilespmem:s5+$0xE770];
	v27 =	vadd.f32 v27, v58;
	v41 =	vadd.f32 v41, v53;
	v22 =	vmul.bf16 v26, v22  }
0x529: {  	v60 =	vld [tilespmem:s5+$0xE730];
	v26 =	vunpack.i.u.bf16.f32 v29;
	v29 =	vunpack.i.l.bf16.f32 v29;
	v56 =	vunpack.i.u.bf16.f32 v31  }
0x52a: {  	v31 =	vunpack.i.l.bf16.f32 v31;
	v28 =	vmul.bf16 v34, v28;
	v26 =	vadd.f32 v29, v26  }
0x52b: {  	v31 =	vadd.f32 v31, v56;
	v30 =	vmul.bf16 v52, v30;
	v52 =	vmul.bf16 v54, v55  }
0x52c: {  	v48 =	vld [tilespmem:s5+$0xE710];
	v19 =	vmul.bf16 v19, v61;
	v57 =	vunpack.i.u.bf16.f32 v22;
	v22 =	vunpack.i.l.bf16.f32 v22  }
0x52d: {  	v49 =	vld [tilespmem:s5+$0xE6F0];
	v32 =	vmul.bf16 v38, v32;
	v22 =	vadd.f32 v22, v57;
	v26 =	vadd.f32 v26, v41  }
0x52e: {  	v50 =	vld [tilespmem:s5+$0xFB00];
	v41 =	vmul.bf16 v59, v60;
	v54 =	vunpack.i.u.bf16.f32 v30;
	v30 =	vunpack.i.l.bf16.f32 v30  }
0x52f: {  	v63 =	vld [tilespmem:s5+$0xFAF0];
	v55 =	vunpack.i.u.bf16.f32 v52;
	v58 =	vunpack.i.u.bf16.f32 v19;
	v19 =	vunpack.i.l.bf16.f32 v19  }
0x530: {  	v43 =	vld [tilespmem:s5+$0xE6D0];
	v39 =	vunpack.i.l.bf16.f32 v52;
	v51 =	vunpack.i.u.bf16.f32 v32;
	v19 =	vadd.f32 v19, v58  }
0x531: {  	v29 =	vld [tilespmem:s5+$0xFB10];
	v32 =	vunpack.i.l.bf16.f32 v32;
	v39 =	vadd.f32 v39, v55;
	v30 =	vadd.f32 v30, v54  }
0x532: {  	v53 =	vld [tilespmem:s5+$0xE700];
	v22 =	vadd.f32 v22, v31;
	v31 =	vunpack.i.u.bf16.f32 v24;
	v26 =	vadd.f32 v36, v26  }
0x533: {  	v61 =	vld [tilespmem:s5+$0xFA80];
	v24 =	vunpack.i.l.bf16.f32 v24;
	v36 =	vunpack.i.l.bf16.f32 v62;
	v32 =	vadd.f32 v32, v51  }
0x534: {  	v57 =	vld [tilespmem:s5+$0xFA70];
	v56 =	vunpack.i.u.bf16.f32 v41;
	v41 =	vunpack.i.l.bf16.f32 v41;
	v24 =	vadd.f32 v24, v31  }
0x535: {  	v59 =	vld [tilespmem:s5+$0xE670];
	v31 =	vunpack.i.u.bf16.f32 v28;
	v28 =	vunpack.i.l.bf16.f32 v28;
	v60 =	vadd.f32 v41, v56  }
0x536: {  	v62 =	vld [tilespmem:s5+$0xE680];
	v29 =	vmul.bf16 v29, v48;
	v22 =	vadd.f32 v27, v22;
	v25 =	vadd.f32 v25, v26  }
0x537: {  	v27 =	vld [tilespmem:s5+$0xFA90];
	v28 =	vadd.f32 v28, v31;
	v31 =	vadd.f32 v36, v37  }
0x538: {  	v26 =	vld [tilespmem:s5+$0xE690];
	v36 =	vmul.bf16 v50, v53;
	v19 =	vadd.f32 v19, v60;
	v52 =	vunpack.i.u.bf16.f32 v29  }
0x539: {  	v51 =	vld [tilespmem:s5+$0xE6B0];
	v29 =	vunpack.i.l.bf16.f32 v29;
	v22 =	vadd.f32 v33, v22;
	v33 =	vmul.bf16 v63, v49  }
0x53a: {  	(xrf2) =	vadd.scan.msk.f32 $0xffff, v9;
	v37 =	vld [tilespmem:s5+$0xFAD0];
	v50 =	vunpack.i.u.bf16.f32 v36;
	v36 =	vunpack.i.l.bf16.f32 v36;
	v29 =	vadd.f32 v29, v52  }
0x53b: {  	(xrf2) =	vadd.scan.msk.f32 $0xffff, v10;
	v53 =	vld [tilespmem:s5+$0xE6C0];
	v36 =	vadd.f32 v36, v50;
	v19 =	vadd.f32 v31, v19;
	v31 =	vmul.bf16 v57, v59  }
0x53c: {  	(xrf2) =	vadd.scan.msk.f32 $0xffff, v11;
	v49 =	vld [tilespmem:s5+$0xFAB0];
	v34 =	vmul.bf16 v61, v62;
	v63 =	vunpack.i.u.bf16.f32 v33;
	v33 =	vunpack.i.l.bf16.f32 v33  }
0x53d: {  	(xrf2) =	vadd.scan.msk.f32 $0xffff, v20;
	v33 =	vadd.f32 v33, v63;
	v26 =	vmul.bf16 v27, v26;
	v27 =	vld [tilespmem:s5+$0xFAC0];
	v19 =	vadd.f32 v24, v19  }
0x53e: {  	(xrf2) =	vadd.scan.msk.f32 $0xffff, v21;
	v24 =	vunpack.i.u.bf16.f32 v31;
	v31 =	vunpack.i.l.bf16.f32 v31;
	v56 =	vunpack.i.u.bf16.f32 v34  }
0x53f: {  	(xrf2) =	vadd.scan.msk.f32 $0xffff, v25;
	v34 =	vunpack.i.l.bf16.f32 v34;
	v59 =	vmul.bf16 v37, v43;
	v24 =	vadd.f32 v31, v24  }
0x540: {  	v55 =	vld [tilespmem:s5+$0xFAE0];
	(xrf2) =	vadd.scan.msk.f32 $0xffff, v22;
	v31 =	vadd.f32 v34, v56;
	v33 =	vadd.f32 v36, v33;
	v54 =	vunpack.i.u.bf16.f32 v26  }
0x541: {  	v57 =	vld [tilespmem:s5+$0xE6E0];
	v26 =	vunpack.i.l.bf16.f32 v26;
	v58 =	vmul.bf16 v49, v51;
	(xrf2) =	vadd.scan.msk.f32 $0xffff, v19;
	v19 =	vadd.f32 v30, v32  }
0x542: {  	v26 =	vadd.f32 v26, v54;
	v29 =	vadd.f32 v29, v33;
	v27 =	vmul.bf16 v27, v53  }
0x543: {  	v9 =	vadd.f32 v31, v24;
	v24 =	vunpack.i.u.bf16.f32 v58;
	v10 =	vunpack.i.l.bf16.f32 v58  }
0x544: {  	v28 =	vadd.f32 v28, v29;
	v29 =	vunpack.i.u.bf16.f32 v27;
	v27 =	vunpack.i.l.bf16.f32 v27  }
0x545: {  	v20 =	vunpack.i.u.bf16.f32 v59;
	v10 =	vadd.f32 v10, v24;
	v11 =	vadd.f32 v27, v29  }
0x546: {  	v24 =	vmul.bf16 v55, v57;
	v9 =	vadd.f32 v26, v9;
	v26 =	vunpack.i.l.bf16.f32 v59  }
0x547: {  	v10 =	vadd.f32 v11, v10;
	v11 =	vadd.f32 v26, v20  }
0x548: {  	v21 =	vunpack.i.u.bf16.f32 v24;
	v24 =	vunpack.i.l.bf16.f32 v24;
	v20 =	vunpack.i.u.bf16.f32 v23  }
0x549: {  	v10 =	vadd.f32 v11, v10;
	v11 =	vadd.f32 v24, v21;
	v21 =	vunpack.i.l.bf16.f32 v23  }
0x54a: {  	v22 =	vunpack.i.l.bf16.f32 v35;
	v9 =	vadd.f32 v39, v9;
	v20 =	vadd.f32 v21, v20  }
0x54b: {  	(xrf2) =	vadd.scan.msk.f32 $0xffff, v28;
	v21 =	vunpack.i.u.bf16.f32 v17;
	v10 =	vadd.f32 v11, v10;
	v11 =	vunpack.i.u.bf16.f32 v35  }
0x54c: {  	(xrf2) =	vadd.scan.msk.f32 $0xffff, v9;
	v17 =	vunpack.i.l.bf16.f32 v17;
	v9 =	vadd.f32 v20, v19;
	v11 =	vadd.f32 v22, v11  }
0x54d: {  	v16 =	vadd.f32 v18, v16;
	v18 =	vunpack.i.u.bf16.f32 v14;
	v17 =	vadd.f32 v17, v21  }
0x54e: {  	v9 =	vadd.f32 v11, v9;
	v11 =	vunpack.i.u.bf16.f32 v15;
	v15 =	vunpack.i.l.bf16.f32 v15  }
0x54f: {  	v14 =	vunpack.i.l.bf16.f32 v14;
	v16 =	vadd.f32 v17, v16;
	v11 =	vadd.f32 v15, v11  }
0x550: {  	v12 =	vadd.f32 v13, v12;
	v13 =	vadd.f32 v14, v18;
	v14 =	vunpack.i.u.bf16.f32 v7;
	v19, _, _ =	vpop (xrf2);
	(xrf2) =	vadd.scan.msk.f32 $0xffff, v10  }
0x551: {  	v10, _, _ =	vpop (xrf2);
	(xrf2) =	vadd.scan.msk.f32 $0xffff, v9;
	v11 =	vadd.f32 v11, v16;
	v16 =	vunpack.i.u.bf16.f32 v8;
	v8 =	vunpack.i.l.bf16.f32 v8  }
0x552: {  	v7 =	vunpack.i.l.bf16.f32 v7;
	v12 =	vadd.f32 v13, v12;
	v20, _, _ =	vpop (xrf2);
	v8 =	vadd.f32 v8, v16  }
0x553: {  	v5 =	vadd.f32 v6, v5;
	v6 =	vadd.f32 v7, v14;
	v15, _, _ =	vpop (xrf2)  }
0x554: {  	v9, _, _ =	vpop (xrf2);
	v8 =	vadd.f32 v8, v12;
	v12 =	vunpack.i.u.bf16.f32 v4;
	v4 =	vunpack.i.l.bf16.f32 v4  }
0x555: {  	v5 =	vadd.f32 v6, v5;
	v17, _, _ =	vpop (xrf2);
	v4 =	vadd.f32 v4, v12  }
0x556: {  	(xrf2) =	vadd.scan.msk.f32 $0xffff, v11;
	v13, _, _ =	vpop (xrf2)  }
0x557: {  	v11, _, _ =	vpop (xrf2);
	v4 =	vadd.f32 v4, v5  }
0x558: {  	v14, _, _ =	vpop (xrf2)  }
0x559: {  	v0 =	vadd.f32 v2, v0;
	v7 =	vunpack.i.u.bf16.f32 v3;
	v3 =	vunpack.i.l.bf16.f32 v3;
	(xrf2) =	vadd.scan.msk.f32 $0xffff, v8;
	v6, _, _ =	vpop (xrf2)  }
0x55a: {  	v2 =	vunpack.i.u.bf16.f32 v1;
	v1 =	vunpack.i.l.bf16.f32 v1;
	v3 =	vadd.f32 v3, v7;
	v5, _, _ =	vpop (xrf2)  }
0x55b: {  	v1 =	vadd.f32 v1, v2;
	v6 =	vbroadcast v6, $0xF;
	v5 =	vbroadcast v5, $0xF;
	(xrf2) =	vadd.scan.msk.f32 $0xffff, v4;
	v4, _, _ =	vpop (xrf2)  }
0x55c: {  	v0 =	vadd.f32 v3, v0;
	v7 =	vbroadcast v14, $0xF;
	v4 =	vbroadcast v4, $0xF  }
0x55d: {  	v3 =	vbroadcast v11, $0xF;
	v2 =	vsel vm0, v6, v5  }
0x55e: {  	v0 =	vadd.f32 v1, v0;
	v2 =	vsel vm1, v2, v7  }
0x55f: {  	v1 =	vsel vm2, v2, v3;
	v2 =	vbroadcast v13, $0xF;
	v3 =	vbroadcast v17, $0xF  }
0x560: {  	v1 =	vsel vm3, v1, v4;
	v4, _, _ =	vpop (xrf2)  }
0x561: {  	(xrf2) =	vadd.scan.msk.f32 $0xffff, v0;
	v0 =	vsel vm4, v1, v2;
	v1 =	vbroadcast v4, $0xF  }
0x562: {  	v2 =	vbroadcast v9, $0xF;
	v0 =	vsel vm5, v0, v3  }
0x563: {  	v3, _, _ =	vpop (xrf2);
	v0 =	vsel vm6, v0, v1;
	v1 =	vbroadcast v15, $0xF  }
0x564: {  	v0 =	vsel vm7, v0, v2;
	v2 =	vbroadcast v3, $0xF  }
0x565: {  	v0 =	vsel vm8, v0, v1;
	v1 =	vbroadcast v20, $0xF  }
0x566: {  	v3, _, _ =	vpop (xrf2);
	v0 =	vsel vm9, v0, v2  }
0x567: {  	v2 =	vbroadcast v10, $0xF;
	v0 =	vsel vm10, v0, v1;
	v1 =	vbroadcast v3, $0xF;
	_ =	sdelay $0x1  }
0x568: {  	v0 =	vsel vm11, v0, v2;
	v2 =	vbroadcast v19, $0xF  }
0x569: {  	v0 =	vsel vm12, v0, v1  }
0x56a: {  	v0 =	vsel vm13, v0, v2;
	v1, _, _ =	vpop (xrf2)  }
0x56b: {  	v0 =	vsel vm14, v0, v1  }
0x56c: {  	v0 =	vsub.f32 $0.0e+00, v0;
	_ =	sdelay $0x1  }
0x56d: {  	v0 =	vmul.f32 $1.442695020e+00, v0;
	_ =	sdelay $0x1  }
0x56e: {  	(erf) = vpow2.f32 v0;
	_ =	sdelay $0x8  }
0x56f: {  	v0 =	vpop (erf)  }
0x570: {  	v0 =	vadd.f32 $1.000000000e+00, v0;
	_ =	sdelay $0x1  }
0x571: {  	(erf) = vrcp.f32 v0;
	_ =	sdelay $0x8  }
0x572: {  	s5 =	simm.s32 $0x16120;
	v0 =	vpop (erf)  }
0x573: {  	s6 =	simm.s32 $0x7F0;
	[tilespmem:s5+$0x0] =	vst v0  }
0x574: {  	v1 =	vld [tilespmem:s6+$0xFE60]  }
0x575: {  	v2 =	vld [tilespmem:s6+$0xEA60]  }
0x576: {  	v3 =	vld [tilespmem:s6+$0xFE50]  }
0x577: {  	v4 =	vld [tilespmem:s6+$0xEA50]  }
0x578: {  	v0 =	vld [tilespmem:s6+$0xFE20]  }
0x579: {  	v5 =	vld [tilespmem:s6+$0xEA20]  }
0x57a: {  	v6 =	vld [tilespmem:s6+$0xFE30]  }
0x57b: {  	v9 =	vld [tilespmem:s6+$0xEA30]  }
0x57c: {  	v15 =	vld [tilespmem:s6+$0xFE40]  }
0x57d: {  	v16 =	vld [tilespmem:s6+$0xEA40]  }
0x57e: {  	v18 =	vld [tilespmem:s6+$0xFDE0]  }
0x57f: {  	v19 =	vld [tilespmem:s6+$0xE9E0]  }
0x580: {  	v14 =	vld [tilespmem:s6+$0xFE10]  }
0x581: {  	v17 =	vld [tilespmem:s6+$0xEA10]  }
0x582: {  	v20 =	vld [tilespmem:s6+$0xFDA0]  }
0x583: {  	v21 =	vld [tilespmem:s6+$0xE9A0]  }
0x584: {  	v7 =	vld [tilespmem:s6+$0xFDD0]  }
0x585: {  	v8 =	vld [tilespmem:s6+$0xE9D0]  }
0x586: {  	v10 =	vld [tilespmem:s6+$0xFDF0]  }
0x587: {  	v12 =	vld [tilespmem:s6+$0xE9F0]  }
0x588: {  	v22 =	vld [tilespmem:s6+$0xFE00]  }
0x589: {  	v23 =	vld [tilespmem:s6+$0xEA00]  }
0x58a: {  	v24 =	vld [tilespmem:s6+$0xFD60]  }
0x58b: {  	v25 =	vld [tilespmem:s6+$0xE960]  }
0x58c: {  	v26 =	vld [tilespmem:s6+$0xFD90]  }
0x58d: {  	v27 =	vld [tilespmem:s6+$0xE990]  }
0x58e: {  	v28 =	vld [tilespmem:s6+$0xFDB0]  }
0x58f: {  	v29 =	vld [tilespmem:s6+$0xE9B0]  }
0x590: {  	v30 =	vld [tilespmem:s6+$0xFDC0]  }
0x591: {  	v31 =	vld [tilespmem:s6+$0xE9C0]  }
0x592: {  	v32 =	vld [tilespmem:s6+$0xFD20]  }
0x593: {  	v33 =	vld [tilespmem:s6+$0xE920]  }
0x594: {  	v34 =	vld [tilespmem:s6+$0xFD50]  }
0x595: {  	v35 =	vld [tilespmem:s6+$0xE950]  }
0x596: {  	v36 =	vld [tilespmem:s6+$0xFD70]  }
0x597: {  	v37 =	vld [tilespmem:s6+$0xE970]  }
0x598: {  	v38 =	vld [tilespmem:s6+$0xFD80]  }
0x599: {  	v39 =	vld [tilespmem:s6+$0xE980]  }
0x59a: {  	v40 =	vld [tilespmem:s6+$0xFCE0]  }
0x59b: {  	v41 =	vld [tilespmem:s6+$0xE8E0]  }
0x59c: {  	v11 =	vld [tilespmem:s6+$0xFD10]  }
0x59d: {  	v13 =	vld [tilespmem:s6+$0xE910]  }
0x59e: {  	v60 =	vld [tilespmem:s6+$0xFD30]  }
0x59f: {  	v61 =	vld [tilespmem:s6+$0xE930]  }
0x5a0: {  	v62 =	vld [tilespmem:s6+$0xFD40]  }
0x5a1: {  	v63 =	vld [tilespmem:s6+$0xE940]  }
0x5a2: {  	v46 =	vld [tilespmem:s6+$0xFCA0]  }
0x5a3: {  	v57 =	vld [tilespmem:s6+$0xE8A0]  }
0x5a4: {  	v48 =	vld [tilespmem:s6+$0xFCD0];
	v0 =	vmul.bf16 v0, v5  }
0x5a5: {  	v49 =	vld [tilespmem:s6+$0xE8D0];
	v6 =	vmul.bf16 v6, v9;
	v58 =	vmul.bf16 v10, v12  }
0x5a6: {  	v50 =	vld [tilespmem:s6+$0xFCF0];
	v22 =	vmul.bf16 v22, v23;
	v17 =	vmul.bf16 v14, v17  }
0x5a7: {  	v51 =	vld [tilespmem:s6+$0xE8F0];
	v15 =	vmul.bf16 v15, v16;
	v1 =	vmul.bf16 v1, v2  }
0x5a8: {  	v53 =	vld [tilespmem:s6+$0xFC90];
	v3 =	vmul.bf16 v3, v4;
	v4 =	vmul.bf16 v24, v25  }
0x5a9: {  	v52 =	vld [tilespmem:s6+$0xE890];
	v60 =	vmul.bf16 v60, v61;
	v62 =	vmul.bf16 v62, v63  }
0x5aa: {  	v54 =	vld [tilespmem:s6+$0xFCB0];
	v40 =	vmul.bf16 v40, v41;
	v7 =	vmul.bf16 v7, v8  }
0x5ab: {  	v55 =	vld [tilespmem:s6+$0xE8C0];
	v8 =	vmul.bf16 v32, v33;
	v57 =	vmul.bf16 v46, v57  }
0x5ac: {  	v9 =	vld [tilespmem:s6+$0xFD00];
	v11 =	vmul.bf16 v11, v13;
	v5 =	vunpack.i.u.bf16.f32 v0;
	v0 =	vunpack.i.l.bf16.f32 v0  }
0x5ad: {  	v10 =	vld [tilespmem:s6+$0xE900];
	v23 =	vunpack.i.u.bf16.f32 v58;
	v59 =	vunpack.i.u.bf16.f32 v22;
	v22 =	vunpack.i.l.bf16.f32 v22  }
0x5ae: {  	v12 =	vld [tilespmem:s6+$0xFC60];
	v2 =	vunpack.i.u.bf16.f32 v15;
	v15 =	vunpack.i.l.bf16.f32 v15;
	v42 =	vunpack.i.u.bf16.f32 v60  }
0x5af: {  	v24 =	vld [tilespmem:s6+$0xFC20];
	v63 =	vunpack.i.u.bf16.f32 v62;
	v56 =	vunpack.i.u.bf16.f32 v40;
	v32 =	vunpack.i.l.bf16.f32 v57  }
0x5b0: {  	v25 =	vld [tilespmem:s6+$0xE820];
	v5 =	vadd.f32 v0, v5;
	v0 =	vunpack.i.u.bf16.f32 v6;
	v6 =	vunpack.i.l.bf16.f32 v6  }
0x5b1: {  	v14 =	vld [tilespmem:s6+$0xE860];
	v22 =	vadd.f32 v22, v59;
	v0 =	vadd.f32 v6, v0;
	v6 =	vunpack.i.l.bf16.f32 v58  }
0x5b2: {  	v43 =	vld [tilespmem:s6+$0xE810];
	v2 =	vadd.f32 v15, v2;
	v59 =	vmul.bf16 v48, v49;
	v6 =	vadd.f32 v6, v23  }
0x5b3: {  	v44 =	vld [tilespmem:s6+$0xE7D0];
	v58 =	vunpack.i.l.bf16.f32 v40;
	v23 =	vunpack.i.u.bf16.f32 v17;
	v17 =	vunpack.i.l.bf16.f32 v17  }
0x5b4: {  	v41 =	vld [tilespmem:s6+$0xE790];
	v16 =	vadd.f32 v17, v23;
	v17 =	vmul.bf16 v20, v21;
	v6 =	vadd.f32 v22, v6  }
0x5b5: {  	v48 =	vld [tilespmem:s6+$0xE710];
	v33 =	vadd.f32 v58, v56;
	v9 =	vmul.bf16 v9, v10;
	v24 =	vmul.bf16 v24, v25  }
0x5b6: {  	v49 =	vld [tilespmem:s6+$0xE690];
	v12 =	vmul.bf16 v12, v14;
	v15 =	vunpack.i.u.bf16.f32 v17;
	v6 =	vadd.f32 v16, v6  }
0x5b7: {  	v25 =	vld [tilespmem:s6+$0xFBC0];
	v16 =	vunpack.i.l.bf16.f32 v17;
	v17 =	vmul.bf16 v26, v27;
	v27 =	vmul.bf16 v30, v31  }
0x5b8: {  	v40 =	vunpack.i.l.bf16.f32 v59;
	v21 =	vld [tilespmem:s6+$0xFCC0];
	v30 =	vmul.bf16 v34, v35;
	v31 =	vmul.bf16 v38, v39  }
0x5b9: {  	v22 =	vld [tilespmem:s6+$0xE8B0];
	v34 =	vunpack.i.l.bf16.f32 v60;
	v60 =	vunpack.i.u.bf16.f32 v57;
	v20 =	vadd.f32 v16, v15  }
0x5ba: {  	v39 =	vld [tilespmem:s6+$0xE7E0];
	v34 =	vadd.f32 v34, v42;
	v32 =	vadd.f32 v32, v60;
	v60 =	vunpack.i.u.bf16.f32 v9  }
0x5bb: {  	v35 =	vld [tilespmem:s6+$0xFC10];
	v15 =	vadd.f32 v5, v6;
	v5 =	vunpack.i.u.bf16.f32 v4;
	v4 =	vunpack.i.l.bf16.f32 v4  }
0x5bc: {  	v57 =	vld [tilespmem:s6+$0xFC00];
	v6 =	vmul.bf16 v28, v29;
	v38 =	vunpack.i.u.bf16.f32 v31;
	v31 =	vunpack.i.l.bf16.f32 v31  }
0x5bd: {  	v16 =	vld [tilespmem:s6+$0xFC50];
	v45 =	vunpack.i.u.bf16.f32 v30;
	v30 =	vunpack.i.l.bf16.f32 v30;
	v21 =	vmul.bf16 v21, v55  }
0x5be: {  	v42 =	vld [tilespmem:s6+$0xFC30];
	v23 =	vadd.f32 v4, v5;
	v4 =	vunpack.i.u.bf16.f32 v17;
	v5 =	vunpack.i.l.bf16.f32 v17  }
0x5bf: {  	v28 =	vld [tilespmem:s6+$0xFC70];
	v31 =	vadd.f32 v31, v38;
	v30 =	vadd.f32 v30, v45;
	v22 =	vmul.bf16 v54, v22  }
0x5c0: {  	v55 =	vld [tilespmem:s6+$0xE7F0];
	v54 =	vmul.bf16 v50, v51;
	v26 =	vunpack.i.u.bf16.f32 v6;
	v6 =	vunpack.i.l.bf16.f32 v6  }
0x5c1: {  	v17 =	vld [tilespmem:s6+$0xE850];
	v29 =	vadd.f32 v5, v4;
	v4 =	vmul.bf16 v18, v19;
	v19 =	vmul.bf16 v36, v37  }
0x5c2: {  	v45 =	vld [tilespmem:s6+$0xFB60];
	v37 =	vunpack.i.l.bf16.f32 v62;
	v56 =	vunpack.i.u.bf16.f32 v21;
	v21 =	vunpack.i.l.bf16.f32 v21  }
0x5c3: {  	v18 =	vld [tilespmem:s6+$0xE870];
	v5 =	vadd.f32 v6, v26;
	v6 =	vunpack.i.u.bf16.f32 v27;
	v26 =	vunpack.i.l.bf16.f32 v27  }
0x5c4: {  	v36 =	vld [tilespmem:s6+$0xFBE0];
	v37 =	vadd.f32 v37, v63;
	v63 =	vmul.bf16 v53, v52;
	v53 =	vunpack.i.u.bf16.f32 v22  }
0x5c5: {  	v27 =	vld [tilespmem:s6+$0xFC80];
	v22 =	vunpack.i.l.bf16.f32 v22;
	v21 =	vadd.f32 v21, v56;
	v6 =	vadd.f32 v26, v6  }
0x5c6: {  	v26 =	vld [tilespmem:s6+$0xE880];
	v61 =	vunpack.i.u.bf16.f32 v19;
	v19 =	vunpack.i.l.bf16.f32 v19;
	v22 =	vadd.f32 v22, v53  }
0x5c7: {  	v46 =	vunpack.i.l.bf16.f32 v54;
	v19 =	vadd.f32 v19, v61;
	v34 =	vadd.f32 v37, v34;
	v37 =	vld [tilespmem:s6+$0xFC40]  }
0x5c8: {  	v35 =	vmul.bf16 v35, v43;
	v61 =	vunpack.i.u.bf16.f32 v59;
	v21 =	vadd.f32 v21, v22;
	v22 =	vld [tilespmem:s6+$0xE760]  }
0x5c9: {  	v58 =	vunpack.i.u.bf16.f32 v63;
	v62 =	vadd.f32 v40, v61;
	v61 =	vld [tilespmem:s6+$0xFBB0];
	v19 =	vadd.f32 v31, v19  }
0x5ca: {  	v17 =	vmul.bf16 v16, v17;
	v31 =	vld [tilespmem:s6+$0xE830];
	v30 =	vadd.f32 v30, v34;
	v18 =	vmul.bf16 v28, v18  }
0x5cb: {  	v28 =	vld [tilespmem:s6+$0xE800];
	v13 =	vmul.bf16 v36, v39;
	v21 =	vadd.f32 v62, v21;
	v19 =	vadd.f32 v29, v19  }
0x5cc: {  	v62 =	vld [tilespmem:s6+$0xE7B0];
	v26 =	vmul.bf16 v27, v26;
	v10 =	vunpack.i.u.bf16.f32 v18;
	v18 =	vunpack.i.l.bf16.f32 v18  }
0x5cd: {  	v29 =	vld [tilespmem:s6+$0xE840];
	v23 =	vadd.f32 v23, v30;
	v27 =	vunpack.i.u.bf16.f32 v54;
	v10 =	vadd.f32 v18, v10  }
0x5ce: {  	v30 =	vld [tilespmem:s6+$0xFBD0];
	v20 =	vadd.f32 v20, v19;
	v59 =	vunpack.i.u.bf16.f32 v26;
	v26 =	vunpack.i.l.bf16.f32 v26  }
0x5cf: {  	v51 =	vld [tilespmem:s6+$0xFB90];
	v22 =	vmul.bf16 v45, v22;
	v18 =	vadd.f32 v26, v59;
	v26 =	vunpack.i.l.bf16.f32 v63  }
0x5d0: {  	v52 =	vld [tilespmem:s6+$0xFB70];
	v31 =	vmul.bf16 v42, v31;
	v28 =	vmul.bf16 v57, v28;
	v26 =	vadd.f32 v26, v58  }
0x5d1: {  	v40 =	vld [tilespmem:s6+$0xFBF0];
	v38 =	vmul.bf16 v61, v62;
	v18 =	vadd.f32 v18, v10;
	v10 =	vunpack.i.l.bf16.f32 v9  }
0x5d2: {  	v16 =	vld [tilespmem:s6+$0xFB40];
	v9 =	vadd.f32 v46, v27;
	v27 =	vadd.f32 v33, v21;
	v42 =	vunpack.i.u.bf16.f32 v31  }
0x5d3: {  	v34 =	vld [tilespmem:s6+$0xFBA0];
	v31 =	vunpack.i.l.bf16.f32 v31;
	v29 =	vmul.bf16 v37, v29;
	v30 =	vmul.bf16 v30, v44  }
0x5d4: {  	v21 =	vld [tilespmem:s6+$0xE7C0];
	v10 =	vadd.f32 v10, v60;
	v58 =	vunpack.i.u.bf16.f32 v38;
	v18 =	vadd.f32 v26, v18  }
0x5d5: {  	v19 =	vld [tilespmem:s6+$0xE7A0];
	v26 =	vunpack.i.u.bf16.f32 v24;
	v24 =	vunpack.i.l.bf16.f32 v24;
	v14 =	vunpack.i.u.bf16.f32 v29  }
0x5d6: {  	v63 =	vld [tilespmem:s6+$0xFB20];
	v29 =	vunpack.i.l.bf16.f32 v29;
	v60 =	vunpack.i.u.bf16.f32 v30;
	v30 =	vunpack.i.l.bf16.f32 v30  }
0x5d7: {  	v61 =	vld [tilespmem:s6+$0xFB30];
	v36 =	vadd.f32 v32, v18;
	v18 =	vunpack.i.u.bf16.f32 v13;
	v13 =	vunpack.i.l.bf16.f32 v13  }
0x5d8: {  	v62 =	vld [tilespmem:s6+$0xE730];
	v24 =	vadd.f32 v24, v26;
	v39 =	vadd.f32 v13, v18;
	v13 =	vunpack.i.u.bf16.f32 v35  }
0x5d9: {  	v26 =	vld [tilespmem:s6+$0xE720];
	v18 =	vunpack.i.l.bf16.f32 v35;
	v21 =	vmul.bf16 v25, v21;
	v25 =	vunpack.i.u.bf16.f32 v28  }
0x5da: {  	v32 =	vld [tilespmem:s6+$0xFB50];
	v28 =	vunpack.i.l.bf16.f32 v28;
	v53 =	vadd.f32 v18, v13;
	v13 =	vadd.f32 v31, v42  }
0x5db: {  	v31 =	vld [tilespmem:s6+$0xE770];
	v18 =	vmul.bf16 v40, v55;
	v25 =	vadd.f32 v28, v25;
	v28 =	vunpack.i.l.bf16.f32 v38  }
0x5dc: {  	v42 =	vld [tilespmem:s6+$0xFB10];
	v59 =	vunpack.i.u.bf16.f32 v21;
	v21 =	vunpack.i.l.bf16.f32 v21;
	v28 =	vadd.f32 v28, v58  }
0x5dd: {  	v35 =	vld [tilespmem:s6+$0xE750];
	v55 =	vunpack.i.u.bf16.f32 v18;
	v18 =	vunpack.i.l.bf16.f32 v18;
	v21 =	vadd.f32 v21, v59  }
0x5de: {  	v14 =	vadd.f32 v29, v14;
	v26 =	vmul.bf16 v63, v26;
	v63 =	vld [tilespmem:s6+$0xE740];
	v18 =	vadd.f32 v18, v55  }
0x5df: {  	(xrf2) =	vadd.scan.msk.f32 $0xffff, v15;
	v15 =	vld [tilespmem:s6+$0xE6F0];
	v21 =	vadd.f32 v21, v28;
	v28 =	vadd.f32 v30, v60  }
0x5e0: {  	v56 =	vld [tilespmem:s6+$0xFAA0];
	v30 =	vunpack.i.u.bf16.f32 v22;
	v25 =	vadd.f32 v25, v18;
	v18 =	vmul.bf16 v34, v19  }
0x5e1: {  	v43 =	vld [tilespmem:s6+$0xFA90];
	v22 =	vunpack.i.l.bf16.f32 v22;
	v31 =	vmul.bf16 v52, v31;
	v60 =	vmul.bf16 v42, v48  }
0x5e2: {  	v54 =	vld [tilespmem:s6+$0xFB80];
	v21 =	vadd.f32 v28, v21;
	v28 =	vmul.bf16 v32, v35;
	v19 =	vadd.f32 v53, v25  }
0x5e3: {  	v29 =	vld [tilespmem:s6+$0xE780];
	v25 =	vadd.f32 v22, v30;
	v53 =	vmul.bf16 v61, v62;
	v16 =	vmul.bf16 v16, v63  }
0x5e4: {  	v57 =	vld [tilespmem:s6+$0xE6A0];
	v21 =	vadd.f32 v39, v21;
	v30 =	vunpack.i.u.bf16.f32 v28;
	v28 =	vunpack.i.l.bf16.f32 v28  }
0x5e5: {  	v52 =	vld [tilespmem:s6+$0xE700];
	v22 =	vadd.f32 v24, v19;
	v19 =	vunpack.i.u.bf16.f32 v26;
	v24 =	vunpack.i.l.bf16.f32 v26  }
0x5e6: {  	(xrf2) =	vadd.scan.msk.f32 $0xffff, v20;
	v26 =	vld [tilespmem:s6+$0xFAF0];
	v50 =	vadd.f32 v28, v30;
	v28 =	vunpack.i.u.bf16.f32 v31;
	v31 =	vunpack.i.l.bf16.f32 v31  }
0x5e7: {  	v30 =	vld [tilespmem:s6+$0xFB00];
	v37 =	vunpack.i.l.bf16.f32 v53;
	v58 =	vunpack.i.u.bf16.f32 v16;
	v16 =	vunpack.i.l.bf16.f32 v16  }
0x5e8: {  	v33 =	vld [tilespmem:s6+$0xE670];
	v24 =	vadd.f32 v24, v19;
	v19 =	vmul.bf16 v51, v41;
	v41 =	vmul.bf16 v54, v29  }
0x5e9: {  	(xrf2) =	vadd.scan.msk.f32 $0xffff, v23;
	v23 =	vld [tilespmem:s6+$0xFAB0];
	v51 =	vmul.bf16 v56, v57;
	v20 =	vadd.f32 v31, v28;
	v57 =	vunpack.i.u.bf16.f32 v53  }
0x5ea: {  	(xrf2) =	vadd.scan.msk.f32 $0xffff, v27;
	v27 =	vld [tilespmem:s6+$0xFAC0];
	v39 =	vunpack.i.u.bf16.f32 v60;
	v16 =	vadd.f32 v16, v58;
	v37 =	vadd.f32 v37, v57  }
0x5eb: {  	v34 =	vld [tilespmem:s6+$0xFA80];
	v54 =	vunpack.i.u.bf16.f32 v41;
	v28 =	vunpack.i.u.bf16.f32 v51;
	v15 =	vmul.bf16 v26, v15  }
0x5ec: {  	v32 =	vld [tilespmem:s6+$0xFA70];
	v56 =	vunpack.i.l.bf16.f32 v51;
	v16 =	vadd.f32 v16, v37;
	v30 =	vmul.bf16 v30, v52  }
0x5ed: {  	v35 =	vld [tilespmem:s6+$0xE680];
	v55 =	vunpack.i.l.bf16.f32 v41;
	v28 =	vadd.f32 v56, v28;
	v59 =	vunpack.i.u.bf16.f32 v15  }
0x5ee: {  	v29 =	vld [tilespmem:s6+$0xFAD0];
	v61 =	vunpack.i.l.bf16.f32 v15;
	v62 =	vunpack.i.u.bf16.f32 v30;
	v63 =	vunpack.i.l.bf16.f32 v30  }
0x5ef: {  	v31 =	vld [tilespmem:s6+$0xE6D0];
	v41 =	vunpack.i.l.bf16.f32 v60;
	v37 =	vadd.f32 v61, v59;
	v38 =	vadd.f32 v63, v62;
	v15, _, _ =	vpop (xrf2);
	(xrf2) =	vadd.scan.msk.f32 $0xffff, v36  }
0x5f0: {  	s7 =	simm.s32 $0x2FC0;
	v26 =	vadd.f32 v55, v54;
	v40 =	vadd.f32 v50, v16;
	v30 =	vld [tilespmem:s6+$0xE6B0];
	v36 =	vmul.bf16 v43, v49;
	v16, _, _ =	vpop (xrf2)  }
.LBB2_9:
0x5f1: {  	p1 =	sne.s32 s7, $0x4FC0;
	v32 =	vmul.bf16 v32, v33;
	v33 =	vld [tilespmem:s6+$0xE6C0];
	v37 =	vadd.f32 v38, v37;
	v38 =	vadd.f32 v41, v39  }
0x5f2: {  	v34 =	vmul.bf16 v34, v35;
	v35 =	vunpack.i.u.bf16.f32 v36;
	v25 =	vadd.f32 v25, v40;
	(xrf2) =	vadd.scan.msk.f32 $0xffff, v22  }
0x5f3: {  	v36 =	vunpack.i.l.bf16.f32 v36;
	v39 =	vunpack.i.u.bf16.f32 v32;
	v40 =	vld [tilespmem:s6+$0xFAE0];
	v37 =	vadd.f32 v38, v37;
	v22, _, _ =	vpop (xrf2)  }
0x5f4: {  	v32 =	vunpack.i.l.bf16.f32 v32;
	v38 =	vunpack.i.u.bf16.f32 v34;
	v34 =	vunpack.i.l.bf16.f32 v34;
	v41 =	vld [tilespmem:s6+$0xE6E0]  }
0x5f5: {  	v32 =	vadd.f32 v32, v39;
	v23 =	vmul.bf16 v23, v30;
	v34 =	vadd.f32 v34, v38;
	(xrf2) =	vadd.scan.msk.f32 $0xffff, v21  }
0x5f6: {  	v29 =	vmul.bf16 v29, v31;
	v30 =	vadd.f32 v36, v35;
	v27 =	vmul.bf16 v27, v33;
	v21, _, _ =	vpop (xrf2)  }
0x5f7: {  	v24 =	vadd.f32 v24, v37;
	v31 =	vadd.f32 v34, v32;
	v34 =	vunpack.i.u.bf16.f32 v23  }
0x5f8: {  	v23 =	vunpack.i.l.bf16.f32 v23;
	v33 =	vunpack.i.u.bf16.f32 v27;
	v27 =	vunpack.i.l.bf16.f32 v27;
	(xrf2) =	vadd.scan.msk.f32 $0xffff, v25  }
0x5f9: {  	v23 =	vadd.f32 v23, v34;
	v25 =	vadd.f32 v27, v33;
	v27 =	vmul.bf16 v40, v41;
	v32, _, _ =	vpop (xrf2)  }
0x5fa: {  	v33 =	vadd.f32 v30, v31;
	v31 =	vunpack.i.u.bf16.f32 v29;
	v29 =	vunpack.i.l.bf16.f32 v29  }
0x5fb: {  	v23 =	vadd.f32 v25, v23;
	v25 =	vadd.f32 v29, v31;
	v29 =	vunpack.i.u.bf16.f32 v19;
	(xrf2) =	vadd.scan.msk.f32 $0xffff, v24  }
0x5fc: {  	v24 =	vadd.f32 v28, v33;
	v28 =	vunpack.i.u.bf16.f32 v27;
	v27 =	vunpack.i.l.bf16.f32 v27;
	v30, _, _ =	vpop (xrf2)  }
0x5fd: {  	v19 =	vunpack.i.l.bf16.f32 v19;
	v27 =	vadd.f32 v27, v28;
	v23 =	vadd.f32 v25, v23  }
0x5fe: {  	v20 =	vadd.f32 v26, v20;
	v26 =	vunpack.i.u.bf16.f32 v17;
	v19 =	vadd.f32 v19, v29;
	(xrf2) =	vadd.scan.msk.f32 $0xffff, v24  }
0x5ff: {  	v24 =	vunpack.i.u.bf16.f32 v18;
	v18 =	vunpack.i.l.bf16.f32 v18;
	v23 =	vadd.f32 v27, v23;
	v25, _, _ =	vpop (xrf2)  }
0x600: {  	v17 =	vunpack.i.l.bf16.f32 v17;
	v19 =	vadd.f32 v19, v20;
	v18 =	vadd.f32 v18, v24  }
0x601: {  	v13 =	vadd.f32 v14, v13;
	v14 =	vadd.f32 v17, v26;
	v17 =	vunpack.i.u.bf16.f32 v11;
	(xrf2) =	vadd.scan.msk.f32 $0xffff, v23  }
0x602: {  	v18 =	vadd.f32 v18, v19;
	v19 =	vunpack.i.u.bf16.f32 v12;
	v12 =	vunpack.i.l.bf16.f32 v12;
	v20, _, _ =	vpop (xrf2)  }
0x603: {  	v11 =	vunpack.i.l.bf16.f32 v11;
	v13 =	vadd.f32 v14, v13;
	v12 =	vadd.f32 v12, v19  }
0x604: {  	v9 =	vadd.f32 v10, v9;
	v10 =	vadd.f32 v11, v17;
	v11 =	vunpack.i.u.bf16.f32 v7;
	(xrf2) =	vadd.scan.msk.f32 $0xffff, v18  }
0x605: {  	v12 =	vadd.f32 v12, v13;
	v13 =	vunpack.i.u.bf16.f32 v8;
	v8 =	vunpack.i.l.bf16.f32 v8;
	v14, _, _ =	vpop (xrf2)  }
0x606: {  	v7 =	vunpack.i.l.bf16.f32 v7;
	v9 =	vadd.f32 v10, v9;
	v8 =	vadd.f32 v8, v13  }
0x607: {  	v5 =	vadd.f32 v6, v5;
	v6 =	vadd.f32 v7, v11;
	v7 =	vunpack.i.u.bf16.f32 v3;
	(xrf2) =	vadd.scan.msk.f32 $0xffff, v12  }
0x608: {  	v8 =	vadd.f32 v8, v9;
	v9 =	vunpack.i.u.bf16.f32 v4;
	v4 =	vunpack.i.l.bf16.f32 v4;
	v10, _, _ =	vpop (xrf2)  }
0x609: {  	v3 =	vunpack.i.l.bf16.f32 v3;
	v6 =	vadd.f32 v6, v5;
	v4 =	vadd.f32 v4, v9  }
0x60a: {  	v3 =	vadd.f32 v3, v7;
	(xrf2) =	vadd.scan.msk.f32 $0xffff, v8  }
0x60b: {  	v0 =	vadd.f32 v2, v0;
	v2 =	vunpack.i.u.bf16.f32 v1;
	v8 =	vadd.f32 v4, v6;
	v5, _, _ =	vpop (xrf2)  }
0x60c: {  	v1 =	vunpack.i.l.bf16.f32 v1;
	v6 =	vbroadcast v10, $0xF;
	v5 =	vbroadcast v5, $0xF  }
0x60d: {  	v1 =	vadd.f32 v1, v2;
	v0 =	vadd.f32 v3, v0;
	v7 =	vbroadcast v14, $0xF;
	(xrf2) =	vadd.scan.msk.f32 $0xffff, v8  }
0x60e: {  	v3 =	vbroadcast v20, $0xF;
	v2 =	vsel vm0, v6, v5;
	v4, _, _ =	vpop (xrf2)  }
0x60f: {  	v0 =	vadd.f32 v1, v0;
	v2 =	vsel vm1, v2, v7;
	v5 =	vbroadcast v4, $0xF  }
0x610: {  	v1 =	vsel vm2, v2, v3;
	v2 =	vbroadcast v25, $0xF  }
0x611: {  	v1 =	vsel vm3, v1, v5;
	v5 =	vbroadcast v30, $0xF;
	v4, _, _ =	vpop (xrf2);
	(xrf2) =	vadd.scan.msk.f32 $0xffff, v0  }
0x612: {  	v0 =	vsel vm4, v1, v2;
	v1 =	vbroadcast v4, $0xF  }
0x613: {  	v2 =	vbroadcast v32, $0xF;
	v0 =	vsel vm5, v0, v5  }
0x614: {  	v0 =	vsel vm6, v0, v1;
	v1 =	vbroadcast v21, $0xF;
	v3, _, _ =	vpop (xrf2)  }
0x615: {  	v0 =	vsel vm7, v0, v2;
	v2 =	vbroadcast v3, $0xF  }
0x616: {  	v0 =	vsel vm8, v0, v1;
	v1 =	vbroadcast v22, $0xF  }
0x617: {  	v0 =	vsel vm9, v0, v2;
	v2 =	vbroadcast v16, $0xF;
	v3, _, _ =	vpop (xrf2)  }
0x618: {  	v0 =	vsel vm10, v0, v1;
	v3 =	vbroadcast v3, $0xF  }
0x619: {  	v0 =	vsel vm11, v0, v2;
	v2 =	vbroadcast v15, $0xF  }
0x61a: {  	v0 =	vsel vm12, v0, v3  }
0x61b: {  	v0 =	vsel vm13, v0, v2;
	v1, _, _ =	vpop (xrf2)  }
0x61c: {  	v0 =	vsel vm14, v0, v1  }
0x61d: {  	v0 =	vsub.f32 $0.0e+00, v0;
	_ =	sdelay $0x1  }
0x61e: {  	v0 =	vmul.f32 $1.442695020e+00, v0;
	_ =	sdelay $0x1  }
0x61f: {  	(erf) = vpow2.f32 v0;
	_ =	sdelay $0x8  }
0x620: {  	v0 =	vpop (erf)  }
0x621: {  	v0 =	vadd.f32 $1.000000000e+00, v0;
	_ =	sdelay $0x1  }
0x622: {  	(erf) = vrcp.f32 v0;
	_ =	sdelay $0x8  }
0x623: {  	s5 =	sadd.s32 $0x10, s5;
	v0 =	vpop (erf)  }
0x624: {  	s6 =	sshra.s32 s7, $0x2;
	[tilespmem:s5+$0x0] =	vst v0  }
0x625: {  	v1 =	vld [tilespmem:s6+$0xFE60]  }
0x626: {  	v2 =	vld [tilespmem:s6+$0xEA60]  }
0x627: {  	v3 =	vld [tilespmem:s6+$0xFE50]  }
0x628: {  	v5 =	vld [tilespmem:s6+$0xEA50]  }
0x629: {  	v0 =	vld [tilespmem:s6+$0xFE20]  }
0x62a: {  	v10 =	vld [tilespmem:s6+$0xEA20]  }
0x62b: {  	v14 =	vld [tilespmem:s6+$0xFE30]  }
0x62c: {  	v15 =	vld [tilespmem:s6+$0xEA30]  }
0x62d: {  	v16 =	vld [tilespmem:s6+$0xFE40]  }
0x62e: {  	v18 =	vld [tilespmem:s6+$0xEA40]  }
0x62f: {  	v4 =	vld [tilespmem:s6+$0xFDE0]  }
0x630: {  	v6 =	vld [tilespmem:s6+$0xE9E0]  }
0x631: {  	v17 =	vld [tilespmem:s6+$0xFE10]  }
0x632: {  	v26 =	vld [tilespmem:s6+$0xEA10]  }
0x633: {  	v27 =	vld [tilespmem:s6+$0xFDA0]  }
0x634: {  	v31 =	vld [tilespmem:s6+$0xE9A0]  }
0x635: {  	v7 =	vld [tilespmem:s6+$0xFDD0]  }
0x636: {  	v8 =	vld [tilespmem:s6+$0xE9D0]  }
0x637: {  	v19 =	vld [tilespmem:s6+$0xFDF0]  }
0x638: {  	v30 =	vld [tilespmem:s6+$0xE9F0]  }
0x639: {  	v32 =	vld [tilespmem:s6+$0xFE00]  }
0x63a: {  	v33 =	vld [tilespmem:s6+$0xEA00]  }
0x63b: {  	v34 =	vld [tilespmem:s6+$0xFD60]  }
0x63c: {  	v35 =	vld [tilespmem:s6+$0xE960]  }
0x63d: {  	v36 =	vld [tilespmem:s6+$0xFD90]  }
0x63e: {  	v37 =	vld [tilespmem:s6+$0xE990]  }
0x63f: {  	v38 =	vld [tilespmem:s6+$0xFDB0]  }
0x640: {  	v39 =	vld [tilespmem:s6+$0xE9B0]  }
0x641: {  	v40 =	vld [tilespmem:s6+$0xFDC0]  }
0x642: {  	v41 =	vld [tilespmem:s6+$0xE9C0]  }
0x643: {  	v9 =	vld [tilespmem:s6+$0xFD20]  }
0x644: {  	v13 =	vld [tilespmem:s6+$0xE920]  }
0x645: {  	v42 =	vld [tilespmem:s6+$0xFD50]  }
0x646: {  	v43 =	vld [tilespmem:s6+$0xE950]  }
0x647: {  	v44 =	vld [tilespmem:s6+$0xFD70]  }
0x648: {  	v45 =	vld [tilespmem:s6+$0xE970]  }
0x649: {  	v46 =	vld [tilespmem:s6+$0xFD80]  }
0x64a: {  	v47 =	vld [tilespmem:s6+$0xE980]  }
0x64b: {  	v23 =	vld [tilespmem:s6+$0xFCE0]  }
0x64c: {  	v28 =	vld [tilespmem:s6+$0xE8E0]  }
0x64d: {  	v11 =	vld [tilespmem:s6+$0xFD10]  }
0x64e: {  	v12 =	vld [tilespmem:s6+$0xE910]  }
0x64f: {  	v48 =	vld [tilespmem:s6+$0xFD30]  }
0x650: {  	v49 =	vld [tilespmem:s6+$0xE930]  }
0x651: {  	v50 =	vld [tilespmem:s6+$0xFD40]  }
0x652: {  	v51 =	vld [tilespmem:s6+$0xE940]  }
0x653: {  	v24 =	vld [tilespmem:s6+$0xFCA0]  }
0x654: {  	v29 =	vld [tilespmem:s6+$0xE8A0]  }
0x655: {  	v20 =	vld [tilespmem:s6+$0xFCD0]  }
0x656: {  	v0 =	vmul.bf16 v0, v10;
	v25 =	vld [tilespmem:s6+$0xE8D0]  }
0x657: {  	v21 =	vld [tilespmem:s6+$0xFCF0]  }
0x658: {  	v52 =	vunpack.i.u.bf16.f32 v0;
	v0 =	vunpack.i.l.bf16.f32 v0;
	v14 =	vmul.bf16 v14, v15;
	v22 =	vld [tilespmem:s6+$0xE8F0]  }
0x659: {  	v52 =	vadd.f32 v0, v52;
	v15 =	vmul.bf16 v19, v30;
	v10 =	vld [tilespmem:s6+$0xFD00]  }
0x65a: {  	v0 =	vunpack.i.u.bf16.f32 v14;
	v30 =	vmul.bf16 v32, v33;
	v32 =	vunpack.i.l.bf16.f32 v14;
	v19 =	vld [tilespmem:s6+$0xE900]  }
0x65b: {  	v26 =	vmul.bf16 v17, v26;
	v33 =	vunpack.i.u.bf16.f32 v15;
	v0 =	vadd.f32 v32, v0;
	v14 =	vld [tilespmem:s6+$0xFC60]  }
0x65c: {  	v15 =	vunpack.i.l.bf16.f32 v15;
	v32 =	vunpack.i.u.bf16.f32 v30;
	v53 =	vunpack.i.l.bf16.f32 v30;
	v17 =	vld [tilespmem:s6+$0xE860]  }
0x65d: {  	v15 =	vadd.f32 v15, v33;
	v32 =	vadd.f32 v53, v32;
	v30 =	vld [tilespmem:s6+$0xFC90]  }
0x65e: {  	v16 =	vmul.bf16 v16, v18;
	v53 =	vunpack.i.u.bf16.f32 v26;
	v26 =	vunpack.i.l.bf16.f32 v26;
	v33 =	vld [tilespmem:s6+$0xE890]  }
0x65f: {  	v1 =	vmul.bf16 v1, v2;
	v18 =	vadd.f32 v26, v53;
	v15 =	vadd.f32 v32, v15;
	v54 =	vld [tilespmem:s6+$0xFCB0]  }
0x660: {  	v2 =	vunpack.i.u.bf16.f32 v16;
	v16 =	vunpack.i.l.bf16.f32 v16;
	v26 =	vmul.bf16 v27, v31;
	v32 =	vld [tilespmem:s6+$0xE8B0]  }
0x661: {  	v3 =	vmul.bf16 v3, v5;
	v2 =	vadd.f32 v16, v2;
	v15 =	vadd.f32 v18, v15;
	v31 =	vld [tilespmem:s6+$0xFCC0]  }
0x662: {  	v5 =	vmul.bf16 v34, v35;
	v16 =	vunpack.i.u.bf16.f32 v26;
	v18 =	vunpack.i.l.bf16.f32 v26;
	v53 =	vld [tilespmem:s6+$0xE8C0]  }
0x663: {  	v34 =	vmul.bf16 v36, v37;
	v35 =	vadd.f32 v18, v16;
	v15 =	vadd.f32 v52, v15;
	v26 =	vld [tilespmem:s6+$0xFC20]  }
0x664: {  	v36 =	vmul.bf16 v38, v39;
	v18 =	vunpack.i.u.bf16.f32 v5;
	v5 =	vunpack.i.l.bf16.f32 v5;
	v27 =	vld [tilespmem:s6+$0xE820]  }
0x665: {  	v37 =	vadd.f32 v5, v18;
	v5 =	vunpack.i.u.bf16.f32 v34;
	v34 =	vunpack.i.l.bf16.f32 v34;
	v16 =	vld [tilespmem:s6+$0xFC50]  }
0x666: {  	v38 =	vunpack.i.u.bf16.f32 v36;
	v36 =	vunpack.i.l.bf16.f32 v36;
	v39 =	vmul.bf16 v40, v41;
	v18 =	vld [tilespmem:s6+$0xE850]  }
0x667: {  	v4 =	vmul.bf16 v4, v6;
	v34 =	vadd.f32 v34, v5;
	v5 =	vadd.f32 v36, v38;
	v40 =	vld [tilespmem:s6+$0xFC70]  }
0x668: {  	v6 =	vunpack.i.u.bf16.f32 v39;
	v39 =	vunpack.i.l.bf16.f32 v39;
	v38 =	vmul.bf16 v44, v45;
	v36 =	vld [tilespmem:s6+$0xE870]  }
0x669: {  	v6 =	vadd.f32 v39, v6;
	v42 =	vmul.bf16 v42, v43;
	v43 =	vmul.bf16 v46, v47;
	v41 =	vld [tilespmem:s6+$0xFC80]  }
0x66a: {  	v45 =	vunpack.i.u.bf16.f32 v38;
	v38 =	vunpack.i.l.bf16.f32 v38;
	v44 =	vmul.bf16 v48, v49;
	v39 =	vld [tilespmem:s6+$0xE880]  }
0x66b: {  	v48 =	vunpack.i.u.bf16.f32 v43;
	v43 =	vunpack.i.l.bf16.f32 v43;
	v47 =	vmul.bf16 v50, v51;
	v46 =	vld [tilespmem:s6+$0xFBE0]  }
0x66c: {  	v38 =	vadd.f32 v38, v45;
	v43 =	vadd.f32 v43, v48;
	v50 =	vunpack.i.u.bf16.f32 v44;
	v49 =	vld [tilespmem:s6+$0xE7E0]  }
0x66d: {  	v44 =	vunpack.i.l.bf16.f32 v44;
	v48 =	vunpack.i.u.bf16.f32 v47;
	v47 =	vunpack.i.l.bf16.f32 v47;
	v45 =	vld [tilespmem:s6+$0xFC10]  }
0x66e: {  	v44 =	vadd.f32 v44, v50;
	v47 =	vadd.f32 v47, v48;
	v48 =	vunpack.i.u.bf16.f32 v42;
	v51 =	vld [tilespmem:s6+$0xE810]  }
0x66f: {  	v23 =	vmul.bf16 v23, v28;
	v28 =	vunpack.i.l.bf16.f32 v42;
	v38 =	vadd.f32 v43, v38;
	v50 =	vld [tilespmem:s6+$0xFC30]  }
0x670: {  	v7 =	vmul.bf16 v7, v8;
	v28 =	vadd.f32 v28, v48;
	v43 =	vadd.f32 v47, v44;
	v42 =	vld [tilespmem:s6+$0xE830]  }
0x671: {  	v8 =	vmul.bf16 v9, v13;
	v9 =	vadd.f32 v34, v38;
	v47 =	vunpack.i.u.bf16.f32 v23;
	v44 =	vld [tilespmem:s6+$0xFC40]  }
0x672: {  	v29 =	vmul.bf16 v24, v29;
	v23 =	vunpack.i.l.bf16.f32 v23;
	v28 =	vadd.f32 v28, v43;
	v13 =	vld [tilespmem:s6+$0xE840]  }
0x673: {  	v34 =	vmul.bf16 v20, v25;
	v20 =	vadd.f32 v35, v9;
	v38 =	vadd.f32 v23, v47;
	v24 =	vld [tilespmem:s6+$0xFBA0]  }
0x674: {  	v9 =	vunpack.i.u.bf16.f32 v29;
	v29 =	vunpack.i.l.bf16.f32 v29;
	v23 =	vadd.f32 v37, v28;
	v25 =	vld [tilespmem:s6+$0xE7A0]  }
0x675: {  	v35 =	vunpack.i.u.bf16.f32 v34;
	v34 =	vunpack.i.l.bf16.f32 v34;
	v32 =	vmul.bf16 v54, v32;
	v28 =	vld [tilespmem:s6+$0xFBD0]  }
0x676: {  	v29 =	vadd.f32 v29, v9;
	v9 =	vmul.bf16 v31, v53;
	v31 =	vadd.f32 v34, v35;
	v37 =	vld [tilespmem:s6+$0xE7D0]  }
0x677: {  	v21 =	vmul.bf16 v21, v22;
	v30 =	vmul.bf16 v30, v33;
	v33 =	vunpack.i.u.bf16.f32 v32;
	v34 =	vld [tilespmem:s6+$0xFBF0]  }
0x678: {  	v32 =	vunpack.i.l.bf16.f32 v32;
	v35 =	vunpack.i.u.bf16.f32 v9;
	v9 =	vunpack.i.l.bf16.f32 v9;
	v22 =	vld [tilespmem:s6+$0xE7F0]  }
0x679: {  	v32 =	vadd.f32 v32, v33;
	v9 =	vadd.f32 v9, v35;
	v36 =	vmul.bf16 v40, v36;
	v43 =	vld [tilespmem:s6+$0xFC00]  }
0x67a: {  	v10 =	vmul.bf16 v10, v19;
	v35 =	vmul.bf16 v41, v39;
	v39 =	vunpack.i.u.bf16.f32 v21;
	v33 =	vld [tilespmem:s6+$0xE800]  }
0x67b: {  	v47 =	vunpack.i.u.bf16.f32 v30;
	v9 =	vadd.f32 v9, v32;
	v41 =	vunpack.i.u.bf16.f32 v36;
	v40 =	vld [tilespmem:s6+$0xFB60]  }
0x67c: {  	v36 =	vunpack.i.l.bf16.f32 v36;
	v48 =	vunpack.i.u.bf16.f32 v35;
	v35 =	vunpack.i.l.bf16.f32 v35;
	v32 =	vld [tilespmem:s6+$0xE760]  }
0x67d: {  	v30 =	vunpack.i.l.bf16.f32 v30;
	v36 =	vadd.f32 v36, v41;
	v35 =	vadd.f32 v35, v48;
	v19 =	vld [tilespmem:s6+$0xFB90]  }
0x67e: {  	v30 =	vadd.f32 v30, v47;
	v47 =	vunpack.i.u.bf16.f32 v10;
	v21 =	vunpack.i.l.bf16.f32 v21;
	v41 =	vld [tilespmem:s6+$0xE790]  }
0x67f: {  	v10 =	vunpack.i.l.bf16.f32 v10;
	v31 =	vadd.f32 v31, v9;
	v35 =	vadd.f32 v35, v36;
	v48 =	vld [tilespmem:s6+$0xFBB0]  }
0x680: {  	v10 =	vadd.f32 v10, v47;
	v26 =	vmul.bf16 v26, v27;
	v9 =	vadd.f32 v21, v39;
	v36 =	vld [tilespmem:s6+$0xE7B0]  }
0x681: {  	v11 =	vmul.bf16 v11, v12;
	v27 =	vadd.f32 v30, v35;
	v30 =	vadd.f32 v38, v31;
	v21 =	vld [tilespmem:s6+$0xFBC0]  }
0x682: {  	v12 =	vmul.bf16 v46, v49;
	v35 =	vunpack.i.u.bf16.f32 v26;
	v26 =	vunpack.i.l.bf16.f32 v26;
	v31 =	vld [tilespmem:s6+$0xE7C0]  }
0x683: {  	v39 =	vmul.bf16 v45, v51;
	v26 =	vadd.f32 v26, v35;
	v27 =	vadd.f32 v29, v27;
	v38 =	vld [tilespmem:s6+$0xFB20]  }
0x684: {  	v42 =	vmul.bf16 v50, v42;
	v35 =	vunpack.i.u.bf16.f32 v12;
	v12 =	vunpack.i.l.bf16.f32 v12;
	v29 =	vld [tilespmem:s6+$0xE720]  }
0x685: {  	v35 =	vadd.f32 v12, v35;
	v12 =	vunpack.i.u.bf16.f32 v39;
	v39 =	vunpack.i.l.bf16.f32 v39;
	v45 =	vld [tilespmem:s6+$0xFB50]  }
0x686: {  	v47 =	vunpack.i.u.bf16.f32 v42;
	v42 =	vunpack.i.l.bf16.f32 v42;
	v44 =	vmul.bf16 v44, v13;
	v46 =	vld [tilespmem:s6+$0xE750]  }
0x687: {  	v13 =	vadd.f32 v42, v47;
	v39 =	vadd.f32 v39, v12;
	v12 =	vmul.bf16 v14, v17;
	v49 =	vld [tilespmem:s6+$0xFB70]  }
0x688: {  	v14 =	vunpack.i.u.bf16.f32 v44;
	v17 =	vmul.bf16 v34, v22;
	v22 =	vunpack.i.l.bf16.f32 v44;
	v42 =	vld [tilespmem:s6+$0xE770]  }
0x689: {  	v28 =	vmul.bf16 v28, v37;
	v14 =	vadd.f32 v22, v14;
	v33 =	vmul.bf16 v43, v33;
	v34 =	vld [tilespmem:s6+$0xFB80]  }
0x68a: {  	v22 =	vmul.bf16 v48, v36;
	v36 =	vunpack.i.u.bf16.f32 v17;
	v17 =	vunpack.i.l.bf16.f32 v17;
	v37 =	vld [tilespmem:s6+$0xE780]  }
0x68b: {  	v21 =	vmul.bf16 v21, v31;
	v31 =	vunpack.i.u.bf16.f32 v33;
	v33 =	vunpack.i.l.bf16.f32 v33;
	v43 =	vld [tilespmem:s6+$0xFAA0]  }
0x68c: {  	v17 =	vadd.f32 v17, v36;
	v47 =	vunpack.i.u.bf16.f32 v22;
	v31 =	vadd.f32 v33, v31;
	v44 =	vld [tilespmem:s6+$0xE6A0]  }
0x68d: {  	v22 =	vunpack.i.l.bf16.f32 v22;
	v33 =	vunpack.i.u.bf16.f32 v21;
	v21 =	vunpack.i.l.bf16.f32 v21;
	v36 =	vld [tilespmem:s6+$0xFB10]  }
0x68e: {  	v22 =	vadd.f32 v22, v47;
	v21 =	vadd.f32 v21, v33;
	v33 =	vunpack.i.u.bf16.f32 v28;
	v48 =	vld [tilespmem:s6+$0xE710]  }
0x68f: {  	v32 =	vmul.bf16 v40, v32;
	v28 =	vunpack.i.l.bf16.f32 v28;
	v31 =	vadd.f32 v31, v17;
	v47 =	vld [tilespmem:s6+$0xFB30]  }
0x690: {  	v17 =	vmul.bf16 v16, v18;
	v21 =	vadd.f32 v21, v22;
	v22 =	vadd.f32 v28, v33;
	v40 =	vld [tilespmem:s6+$0xE730]  }
0x691: {  	v18 =	vmul.bf16 v24, v25;
	v28 =	vunpack.i.u.bf16.f32 v32;
	v24 =	vadd.f32 v39, v31;
	v16 =	vld [tilespmem:s6+$0xFB40]  }
0x692: {  	v29 =	vmul.bf16 v38, v29;
	v25 =	vunpack.i.l.bf16.f32 v32;
	v21 =	vadd.f32 v22, v21;
	v31 =	vld [tilespmem:s6+$0xE740]  }
0x693: {  	v32 =	vmul.bf16 v45, v46;
	v25 =	vadd.f32 v25, v28;
	v22 =	vadd.f32 v26, v24;
	v50 =	vld [tilespmem:s6+$0xFA90]  }
0x694: {  	v24 =	vunpack.i.u.bf16.f32 v29;
	v26 =	vunpack.i.l.bf16.f32 v29;
	v21 =	vadd.f32 v35, v21;
	v45 =	vld [tilespmem:s6+$0xE690];
	(xrf2) =	vadd.scan.msk.f32 $0xffff, v15  }
0x695: {  	v28 =	vunpack.i.u.bf16.f32 v32;
	v29 =	vunpack.i.l.bf16.f32 v32;
	v32 =	vmul.bf16 v49, v42;
	v15 =	vld [tilespmem:s6+$0xFAF0]  }
0x696: {  	v19 =	vmul.bf16 v19, v41;
	v24 =	vadd.f32 v26, v24;
	v42 =	vadd.f32 v29, v28;
	v35 =	vld [tilespmem:s6+$0xE6F0]  }
0x697: {  	v28 =	vunpack.i.u.bf16.f32 v32;
	v29 =	vunpack.i.l.bf16.f32 v32;
	v32 =	vmul.bf16 v34, v37;
	v26 =	vld [tilespmem:s6+$0xFB00];
	(xrf2) =	vadd.scan.msk.f32 $0xffff, v20  }
0x698: {  	v33 =	vmul.bf16 v43, v44;
	v34 =	vmul.bf16 v47, v40;
	v20 =	vadd.f32 v29, v28;
	v37 =	vld [tilespmem:s6+$0xE700]  }
0x699: {  	v38 =	vunpack.i.u.bf16.f32 v32;
	v39 =	vunpack.i.l.bf16.f32 v32;
	v16 =	vmul.bf16 v16, v31;
	v29 =	vld [tilespmem:s6+$0xFAD0]  }
0x69a: {  	v40 =	vunpack.i.l.bf16.f32 v33;
	v28 =	vunpack.i.u.bf16.f32 v33;
	v41 =	vunpack.i.u.bf16.f32 v34;
	v31 =	vld [tilespmem:s6+$0xE6D0];
	(xrf2) =	vadd.scan.msk.f32 $0xffff, v23  }
0x69b: {  	v23 =	vunpack.i.l.bf16.f32 v34;
	v34 =	vunpack.i.u.bf16.f32 v16;
	v16 =	vunpack.i.l.bf16.f32 v16;
	v32 =	vld [tilespmem:s6+$0xFA70]  }
0x69c: {  	v43 =	vmul.bf16 v15, v35;
	v23 =	vadd.f32 v23, v41;
	v16 =	vadd.f32 v16, v34;
	v33 =	vld [tilespmem:s6+$0xE670]  }
.Ltmp4:
0x69d: {  	v28 =	vadd.f32 v40, v28;
	v34 =	vld [tilespmem:s6+$0xFA80];
	v37 =	vmul.bf16 v26, v37;
	v26 =	vadd.f32 v39, v38;
	(xrf2) =	vadd.scan.msk.f32 $0xffff, v30;
	(pc) =	sbr.rel @p1 .LBB2_9-.Ltmp4, $4  }
0x69e: {  	v40 =	vmul.bf16 v36, v48;
	v38 =	vunpack.i.u.bf16.f32 v43;
	v44 =	vadd.f32 v16, v23;
	v35 =	vld [tilespmem:s6+$0xE680];
	v15, _, _ =	vpop (xrf2)  }
0x69f: {  	v36 =	vunpack.i.l.bf16.f32 v43;
	v23 =	vld [tilespmem:s6+$0xFAB0];
	v39 =	vunpack.i.u.bf16.f32 v37;
	v41 =	vunpack.i.l.bf16.f32 v37  }
0x6a0: {  	v37 =	vadd.f32 v36, v38;
	v30 =	vld [tilespmem:s6+$0xE6B0];
	v38 =	vadd.f32 v41, v39;
	v39 =	vunpack.i.u.bf16.f32 v40;
	(xrf2) =	vadd.scan.msk.f32 $0xffff, v27  }
0x6a1: {  	s7 =	sadd.s32 $0x1000, s7;
	v36 =	vmul.bf16 v50, v45;
	v41 =	vunpack.i.l.bf16.f32 v40;
	v40 =	vadd.f32 v42, v44;
	v27 =	vld [tilespmem:s6+$0xFAC0];
	v16, _, _ =	vpop (xrf2)  }
0x6a2: {  	v32 =	vmul.bf16 v32, v33;
	v56 =	vld [tilespmem:s6+$0xE6C0];
	v37 =	vadd.f32 v38, v37;
	v57 =	vadd.f32 v41, v39  }
0x6a3: {  	v29 =	vmul.bf16 v29, v31;
	v20 =	vadd.f32 v26, v20;
	v34 =	vmul.bf16 v34, v35  }
0x6a4: {  	v58 =	vunpack.i.u.bf16.f32 v36;
	v25 =	vadd.f32 v25, v40;
	v60 =	vunpack.i.l.bf16.f32 v36  }
0x6a5: {  	v61 =	vld [tilespmem:s6+$0xFAE0];
	v59 =	vunpack.i.u.bf16.f32 v32;
	v37 =	vadd.f32 v57, v37;
	v32 =	vunpack.i.l.bf16.f32 v32  }
0x6a6: {  	v63 =	vld [tilespmem:s6+$0xE6E0];
	v42 =	vadd.f32 v60, v58;
	v46 =	vunpack.i.u.bf16.f32 v29;
	v23 =	vmul.bf16 v23, v30  }
0x6a7: {  	v62 =	vunpack.i.u.bf16.f32 v34;
	v34 =	vunpack.i.l.bf16.f32 v34;
	v27 =	vmul.bf16 v27, v56  }
0x6a8: {  	v32 =	vadd.f32 v32, v59;
	v34 =	vadd.f32 v34, v62;
	v44 =	vunpack.i.u.bf16.f32 v23  }
0x6a9: {  	v23 =	vunpack.i.l.bf16.f32 v23;
	v33 =	vunpack.i.u.bf16.f32 v27;
	v27 =	vunpack.i.l.bf16.f32 v27  }
0x6aa: {  	v29 =	vunpack.i.l.bf16.f32 v29;
	v23 =	vadd.f32 v23, v44;
	v27 =	vadd.f32 v27, v33  }
0x6ab: {  	v47 =	vadd.f32 v29, v46;
	v45 =	vmul.bf16 v61, v63;
	v43 =	vadd.f32 v34, v32  }
0x6ac: {  	v48 =	vunpack.i.u.bf16.f32 v19;
	v24 =	vadd.f32 v24, v37;
	v23 =	vadd.f32 v27, v23  }
0x6ad: {  	(xrf2) =	vadd.scan.msk.f32 $0xffff, v22;
	v50 =	vunpack.i.u.bf16.f32 v45;
	v51 =	vunpack.i.l.bf16.f32 v45;
	v30 =	vadd.f32 v42, v43  }
0x6ae: {  	v54 =	vunpack.i.l.bf16.f32 v19;
	(xrf2) =	vadd.scan.msk.f32 $0xffff, v21;
	v53 =	vadd.f32 v51, v50;
	v52 =	vadd.f32 v47, v23  }
0x6af: {  	v55 =	vunpack.i.u.bf16.f32 v17;
	v19 =	vadd.f32 v54, v48;
	(xrf2) =	vadd.scan.msk.f32 $0xffff, v25;
	v49 =	vadd.f32 v28, v30  }
0x6b0: {  	v57 =	vunpack.i.l.bf16.f32 v18;
	v56 =	vunpack.i.u.bf16.f32 v18;
	(xrf2) =	vadd.scan.msk.f32 $0xffff, v24;
	v21 =	vadd.f32 v53, v52  }
0x6b1: {  	v58 =	vunpack.i.l.bf16.f32 v17;
	v19 =	vadd.f32 v19, v20;
	v18 =	vadd.f32 v57, v56;
	(xrf2) =	vadd.scan.msk.f32 $0xffff, v49  }
0x6b2: {  	v13 =	vadd.f32 v14, v13;
	v60 =	vunpack.i.u.bf16.f32 v11;
	v59 =	vadd.f32 v58, v55;
	(xrf2) =	vadd.scan.msk.f32 $0xffff, v21  }
0x6b3: {  	v62 =	vunpack.i.l.bf16.f32 v12;
	v61 =	vunpack.i.u.bf16.f32 v12;
	v18 =	vadd.f32 v18, v19  }
0x6b4: {  	v63, _, _ =	vpop (xrf2);
	v13 =	vadd.f32 v59, v13;
	v12 =	vadd.f32 v62, v61;
	v23 =	vunpack.i.l.bf16.f32 v11  }
0x6b5: {  	v9 =	vadd.f32 v10, v9;
	v26 =	vunpack.i.u.bf16.f32 v7;
	v24, _, _ =	vpop (xrf2);
	v25 =	vadd.f32 v23, v60;
	(xrf2) =	vadd.scan.msk.f32 $0xffff, v18  }
0x6b6: {  	v29 =	vunpack.i.l.bf16.f32 v8;
	v12 =	vadd.f32 v12, v13;
	v28 =	vunpack.i.u.bf16.f32 v8;
	v27, _, _ =	vpop (xrf2)  }
0x6b7: {  	v31 =	vunpack.i.l.bf16.f32 v7;
	v8 =	vadd.f32 v29, v28;
	v30, _, _ =	vpop (xrf2);
	v9 =	vadd.f32 v25, v9  }
0x6b8: {  	v5 =	vadd.f32 v6, v5;
	v33 =	vadd.f32 v31, v26;
	v32, _, _ =	vpop (xrf2);
	(xrf2) =	vadd.scan.msk.f32 $0xffff, v12  }
0x6b9: {  	v36 =	vunpack.i.u.bf16.f32 v4;
	v37 =	vunpack.i.l.bf16.f32 v4;
	v35, _, _ =	vpop (xrf2);
	v8 =	vadd.f32 v8, v9  }
0x6ba: {  	v4 =	vadd.f32 v37, v36;
	v5 =	vadd.f32 v33, v5;
	v38, _, _ =	vpop (xrf2)  }
0x6bb: {  	v39 =	vunpack.i.l.bf16.f32 v3;
	v0 =	vadd.f32 v2, v0;
	v34 =	vunpack.i.u.bf16.f32 v3;
	(xrf2) =	vadd.scan.msk.f32 $0xffff, v8;
	v40, _, _ =	vpop (xrf2)  }
0x6bc: {  	v41 =	vunpack.i.u.bf16.f32 v1;
	v3 =	vadd.f32 v39, v34;
	v4 =	vadd.f32 v4, v5;
	v42, _, _ =	vpop (xrf2)  }
0x6bd: {  	v43 =	vunpack.i.l.bf16.f32 v1;
	v6 =	vbroadcast v40, $0xF;
	v5 =	vbroadcast v42, $0xF  }
0x6be: {  	v0 =	vadd.f32 v3, v0;
	v1 =	vadd.f32 v43, v41;
	v44 =	vbroadcast v38, $0xF;
	(xrf2) =	vadd.scan.msk.f32 $0xffff, v4  }
0x6bf: {  	v46 =	vbroadcast v35, $0xF;
	v47, _, _ =	vpop (xrf2);
	v45 =	vsel vm0, v6, v5  }
0x6c0: {  	v0 =	vadd.f32 v1, v0;
	v4 =	vbroadcast v47, $0xF;
	v2 =	vsel vm1, v45, v44  }
0x6c1: {  	v49 =	vbroadcast v32, $0xF;
	v48 =	vsel vm2, v2, v46  }
0x6c2: {  	v50 =	vbroadcast v30, $0xF;
	(xrf2) =	vadd.scan.msk.f32 $0xffff, v0;
	v51, _, _ =	vpop (xrf2);
	v1 =	vsel vm3, v48, v4  }
0x6c3: {  	v53 =	vbroadcast v51, $0xF;
	v52 =	vsel vm4, v1, v49  }
0x6c4: {  	v54 =	vbroadcast v27, $0xF;
	v0 =	vsel vm5, v52, v50  }
0x6c5: {  	v55 =	vbroadcast v24, $0xF;
	v56, _, _ =	vpop (xrf2);
	v0 =	vsel vm6, v0, v53  }
0x6c6: {  	v57 =	vbroadcast v56, $0xF;
	v0 =	vsel vm7, v0, v54  }
0x6c7: {  	v58 =	vbroadcast v63, $0xF;
	v0 =	vsel vm8, v0, v55  }
0x6c8: {  	v59 =	vbroadcast v16, $0xF;
	v60, _, _ =	vpop (xrf2);
	v0 =	vsel vm9, v0, v57  }
0x6c9: {  	v61 =	vbroadcast v60, $0xF;
	v0 =	vsel vm10, v0, v58  }
0x6ca: {  	v62 =	vbroadcast v15, $0xF;
	v0 =	vsel vm11, v0, v59  }
0x6cb: {  	v0 =	vsel vm12, v0, v61  }
0x6cc: {  	v63, _, _ =	vpop (xrf2);
	v0 =	vsel vm13, v0, v62  }
0x6cd: {  	v0 =	vsel vm14, v0, v63  }
0x6ce: {  	v0 =	vsub.f32 $0.0e+00, v0;
	_ =	sdelay $0x1  }
0x6cf: {  	v0 =	vmul.f32 $1.442695020e+00, v0;
	_ =	sdelay $0x1  }
0x6d0: {  	(erf) = vpow2.f32 v0;
	_ =	sdelay $0x8  }
0x6d1: {  	v0 =	vpop (erf)  }
0x6d2: {  	v0 =	vadd.f32 $1.000000000e+00, v0;
	_ =	sdelay $0x1  }
0x6d3: {  	(erf) = vrcp.f32 v0;
	_ =	sdelay $0x8  }
0x6d4: {  	s5 =	sadd.s32 $0x10, s5;
	v0 =	vpop (erf)  }
0x6d5: {  	s9 =	rddreg [dreg:$0x6];
	s10 =	simm.s32 $0x13A60;
	[tilespmem:s5+$0x0] =	vst v0  }
0x6d6: {  	[hbm4b:s9+s3] =	stream.linear.scatter [tilespmem:s10], [sflag:$0x3], $0x2710, $0x38;
	[tilespmem:$0x16170] =	vst v63  }
0x6d7: {  	_ =	swait.ge [sflag:s26], $0x2710  }
0x6d8: {  	s4 =	sadd.s32 $0x1, s4;
	s11 =	rddreg [dreg:$0x7]  }
0x6d9: {  	p1 =	sne.s32 s4, s11  }
.Ltmp5:
0x6da: {  	_ = 	snop;
	(pc) =	sbr.rel @p1 .LBB2_1-.Ltmp5, $3  }
0x6db: {  	_ =	sdelay $0x1  }
0x6dc: {  	[sflag:s26] =	ssyncset.done $0x0  }
0x6dd: {  	[sflag:s26] =	ssyncadd.s32 $0xFFFFD8F0  }
0x6de: {  	_ =	sfence.sel $0x180000  }
0x6df: {  	[bflag:$0x0] =	sbarrier.arrive $0xFFFF  }
0x6e0: {  	_ =	strace $0x90000047  }
0x6e1: {  	s0 =	stileid.u32;
	[bflag:$0x2] =	sbarrier.arrive $0xFFFF  }
0x6e2: {  	p0 =	sne.s32 s0, $0x0;
	s0 =	rddreg [dreg:$0x3]  }
0x6e3: {  	s0 =	sadd.s32 @!p0 $0x100000, s0  }
0x6e4: {  	[sflag:s0] =	ssyncadd.tile.s32 @!p0 $0x1;
	_ =	shalt  }
.Lfunc_end2:
_tile_overlayer_lowered:
.L_overlay_start_2:
0x6e5: {  	(tag) =	ssettag $0x2  }
0x6e6: {  	s0 =	rddreg [dreg:$0x0];
	s2 =	stileid.u32  }
0x6e7: {  	s1 =	rddreg [dreg:$0x1];
	p0 =	sne.s32 s2, $0x0  }
0x6e8: {  	s3 =	rddreg [dreg:$0x2];
	[bflag:$0x3] =	sbarrier.arrive $0xFFFF;
	s2 =	simm.s32 @!p0 $0x1C03  }
0x6e9: {  	[timem:s3], [sflag:s2] =	dma.local @!p0 [hbm:s0], s1  }
0x6ea: {  	s0 =	simm.s32 @!p0 $0x3  }
0x6eb: {  	_ =	swait.ge @!p0 [sflag:s0], s1  }
0x6ec: {  	s1 =	ssub.s32 @!p0 $0x0, s1;
	[sflag:s0] =	ssyncset.done @!p0 $0x0  }
0x6ed: {  	[sflag:s0] =	ssyncadd.s32 @!p0 s1  }
0x6ee: {  	[bflag:$0x3] =	sbarrier.arrive $0xFFFF  }
0x6ef: {  	_ =	shalt  }

</sc_bundles>
